<compile_context>
chip_gen: v7x
topology: tpu7x:2x2x1
jax: 0.10.2.dev20260603
libtpu: 0.0.44.dev20260713+nightly
codegen_flags: <defaults>
</compile_context>

<pallas_src>
import functools

import jax
import jax.numpy as jnp
from jax import lax
from jax.experimental import pallas as pl
from jax.experimental.pallas import tpu as pltpu
from jax.experimental.pallas import tpu_sc as plsc

VOCAB = 100000
DIM = 128
BATCH = 1024
P_LEN = 200
Q_LEN = 50

N_ROWS = BATCH * (P_LEN + Q_LEN)
G = 80
CH = 400
NBUF = 2
BB = 128


@functools.cache
def _make_sc_gather(n_rows):
    info = plsc.get_sparse_core_info()
    nc, ns = info.num_cores, info.num_subcores
    nw = nc * ns
    per_w = n_rows // nw
    n_outer = per_w // CH
    n_inner = CH // G
    mesh = plsc.VectorSubcoreMesh(core_axis_name="c", subcore_axis_name="s")

    @functools.partial(
        pl.kernel,
        mesh=mesh,
        out_type=jax.ShapeDtypeStruct((n_rows, DIM), jnp.float32),
        scratch_types=[pltpu.VMEM((per_w,), jnp.int32)]
        + [pltpu.VMEM((CH, DIM), jnp.float32)] * NBUF
        + [pltpu.SemaphoreType.DMA],
    )
    def gather_rows(table_hbm, idx_hbm, out_hbm, idx_v, *bufs_sem):
        bufs, sem = bufs_sem[:-1], bufs_sem[-1]
        wid = lax.axis_index("s") * nc + lax.axis_index("c")
        pltpu.sync_copy(idx_hbm.at[pl.ds(wid * per_w, per_w)], idx_v)

        def fire(i):
            return [
                pltpu.async_copy(
                    table_hbm.at[idx_v.at[pl.ds(i * CH + j * G, G)]],
                    bufs[i % NBUF].at[pl.ds(j * G, G)],
                    sem)
                for j in range(n_inner)
            ]

        in_flight = fire(0)
        for i in range(n_outer):
            for c in in_flight:
                c.wait()
            if i + 1 < n_outer:
                in_flight = fire(i + 1)
            pltpu.sync_copy(bufs[i % NBUF],
                            out_hbm.at[pl.ds(wid * per_w + i * CH, CH)])

    return gather_rows


_HIGH = jax.lax.Precision.HIGHEST


def _tc_body(p_ref, q_ref, ep_ref, eq_ref, ws_ref, we_ref, bs_ref, be_ref,
             sl_ref, el_ref, lss_ref, lse_ref):
    f32 = jnp.float32
    pid = p_ref[...]
    qid = q_ref[...]
    ep2 = ep_ref[...]
    eq2 = eq_ref[...]
    ws = ws_ref[...]
    we = we_ref[...]

    qmask = (qid != 0).astype(f32)
    ones_q = jnp.ones((1, Q_LEN), f32)
    qlen = lax.dot_general(qmask, ones_q, (((1,), (1,)), ((), ())),
                           precision=_HIGH)
    qsum = jnp.sum(eq2.reshape(BB, Q_LEN, DIM), axis=1)
    qbar = qsum / qlen

    ws1, ws2, ws3 = ws[:, :DIM], ws[:, DIM:2 * DIM], ws[:, 2 * DIM:]
    we1, we2, we3 = we[:, :DIM], we[:, DIM:2 * DIM], we[:, 2 * DIM:]
    us = ws1 + ws3 * qbar
    ue = we1 + we3 * qbar
    uu = jnp.concatenate([us[:, None, :], ue[:, None, :]], axis=1)
    cs = jnp.sum(qbar * ws2, axis=1, keepdims=True) + bs_ref[0, 0]
    ce = jnp.sum(qbar * we2, axis=1, keepdims=True) + be_ref[0, 0]
    m = lax.dot_general(uu, ep2.reshape(BB, P_LEN, DIM),
                        (((2,), (2,)), ((0,), (0,))),
                        preferred_element_type=f32)
    raw_s = m[:, 0, :] + cs
    raw_e = m[:, 1, :] + ce

    pm = pid != 0
    ones_p = jnp.ones((1, P_LEN), f32)
    log_eps = jnp.log(ws[0:1, 0:1] * 0.0 + 1e-45)

    def masked(raw):
        lg = jnp.where(pm, raw, -10000000.0)
        t = jnp.where(pm, lg, lg + log_eps)
        tmax = jnp.max(t, axis=1, keepdims=True)
        sh = t - tmax
        se = lax.dot_general(jnp.exp(sh), ones_p, (((1,), (1,)), ((), ())),
                             precision=_HIGH)
        lsm = sh - jnp.log(se)
        return lg, lsm

    sl_ref[...], lss_ref[...] = masked(raw_s)
    el_ref[...], lse_ref[...] = masked(raw_e)


def _tc_call(passage, question, gathered, W_start, b_start, W_end, b_end):
    nb = passage.shape[0]
    grid = (nb // BB,)
    fo = jax.ShapeDtypeStruct((nb, P_LEN), jnp.float32)
    bmap = lambda i: (i, 0)
    zmap = lambda i: (0, 0)
    q_row0 = nb * P_LEN // (BB * Q_LEN)
    return pl.pallas_call(
        _tc_body,
        grid=grid,
        in_specs=[
            pl.BlockSpec((BB, P_LEN), bmap),
            pl.BlockSpec((BB, Q_LEN), bmap),
            pl.BlockSpec((BB * P_LEN, DIM), lambda i: (i, 0)),
            pl.BlockSpec((BB * Q_LEN, DIM), lambda i: (q_row0 + i, 0)),
            pl.BlockSpec((1, 3 * DIM), zmap),
            pl.BlockSpec((1, 3 * DIM), zmap),
            pl.BlockSpec((1, 1), zmap),
            pl.BlockSpec((1, 1), zmap),
        ],
        out_specs=[pl.BlockSpec((BB, P_LEN), bmap)] * 4,
        out_shape=[fo, fo, fo, fo],
    )(passage, question, gathered, gathered, W_start, W_end,
      b_start.reshape(1, 1), b_end.reshape(1, 1))


NCHUNK = 2


def kernel(passage, question, table, W_start, b_start, W_end, b_end):
    cb = BATCH // NCHUNK
    gather = _make_sc_gather(cb * (P_LEN + Q_LEN))
    chunks, gs = [], []
    for k in range(NCHUNK):
        psl = lax.slice_in_dim(passage, k * cb, (k + 1) * cb)
        qsl = lax.slice_in_dim(question, k * cb, (k + 1) * cb)
        idx = jnp.concatenate([psl.reshape(-1), qsl.reshape(-1)])
        chunks.append((psl, qsl))
        gs.append(gather(table, idx))
    parts = [_tc_call(psl, qsl, g, W_start, b_start, W_end, b_end)
             for (psl, qsl), g in zip(chunks, gs)]
    return tuple(jnp.concatenate(p, axis=0) for p in zip(*parts))

# --- scband reference (transcript-rebuilt; emitter-appended) ---
"""Pipeline reference for scband-cbow-94489281302 (READ-ONLY COPY).

The authoritative reference and input builder live on the scoring server;
editing this copy changes nothing except your own understanding.
"""

import jax, jax.numpy as jnp
import numpy as np

VOCAB = 100000
DIM = 128
B = 1024
P_LEN = 200
Q_LEN = 50

def setup_inputs(seed: int = 0) -> dict:
    key = jax.random.key(seed)
    k1, k2, k3, k4, k5, k6, k7 = jax.random.split(key, 7)
    passage = jax.random.randint(k1, (B, P_LEN), 0, VOCAB, dtype=jnp.int32)
    question = jax.random.randint(k2, (B, Q_LEN), 0, VOCAB, dtype=jnp.int32)
    table = jax.random.normal(k3, (VOCAB, DIM), dtype=jnp.float32)
    scale = 1.0 / np.sqrt(3 * DIM)
    W_start = jax.random.uniform(k4, (1, 3 * DIM), jnp.float32, -scale, scale)
    b_start = jax.random.uniform(k5, (1,), jnp.float32, -scale, scale)
    W_end = jax.random.uniform(k6, (1, 3 * DIM), jnp.float32, -scale, scale)
    b_end = jax.random.uniform(k7, (1,), jnp.float32, -scale, scale)
    return {"passage": passage, "question": question, "table": table,
            "W_start": W_start, "b_start": b_start, "W_end": W_end, "b_end": b_end}

def _masked_log_softmax(vector, mask):
    vector = vector + jnp.log(mask + 1e-45)
    return jax.nn.log_softmax(vector, axis=-1)

def _replace_masked_values(tensor, mask, value):
    return tensor * mask + (1.0 - mask) * value

def reference(passage, question, table, W_start, b_start, W_end, b_end):
    passage_mask = (passage != 0).astype(jnp.float32)
    question_mask = (question != 0).astype(jnp.float32)
    question_lengths = question_mask.sum(axis=1)
    embedded_passage = jnp.take(table, passage, axis=0)      # [B, P, D]
    embedded_question = jnp.take(table, question, axis=0)    # [B, Q, D]
    encoded_q = jnp.sum(embedded_question, axis=1) / question_lengths[:, None]
    tiled_encoded_q = jnp.broadcast_to(encoded_q[:, None, :], embedded_passage.shape)
    combined_x_q = jnp.concatenate([embedded_passage, tiled_encoded_q,
                                    embedded_passage * tiled_encoded_q], axis=-1)  # [B, P, 3D]
    start_logits = (combined_x_q @ W_start.T + b_start)[..., 0]
    start_logits = _replace_masked_values(start_logits, passage_mask, -10000000.0)
    softmax_start_logits = _masked_log_softmax(start_logits, passage_mask)
    end_logits = (combined_x_q @ W_end.T + b_end)[..., 0]
    end_logits = _replace_masked_values(end_logits, passage_mask, -10000000.0)
    softmax_end_logits = _masked_log_softmax(end_logits, passage_mask)
    return (start_logits, end_logits, softmax_start_logits, softmax_end_logits)

if __name__ == "__main__":
    import jax
    _d = setup_inputs()
    print(jax.jit(kernel)(*tuple(_d.values())))

</pallas_src>

<mosaic_0001>
#map = affine_map<(d0, d1) -> (0, 0)>
#map1 = affine_map<(d0, d1) -> (0)>
module attributes {stable_mosaic.version = 14 : i64} {
  func.func @gather_rows(%arg0: i32, %arg1: i32, %arg2: memref<100000x128xf32, #tpu.memory_space<hbm>>, %arg3: memref<128000xi32, #tpu.memory_space<hbm>>, %arg4: memref<128000x128xf32, #tpu.memory_space<hbm>>, %arg5: memref<4000xi32, #tpu.memory_space<vmem>>, %arg6: memref<400x128xf32, #tpu.memory_space<vmem>>, %arg7: memref<400x128xf32, #tpu.memory_space<vmem>>, %arg8: memref<!tpu.dma_semaphore, #tpu.memory_space<semaphore_mem>>) attributes {dimension_semantics = [#tpu.dimension_semantics<core_parallel>, #tpu.dimension_semantics<subcore_parallel>], iteration_bounds = array<i64: 2, 16>, scalar_prefetch = 0 : i64, scratch_operands = 4 : i64, tpu.core_type = #tpu.core_type<sc_vector_subcore>, window_params = [{transform_indices = #map}, {transform_indices = #map1}, {transform_indices = #map}]} {
    %mul3A = arith.constant 2 : i32
    %mul3A_0 = arith.muli %arg1, %mul3A : i32
    %add3A = arith.addi %mul3A_0, %arg0 : i32
    %mul3A_1 = arith.constant 4000 : i32
    %mul3A_2 = arith.muli %add3A, %mul3A_1 : i32
    "tpu.region"() ({
      %run_scoped3A = tpu.sem_alloc : memref<!tpu.dma_semaphore, #tpu.memory_space<semaphore_mem>>
      %dma_start3A_841 = tpu.memref_slice %arg3[%mul3A_2] : memref<128000xi32, #tpu.memory_space<hbm>> -> memref<4000xi32, #tpu.memory_space<hbm>>
      %dma_start3A_842 = tpu.memref_slice %arg3[%mul3A_2] : memref<128000xi32, #tpu.memory_space<hbm>> -> memref<4000xi32, #tpu.memory_space<hbm>>
      tpu.enqueue_dma source(%dma_start3A_842 : memref<4000xi32, #tpu.memory_space<hbm>>) target(%arg5 : memref<4000xi32, #tpu.memory_space<vmem>>) target_semaphore(%run_scoped3A : memref<!tpu.dma_semaphore, #tpu.memory_space<semaphore_mem>>)
      %dma_wait3A_843 = tpu.memref_slice %arg3[%mul3A_2] : memref<128000xi32, #tpu.memory_space<hbm>> -> memref<4000xi32, #tpu.memory_space<hbm>>
      %dma_wait3A_844 = tpu.memref_slice %arg3[%mul3A_2] : memref<128000xi32, #tpu.memory_space<hbm>> -> memref<4000xi32, #tpu.memory_space<hbm>>
      tpu.wait_dma2 semaphore(%run_scoped3A : memref<!tpu.dma_semaphore, #tpu.memory_space<semaphore_mem>>) src(%dma_wait3A_844 : memref<4000xi32, #tpu.memory_space<hbm>>) dst(%arg5 : memref<4000xi32, #tpu.memory_space<vmem>>)
      tpu.yield
    }) : () -> ()
    %dma_start3A = arith.constant 0 : i32
    %dma_start3A_3 = arith.constant 0 : i32
    %dma_start3A_4 = tpu.memref_slice %arg6[%dma_start3A, %dma_start3A_3] : memref<400x128xf32, #tpu.memory_space<vmem>> -> memref<80x128xf32, #tpu.memory_space<vmem>>
    %dma_start3A_5 = arith.constant 0 : i32
    %dma_start3A_6 = tpu.memref_slice %arg5[%dma_start3A_5] : memref<4000xi32, #tpu.memory_space<vmem>> -> memref<80xi32, #tpu.memory_space<vmem>>
    %dma_start3A_7 = arith.constant 0 : i32
    %dma_start3A_8 = arith.constant 0 : i32
    %dma_start3A_9 = tpu.memref_slice %arg2[%dma_start3A_7, %dma_start3A_8] : memref<100000x128xf32, #tpu.memory_space<hbm>> -> memref<100000x128xf32, #tpu.memory_space<hbm>>
    tpu.enqueue_indirect_dma source(%dma_start3A_9 : memref<100000x128xf32, #tpu.memory_space<hbm>>) target(%dma_start3A_4 : memref<80x128xf32, #tpu.memory_space<vmem>>) offsets(%dma_start3A_6 : memref<80xi32, #tpu.memory_space<vmem>>) semaphore(%arg8 : memref<!tpu.dma_semaphore, #tpu.memory_space<semaphore_mem>>)
    %dma_start3A_10 = arith.constant 80 : i32
    %dma_start3A_11 = arith.constant 0 : i32
    %dma_start3A_12 = tpu.memref_slice %arg6[%dma_start3A_10, %dma_start3A_11] : memref<400x128xf32, #tpu.memory_space<vmem>> -> memref<80x128xf32, #tpu.memory_space<vmem>>
    %dma_start3A_13 = arith.constant 80 : i32
    %dma_start3A_14 = tpu.memref_slice %arg5[%dma_start3A_13] : memref<4000xi32, #tpu.memory_space<vmem>> -> memref<80xi32, #tpu.memory_space<vmem>>
    %dma_start3A_15 = arith.constant 0 : i32
    %dma_start3A_16 = arith.constant 0 : i32
    %dma_start3A_17 = tpu.memref_slice %arg2[%dma_start3A_15, %dma_start3A_16] : memref<100000x128xf32, #tpu.memory_space<hbm>> -> memref<100000x128xf32, #tpu.memory_space<hbm>>
    tpu.enqueue_indirect_dma source(%dma_start3A_17 : memref<100000x128xf32, #tpu.memory_space<hbm>>) target(%dma_start3A_12 : memref<80x128xf32, #tpu.memory_space<vmem>>) offsets(%dma_start3A_14 : memref<80xi32, #tpu.memory_space<vmem>>) semaphore(%arg8 : memref<!tpu.dma_semaphore, #tpu.memory_space<semaphore_mem>>)
    %dma_start3A_18 = arith.constant 160 : i32
    %dma_start3A_19 = arith.constant 0 : i32
    %dma_start3A_20 = tpu.memref_slice %arg6[%dma_start3A_18, %dma_start3A_19] : memref<400x128xf32, #tpu.memory_space<vmem>> -> memref<80x128xf32, #tpu.memory_space<vmem>>
    %dma_start3A_21 = arith.constant 160 : i32
    %dma_start3A_22 = tpu.memref_slice %arg5[%dma_start3A_21] : memref<4000xi32, #tpu.memory_space<vmem>> -> memref<80xi32, #tpu.memory_space<vmem>>
    %dma_start3A_23 = arith.constant 0 : i32
    %dma_start3A_24 = arith.constant 0 : i32
    %dma_start3A_25 = tpu.memref_slice %arg2[%dma_start3A_23, %dma_start3A_24] : memref<100000x128xf32, #tpu.memory_space<hbm>> -> memref<100000x128xf32, #tpu.memory_space<hbm>>
    tpu.enqueue_indirect_dma source(%dma_start3A_25 : memref<100000x128xf32, #tpu.memory_space<hbm>>) target(%dma_start3A_20 : memref<80x128xf32, #tpu.memory_space<vmem>>) offsets(%dma_start3A_22 : memref<80xi32, #tpu.memory_space<vmem>>) semaphore(%arg8 : memref<!tpu.dma_semaphore, #tpu.memory_space<semaphore_mem>>)
    %dma_start3A_26 = arith.constant 240 : i32
    %dma_start3A_27 = arith.constant 0 : i32
    %dma_start3A_28 = tpu.memref_slice %arg6[%dma_start3A_26, %dma_start3A_27] : memref<400x128xf32, #tpu.memory_space<vmem>> -> memref<80x128xf32, #tpu.memory_space<vmem>>
    %dma_start3A_29 = arith.constant 240 : i32
    %dma_start3A_30 = tpu.memref_slice %arg5[%dma_start3A_29] : memref<4000xi32, #tpu.memory_space<vmem>> -> memref<80xi32, #tpu.memory_space<vmem>>
    %dma_start3A_31 = arith.constant 0 : i32
    %dma_start3A_32 = arith.constant 0 : i32
    %dma_start3A_33 = tpu.memref_slice %arg2[%dma_start3A_31, %dma_start3A_32] : memref<100000x128xf32, #tpu.memory_space<hbm>> -> memref<100000x128xf32, #tpu.memory_space<hbm>>
    tpu.enqueue_indirect_dma source(%dma_start3A_33 : memref<100000x128xf32, #tpu.memory_space<hbm>>) target(%dma_start3A_28 : memref<80x128xf32, #tpu.memory_space<vmem>>) offsets(%dma_start3A_30 : memref<80xi32, #tpu.memory_space<vmem>>) semaphore(%arg8 : memref<!tpu.dma_semaphore, #tpu.memory_space<semaphore_mem>>)
    %dma_start3A_34 = arith.constant 320 : i32
    %dma_start3A_35 = arith.constant 0 : i32
    %dma_start3A_36 = tpu.memref_slice %arg6[%dma_start3A_34, %dma_start3A_35] : memref<400x128xf32, #tpu.memory_space<vmem>> -> memref<80x128xf32, #tpu.memory_space<vmem>>
    %dma_start3A_37 = arith.constant 320 : i32
    %dma_start3A_38 = tpu.memref_slice %arg5[%dma_start3A_37] : memref<4000xi32, #tpu.memory_space<vmem>> -> memref<80xi32, #tpu.memory_space<vmem>>
    %dma_start3A_39 = arith.constant 0 : i32
    %dma_start3A_40 = arith.constant 0 : i32
    %dma_start3A_41 = tpu.memref_slice %arg2[%dma_start3A_39, %dma_start3A_40] : memref<100000x128xf32, #tpu.memory_space<hbm>> -> memref<100000x128xf32, #tpu.memory_space<hbm>>
    tpu.enqueue_indirect_dma source(%dma_start3A_41 : memref<100000x128xf32, #tpu.memory_space<hbm>>) target(%dma_start3A_36 : memref<80x128xf32, #tpu.memory_space<vmem>>) offsets(%dma_start3A_38 : memref<80xi32, #tpu.memory_space<vmem>>) semaphore(%arg8 : memref<!tpu.dma_semaphore, #tpu.memory_space<semaphore_mem>>)
    %dma_wait3A = arith.constant 0 : i32
    %dma_wait3A_42 = arith.constant 0 : i32
    %dma_wait3A_43 = tpu.memref_slice %arg6[%dma_wait3A, %dma_wait3A_42] : memref<400x128xf32, #tpu.memory_space<vmem>> -> memref<80x128xf32, #tpu.memory_space<vmem>>
    %dma_wait3A_44 = arith.constant 0 : i32
    %dma_wait3A_45 = tpu.memref_slice %arg5[%dma_wait3A_44] : memref<4000xi32, #tpu.memory_space<vmem>> -> memref<80xi32, #tpu.memory_space<vmem>>
    %dma_wait3A_46 = arith.constant 0 : i32
    %dma_wait3A_47 = arith.constant 0 : i32
    %dma_wait3A_48 = tpu.memref_slice %arg2[%dma_wait3A_46, %dma_wait3A_47] : memref<100000x128xf32, #tpu.memory_space<hbm>> -> memref<100000x128xf32, #tpu.memory_space<hbm>>
    tpu.wait_indirect_dma semaphore(%arg8 : memref<!tpu.dma_semaphore, #tpu.memory_space<semaphore_mem>>) src(%dma_wait3A_48 : memref<100000x128xf32, #tpu.memory_space<hbm>>) dst(%dma_wait3A_43 : memref<80x128xf32, #tpu.memory_space<vmem>>)
    %dma_wait3A_49 = arith.constant 80 : i32
    %dma_wait3A_50 = arith.constant 0 : i32
    %dma_wait3A_51 = tpu.memref_slice %arg6[%dma_wait3A_49, %dma_wait3A_50] : memref<400x128xf32, #tpu.memory_space<vmem>> -> memref<80x128xf32, #tpu.memory_space<vmem>>
    %dma_wait3A_52 = arith.constant 80 : i32
    %dma_wait3A_53 = tpu.memref_slice %arg5[%dma_wait3A_52] : memref<4000xi32, #tpu.memory_space<vmem>> -> memref<80xi32, #tpu.memory_space<vmem>>
    %dma_wait3A_54 = arith.constant 0 : i32
    %dma_wait3A_55 = arith.constant 0 : i32
    %dma_wait3A_56 = tpu.memref_slice %arg2[%dma_wait3A_54, %dma_wait3A_55] : memref<100000x128xf32, #tpu.memory_space<hbm>> -> memref<100000x128xf32, #tpu.memory_space<hbm>>
    tpu.wait_indirect_dma semaphore(%arg8 : memref<!tpu.dma_semaphore, #tpu.memory_space<semaphore_mem>>) src(%dma_wait3A_56 : memref<100000x128xf32, #tpu.memory_space<hbm>>) dst(%dma_wait3A_51 : memref<80x128xf32, #tpu.memory_space<vmem>>)
    %dma_wait3A_57 = arith.constant 160 : i32
    %dma_wait3A_58 = arith.constant 0 : i32
    %dma_wait3A_59 = tpu.memref_slice %arg6[%dma_wait3A_57, %dma_wait3A_58] : memref<400x128xf32, #tpu.memory_space<vmem>> -> memref<80x128xf32, #tpu.memory_space<vmem>>
    %dma_wait3A_60 = arith.constant 160 : i32
    %dma_wait3A_61 = tpu.memref_slice %arg5[%dma_wait3A_60] : memref<4000xi32, #tpu.memory_space<vmem>> -> memref<80xi32, #tpu.memory_space<vmem>>
    %dma_wait3A_62 = arith.constant 0 : i32
    %dma_wait3A_63 = arith.constant 0 : i32
    %dma_wait3A_64 = tpu.memref_slice %arg2[%dma_wait3A_62, %dma_wait3A_63] : memref<100000x128xf32, #tpu.memory_space<hbm>> -> memref<100000x128xf32, #tpu.memory_space<hbm>>
    tpu.wait_indirect_dma semaphore(%arg8 : memref<!tpu.dma_semaphore, #tpu.memory_space<semaphore_mem>>) src(%dma_wait3A_64 : memref<100000x128xf32, #tpu.memory_space<hbm>>) dst(%dma_wait3A_59 : memref<80x128xf32, #tpu.memory_space<vmem>>)
    %dma_wait3A_65 = arith.constant 240 : i32
    %dma_wait3A_66 = arith.constant 0 : i32
    %dma_wait3A_67 = tpu.memref_slice %arg6[%dma_wait3A_65, %dma_wait3A_66] : memref<400x128xf32, #tpu.memory_space<vmem>> -> memref<80x128xf32, #tpu.memory_space<vmem>>
    %dma_wait3A_68 = arith.constant 240 : i32
    %dma_wait3A_69 = tpu.memref_slice %arg5[%dma_wait3A_68] : memref<4000xi32, #tpu.memory_space<vmem>> -> memref<80xi32, #tpu.memory_space<vmem>>
    %dma_wait3A_70 = arith.constant 0 : i32
    %dma_wait3A_71 = arith.constant 0 : i32
    %dma_wait3A_72 = tpu.memref_slice %arg2[%dma_wait3A_70, %dma_wait3A_71] : memref<100000x128xf32, #tpu.memory_space<hbm>> -> memref<100000x128xf32, #tpu.memory_space<hbm>>
    tpu.wait_indirect_dma semaphore(%arg8 : memref<!tpu.dma_semaphore, #tpu.memory_space<semaphore_mem>>) src(%dma_wait3A_72 : memref<100000x128xf32, #tpu.memory_space<hbm>>) dst(%dma_wait3A_67 : memref<80x128xf32, #tpu.memory_space<vmem>>)
    %dma_wait3A_73 = arith.constant 320 : i32
    %dma_wait3A_74 = arith.constant 0 : i32
    %dma_wait3A_75 = tpu.memref_slice %arg6[%dma_wait3A_73, %dma_wait3A_74] : memref<400x128xf32, #tpu.memory_space<vmem>> -> memref<80x128xf32, #tpu.memory_space<vmem>>
    %dma_wait3A_76 = arith.constant 320 : i32
    %dma_wait3A_77 = tpu.memref_slice %arg5[%dma_wait3A_76] : memref<4000xi32, #tpu.memory_space<vmem>> -> memref<80xi32, #tpu.memory_space<vmem>>
    %dma_wait3A_78 = arith.constant 0 : i32
    %dma_wait3A_79 = arith.constant 0 : i32
    %dma_wait3A_80 = tpu.memref_slice %arg2[%dma_wait3A_78, %dma_wait3A_79] : memref<100000x128xf32, #tpu.memory_space<hbm>> -> memref<100000x128xf32, #tpu.memory_space<hbm>>
    tpu.wait_indirect_dma semaphore(%arg8 : memref<!tpu.dma_semaphore, #tpu.memory_space<semaphore_mem>>) src(%dma_wait3A_80 : memref<100000x128xf32, #tpu.memory_space<hbm>>) dst(%dma_wait3A_75 : memref<80x128xf32, #tpu.memory_space<vmem>>)
    %dma_start3A_81 = arith.constant 0 : i32
    %dma_start3A_82 = arith.constant 0 : i32
    %dma_start3A_83 = tpu.memref_slice %arg7[%dma_start3A_81, %dma_start3A_82] : memref<400x128xf32, #tpu.memory_space<vmem>> -> memref<80x128xf32, #tpu.memory_space<vmem>>
    %dma_start3A_84 = arith.constant 400 : i32
    %dma_start3A_85 = tpu.memref_slice %arg5[%dma_start3A_84] : memref<4000xi32, #tpu.memory_space<vmem>> -> memref<80xi32, #tpu.memory_space<vmem>>
    %dma_start3A_86 = arith.constant 0 : i32
    %dma_start3A_87 = arith.constant 0 : i32
    %dma_start3A_88 = tpu.memref_slice %arg2[%dma_start3A_86, %dma_start3A_87] : memref<100000x128xf32, #tpu.memory_space<hbm>> -> memref<100000x128xf32, #tpu.memory_space<hbm>>
    tpu.enqueue_indirect_dma source(%dma_start3A_88 : memref<100000x128xf32, #tpu.memory_space<hbm>>) target(%dma_start3A_83 : memref<80x128xf32, #tpu.memory_space<vmem>>) offsets(%dma_start3A_85 : memref<80xi32, #tpu.memory_space<vmem>>) semaphore(%arg8 : memref<!tpu.dma_semaphore, #tpu.memory_space<semaphore_mem>>)
    %dma_start3A_89 = arith.constant 80 : i32
    %dma_start3A_90 = arith.constant 0 : i32
    %dma_start3A_91 = tpu.memref_slice %arg7[%dma_start3A_89, %dma_start3A_90] : memref<400x128xf32, #tpu.memory_space<vmem>> -> memref<80x128xf32, #tpu.memory_space<vmem>>
    %dma_start3A_92 = arith.constant 480 : i32
    %dma_start3A_93 = tpu.memref_slice %arg5[%dma_start3A_92] : memref<4000xi32, #tpu.memory_space<vmem>> -> memref<80xi32, #tpu.memory_space<vmem>>
    %dma_start3A_94 = arith.constant 0 : i32
    %dma_start3A_95 = arith.constant 0 : i32
    %dma_start3A_96 = tpu.memref_slice %arg2[%dma_start3A_94, %dma_start3A_95] : memref<100000x128xf32, #tpu.memory_space<hbm>> -> memref<100000x128xf32, #tpu.memory_space<hbm>>
    tpu.enqueue_indirect_dma source(%dma_start3A_96 : memref<100000x128xf32, #tpu.memory_space<hbm>>) target(%dma_start3A_91 : memref<80x128xf32, #tpu.memory_space<vmem>>) offsets(%dma_start3A_93 : memref<80xi32, #tpu.memory_space<vmem>>) semaphore(%arg8 : memref<!tpu.dma_semaphore, #tpu.memory_space<semaphore_mem>>)
    %dma_start3A_97 = arith.constant 160 : i32
    %dma_start3A_98 = arith.constant 0 : i32
    %dma_start3A_99 = tpu.memref_slice %arg7[%dma_start3A_97, %dma_start3A_98] : memref<400x128xf32, #tpu.memory_space<vmem>> -> memref<80x128xf32, #tpu.memory_space<vmem>>
    %dma_start3A_100 = arith.constant 560 : i32
    %dma_start3A_101 = tpu.memref_slice %arg5[%dma_start3A_100] : memref<4000xi32, #tpu.memory_space<vmem>> -> memref<80xi32, #tpu.memory_space<vmem>>
    %dma_start3A_102 = arith.constant 0 : i32
    %dma_start3A_103 = arith.constant 0 : i32
    %dma_start3A_104 = tpu.memref_slice %arg2[%dma_start3A_102, %dma_start3A_103] : memref<100000x128xf32, #tpu.memory_space<hbm>> -> memref<100000x128xf32, #tpu.memory_space<hbm>>
    tpu.enqueue_indirect_dma source(%dma_start3A_104 : memref<100000x128xf32, #tpu.memory_space<hbm>>) target(%dma_start3A_99 : memref<80x128xf32, #tpu.memory_space<vmem>>) offsets(%dma_start3A_101 : memref<80xi32, #tpu.memory_space<vmem>>) semaphore(%arg8 : memref<!tpu.dma_semaphore, #tpu.memory_space<semaphore_mem>>)
    %dma_start3A_105 = arith.constant 240 : i32
    %dma_start3A_106 = arith.constant 0 : i32
    %dma_start3A_107 = tpu.memref_slice %arg7[%dma_start3A_105, %dma_start3A_106] : memref<400x128xf32, #tpu.memory_space<vmem>> -> memref<80x128xf32, #tpu.memory_space<vmem>>
    %dma_start3A_108 = arith.constant 640 : i32
    %dma_start3A_109 = tpu.memref_slice %arg5[%dma_start3A_108] : memref<4000xi32, #tpu.memory_space<vmem>> -> memref<80xi32, #tpu.memory_space<vmem>>
    %dma_start3A_110 = arith.constant 0 : i32
    %dma_start3A_111 = arith.constant 0 : i32
    %dma_start3A_112 = tpu.memref_slice %arg2[%dma_start3A_110, %dma_start3A_111] : memref<100000x128xf32, #tpu.memory_space<hbm>> -> memref<100000x128xf32, #tpu.memory_space<hbm>>
    tpu.enqueue_indirect_dma source(%dma_start3A_112 : memref<100000x128xf32, #tpu.memory_space<hbm>>) target(%dma_start3A_107 : memref<80x128xf32, #tpu.memory_space<vmem>>) offsets(%dma_start3A_109 : memref<80xi32, #tpu.memory_space<vmem>>) semaphore(%arg8 : memref<!tpu.dma_semaphore, #tpu.memory_space<semaphore_mem>>)
    %dma_start3A_113 = arith.constant 320 : i32
    %dma_start3A_114 = arith.constant 0 : i32
    %dma_start3A_115 = tpu.memref_slice %arg7[%dma_start3A_113, %dma_start3A_114] : memref<400x128xf32, #tpu.memory_space<vmem>> -> memref<80x128xf32, #tpu.memory_space<vmem>>
    %dma_start3A_116 = arith.constant 720 : i32
    %dma_start3A_117 = tpu.memref_slice %arg5[%dma_start3A_116] : memref<4000xi32, #tpu.memory_space<vmem>> -> memref<80xi32, #tpu.memory_space<vmem>>
    %dma_start3A_118 = arith.constant 0 : i32
    %dma_start3A_119 = arith.constant 0 : i32
    %dma_start3A_120 = tpu.memref_slice %arg2[%dma_start3A_118, %dma_start3A_119] : memref<100000x128xf32, #tpu.memory_space<hbm>> -> memref<100000x128xf32, #tpu.memory_space<hbm>>
    tpu.enqueue_indirect_dma source(%dma_start3A_120 : memref<100000x128xf32, #tpu.memory_space<hbm>>) target(%dma_start3A_115 : memref<80x128xf32, #tpu.memory_space<vmem>>) offsets(%dma_start3A_117 : memref<80xi32, #tpu.memory_space<vmem>>) semaphore(%arg8 : memref<!tpu.dma_semaphore, #tpu.memory_space<semaphore_mem>>)
    %mul3A_121 = arith.constant 4000 : i32
    %mul3A_122 = arith.muli %add3A, %mul3A_121 : i32
    %add3A_123 = arith.constant 0 : i32
    %add3A_124 = arith.addi %mul3A_122, %add3A_123 : i32
    "tpu.region"() ({
      %run_scoped3A = tpu.sem_alloc : memref<!tpu.dma_semaphore, #tpu.memory_space<semaphore_mem>>
      %dma_start3A_841 = arith.constant 0 : i32
      %dma_start3A_842 = tpu.memref_slice %arg4[%add3A_124, %dma_start3A_841] : memref<128000x128xf32, #tpu.memory_space<hbm>> -> memref<400x128xf32, #tpu.memory_space<hbm>>
      %dma_start3A_843 = arith.constant 0 : i32
      %dma_start3A_844 = tpu.memref_slice %arg4[%add3A_124, %dma_start3A_843] : memref<128000x128xf32, #tpu.memory_space<hbm>> -> memref<400x128xf32, #tpu.memory_space<hbm>>
      tpu.enqueue_dma source(%arg6 : memref<400x128xf32, #tpu.memory_space<vmem>>) target(%dma_start3A_844 : memref<400x128xf32, #tpu.memory_space<hbm>>) target_semaphore(%run_scoped3A : memref<!tpu.dma_semaphore, #tpu.memory_space<semaphore_mem>>)
      %dma_wait3A_845 = arith.constant 0 : i32
      %dma_wait3A_846 = tpu.memref_slice %arg4[%add3A_124, %dma_wait3A_845] : memref<128000x128xf32, #tpu.memory_space<hbm>> -> memref<400x128xf32, #tpu.memory_space<hbm>>
      %dma_wait3A_847 = arith.constant 0 : i32
      %dma_wait3A_848 = tpu.memref_slice %arg4[%add3A_124, %dma_wait3A_847] : memref<128000x128xf32, #tpu.memory_space<hbm>> -> memref<400x128xf32, #tpu.memory_space<hbm>>
      tpu.wait_dma2 semaphore(%run_scoped3A : memref<!tpu.dma_semaphore, #tpu.memory_space<semaphore_mem>>) src(%arg6 : memref<400x128xf32, #tpu.memory_space<vmem>>) dst(%dma_wait3A_848 : memref<400x128xf32, #tpu.memory_space<hbm>>)
      tpu.yield
    }) : () -> ()
    %dma_wait3A_125 = arith.constant 0 : i32
    %dma_wait3A_126 = arith.constant 0 : i32
    %dma_wait3A_127 = tpu.memref_slice %arg7[%dma_wait3A_125, %dma_wait3A_126] : memref<400x128xf32, #tpu.memory_space<vmem>> -> memref<80x128xf32, #tpu.memory_space<vmem>>
    %dma_wait3A_128 = arith.constant 400 : i32
    %dma_wait3A_129 = tpu.memref_slice %arg5[%dma_wait3A_128] : memref<4000xi32, #tpu.memory_space<vmem>> -> memref<80xi32, #tpu.memory_space<vmem>>
    %dma_wait3A_130 = arith.constant 0 : i32
    %dma_wait3A_131 = arith.constant 0 : i32
    %dma_wait3A_132 = tpu.memref_slice %arg2[%dma_wait3A_130, %dma_wait3A_131] : memref<100000x128xf32, #tpu.memory_space<hbm>> -> memref<100000x128xf32, #tpu.memory_space<hbm>>
    tpu.wait_indirect_dma semaphore(%arg8 : memref<!tpu.dma_semaphore, #tpu.memory_space<semaphore_mem>>) src(%dma_wait3A_132 : memref<100000x128xf32, #tpu.memory_space<hbm>>) dst(%dma_wait3A_127 : memref<80x128xf32, #tpu.memory_space<vmem>>)
    %dma_wait3A_133 = arith.constant 80 : i32
    %dma_wait3A_134 = arith.constant 0 : i32
    %dma_wait3A_135 = tpu.memref_slice %arg7[%dma_wait3A_133, %dma_wait3A_134] : memref<400x128xf32, #tpu.memory_space<vmem>> -> memref<80x128xf32, #tpu.memory_space<vmem>>
    %dma_wait3A_136 = arith.constant 480 : i32
    %dma_wait3A_137 = tpu.memref_slice %arg5[%dma_wait3A_136] : memref<4000xi32, #tpu.memory_space<vmem>> -> memref<80xi32, #tpu.memory_space<vmem>>
    %dma_wait3A_138 = arith.constant 0 : i32
    %dma_wait3A_139 = arith.constant 0 : i32
    %dma_wait3A_140 = tpu.memref_slice %arg2[%dma_wait3A_138, %dma_wait3A_139] : memref<100000x128xf32, #tpu.memory_space<hbm>> -> memref<100000x128xf32, #tpu.memory_space<hbm>>
    tpu.wait_indirect_dma semaphore(%arg8 : memref<!tpu.dma_semaphore, #tpu.memory_space<semaphore_mem>>) src(%dma_wait3A_140 : memref<100000x128xf32, #tpu.memory_space<hbm>>) dst(%dma_wait3A_135 : memref<80x128xf32, #tpu.memory_space<vmem>>)
    %dma_wait3A_141 = arith.constant 160 : i32
    %dma_wait3A_142 = arith.constant 0 : i32
    %dma_wait3A_143 = tpu.memref_slice %arg7[%dma_wait3A_141, %dma_wait3A_142] : memref<400x128xf32, #tpu.memory_space<vmem>> -> memref<80x128xf32, #tpu.memory_space<vmem>>
    %dma_wait3A_144 = arith.constant 560 : i32
    %dma_wait3A_145 = tpu.memref_slice %arg5[%dma_wait3A_144] : memref<4000xi32, #tpu.memory_space<vmem>> -> memref<80xi32, #tpu.memory_space<vmem>>
    %dma_wait3A_146 = arith.constant 0 : i32
    %dma_wait3A_147 = arith.constant 0 : i32
    %dma_wait3A_148 = tpu.memref_slice %arg2[%dma_wait3A_146, %dma_wait3A_147] : memref<100000x128xf32, #tpu.memory_space<hbm>> -> memref<100000x128xf32, #tpu.memory_space<hbm>>
    tpu.wait_indirect_dma semaphore(%arg8 : memref<!tpu.dma_semaphore, #tpu.memory_space<semaphore_mem>>) src(%dma_wait3A_148 : memref<100000x128xf32, #tpu.memory_space<hbm>>) dst(%dma_wait3A_143 : memref<80x128xf32, #tpu.memory_space<vmem>>)
    %dma_wait3A_149 = arith.constant 240 : i32
    %dma_wait3A_150 = arith.constant 0 : i32
    %dma_wait3A_151 = tpu.memref_slice %arg7[%dma_wait3A_149, %dma_wait3A_150] : memref<400x128xf32, #tpu.memory_space<vmem>> -> memref<80x128xf32, #tpu.memory_space<vmem>>
    %dma_wait3A_152 = arith.constant 640 : i32
    %dma_wait3A_153 = tpu.memref_slice %arg5[%dma_wait3A_152] : memref<4000xi32, #tpu.memory_space<vmem>> -> memref<80xi32, #tpu.memory_space<vmem>>
    %dma_wait3A_154 = arith.constant 0 : i32
    %dma_wait3A_155 = arith.constant 0 : i32
    %dma_wait3A_156 = tpu.memref_slice %arg2[%dma_wait3A_154, %dma_wait3A_155] : memref<100000x128xf32, #tpu.memory_space<hbm>> -> memref<100000x128xf32, #tpu.memory_space<hbm>>
    tpu.wait_indirect_dma semaphore(%arg8 : memref<!tpu.dma_semaphore, #tpu.memory_space<semaphore_mem>>) src(%dma_wait3A_156 : memref<100000x128xf32, #tpu.memory_space<hbm>>) dst(%dma_wait3A_151 : memref<80x128xf32, #tpu.memory_space<vmem>>)
    %dma_wait3A_157 = arith.constant 320 : i32
    %dma_wait3A_158 = arith.constant 0 : i32
    %dma_wait3A_159 = tpu.memref_slice %arg7[%dma_wait3A_157, %dma_wait3A_158] : memref<400x128xf32, #tpu.memory_space<vmem>> -> memref<80x128xf32, #tpu.memory_space<vmem>>
    %dma_wait3A_160 = arith.constant 720 : i32
    %dma_wait3A_161 = tpu.memref_slice %arg5[%dma_wait3A_160] : memref<4000xi32, #tpu.memory_space<vmem>> -> memref<80xi32, #tpu.memory_space<vmem>>
    %dma_wait3A_162 = arith.constant 0 : i32
    %dma_wait3A_163 = arith.constant 0 : i32
    %dma_wait3A_164 = tpu.memref_slice %arg2[%dma_wait3A_162, %dma_wait3A_163] : memref<100000x128xf32, #tpu.memory_space<hbm>> -> memref<100000x128xf32, #tpu.memory_space<hbm>>
    tpu.wait_indirect_dma semaphore(%arg8 : memref<!tpu.dma_semaphore, #tpu.memory_space<semaphore_mem>>) src(%dma_wait3A_164 : memref<100000x128xf32, #tpu.memory_space<hbm>>) dst(%dma_wait3A_159 : memref<80x128xf32, #tpu.memory_space<vmem>>)
    %dma_start3A_165 = arith.constant 0 : i32
    %dma_start3A_166 = arith.constant 0 : i32
    %dma_start3A_167 = tpu.memref_slice %arg6[%dma_start3A_165, %dma_start3A_166] : memref<400x128xf32, #tpu.memory_space<vmem>> -> memref<80x128xf32, #tpu.memory_space<vmem>>
    %dma_start3A_168 = arith.constant 800 : i32
    %dma_start3A_169 = tpu.memref_slice %arg5[%dma_start3A_168] : memref<4000xi32, #tpu.memory_space<vmem>> -> memref<80xi32, #tpu.memory_space<vmem>>
    %dma_start3A_170 = arith.constant 0 : i32
    %dma_start3A_171 = arith.constant 0 : i32
    %dma_start3A_172 = tpu.memref_slice %arg2[%dma_start3A_170, %dma_start3A_171] : memref<100000x128xf32, #tpu.memory_space<hbm>> -> memref<100000x128xf32, #tpu.memory_space<hbm>>
    tpu.enqueue_indirect_dma source(%dma_start3A_172 : memref<100000x128xf32, #tpu.memory_space<hbm>>) target(%dma_start3A_167 : memref<80x128xf32, #tpu.memory_space<vmem>>) offsets(%dma_start3A_169 : memref<80xi32, #tpu.memory_space<vmem>>) semaphore(%arg8 : memref<!tpu.dma_semaphore, #tpu.memory_space<semaphore_mem>>)
    %dma_start3A_173 = arith.constant 80 : i32
    %dma_start3A_174 = arith.constant 0 : i32
    %dma_start3A_175 = tpu.memref_slice %arg6[%dma_start3A_173, %dma_start3A_174] : memref<400x128xf32, #tpu.memory_space<vmem>> -> memref<80x128xf32, #tpu.memory_space<vmem>>
    %dma_start3A_176 = arith.constant 880 : i32
    %dma_start3A_177 = tpu.memref_slice %arg5[%dma_start3A_176] : memref<4000xi32, #tpu.memory_space<vmem>> -> memref<80xi32, #tpu.memory_space<vmem>>
    %dma_start3A_178 = arith.constant 0 : i32
    %dma_start3A_179 = arith.constant 0 : i32
    %dma_start3A_180 = tpu.memref_slice %arg2[%dma_start3A_178, %dma_start3A_179] : memref<100000x128xf32, #tpu.memory_space<hbm>> -> memref<100000x128xf32, #tpu.memory_space<hbm>>
    tpu.enqueue_indirect_dma source(%dma_start3A_180 : memref<100000x128xf32, #tpu.memory_space<hbm>>) target(%dma_start3A_175 : memref<80x128xf32, #tpu.memory_space<vmem>>) offsets(%dma_start3A_177 : memref<80xi32, #tpu.memory_space<vmem>>) semaphore(%arg8 : memref<!tpu.dma_semaphore, #tpu.memory_space<semaphore_mem>>)
    %dma_start3A_181 = arith.constant 160 : i32
    %dma_start3A_182 = arith.constant 0 : i32
    %dma_start3A_183 = tpu.memref_slice %arg6[%dma_start3A_181, %dma_start3A_182] : memref<400x128xf32, #tpu.memory_space<vmem>> -> memref<80x128xf32, #tpu.memory_space<vmem>>
    %dma_start3A_184 = arith.constant 960 : i32
    %dma_start3A_185 = tpu.memref_slice %arg5[%dma_start3A_184] : memref<4000xi32, #tpu.memory_space<vmem>> -> memref<80xi32, #tpu.memory_space<vmem>>
    %dma_start3A_186 = arith.constant 0 : i32
    %dma_start3A_187 = arith.constant 0 : i32
    %dma_start3A_188 = tpu.memref_slice %arg2[%dma_start3A_186, %dma_start3A_187] : memref<100000x128xf32, #tpu.memory_space<hbm>> -> memref<100000x128xf32, #tpu.memory_space<hbm>>
    tpu.enqueue_indirect_dma source(%dma_start3A_188 : memref<100000x128xf32, #tpu.memory_space<hbm>>) target(%dma_start3A_183 : memref<80x128xf32, #tpu.memory_space<vmem>>) offsets(%dma_start3A_185 : memref<80xi32, #tpu.memory_space<vmem>>) semaphore(%arg8 : memref<!tpu.dma_semaphore, #tpu.memory_space<semaphore_mem>>)
    %dma_start3A_189 = arith.constant 240 : i32
    %dma_start3A_190 = arith.constant 0 : i32
    %dma_start3A_191 = tpu.memref_slice %arg6[%dma_start3A_189, %dma_start3A_190] : memref<400x128xf32, #tpu.memory_space<vmem>> -> memref<80x128xf32, #tpu.memory_space<vmem>>
    %dma_start3A_192 = arith.constant 1040 : i32
    %dma_start3A_193 = tpu.memref_slice %arg5[%dma_start3A_192] : memref<4000xi32, #tpu.memory_space<vmem>> -> memref<80xi32, #tpu.memory_space<vmem>>
    %dma_start3A_194 = arith.constant 0 : i32
    %dma_start3A_195 = arith.constant 0 : i32
    %dma_start3A_196 = tpu.memref_slice %arg2[%dma_start3A_194, %dma_start3A_195] : memref<100000x128xf32, #tpu.memory_space<hbm>> -> memref<100000x128xf32, #tpu.memory_space<hbm>>
    tpu.enqueue_indirect_dma source(%dma_start3A_196 : memref<100000x128xf32, #tpu.memory_space<hbm>>) target(%dma_start3A_191 : memref<80x128xf32, #tpu.memory_space<vmem>>) offsets(%dma_start3A_193 : memref<80xi32, #tpu.memory_space<vmem>>) semaphore(%arg8 : memref<!tpu.dma_semaphore, #tpu.memory_space<semaphore_mem>>)
    %dma_start3A_197 = arith.constant 320 : i32
    %dma_start3A_198 = arith.constant 0 : i32
    %dma_start3A_199 = tpu.memref_slice %arg6[%dma_start3A_197, %dma_start3A_198] : memref<400x128xf32, #tpu.memory_space<vmem>> -> memref<80x128xf32, #tpu.memory_space<vmem>>
    %dma_start3A_200 = arith.constant 1120 : i32
    %dma_start3A_201 = tpu.memref_slice %arg5[%dma_start3A_200] : memref<4000xi32, #tpu.memory_space<vmem>> -> memref<80xi32, #tpu.memory_space<vmem>>
    %dma_start3A_202 = arith.constant 0 : i32
    %dma_start3A_203 = arith.constant 0 : i32
    %dma_start3A_204 = tpu.memref_slice %arg2[%dma_start3A_202, %dma_start3A_203] : memref<100000x128xf32, #tpu.memory_space<hbm>> -> memref<100000x128xf32, #tpu.memory_space<hbm>>
    tpu.enqueue_indirect_dma source(%dma_start3A_204 : memref<100000x128xf32, #tpu.memory_space<hbm>>) target(%dma_start3A_199 : memref<80x128xf32, #tpu.memory_space<vmem>>) offsets(%dma_start3A_201 : memref<80xi32, #tpu.memory_space<vmem>>) semaphore(%arg8 : memref<!tpu.dma_semaphore, #tpu.memory_space<semaphore_mem>>)
    %mul3A_205 = arith.constant 4000 : i32
    %mul3A_206 = arith.muli %add3A, %mul3A_205 : i32
    %add3A_207 = arith.constant 400 : i32
    %add3A_208 = arith.addi %mul3A_206, %add3A_207 : i32
    "tpu.region"() ({
      %run_scoped3A = tpu.sem_alloc : memref<!tpu.dma_semaphore, #tpu.memory_space<semaphore_mem>>
      %dma_start3A_841 = arith.constant 0 : i32
      %dma_start3A_842 = tpu.memref_slice %arg4[%add3A_208, %dma_start3A_841] : memref<128000x128xf32, #tpu.memory_space<hbm>> -> memref<400x128xf32, #tpu.memory_space<hbm>>
      %dma_start3A_843 = arith.constant 0 : i32
      %dma_start3A_844 = tpu.memref_slice %arg4[%add3A_208, %dma_start3A_843] : memref<128000x128xf32, #tpu.memory_space<hbm>> -> memref<400x128xf32, #tpu.memory_space<hbm>>
      tpu.enqueue_dma source(%arg7 : memref<400x128xf32, #tpu.memory_space<vmem>>) target(%dma_start3A_844 : memref<400x128xf32, #tpu.memory_space<hbm>>) target_semaphore(%run_scoped3A : memref<!tpu.dma_semaphore, #tpu.memory_space<semaphore_mem>>)
      %dma_wait3A_845 = arith.constant 0 : i32
      %dma_wait3A_846 = tpu.memref_slice %arg4[%add3A_208, %dma_wait3A_845] : memref<128000x128xf32, #tpu.memory_space<hbm>> -> memref<400x128xf32, #tpu.memory_space<hbm>>
      %dma_wait3A_847 = arith.constant 0 : i32
      %dma_wait3A_848 = tpu.memref_slice %arg4[%add3A_208, %dma_wait3A_847] : memref<128000x128xf32, #tpu.memory_space<hbm>> -> memref<400x128xf32, #tpu.memory_space<hbm>>
      tpu.wait_dma2 semaphore(%run_scoped3A : memref<!tpu.dma_semaphore, #tpu.memory_space<semaphore_mem>>) src(%arg7 : memref<400x128xf32, #tpu.memory_space<vmem>>) dst(%dma_wait3A_848 : memref<400x128xf32, #tpu.memory_space<hbm>>)
      tpu.yield
    }) : () -> ()
    %dma_wait3A_209 = arith.constant 0 : i32
    %dma_wait3A_210 = arith.constant 0 : i32
    %dma_wait3A_211 = tpu.memref_slice %arg6[%dma_wait3A_209, %dma_wait3A_210] : memref<400x128xf32, #tpu.memory_space<vmem>> -> memref<80x128xf32, #tpu.memory_space<vmem>>
    %dma_wait3A_212 = arith.constant 800 : i32
    %dma_wait3A_213 = tpu.memref_slice %arg5[%dma_wait3A_212] : memref<4000xi32, #tpu.memory_space<vmem>> -> memref<80xi32, #tpu.memory_space<vmem>>
    %dma_wait3A_214 = arith.constant 0 : i32
    %dma_wait3A_215 = arith.constant 0 : i32
    %dma_wait3A_216 = tpu.memref_slice %arg2[%dma_wait3A_214, %dma_wait3A_215] : memref<100000x128xf32, #tpu.memory_space<hbm>> -> memref<100000x128xf32, #tpu.memory_space<hbm>>
    tpu.wait_indirect_dma semaphore(%arg8 : memref<!tpu.dma_semaphore, #tpu.memory_space<semaphore_mem>>) src(%dma_wait3A_216 : memref<100000x128xf32, #tpu.memory_space<hbm>>) dst(%dma_wait3A_211 : memref<80x128xf32, #tpu.memory_space<vmem>>)
    %dma_wait3A_217 = arith.constant 80 : i32
    %dma_wait3A_218 = arith.constant 0 : i32
    %dma_wait3A_219 = tpu.memref_slice %arg6[%dma_wait3A_217, %dma_wait3A_218] : memref<400x128xf32, #tpu.memory_space<vmem>> -> memref<80x128xf32, #tpu.memory_space<vmem>>
    %dma_wait3A_220 = arith.constant 880 : i32
    %dma_wait3A_221 = tpu.memref_slice %arg5[%dma_wait3A_220] : memref<4000xi32, #tpu.memory_space<vmem>> -> memref<80xi32, #tpu.memory_space<vmem>>
    %dma_wait3A_222 = arith.constant 0 : i32
    %dma_wait3A_223 = arith.constant 0 : i32
    %dma_wait3A_224 = tpu.memref_slice %arg2[%dma_wait3A_222, %dma_wait3A_223] : memref<100000x128xf32, #tpu.memory_space<hbm>> -> memref<100000x128xf32, #tpu.memory_space<hbm>>
    tpu.wait_indirect_dma semaphore(%arg8 : memref<!tpu.dma_semaphore, #tpu.memory_space<semaphore_mem>>) src(%dma_wait3A_224 : memref<100000x128xf32, #tpu.memory_space<hbm>>) dst(%dma_wait3A_219 : memref<80x128xf32, #tpu.memory_space<vmem>>)
    %dma_wait3A_225 = arith.constant 160 : i32
    %dma_wait3A_226 = arith.constant 0 : i32
    %dma_wait3A_227 = tpu.memref_slice %arg6[%dma_wait3A_225, %dma_wait3A_226] : memref<400x128xf32, #tpu.memory_space<vmem>> -> memref<80x128xf32, #tpu.memory_space<vmem>>
    %dma_wait3A_228 = arith.constant 960 : i32
    %dma_wait3A_229 = tpu.memref_slice %arg5[%dma_wait3A_228] : memref<4000xi32, #tpu.memory_space<vmem>> -> memref<80xi32, #tpu.memory_space<vmem>>
    %dma_wait3A_230 = arith.constant 0 : i32
    %dma_wait3A_231 = arith.constant 0 : i32
    %dma_wait3A_232 = tpu.memref_slice %arg2[%dma_wait3A_230, %dma_wait3A_231] : memref<100000x128xf32, #tpu.memory_space<hbm>> -> memref<100000x128xf32, #tpu.memory_space<hbm>>
    tpu.wait_indirect_dma semaphore(%arg8 : memref<!tpu.dma_semaphore, #tpu.memory_space<semaphore_mem>>) src(%dma_wait3A_232 : memref<100000x128xf32, #tpu.memory_space<hbm>>) dst(%dma_wait3A_227 : memref<80x128xf32, #tpu.memory_space<vmem>>)
    %dma_wait3A_233 = arith.constant 240 : i32
    %dma_wait3A_234 = arith.constant 0 : i32
    %dma_wait3A_235 = tpu.memref_slice %arg6[%dma_wait3A_233, %dma_wait3A_234] : memref<400x128xf32, #tpu.memory_space<vmem>> -> memref<80x128xf32, #tpu.memory_space<vmem>>
    %dma_wait3A_236 = arith.constant 1040 : i32
    %dma_wait3A_237 = tpu.memref_slice %arg5[%dma_wait3A_236] : memref<4000xi32, #tpu.memory_space<vmem>> -> memref<80xi32, #tpu.memory_space<vmem>>
    %dma_wait3A_238 = arith.constant 0 : i32
    %dma_wait3A_239 = arith.constant 0 : i32
    %dma_wait3A_240 = tpu.memref_slice %arg2[%dma_wait3A_238, %dma_wait3A_239] : memref<100000x128xf32, #tpu.memory_space<hbm>> -> memref<100000x128xf32, #tpu.memory_space<hbm>>
    tpu.wait_indirect_dma semaphore(%arg8 : memref<!tpu.dma_semaphore, #tpu.memory_space<semaphore_mem>>) src(%dma_wait3A_240 : memref<100000x128xf32, #tpu.memory_space<hbm>>) dst(%dma_wait3A_235 : memref<80x128xf32, #tpu.memory_space<vmem>>)
    %dma_wait3A_241 = arith.constant 320 : i32
    %dma_wait3A_242 = arith.constant 0 : i32
    %dma_wait3A_243 = tpu.memref_slice %arg6[%dma_wait3A_241, %dma_wait3A_242] : memref<400x128xf32, #tpu.memory_space<vmem>> -> memref<80x128xf32, #tpu.memory_space<vmem>>
    %dma_wait3A_244 = arith.constant 1120 : i32
    %dma_wait3A_245 = tpu.memref_slice %arg5[%dma_wait3A_244] : memref<4000xi32, #tpu.memory_space<vmem>> -> memref<80xi32, #tpu.memory_space<vmem>>
    %dma_wait3A_246 = arith.constant 0 : i32
    %dma_wait3A_247 = arith.constant 0 : i32
    %dma_wait3A_248 = tpu.memref_slice %arg2[%dma_wait3A_246, %dma_wait3A_247] : memref<100000x128xf32, #tpu.memory_space<hbm>> -> memref<100000x128xf32, #tpu.memory_space<hbm>>
    tpu.wait_indirect_dma semaphore(%arg8 : memref<!tpu.dma_semaphore, #tpu.memory_space<semaphore_mem>>) src(%dma_wait3A_248 : memref<100000x128xf32, #tpu.memory_space<hbm>>) dst(%dma_wait3A_243 : memref<80x128xf32, #tpu.memory_space<vmem>>)
    %dma_start3A_249 = arith.constant 0 : i32
    %dma_start3A_250 = arith.constant 0 : i32
    %dma_start3A_251 = tpu.memref_slice %arg7[%dma_start3A_249, %dma_start3A_250] : memref<400x128xf32, #tpu.memory_space<vmem>> -> memref<80x128xf32, #tpu.memory_space<vmem>>
    %dma_start3A_252 = arith.constant 1200 : i32
    %dma_start3A_253 = tpu.memref_slice %arg5[%dma_start3A_252] : memref<4000xi32, #tpu.memory_space<vmem>> -> memref<80xi32, #tpu.memory_space<vmem>>
    %dma_start3A_254 = arith.constant 0 : i32
    %dma_start3A_255 = arith.constant 0 : i32
    %dma_start3A_256 = tpu.memref_slice %arg2[%dma_start3A_254, %dma_start3A_255] : memref<100000x128xf32, #tpu.memory_space<hbm>> -> memref<100000x128xf32, #tpu.memory_space<hbm>>
    tpu.enqueue_indirect_dma source(%dma_start3A_256 : memref<100000x128xf32, #tpu.memory_space<hbm>>) target(%dma_start3A_251 : memref<80x128xf32, #tpu.memory_space<vmem>>) offsets(%dma_start3A_253 : memref<80xi32, #tpu.memory_space<vmem>>) semaphore(%arg8 : memref<!tpu.dma_semaphore, #tpu.memory_space<semaphore_mem>>)
    %dma_start3A_257 = arith.constant 80 : i32
    %dma_start3A_258 = arith.constant 0 : i32
    %dma_start3A_259 = tpu.memref_slice %arg7[%dma_start3A_257, %dma_start3A_258] : memref<400x128xf32, #tpu.memory_space<vmem>> -> memref<80x128xf32, #tpu.memory_space<vmem>>
    %dma_start3A_260 = arith.constant 1280 : i32
    %dma_start3A_261 = tpu.memref_slice %arg5[%dma_start3A_260] : memref<4000xi32, #tpu.memory_space<vmem>> -> memref<80xi32, #tpu.memory_space<vmem>>
    %dma_start3A_262 = arith.constant 0 : i32
    %dma_start3A_263 = arith.constant 0 : i32
    %dma_start3A_264 = tpu.memref_slice %arg2[%dma_start3A_262, %dma_start3A_263] : memref<100000x128xf32, #tpu.memory_space<hbm>> -> memref<100000x128xf32, #tpu.memory_space<hbm>>
    tpu.enqueue_indirect_dma source(%dma_start3A_264 : memref<100000x128xf32, #tpu.memory_space<hbm>>) target(%dma_start3A_259 : memref<80x128xf32, #tpu.memory_space<vmem>>) offsets(%dma_start3A_261 : memref<80xi32, #tpu.memory_space<vmem>>) semaphore(%arg8 : memref<!tpu.dma_semaphore, #tpu.memory_space<semaphore_mem>>)
    %dma_start3A_265 = arith.constant 160 : i32
    %dma_start3A_266 = arith.constant 0 : i32
    %dma_start3A_267 = tpu.memref_slice %arg7[%dma_start3A_265, %dma_start3A_266] : memref<400x128xf32, #tpu.memory_space<vmem>> -> memref<80x128xf32, #tpu.memory_space<vmem>>
    %dma_start3A_268 = arith.constant 1360 : i32
    %dma_start3A_269 = tpu.memref_slice %arg5[%dma_start3A_268] : memref<4000xi32, #tpu.memory_space<vmem>> -> memref<80xi32, #tpu.memory_space<vmem>>
    %dma_start3A_270 = arith.constant 0 : i32
    %dma_start3A_271 = arith.constant 0 : i32
    %dma_start3A_272 = tpu.memref_slice %arg2[%dma_start3A_270, %dma_start3A_271] : memref<100000x128xf32, #tpu.memory_space<hbm>> -> memref<100000x128xf32, #tpu.memory_space<hbm>>
    tpu.enqueue_indirect_dma source(%dma_start3A_272 : memref<100000x128xf32, #tpu.memory_space<hbm>>) target(%dma_start3A_267 : memref<80x128xf32, #tpu.memory_space<vmem>>) offsets(%dma_start3A_269 : memref<80xi32, #tpu.memory_space<vmem>>) semaphore(%arg8 : memref<!tpu.dma_semaphore, #tpu.memory_space<semaphore_mem>>)
    %dma_start3A_273 = arith.constant 240 : i32
    %dma_start3A_274 = arith.constant 0 : i32
    %dma_start3A_275 = tpu.memref_slice %arg7[%dma_start3A_273, %dma_start3A_274] : memref<400x128xf32, #tpu.memory_space<vmem>> -> memref<80x128xf32, #tpu.memory_space<vmem>>
    %dma_start3A_276 = arith.constant 1440 : i32
    %dma_start3A_277 = tpu.memref_slice %arg5[%dma_start3A_276] : memref<4000xi32, #tpu.memory_space<vmem>> -> memref<80xi32, #tpu.memory_space<vmem>>
    %dma_start3A_278 = arith.constant 0 : i32
    %dma_start3A_279 = arith.constant 0 : i32
    %dma_start3A_280 = tpu.memref_slice %arg2[%dma_start3A_278, %dma_start3A_279] : memref<100000x128xf32, #tpu.memory_space<hbm>> -> memref<100000x128xf32, #tpu.memory_space<hbm>>
    tpu.enqueue_indirect_dma source(%dma_start3A_280 : memref<100000x128xf32, #tpu.memory_space<hbm>>) target(%dma_start3A_275 : memref<80x128xf32, #tpu.memory_space<vmem>>) offsets(%dma_start3A_277 : memref<80xi32, #tpu.memory_space<vmem>>) semaphore(%arg8 : memref<!tpu.dma_semaphore, #tpu.memory_space<semaphore_mem>>)
    %dma_start3A_281 = arith.constant 320 : i32
    %dma_start3A_282 = arith.constant 0 : i32
    %dma_start3A_283 = tpu.memref_slice %arg7[%dma_start3A_281, %dma_start3A_282] : memref<400x128xf32, #tpu.memory_space<vmem>> -> memref<80x128xf32, #tpu.memory_space<vmem>>
    %dma_start3A_284 = arith.constant 1520 : i32
    %dma_start3A_285 = tpu.memref_slice %arg5[%dma_start3A_284] : memref<4000xi32, #tpu.memory_space<vmem>> -> memref<80xi32, #tpu.memory_space<vmem>>
    %dma_start3A_286 = arith.constant 0 : i32
    %dma_start3A_287 = arith.constant 0 : i32
    %dma_start3A_288 = tpu.memref_slice %arg2[%dma_start3A_286, %dma_start3A_287] : memref<100000x128xf32, #tpu.memory_space<hbm>> -> memref<100000x128xf32, #tpu.memory_space<hbm>>
    tpu.enqueue_indirect_dma source(%dma_start3A_288 : memref<100000x128xf32, #tpu.memory_space<hbm>>) target(%dma_start3A_283 : memref<80x128xf32, #tpu.memory_space<vmem>>) offsets(%dma_start3A_285 : memref<80xi32, #tpu.memory_space<vmem>>) semaphore(%arg8 : memref<!tpu.dma_semaphore, #tpu.memory_space<semaphore_mem>>)
    %mul3A_289 = arith.constant 4000 : i32
    %mul3A_290 = arith.muli %add3A, %mul3A_289 : i32
    %add3A_291 = arith.constant 800 : i32
    %add3A_292 = arith.addi %mul3A_290, %add3A_291 : i32
    "tpu.region"() ({
      %run_scoped3A = tpu.sem_alloc : memref<!tpu.dma_semaphore, #tpu.memory_space<semaphore_mem>>
      %dma_start3A_841 = arith.constant 0 : i32
      %dma_start3A_842 = tpu.memref_slice %arg4[%add3A_292, %dma_start3A_841] : memref<128000x128xf32, #tpu.memory_space<hbm>> -> memref<400x128xf32, #tpu.memory_space<hbm>>
      %dma_start3A_843 = arith.constant 0 : i32
      %dma_start3A_844 = tpu.memref_slice %arg4[%add3A_292, %dma_start3A_843] : memref<128000x128xf32, #tpu.memory_space<hbm>> -> memref<400x128xf32, #tpu.memory_space<hbm>>
      tpu.enqueue_dma source(%arg6 : memref<400x128xf32, #tpu.memory_space<vmem>>) target(%dma_start3A_844 : memref<400x128xf32, #tpu.memory_space<hbm>>) target_semaphore(%run_scoped3A : memref<!tpu.dma_semaphore, #tpu.memory_space<semaphore_mem>>)
      %dma_wait3A_845 = arith.constant 0 : i32
      %dma_wait3A_846 = tpu.memref_slice %arg4[%add3A_292, %dma_wait3A_845] : memref<128000x128xf32, #tpu.memory_space<hbm>> -> memref<400x128xf32, #tpu.memory_space<hbm>>
      %dma_wait3A_847 = arith.constant 0 : i32
      %dma_wait3A_848 = tpu.memref_slice %arg4[%add3A_292, %dma_wait3A_847] : memref<128000x128xf32, #tpu.memory_space<hbm>> -> memref<400x128xf32, #tpu.memory_space<hbm>>
      tpu.wait_dma2 semaphore(%run_scoped3A : memref<!tpu.dma_semaphore, #tpu.memory_space<semaphore_mem>>) src(%arg6 : memref<400x128xf32, #tpu.memory_space<vmem>>) dst(%dma_wait3A_848 : memref<400x128xf32, #tpu.memory_space<hbm>>)
      tpu.yield
    }) : () -> ()
    %dma_wait3A_293 = arith.constant 0 : i32
    %dma_wait3A_294 = arith.constant 0 : i32
    %dma_wait3A_295 = tpu.memref_slice %arg7[%dma_wait3A_293, %dma_wait3A_294] : memref<400x128xf32, #tpu.memory_space<vmem>> -> memref<80x128xf32, #tpu.memory_space<vmem>>
    %dma_wait3A_296 = arith.constant 1200 : i32
    %dma_wait3A_297 = tpu.memref_slice %arg5[%dma_wait3A_296] : memref<4000xi32, #tpu.memory_space<vmem>> -> memref<80xi32, #tpu.memory_space<vmem>>
    %dma_wait3A_298 = arith.constant 0 : i32
    %dma_wait3A_299 = arith.constant 0 : i32
    %dma_wait3A_300 = tpu.memref_slice %arg2[%dma_wait3A_298, %dma_wait3A_299] : memref<100000x128xf32, #tpu.memory_space<hbm>> -> memref<100000x128xf32, #tpu.memory_space<hbm>>
    tpu.wait_indirect_dma semaphore(%arg8 : memref<!tpu.dma_semaphore, #tpu.memory_space<semaphore_mem>>) src(%dma_wait3A_300 : memref<100000x128xf32, #tpu.memory_space<hbm>>) dst(%dma_wait3A_295 : memref<80x128xf32, #tpu.memory_space<vmem>>)
    %dma_wait3A_301 = arith.constant 80 : i32
    %dma_wait3A_302 = arith.constant 0 : i32
    %dma_wait3A_303 = tpu.memref_slice %arg7[%dma_wait3A_301, %dma_wait3A_302] : memref<400x128xf32, #tpu.memory_space<vmem>> -> memref<80x128xf32, #tpu.memory_space<vmem>>
    %dma_wait3A_304 = arith.constant 1280 : i32
    %dma_wait3A_305 = tpu.memref_slice %arg5[%dma_wait3A_304] : memref<4000xi32, #tpu.memory_space<vmem>> -> memref<80xi32, #tpu.memory_space<vmem>>
    %dma_wait3A_306 = arith.constant 0 : i32
    %dma_wait3A_307 = arith.constant 0 : i32
    %dma_wait3A_308 = tpu.memref_slice %arg2[%dma_wait3A_306, %dma_wait3A_307] : memref<100000x128xf32, #tpu.memory_space<hbm>> -> memref<100000x128xf32, #tpu.memory_space<hbm>>
    tpu.wait_indirect_dma semaphore(%arg8 : memref<!tpu.dma_semaphore, #tpu.memory_space<semaphore_mem>>) src(%dma_wait3A_308 : memref<100000x128xf32, #tpu.memory_space<hbm>>) dst(%dma_wait3A_303 : memref<80x128xf32, #tpu.memory_space<vmem>>)
    %dma_wait3A_309 = arith.constant 160 : i32
    %dma_wait3A_310 = arith.constant 0 : i32
    %dma_wait3A_311 = tpu.memref_slice %arg7[%dma_wait3A_309, %dma_wait3A_310] : memref<400x128xf32, #tpu.memory_space<vmem>> -> memref<80x128xf32, #tpu.memory_space<vmem>>
    %dma_wait3A_312 = arith.constant 1360 : i32
    %dma_wait3A_313 = tpu.memref_slice %arg5[%dma_wait3A_312] : memref<4000xi32, #tpu.memory_space<vmem>> -> memref<80xi32, #tpu.memory_space<vmem>>
    %dma_wait3A_314 = arith.constant 0 : i32
    %dma_wait3A_315 = arith.constant 0 : i32
    %dma_wait3A_316 = tpu.memref_slice %arg2[%dma_wait3A_314, %dma_wait3A_315] : memref<100000x128xf32, #tpu.memory_space<hbm>> -> memref<100000x128xf32, #tpu.memory_space<hbm>>
    tpu.wait_indirect_dma semaphore(%arg8 : memref<!tpu.dma_semaphore, #tpu.memory_space<semaphore_mem>>) src(%dma_wait3A_316 : memref<100000x128xf32, #tpu.memory_space<hbm>>) dst(%dma_wait3A_311 : memref<80x128xf32, #tpu.memory_space<vmem>>)
    %dma_wait3A_317 = arith.constant 240 : i32
    %dma_wait3A_318 = arith.constant 0 : i32
    %dma_wait3A_319 = tpu.memref_slice %arg7[%dma_wait3A_317, %dma_wait3A_318] : memref<400x128xf32, #tpu.memory_space<vmem>> -> memref<80x128xf32, #tpu.memory_space<vmem>>
    %dma_wait3A_320 = arith.constant 1440 : i32
    %dma_wait3A_321 = tpu.memref_slice %arg5[%dma_wait3A_320] : memref<4000xi32, #tpu.memory_space<vmem>> -> memref<80xi32, #tpu.memory_space<vmem>>
    %dma_wait3A_322 = arith.constant 0 : i32
    %dma_wait3A_323 = arith.constant 0 : i32
    %dma_wait3A_324 = tpu.memref_slice %arg2[%dma_wait3A_322, %dma_wait3A_323] : memref<100000x128xf32, #tpu.memory_space<hbm>> -> memref<100000x128xf32, #tpu.memory_space<hbm>>
    tpu.wait_indirect_dma semaphore(%arg8 : memref<!tpu.dma_semaphore, #tpu.memory_space<semaphore_mem>>) src(%dma_wait3A_324 : memref<100000x128xf32, #tpu.memory_space<hbm>>) dst(%dma_wait3A_319 : memref<80x128xf32, #tpu.memory_space<vmem>>)
    %dma_wait3A_325 = arith.constant 320 : i32
    %dma_wait3A_326 = arith.constant 0 : i32
    %dma_wait3A_327 = tpu.memref_slice %arg7[%dma_wait3A_325, %dma_wait3A_326] : memref<400x128xf32, #tpu.memory_space<vmem>> -> memref<80x128xf32, #tpu.memory_space<vmem>>
    %dma_wait3A_328 = arith.constant 1520 : i32
    %dma_wait3A_329 = tpu.memref_slice %arg5[%dma_wait3A_328] : memref<4000xi32, #tpu.memory_space<vmem>> -> memref<80xi32, #tpu.memory_space<vmem>>
    %dma_wait3A_330 = arith.constant 0 : i32
    %dma_wait3A_331 = arith.constant 0 : i32
    %dma_wait3A_332 = tpu.memref_slice %arg2[%dma_wait3A_330, %dma_wait3A_331] : memref<100000x128xf32, #tpu.memory_space<hbm>> -> memref<100000x128xf32, #tpu.memory_space<hbm>>
    tpu.wait_indirect_dma semaphore(%arg8 : memref<!tpu.dma_semaphore, #tpu.memory_space<semaphore_mem>>) src(%dma_wait3A_332 : memref<100000x128xf32, #tpu.memory_space<hbm>>) dst(%dma_wait3A_327 : memref<80x128xf32, #tpu.memory_space<vmem>>)
    %dma_start3A_333 = arith.constant 0 : i32
    %dma_start3A_334 = arith.constant 0 : i32
    %dma_start3A_335 = tpu.memref_slice %arg6[%dma_start3A_333, %dma_start3A_334] : memref<400x128xf32, #tpu.memory_space<vmem>> -> memref<80x128xf32, #tpu.memory_space<vmem>>
    %dma_start3A_336 = arith.constant 1600 : i32
    %dma_start3A_337 = tpu.memref_slice %arg5[%dma_start3A_336] : memref<4000xi32, #tpu.memory_space<vmem>> -> memref<80xi32, #tpu.memory_space<vmem>>
    %dma_start3A_338 = arith.constant 0 : i32
    %dma_start3A_339 = arith.constant 0 : i32
    %dma_start3A_340 = tpu.memref_slice %arg2[%dma_start3A_338, %dma_start3A_339] : memref<100000x128xf32, #tpu.memory_space<hbm>> -> memref<100000x128xf32, #tpu.memory_space<hbm>>
    tpu.enqueue_indirect_dma source(%dma_start3A_340 : memref<100000x128xf32, #tpu.memory_space<hbm>>) target(%dma_start3A_335 : memref<80x128xf32, #tpu.memory_space<vmem>>) offsets(%dma_start3A_337 : memref<80xi32, #tpu.memory_space<vmem>>) semaphore(%arg8 : memref<!tpu.dma_semaphore, #tpu.memory_space<semaphore_mem>>)
    %dma_start3A_341 = arith.constant 80 : i32
    %dma_start3A_342 = arith.constant 0 : i32
    %dma_start3A_343 = tpu.memref_slice %arg6[%dma_start3A_341, %dma_start3A_342] : memref<400x128xf32, #tpu.memory_space<vmem>> -> memref<80x128xf32, #tpu.memory_space<vmem>>
    %dma_start3A_344 = arith.constant 1680 : i32
    %dma_start3A_345 = tpu.memref_slice %arg5[%dma_start3A_344] : memref<4000xi32, #tpu.memory_space<vmem>> -> memref<80xi32, #tpu.memory_space<vmem>>
    %dma_start3A_346 = arith.constant 0 : i32
    %dma_start3A_347 = arith.constant 0 : i32
    %dma_start3A_348 = tpu.memref_slice %arg2[%dma_start3A_346, %dma_start3A_347] : memref<100000x128xf32, #tpu.memory_space<hbm>> -> memref<100000x128xf32, #tpu.memory_space<hbm>>
    tpu.enqueue_indirect_dma source(%dma_start3A_348 : memref<100000x128xf32, #tpu.memory_space<hbm>>) target(%dma_start3A_343 : memref<80x128xf32, #tpu.memory_space<vmem>>) offsets(%dma_start3A_345 : memref<80xi32, #tpu.memory_space<vmem>>) semaphore(%arg8 : memref<!tpu.dma_semaphore, #tpu.memory_space<semaphore_mem>>)
    %dma_start3A_349 = arith.constant 160 : i32
    %dma_start3A_350 = arith.constant 0 : i32
    %dma_start3A_351 = tpu.memref_slice %arg6[%dma_start3A_349, %dma_start3A_350] : memref<400x128xf32, #tpu.memory_space<vmem>> -> memref<80x128xf32, #tpu.memory_space<vmem>>
    %dma_start3A_352 = arith.constant 1760 : i32
    %dma_start3A_353 = tpu.memref_slice %arg5[%dma_start3A_352] : memref<4000xi32, #tpu.memory_space<vmem>> -> memref<80xi32, #tpu.memory_space<vmem>>
    %dma_start3A_354 = arith.constant 0 : i32
    %dma_start3A_355 = arith.constant 0 : i32
    %dma_start3A_356 = tpu.memref_slice %arg2[%dma_start3A_354, %dma_start3A_355] : memref<100000x128xf32, #tpu.memory_space<hbm>> -> memref<100000x128xf32, #tpu.memory_space<hbm>>
    tpu.enqueue_indirect_dma source(%dma_start3A_356 : memref<100000x128xf32, #tpu.memory_space<hbm>>) target(%dma_start3A_351 : memref<80x128xf32, #tpu.memory_space<vmem>>) offsets(%dma_start3A_353 : memref<80xi32, #tpu.memory_space<vmem>>) semaphore(%arg8 : memref<!tpu.dma_semaphore, #tpu.memory_space<semaphore_mem>>)
    %dma_start3A_357 = arith.constant 240 : i32
    %dma_start3A_358 = arith.constant 0 : i32
    %dma_start3A_359 = tpu.memref_slice %arg6[%dma_start3A_357, %dma_start3A_358] : memref<400x128xf32, #tpu.memory_space<vmem>> -> memref<80x128xf32, #tpu.memory_space<vmem>>
    %dma_start3A_360 = arith.constant 1840 : i32
    %dma_start3A_361 = tpu.memref_slice %arg5[%dma_start3A_360] : memref<4000xi32, #tpu.memory_space<vmem>> -> memref<80xi32, #tpu.memory_space<vmem>>
    %dma_start3A_362 = arith.constant 0 : i32
    %dma_start3A_363 = arith.constant 0 : i32
    %dma_start3A_364 = tpu.memref_slice %arg2[%dma_start3A_362, %dma_start3A_363] : memref<100000x128xf32, #tpu.memory_space<hbm>> -> memref<100000x128xf32, #tpu.memory_space<hbm>>
    tpu.enqueue_indirect_dma source(%dma_start3A_364 : memref<100000x128xf32, #tpu.memory_space<hbm>>) target(%dma_start3A_359 : memref<80x128xf32, #tpu.memory_space<vmem>>) offsets(%dma_start3A_361 : memref<80xi32, #tpu.memory_space<vmem>>) semaphore(%arg8 : memref<!tpu.dma_semaphore, #tpu.memory_space<semaphore_mem>>)
    %dma_start3A_365 = arith.constant 320 : i32
    %dma_start3A_366 = arith.constant 0 : i32
    %dma_start3A_367 = tpu.memref_slice %arg6[%dma_start3A_365, %dma_start3A_366] : memref<400x128xf32, #tpu.memory_space<vmem>> -> memref<80x128xf32, #tpu.memory_space<vmem>>
    %dma_start3A_368 = arith.constant 1920 : i32
    %dma_start3A_369 = tpu.memref_slice %arg5[%dma_start3A_368] : memref<4000xi32, #tpu.memory_space<vmem>> -> memref<80xi32, #tpu.memory_space<vmem>>
    %dma_start3A_370 = arith.constant 0 : i32
    %dma_start3A_371 = arith.constant 0 : i32
    %dma_start3A_372 = tpu.memref_slice %arg2[%dma_start3A_370, %dma_start3A_371] : memref<100000x128xf32, #tpu.memory_space<hbm>> -> memref<100000x128xf32, #tpu.memory_space<hbm>>
    tpu.enqueue_indirect_dma source(%dma_start3A_372 : memref<100000x128xf32, #tpu.memory_space<hbm>>) target(%dma_start3A_367 : memref<80x128xf32, #tpu.memory_space<vmem>>) offsets(%dma_start3A_369 : memref<80xi32, #tpu.memory_space<vmem>>) semaphore(%arg8 : memref<!tpu.dma_semaphore, #tpu.memory_space<semaphore_mem>>)
    %mul3A_373 = arith.constant 4000 : i32
    %mul3A_374 = arith.muli %add3A, %mul3A_373 : i32
    %add3A_375 = arith.constant 1200 : i32
    %add3A_376 = arith.addi %mul3A_374, %add3A_375 : i32
    "tpu.region"() ({
      %run_scoped3A = tpu.sem_alloc : memref<!tpu.dma_semaphore, #tpu.memory_space<semaphore_mem>>
      %dma_start3A_841 = arith.constant 0 : i32
      %dma_start3A_842 = tpu.memref_slice %arg4[%add3A_376, %dma_start3A_841] : memref<128000x128xf32, #tpu.memory_space<hbm>> -> memref<400x128xf32, #tpu.memory_space<hbm>>
      %dma_start3A_843 = arith.constant 0 : i32
      %dma_start3A_844 = tpu.memref_slice %arg4[%add3A_376, %dma_start3A_843] : memref<128000x128xf32, #tpu.memory_space<hbm>> -> memref<400x128xf32, #tpu.memory_space<hbm>>
      tpu.enqueue_dma source(%arg7 : memref<400x128xf32, #tpu.memory_space<vmem>>) target(%dma_start3A_844 : memref<400x128xf32, #tpu.memory_space<hbm>>) target_semaphore(%run_scoped3A : memref<!tpu.dma_semaphore, #tpu.memory_space<semaphore_mem>>)
      %dma_wait3A_845 = arith.constant 0 : i32
      %dma_wait3A_846 = tpu.memref_slice %arg4[%add3A_376, %dma_wait3A_845] : memref<128000x128xf32, #tpu.memory_space<hbm>> -> memref<400x128xf32, #tpu.memory_space<hbm>>
      %dma_wait3A_847 = arith.constant 0 : i32
      %dma_wait3A_848 = tpu.memref_slice %arg4[%add3A_376, %dma_wait3A_847] : memref<128000x128xf32, #tpu.memory_space<hbm>> -> memref<400x128xf32, #tpu.memory_space<hbm>>
      tpu.wait_dma2 semaphore(%run_scoped3A : memref<!tpu.dma_semaphore, #tpu.memory_space<semaphore_mem>>) src(%arg7 : memref<400x128xf32, #tpu.memory_space<vmem>>) dst(%dma_wait3A_848 : memref<400x128xf32, #tpu.memory_space<hbm>>)
      tpu.yield
    }) : () -> ()
    %dma_wait3A_377 = arith.constant 0 : i32
    %dma_wait3A_378 = arith.constant 0 : i32
    %dma_wait3A_379 = tpu.memref_slice %arg6[%dma_wait3A_377, %dma_wait3A_378] : memref<400x128xf32, #tpu.memory_space<vmem>> -> memref<80x128xf32, #tpu.memory_space<vmem>>
    %dma_wait3A_380 = arith.constant 1600 : i32
    %dma_wait3A_381 = tpu.memref_slice %arg5[%dma_wait3A_380] : memref<4000xi32, #tpu.memory_space<vmem>> -> memref<80xi32, #tpu.memory_space<vmem>>
    %dma_wait3A_382 = arith.constant 0 : i32
    %dma_wait3A_383 = arith.constant 0 : i32
    %dma_wait3A_384 = tpu.memref_slice %arg2[%dma_wait3A_382, %dma_wait3A_383] : memref<100000x128xf32, #tpu.memory_space<hbm>> -> memref<100000x128xf32, #tpu.memory_space<hbm>>
    tpu.wait_indirect_dma semaphore(%arg8 : memref<!tpu.dma_semaphore, #tpu.memory_space<semaphore_mem>>) src(%dma_wait3A_384 : memref<100000x128xf32, #tpu.memory_space<hbm>>) dst(%dma_wait3A_379 : memref<80x128xf32, #tpu.memory_space<vmem>>)
    %dma_wait3A_385 = arith.constant 80 : i32
    %dma_wait3A_386 = arith.constant 0 : i32
    %dma_wait3A_387 = tpu.memref_slice %arg6[%dma_wait3A_385, %dma_wait3A_386] : memref<400x128xf32, #tpu.memory_space<vmem>> -> memref<80x128xf32, #tpu.memory_space<vmem>>
    %dma_wait3A_388 = arith.constant 1680 : i32
    %dma_wait3A_389 = tpu.memref_slice %arg5[%dma_wait3A_388] : memref<4000xi32, #tpu.memory_space<vmem>> -> memref<80xi32, #tpu.memory_space<vmem>>
    %dma_wait3A_390 = arith.constant 0 : i32
    %dma_wait3A_391 = arith.constant 0 : i32
    %dma_wait3A_392 = tpu.memref_slice %arg2[%dma_wait3A_390, %dma_wait3A_391] : memref<100000x128xf32, #tpu.memory_space<hbm>> -> memref<100000x128xf32, #tpu.memory_space<hbm>>
    tpu.wait_indirect_dma semaphore(%arg8 : memref<!tpu.dma_semaphore, #tpu.memory_space<semaphore_mem>>) src(%dma_wait3A_392 : memref<100000x128xf32, #tpu.memory_space<hbm>>) dst(%dma_wait3A_387 : memref<80x128xf32, #tpu.memory_space<vmem>>)
    %dma_wait3A_393 = arith.constant 160 : i32
    %dma_wait3A_394 = arith.constant 0 : i32
    %dma_wait3A_395 = tpu.memref_slice %arg6[%dma_wait3A_393, %dma_wait3A_394] : memref<400x128xf32, #tpu.memory_space<vmem>> -> memref<80x128xf32, #tpu.memory_space<vmem>>
    %dma_wait3A_396 = arith.constant 1760 : i32
    %dma_wait3A_397 = tpu.memref_slice %arg5[%dma_wait3A_396] : memref<4000xi32, #tpu.memory_space<vmem>> -> memref<80xi32, #tpu.memory_space<vmem>>
    %dma_wait3A_398 = arith.constant 0 : i32
    %dma_wait3A_399 = arith.constant 0 : i32
    %dma_wait3A_400 = tpu.memref_slice %arg2[%dma_wait3A_398, %dma_wait3A_399] : memref<100000x128xf32, #tpu.memory_space<hbm>> -> memref<100000x128xf32, #tpu.memory_space<hbm>>
    tpu.wait_indirect_dma semaphore(%arg8 : memref<!tpu.dma_semaphore, #tpu.memory_space<semaphore_mem>>) src(%dma_wait3A_400 : memref<100000x128xf32, #tpu.memory_space<hbm>>) dst(%dma_wait3A_395 : memref<80x128xf32, #tpu.memory_space<vmem>>)
    %dma_wait3A_401 = arith.constant 240 : i32
    %dma_wait3A_402 = arith.constant 0 : i32
    %dma_wait3A_403 = tpu.memref_slice %arg6[%dma_wait3A_401, %dma_wait3A_402] : memref<400x128xf32, #tpu.memory_space<vmem>> -> memref<80x128xf32, #tpu.memory_space<vmem>>
    %dma_wait3A_404 = arith.constant 1840 : i32
    %dma_wait3A_405 = tpu.memref_slice %arg5[%dma_wait3A_404] : memref<4000xi32, #tpu.memory_space<vmem>> -> memref<80xi32, #tpu.memory_space<vmem>>
    %dma_wait3A_406 = arith.constant 0 : i32
    %dma_wait3A_407 = arith.constant 0 : i32
    %dma_wait3A_408 = tpu.memref_slice %arg2[%dma_wait3A_406, %dma_wait3A_407] : memref<100000x128xf32, #tpu.memory_space<hbm>> -> memref<100000x128xf32, #tpu.memory_space<hbm>>
    tpu.wait_indirect_dma semaphore(%arg8 : memref<!tpu.dma_semaphore, #tpu.memory_space<semaphore_mem>>) src(%dma_wait3A_408 : memref<100000x128xf32, #tpu.memory_space<hbm>>) dst(%dma_wait3A_403 : memref<80x128xf32, #tpu.memory_space<vmem>>)
    %dma_wait3A_409 = arith.constant 320 : i32
    %dma_wait3A_410 = arith.constant 0 : i32
    %dma_wait3A_411 = tpu.memref_slice %arg6[%dma_wait3A_409, %dma_wait3A_410] : memref<400x128xf32, #tpu.memory_space<vmem>> -> memref<80x128xf32, #tpu.memory_space<vmem>>
    %dma_wait3A_412 = arith.constant 1920 : i32
    %dma_wait3A_413 = tpu.memref_slice %arg5[%dma_wait3A_412] : memref<4000xi32, #tpu.memory_space<vmem>> -> memref<80xi32, #tpu.memory_space<vmem>>
    %dma_wait3A_414 = arith.constant 0 : i32
    %dma_wait3A_415 = arith.constant 0 : i32
    %dma_wait3A_416 = tpu.memref_slice %arg2[%dma_wait3A_414, %dma_wait3A_415] : memref<100000x128xf32, #tpu.memory_space<hbm>> -> memref<100000x128xf32, #tpu.memory_space<hbm>>
    tpu.wait_indirect_dma semaphore(%arg8 : memref<!tpu.dma_semaphore, #tpu.memory_space<semaphore_mem>>) src(%dma_wait3A_416 : memref<100000x128xf32, #tpu.memory_space<hbm>>) dst(%dma_wait3A_411 : memref<80x128xf32, #tpu.memory_space<vmem>>)
    %dma_start3A_417 = arith.constant 0 : i32
    %dma_start3A_418 = arith.constant 0 : i32
    %dma_start3A_419 = tpu.memref_slice %arg7[%dma_start3A_417, %dma_start3A_418] : memref<400x128xf32, #tpu.memory_space<vmem>> -> memref<80x128xf32, #tpu.memory_space<vmem>>
    %dma_start3A_420 = arith.constant 2000 : i32
    %dma_start3A_421 = tpu.memref_slice %arg5[%dma_start3A_420] : memref<4000xi32, #tpu.memory_space<vmem>> -> memref<80xi32, #tpu.memory_space<vmem>>
    %dma_start3A_422 = arith.constant 0 : i32
    %dma_start3A_423 = arith.constant 0 : i32
    %dma_start3A_424 = tpu.memref_slice %arg2[%dma_start3A_422, %dma_start3A_423] : memref<100000x128xf32, #tpu.memory_space<hbm>> -> memref<100000x128xf32, #tpu.memory_space<hbm>>
    tpu.enqueue_indirect_dma source(%dma_start3A_424 : memref<100000x128xf32, #tpu.memory_space<hbm>>) target(%dma_start3A_419 : memref<80x128xf32, #tpu.memory_space<vmem>>) offsets(%dma_start3A_421 : memref<80xi32, #tpu.memory_space<vmem>>) semaphore(%arg8 : memref<!tpu.dma_semaphore, #tpu.memory_space<semaphore_mem>>)
    %dma_start3A_425 = arith.constant 80 : i32
    %dma_start3A_426 = arith.constant 0 : i32
    %dma_start3A_427 = tpu.memref_slice %arg7[%dma_start3A_425, %dma_start3A_426] : memref<400x128xf32, #tpu.memory_space<vmem>> -> memref<80x128xf32, #tpu.memory_space<vmem>>
    %dma_start3A_428 = arith.constant 2080 : i32
    %dma_start3A_429 = tpu.memref_slice %arg5[%dma_start3A_428] : memref<4000xi32, #tpu.memory_space<vmem>> -> memref<80xi32, #tpu.memory_space<vmem>>
    %dma_start3A_430 = arith.constant 0 : i32
    %dma_start3A_431 = arith.constant 0 : i32
    %dma_start3A_432 = tpu.memref_slice %arg2[%dma_start3A_430, %dma_start3A_431] : memref<100000x128xf32, #tpu.memory_space<hbm>> -> memref<100000x128xf32, #tpu.memory_space<hbm>>
    tpu.enqueue_indirect_dma source(%dma_start3A_432 : memref<100000x128xf32, #tpu.memory_space<hbm>>) target(%dma_start3A_427 : memref<80x128xf32, #tpu.memory_space<vmem>>) offsets(%dma_start3A_429 : memref<80xi32, #tpu.memory_space<vmem>>) semaphore(%arg8 : memref<!tpu.dma_semaphore, #tpu.memory_space<semaphore_mem>>)
    %dma_start3A_433 = arith.constant 160 : i32
    %dma_start3A_434 = arith.constant 0 : i32
    %dma_start3A_435 = tpu.memref_slice %arg7[%dma_start3A_433, %dma_start3A_434] : memref<400x128xf32, #tpu.memory_space<vmem>> -> memref<80x128xf32, #tpu.memory_space<vmem>>
    %dma_start3A_436 = arith.constant 2160 : i32
    %dma_start3A_437 = tpu.memref_slice %arg5[%dma_start3A_436] : memref<4000xi32, #tpu.memory_space<vmem>> -> memref<80xi32, #tpu.memory_space<vmem>>
    %dma_start3A_438 = arith.constant 0 : i32
    %dma_start3A_439 = arith.constant 0 : i32
    %dma_start3A_440 = tpu.memref_slice %arg2[%dma_start3A_438, %dma_start3A_439] : memref<100000x128xf32, #tpu.memory_space<hbm>> -> memref<100000x128xf32, #tpu.memory_space<hbm>>
    tpu.enqueue_indirect_dma source(%dma_start3A_440 : memref<100000x128xf32, #tpu.memory_space<hbm>>) target(%dma_start3A_435 : memref<80x128xf32, #tpu.memory_space<vmem>>) offsets(%dma_start3A_437 : memref<80xi32, #tpu.memory_space<vmem>>) semaphore(%arg8 : memref<!tpu.dma_semaphore, #tpu.memory_space<semaphore_mem>>)
    %dma_start3A_441 = arith.constant 240 : i32
    %dma_start3A_442 = arith.constant 0 : i32
    %dma_start3A_443 = tpu.memref_slice %arg7[%dma_start3A_441, %dma_start3A_442] : memref<400x128xf32, #tpu.memory_space<vmem>> -> memref<80x128xf32, #tpu.memory_space<vmem>>
    %dma_start3A_444 = arith.constant 2240 : i32
    %dma_start3A_445 = tpu.memref_slice %arg5[%dma_start3A_444] : memref<4000xi32, #tpu.memory_space<vmem>> -> memref<80xi32, #tpu.memory_space<vmem>>
    %dma_start3A_446 = arith.constant 0 : i32
    %dma_start3A_447 = arith.constant 0 : i32
    %dma_start3A_448 = tpu.memref_slice %arg2[%dma_start3A_446, %dma_start3A_447] : memref<100000x128xf32, #tpu.memory_space<hbm>> -> memref<100000x128xf32, #tpu.memory_space<hbm>>
    tpu.enqueue_indirect_dma source(%dma_start3A_448 : memref<100000x128xf32, #tpu.memory_space<hbm>>) target(%dma_start3A_443 : memref<80x128xf32, #tpu.memory_space<vmem>>) offsets(%dma_start3A_445 : memref<80xi32, #tpu.memory_space<vmem>>) semaphore(%arg8 : memref<!tpu.dma_semaphore, #tpu.memory_space<semaphore_mem>>)
    %dma_start3A_449 = arith.constant 320 : i32
    %dma_start3A_450 = arith.constant 0 : i32
    %dma_start3A_451 = tpu.memref_slice %arg7[%dma_start3A_449, %dma_start3A_450] : memref<400x128xf32, #tpu.memory_space<vmem>> -> memref<80x128xf32, #tpu.memory_space<vmem>>
    %dma_start3A_452 = arith.constant 2320 : i32
    %dma_start3A_453 = tpu.memref_slice %arg5[%dma_start3A_452] : memref<4000xi32, #tpu.memory_space<vmem>> -> memref<80xi32, #tpu.memory_space<vmem>>
    %dma_start3A_454 = arith.constant 0 : i32
    %dma_start3A_455 = arith.constant 0 : i32
    %dma_start3A_456 = tpu.memref_slice %arg2[%dma_start3A_454, %dma_start3A_455] : memref<100000x128xf32, #tpu.memory_space<hbm>> -> memref<100000x128xf32, #tpu.memory_space<hbm>>
    tpu.enqueue_indirect_dma source(%dma_start3A_456 : memref<100000x128xf32, #tpu.memory_space<hbm>>) target(%dma_start3A_451 : memref<80x128xf32, #tpu.memory_space<vmem>>) offsets(%dma_start3A_453 : memref<80xi32, #tpu.memory_space<vmem>>) semaphore(%arg8 : memref<!tpu.dma_semaphore, #tpu.memory_space<semaphore_mem>>)
    %mul3A_457 = arith.constant 4000 : i32
    %mul3A_458 = arith.muli %add3A, %mul3A_457 : i32
    %add3A_459 = arith.constant 1600 : i32
    %add3A_460 = arith.addi %mul3A_458, %add3A_459 : i32
    "tpu.region"() ({
      %run_scoped3A = tpu.sem_alloc : memref<!tpu.dma_semaphore, #tpu.memory_space<semaphore_mem>>
      %dma_start3A_841 = arith.constant 0 : i32
      %dma_start3A_842 = tpu.memref_slice %arg4[%add3A_460, %dma_start3A_841] : memref<128000x128xf32, #tpu.memory_space<hbm>> -> memref<400x128xf32, #tpu.memory_space<hbm>>
      %dma_start3A_843 = arith.constant 0 : i32
      %dma_start3A_844 = tpu.memref_slice %arg4[%add3A_460, %dma_start3A_843] : memref<128000x128xf32, #tpu.memory_space<hbm>> -> memref<400x128xf32, #tpu.memory_space<hbm>>
      tpu.enqueue_dma source(%arg6 : memref<400x128xf32, #tpu.memory_space<vmem>>) target(%dma_start3A_844 : memref<400x128xf32, #tpu.memory_space<hbm>>) target_semaphore(%run_scoped3A : memref<!tpu.dma_semaphore, #tpu.memory_space<semaphore_mem>>)
      %dma_wait3A_845 = arith.constant 0 : i32
      %dma_wait3A_846 = tpu.memref_slice %arg4[%add3A_460, %dma_wait3A_845] : memref<128000x128xf32, #tpu.memory_space<hbm>> -> memref<400x128xf32, #tpu.memory_space<hbm>>
      %dma_wait3A_847 = arith.constant 0 : i32
      %dma_wait3A_848 = tpu.memref_slice %arg4[%add3A_460, %dma_wait3A_847] : memref<128000x128xf32, #tpu.memory_space<hbm>> -> memref<400x128xf32, #tpu.memory_space<hbm>>
      tpu.wait_dma2 semaphore(%run_scoped3A : memref<!tpu.dma_semaphore, #tpu.memory_space<semaphore_mem>>) src(%arg6 : memref<400x128xf32, #tpu.memory_space<vmem>>) dst(%dma_wait3A_848 : memref<400x128xf32, #tpu.memory_space<hbm>>)
      tpu.yield
    }) : () -> ()
    %dma_wait3A_461 = arith.constant 0 : i32
    %dma_wait3A_462 = arith.constant 0 : i32
    %dma_wait3A_463 = tpu.memref_slice %arg7[%dma_wait3A_461, %dma_wait3A_462] : memref<400x128xf32, #tpu.memory_space<vmem>> -> memref<80x128xf32, #tpu.memory_space<vmem>>
    %dma_wait3A_464 = arith.constant 2000 : i32
    %dma_wait3A_465 = tpu.memref_slice %arg5[%dma_wait3A_464] : memref<4000xi32, #tpu.memory_space<vmem>> -> memref<80xi32, #tpu.memory_space<vmem>>
    %dma_wait3A_466 = arith.constant 0 : i32
    %dma_wait3A_467 = arith.constant 0 : i32
    %dma_wait3A_468 = tpu.memref_slice %arg2[%dma_wait3A_466, %dma_wait3A_467] : memref<100000x128xf32, #tpu.memory_space<hbm>> -> memref<100000x128xf32, #tpu.memory_space<hbm>>
    tpu.wait_indirect_dma semaphore(%arg8 : memref<!tpu.dma_semaphore, #tpu.memory_space<semaphore_mem>>) src(%dma_wait3A_468 : memref<100000x128xf32, #tpu.memory_space<hbm>>) dst(%dma_wait3A_463 : memref<80x128xf32, #tpu.memory_space<vmem>>)
    %dma_wait3A_469 = arith.constant 80 : i32
    %dma_wait3A_470 = arith.constant 0 : i32
    %dma_wait3A_471 = tpu.memref_slice %arg7[%dma_wait3A_469, %dma_wait3A_470] : memref<400x128xf32, #tpu.memory_space<vmem>> -> memref<80x128xf32, #tpu.memory_space<vmem>>
    %dma_wait3A_472 = arith.constant 2080 : i32
    %dma_wait3A_473 = tpu.memref_slice %arg5[%dma_wait3A_472] : memref<4000xi32, #tpu.memory_space<vmem>> -> memref<80xi32, #tpu.memory_space<vmem>>
    %dma_wait3A_474 = arith.constant 0 : i32
    %dma_wait3A_475 = arith.constant 0 : i32
    %dma_wait3A_476 = tpu.memref_slice %arg2[%dma_wait3A_474, %dma_wait3A_475] : memref<100000x128xf32, #tpu.memory_space<hbm>> -> memref<100000x128xf32, #tpu.memory_space<hbm>>
    tpu.wait_indirect_dma semaphore(%arg8 : memref<!tpu.dma_semaphore, #tpu.memory_space<semaphore_mem>>) src(%dma_wait3A_476 : memref<100000x128xf32, #tpu.memory_space<hbm>>) dst(%dma_wait3A_471 : memref<80x128xf32, #tpu.memory_space<vmem>>)
    %dma_wait3A_477 = arith.constant 160 : i32
    %dma_wait3A_478 = arith.constant 0 : i32
    %dma_wait3A_479 = tpu.memref_slice %arg7[%dma_wait3A_477, %dma_wait3A_478] : memref<400x128xf32, #tpu.memory_space<vmem>> -> memref<80x128xf32, #tpu.memory_space<vmem>>
    %dma_wait3A_480 = arith.constant 2160 : i32
    %dma_wait3A_481 = tpu.memref_slice %arg5[%dma_wait3A_480] : memref<4000xi32, #tpu.memory_space<vmem>> -> memref<80xi32, #tpu.memory_space<vmem>>
    %dma_wait3A_482 = arith.constant 0 : i32
    %dma_wait3A_483 = arith.constant 0 : i32
    %dma_wait3A_484 = tpu.memref_slice %arg2[%dma_wait3A_482, %dma_wait3A_483] : memref<100000x128xf32, #tpu.memory_space<hbm>> -> memref<100000x128xf32, #tpu.memory_space<hbm>>
    tpu.wait_indirect_dma semaphore(%arg8 : memref<!tpu.dma_semaphore, #tpu.memory_space<semaphore_mem>>) src(%dma_wait3A_484 : memref<100000x128xf32, #tpu.memory_space<hbm>>) dst(%dma_wait3A_479 : memref<80x128xf32, #tpu.memory_space<vmem>>)
    %dma_wait3A_485 = arith.constant 240 : i32
    %dma_wait3A_486 = arith.constant 0 : i32
    %dma_wait3A_487 = tpu.memref_slice %arg7[%dma_wait3A_485, %dma_wait3A_486] : memref<400x128xf32, #tpu.memory_space<vmem>> -> memref<80x128xf32, #tpu.memory_space<vmem>>
    %dma_wait3A_488 = arith.constant 2240 : i32
    %dma_wait3A_489 = tpu.memref_slice %arg5[%dma_wait3A_488] : memref<4000xi32, #tpu.memory_space<vmem>> -> memref<80xi32, #tpu.memory_space<vmem>>
    %dma_wait3A_490 = arith.constant 0 : i32
    %dma_wait3A_491 = arith.constant 0 : i32
    %dma_wait3A_492 = tpu.memref_slice %arg2[%dma_wait3A_490, %dma_wait3A_491] : memref<100000x128xf32, #tpu.memory_space<hbm>> -> memref<100000x128xf32, #tpu.memory_space<hbm>>
    tpu.wait_indirect_dma semaphore(%arg8 : memref<!tpu.dma_semaphore, #tpu.memory_space<semaphore_mem>>) src(%dma_wait3A_492 : memref<100000x128xf32, #tpu.memory_space<hbm>>) dst(%dma_wait3A_487 : memref<80x128xf32, #tpu.memory_space<vmem>>)
    %dma_wait3A_493 = arith.constant 320 : i32
    %dma_wait3A_494 = arith.constant 0 : i32
    %dma_wait3A_495 = tpu.memref_slice %arg7[%dma_wait3A_493, %dma_wait3A_494] : memref<400x128xf32, #tpu.memory_space<vmem>> -> memref<80x128xf32, #tpu.memory_space<vmem>>
    %dma_wait3A_496 = arith.constant 2320 : i32
    %dma_wait3A_497 = tpu.memref_slice %arg5[%dma_wait3A_496] : memref<4000xi32, #tpu.memory_space<vmem>> -> memref<80xi32, #tpu.memory_space<vmem>>
    %dma_wait3A_498 = arith.constant 0 : i32
    %dma_wait3A_499 = arith.constant 0 : i32
    %dma_wait3A_500 = tpu.memref_slice %arg2[%dma_wait3A_498, %dma_wait3A_499] : memref<100000x128xf32, #tpu.memory_space<hbm>> -> memref<100000x128xf32, #tpu.memory_space<hbm>>
    tpu.wait_indirect_dma semaphore(%arg8 : memref<!tpu.dma_semaphore, #tpu.memory_space<semaphore_mem>>) src(%dma_wait3A_500 : memref<100000x128xf32, #tpu.memory_space<hbm>>) dst(%dma_wait3A_495 : memref<80x128xf32, #tpu.memory_space<vmem>>)
    %dma_start3A_501 = arith.constant 0 : i32
    %dma_start3A_502 = arith.constant 0 : i32
    %dma_start3A_503 = tpu.memref_slice %arg6[%dma_start3A_501, %dma_start3A_502] : memref<400x128xf32, #tpu.memory_space<vmem>> -> memref<80x128xf32, #tpu.memory_space<vmem>>
    %dma_start3A_504 = arith.constant 2400 : i32
    %dma_start3A_505 = tpu.memref_slice %arg5[%dma_start3A_504] : memref<4000xi32, #tpu.memory_space<vmem>> -> memref<80xi32, #tpu.memory_space<vmem>>
    %dma_start3A_506 = arith.constant 0 : i32
    %dma_start3A_507 = arith.constant 0 : i32
    %dma_start3A_508 = tpu.memref_slice %arg2[%dma_start3A_506, %dma_start3A_507] : memref<100000x128xf32, #tpu.memory_space<hbm>> -> memref<100000x128xf32, #tpu.memory_space<hbm>>
    tpu.enqueue_indirect_dma source(%dma_start3A_508 : memref<100000x128xf32, #tpu.memory_space<hbm>>) target(%dma_start3A_503 : memref<80x128xf32, #tpu.memory_space<vmem>>) offsets(%dma_start3A_505 : memref<80xi32, #tpu.memory_space<vmem>>) semaphore(%arg8 : memref<!tpu.dma_semaphore, #tpu.memory_space<semaphore_mem>>)
    %dma_start3A_509 = arith.constant 80 : i32
    %dma_start3A_510 = arith.constant 0 : i32
    %dma_start3A_511 = tpu.memref_slice %arg6[%dma_start3A_509, %dma_start3A_510] : memref<400x128xf32, #tpu.memory_space<vmem>> -> memref<80x128xf32, #tpu.memory_space<vmem>>
    %dma_start3A_512 = arith.constant 2480 : i32
    %dma_start3A_513 = tpu.memref_slice %arg5[%dma_start3A_512] : memref<4000xi32, #tpu.memory_space<vmem>> -> memref<80xi32, #tpu.memory_space<vmem>>
    %dma_start3A_514 = arith.constant 0 : i32
    %dma_start3A_515 = arith.constant 0 : i32
    %dma_start3A_516 = tpu.memref_slice %arg2[%dma_start3A_514, %dma_start3A_515] : memref<100000x128xf32, #tpu.memory_space<hbm>> -> memref<100000x128xf32, #tpu.memory_space<hbm>>
    tpu.enqueue_indirect_dma source(%dma_start3A_516 : memref<100000x128xf32, #tpu.memory_space<hbm>>) target(%dma_start3A_511 : memref<80x128xf32, #tpu.memory_space<vmem>>) offsets(%dma_start3A_513 : memref<80xi32, #tpu.memory_space<vmem>>) semaphore(%arg8 : memref<!tpu.dma_semaphore, #tpu.memory_space<semaphore_mem>>)
    %dma_start3A_517 = arith.constant 160 : i32
    %dma_start3A_518 = arith.constant 0 : i32
    %dma_start3A_519 = tpu.memref_slice %arg6[%dma_start3A_517, %dma_start3A_518] : memref<400x128xf32, #tpu.memory_space<vmem>> -> memref<80x128xf32, #tpu.memory_space<vmem>>
    %dma_start3A_520 = arith.constant 2560 : i32
    %dma_start3A_521 = tpu.memref_slice %arg5[%dma_start3A_520] : memref<4000xi32, #tpu.memory_space<vmem>> -> memref<80xi32, #tpu.memory_space<vmem>>
    %dma_start3A_522 = arith.constant 0 : i32
    %dma_start3A_523 = arith.constant 0 : i32
    %dma_start3A_524 = tpu.memref_slice %arg2[%dma_start3A_522, %dma_start3A_523] : memref<100000x128xf32, #tpu.memory_space<hbm>> -> memref<100000x128xf32, #tpu.memory_space<hbm>>
    tpu.enqueue_indirect_dma source(%dma_start3A_524 : memref<100000x128xf32, #tpu.memory_space<hbm>>) target(%dma_start3A_519 : memref<80x128xf32, #tpu.memory_space<vmem>>) offsets(%dma_start3A_521 : memref<80xi32, #tpu.memory_space<vmem>>) semaphore(%arg8 : memref<!tpu.dma_semaphore, #tpu.memory_space<semaphore_mem>>)
    %dma_start3A_525 = arith.constant 240 : i32
    %dma_start3A_526 = arith.constant 0 : i32
    %dma_start3A_527 = tpu.memref_slice %arg6[%dma_start3A_525, %dma_start3A_526] : memref<400x128xf32, #tpu.memory_space<vmem>> -> memref<80x128xf32, #tpu.memory_space<vmem>>
    %dma_start3A_528 = arith.constant 2640 : i32
    %dma_start3A_529 = tpu.memref_slice %arg5[%dma_start3A_528] : memref<4000xi32, #tpu.memory_space<vmem>> -> memref<80xi32, #tpu.memory_space<vmem>>
    %dma_start3A_530 = arith.constant 0 : i32
    %dma_start3A_531 = arith.constant 0 : i32
    %dma_start3A_532 = tpu.memref_slice %arg2[%dma_start3A_530, %dma_start3A_531] : memref<100000x128xf32, #tpu.memory_space<hbm>> -> memref<100000x128xf32, #tpu.memory_space<hbm>>
    tpu.enqueue_indirect_dma source(%dma_start3A_532 : memref<100000x128xf32, #tpu.memory_space<hbm>>) target(%dma_start3A_527 : memref<80x128xf32, #tpu.memory_space<vmem>>) offsets(%dma_start3A_529 : memref<80xi32, #tpu.memory_space<vmem>>) semaphore(%arg8 : memref<!tpu.dma_semaphore, #tpu.memory_space<semaphore_mem>>)
    %dma_start3A_533 = arith.constant 320 : i32
    %dma_start3A_534 = arith.constant 0 : i32
    %dma_start3A_535 = tpu.memref_slice %arg6[%dma_start3A_533, %dma_start3A_534] : memref<400x128xf32, #tpu.memory_space<vmem>> -> memref<80x128xf32, #tpu.memory_space<vmem>>
    %dma_start3A_536 = arith.constant 2720 : i32
    %dma_start3A_537 = tpu.memref_slice %arg5[%dma_start3A_536] : memref<4000xi32, #tpu.memory_space<vmem>> -> memref<80xi32, #tpu.memory_space<vmem>>
    %dma_start3A_538 = arith.constant 0 : i32
    %dma_start3A_539 = arith.constant 0 : i32
    %dma_start3A_540 = tpu.memref_slice %arg2[%dma_start3A_538, %dma_start3A_539] : memref<100000x128xf32, #tpu.memory_space<hbm>> -> memref<100000x128xf32, #tpu.memory_space<hbm>>
    tpu.enqueue_indirect_dma source(%dma_start3A_540 : memref<100000x128xf32, #tpu.memory_space<hbm>>) target(%dma_start3A_535 : memref<80x128xf32, #tpu.memory_space<vmem>>) offsets(%dma_start3A_537 : memref<80xi32, #tpu.memory_space<vmem>>) semaphore(%arg8 : memref<!tpu.dma_semaphore, #tpu.memory_space<semaphore_mem>>)
    %mul3A_541 = arith.constant 4000 : i32
    %mul3A_542 = arith.muli %add3A, %mul3A_541 : i32
    %add3A_543 = arith.constant 2000 : i32
    %add3A_544 = arith.addi %mul3A_542, %add3A_543 : i32
    "tpu.region"() ({
      %run_scoped3A = tpu.sem_alloc : memref<!tpu.dma_semaphore, #tpu.memory_space<semaphore_mem>>
      %dma_start3A_841 = arith.constant 0 : i32
      %dma_start3A_842 = tpu.memref_slice %arg4[%add3A_544, %dma_start3A_841] : memref<128000x128xf32, #tpu.memory_space<hbm>> -> memref<400x128xf32, #tpu.memory_space<hbm>>
      %dma_start3A_843 = arith.constant 0 : i32
      %dma_start3A_844 = tpu.memref_slice %arg4[%add3A_544, %dma_start3A_843] : memref<128000x128xf32, #tpu.memory_space<hbm>> -> memref<400x128xf32, #tpu.memory_space<hbm>>
      tpu.enqueue_dma source(%arg7 : memref<400x128xf32, #tpu.memory_space<vmem>>) target(%dma_start3A_844 : memref<400x128xf32, #tpu.memory_space<hbm>>) target_semaphore(%run_scoped3A : memref<!tpu.dma_semaphore, #tpu.memory_space<semaphore_mem>>)
      %dma_wait3A_845 = arith.constant 0 : i32
      %dma_wait3A_846 = tpu.memref_slice %arg4[%add3A_544, %dma_wait3A_845] : memref<128000x128xf32, #tpu.memory_space<hbm>> -> memref<400x128xf32, #tpu.memory_space<hbm>>
      %dma_wait3A_847 = arith.constant 0 : i32
      %dma_wait3A_848 = tpu.memref_slice %arg4[%add3A_544, %dma_wait3A_847] : memref<128000x128xf32, #tpu.memory_space<hbm>> -> memref<400x128xf32, #tpu.memory_space<hbm>>
      tpu.wait_dma2 semaphore(%run_scoped3A : memref<!tpu.dma_semaphore, #tpu.memory_space<semaphore_mem>>) src(%arg7 : memref<400x128xf32, #tpu.memory_space<vmem>>) dst(%dma_wait3A_848 : memref<400x128xf32, #tpu.memory_space<hbm>>)
      tpu.yield
    }) : () -> ()
    %dma_wait3A_545 = arith.constant 0 : i32
    %dma_wait3A_546 = arith.constant 0 : i32
    %dma_wait3A_547 = tpu.memref_slice %arg6[%dma_wait3A_545, %dma_wait3A_546] : memref<400x128xf32, #tpu.memory_space<vmem>> -> memref<80x128xf32, #tpu.memory_space<vmem>>
    %dma_wait3A_548 = arith.constant 2400 : i32
    %dma_wait3A_549 = tpu.memref_slice %arg5[%dma_wait3A_548] : memref<4000xi32, #tpu.memory_space<vmem>> -> memref<80xi32, #tpu.memory_space<vmem>>
    %dma_wait3A_550 = arith.constant 0 : i32
    %dma_wait3A_551 = arith.constant 0 : i32
    %dma_wait3A_552 = tpu.memref_slice %arg2[%dma_wait3A_550, %dma_wait3A_551] : memref<100000x128xf32, #tpu.memory_space<hbm>> -> memref<100000x128xf32, #tpu.memory_space<hbm>>
    tpu.wait_indirect_dma semaphore(%arg8 : memref<!tpu.dma_semaphore, #tpu.memory_space<semaphore_mem>>) src(%dma_wait3A_552 : memref<100000x128xf32, #tpu.memory_space<hbm>>) dst(%dma_wait3A_547 : memref<80x128xf32, #tpu.memory_space<vmem>>)
    %dma_wait3A_553 = arith.constant 80 : i32
    %dma_wait3A_554 = arith.constant 0 : i32
    %dma_wait3A_555 = tpu.memref_slice %arg6[%dma_wait3A_553, %dma_wait3A_554] : memref<400x128xf32, #tpu.memory_space<vmem>> -> memref<80x128xf32, #tpu.memory_space<vmem>>
    %dma_wait3A_556 = arith.constant 2480 : i32
    %dma_wait3A_557 = tpu.memref_slice %arg5[%dma_wait3A_556] : memref<4000xi32, #tpu.memory_space<vmem>> -> memref<80xi32, #tpu.memory_space<vmem>>
    %dma_wait3A_558 = arith.constant 0 : i32
    %dma_wait3A_559 = arith.constant 0 : i32
    %dma_wait3A_560 = tpu.memref_slice %arg2[%dma_wait3A_558, %dma_wait3A_559] : memref<100000x128xf32, #tpu.memory_space<hbm>> -> memref<100000x128xf32, #tpu.memory_space<hbm>>
    tpu.wait_indirect_dma semaphore(%arg8 : memref<!tpu.dma_semaphore, #tpu.memory_space<semaphore_mem>>) src(%dma_wait3A_560 : memref<100000x128xf32, #tpu.memory_space<hbm>>) dst(%dma_wait3A_555 : memref<80x128xf32, #tpu.memory_space<vmem>>)
    %dma_wait3A_561 = arith.constant 160 : i32
    %dma_wait3A_562 = arith.constant 0 : i32
    %dma_wait3A_563 = tpu.memref_slice %arg6[%dma_wait3A_561, %dma_wait3A_562] : memref<400x128xf32, #tpu.memory_space<vmem>> -> memref<80x128xf32, #tpu.memory_space<vmem>>
    %dma_wait3A_564 = arith.constant 2560 : i32
    %dma_wait3A_565 = tpu.memref_slice %arg5[%dma_wait3A_564] : memref<4000xi32, #tpu.memory_space<vmem>> -> memref<80xi32, #tpu.memory_space<vmem>>
    %dma_wait3A_566 = arith.constant 0 : i32
    %dma_wait3A_567 = arith.constant 0 : i32
    %dma_wait3A_568 = tpu.memref_slice %arg2[%dma_wait3A_566, %dma_wait3A_567] : memref<100000x128xf32, #tpu.memory_space<hbm>> -> memref<100000x128xf32, #tpu.memory_space<hbm>>
    tpu.wait_indirect_dma semaphore(%arg8 : memref<!tpu.dma_semaphore, #tpu.memory_space<semaphore_mem>>) src(%dma_wait3A_568 : memref<100000x128xf32, #tpu.memory_space<hbm>>) dst(%dma_wait3A_563 : memref<80x128xf32, #tpu.memory_space<vmem>>)
    %dma_wait3A_569 = arith.constant 240 : i32
    %dma_wait3A_570 = arith.constant 0 : i32
    %dma_wait3A_571 = tpu.memref_slice %arg6[%dma_wait3A_569, %dma_wait3A_570] : memref<400x128xf32, #tpu.memory_space<vmem>> -> memref<80x128xf32, #tpu.memory_space<vmem>>
    %dma_wait3A_572 = arith.constant 2640 : i32
    %dma_wait3A_573 = tpu.memref_slice %arg5[%dma_wait3A_572] : memref<4000xi32, #tpu.memory_space<vmem>> -> memref<80xi32, #tpu.memory_space<vmem>>
    %dma_wait3A_574 = arith.constant 0 : i32
    %dma_wait3A_575 = arith.constant 0 : i32
    %dma_wait3A_576 = tpu.memref_slice %arg2[%dma_wait3A_574, %dma_wait3A_575] : memref<100000x128xf32, #tpu.memory_space<hbm>> -> memref<100000x128xf32, #tpu.memory_space<hbm>>
    tpu.wait_indirect_dma semaphore(%arg8 : memref<!tpu.dma_semaphore, #tpu.memory_space<semaphore_mem>>) src(%dma_wait3A_576 : memref<100000x128xf32, #tpu.memory_space<hbm>>) dst(%dma_wait3A_571 : memref<80x128xf32, #tpu.memory_space<vmem>>)
    %dma_wait3A_577 = arith.constant 320 : i32
    %dma_wait3A_578 = arith.constant 0 : i32
    %dma_wait3A_579 = tpu.memref_slice %arg6[%dma_wait3A_577, %dma_wait3A_578] : memref<400x128xf32, #tpu.memory_space<vmem>> -> memref<80x128xf32, #tpu.memory_space<vmem>>
    %dma_wait3A_580 = arith.constant 2720 : i32
    %dma_wait3A_581 = tpu.memref_slice %arg5[%dma_wait3A_580] : memref<4000xi32, #tpu.memory_space<vmem>> -> memref<80xi32, #tpu.memory_space<vmem>>
    %dma_wait3A_582 = arith.constant 0 : i32
    %dma_wait3A_583 = arith.constant 0 : i32
    %dma_wait3A_584 = tpu.memref_slice %arg2[%dma_wait3A_582, %dma_wait3A_583] : memref<100000x128xf32, #tpu.memory_space<hbm>> -> memref<100000x128xf32, #tpu.memory_space<hbm>>
    tpu.wait_indirect_dma semaphore(%arg8 : memref<!tpu.dma_semaphore, #tpu.memory_space<semaphore_mem>>) src(%dma_wait3A_584 : memref<100000x128xf32, #tpu.memory_space<hbm>>) dst(%dma_wait3A_579 : memref<80x128xf32, #tpu.memory_space<vmem>>)
    %dma_start3A_585 = arith.constant 0 : i32
    %dma_start3A_586 = arith.constant 0 : i32
    %dma_start3A_587 = tpu.memref_slice %arg7[%dma_start3A_585, %dma_start3A_586] : memref<400x128xf32, #tpu.memory_space<vmem>> -> memref<80x128xf32, #tpu.memory_space<vmem>>
    %dma_start3A_588 = arith.constant 2800 : i32
    %dma_start3A_589 = tpu.memref_slice %arg5[%dma_start3A_588] : memref<4000xi32, #tpu.memory_space<vmem>> -> memref<80xi32, #tpu.memory_space<vmem>>
    %dma_start3A_590 = arith.constant 0 : i32
    %dma_start3A_591 = arith.constant 0 : i32
    %dma_start3A_592 = tpu.memref_slice %arg2[%dma_start3A_590, %dma_start3A_591] : memref<100000x128xf32, #tpu.memory_space<hbm>> -> memref<100000x128xf32, #tpu.memory_space<hbm>>
    tpu.enqueue_indirect_dma source(%dma_start3A_592 : memref<100000x128xf32, #tpu.memory_space<hbm>>) target(%dma_start3A_587 : memref<80x128xf32, #tpu.memory_space<vmem>>) offsets(%dma_start3A_589 : memref<80xi32, #tpu.memory_space<vmem>>) semaphore(%arg8 : memref<!tpu.dma_semaphore, #tpu.memory_space<semaphore_mem>>)
    %dma_start3A_593 = arith.constant 80 : i32
    %dma_start3A_594 = arith.constant 0 : i32
    %dma_start3A_595 = tpu.memref_slice %arg7[%dma_start3A_593, %dma_start3A_594] : memref<400x128xf32, #tpu.memory_space<vmem>> -> memref<80x128xf32, #tpu.memory_space<vmem>>
    %dma_start3A_596 = arith.constant 2880 : i32
    %dma_start3A_597 = tpu.memref_slice %arg5[%dma_start3A_596] : memref<4000xi32, #tpu.memory_space<vmem>> -> memref<80xi32, #tpu.memory_space<vmem>>
    %dma_start3A_598 = arith.constant 0 : i32
    %dma_start3A_599 = arith.constant 0 : i32
    %dma_start3A_600 = tpu.memref_slice %arg2[%dma_start3A_598, %dma_start3A_599] : memref<100000x128xf32, #tpu.memory_space<hbm>> -> memref<100000x128xf32, #tpu.memory_space<hbm>>
    tpu.enqueue_indirect_dma source(%dma_start3A_600 : memref<100000x128xf32, #tpu.memory_space<hbm>>) target(%dma_start3A_595 : memref<80x128xf32, #tpu.memory_space<vmem>>) offsets(%dma_start3A_597 : memref<80xi32, #tpu.memory_space<vmem>>) semaphore(%arg8 : memref<!tpu.dma_semaphore, #tpu.memory_space<semaphore_mem>>)
    %dma_start3A_601 = arith.constant 160 : i32
    %dma_start3A_602 = arith.constant 0 : i32
    %dma_start3A_603 = tpu.memref_slice %arg7[%dma_start3A_601, %dma_start3A_602] : memref<400x128xf32, #tpu.memory_space<vmem>> -> memref<80x128xf32, #tpu.memory_space<vmem>>
    %dma_start3A_604 = arith.constant 2960 : i32
    %dma_start3A_605 = tpu.memref_slice %arg5[%dma_start3A_604] : memref<4000xi32, #tpu.memory_space<vmem>> -> memref<80xi32, #tpu.memory_space<vmem>>
    %dma_start3A_606 = arith.constant 0 : i32
    %dma_start3A_607 = arith.constant 0 : i32
    %dma_start3A_608 = tpu.memref_slice %arg2[%dma_start3A_606, %dma_start3A_607] : memref<100000x128xf32, #tpu.memory_space<hbm>> -> memref<100000x128xf32, #tpu.memory_space<hbm>>
    tpu.enqueue_indirect_dma source(%dma_start3A_608 : memref<100000x128xf32, #tpu.memory_space<hbm>>) target(%dma_start3A_603 : memref<80x128xf32, #tpu.memory_space<vmem>>) offsets(%dma_start3A_605 : memref<80xi32, #tpu.memory_space<vmem>>) semaphore(%arg8 : memref<!tpu.dma_semaphore, #tpu.memory_space<semaphore_mem>>)
    %dma_start3A_609 = arith.constant 240 : i32
    %dma_start3A_610 = arith.constant 0 : i32
    %dma_start3A_611 = tpu.memref_slice %arg7[%dma_start3A_609, %dma_start3A_610] : memref<400x128xf32, #tpu.memory_space<vmem>> -> memref<80x128xf32, #tpu.memory_space<vmem>>
    %dma_start3A_612 = arith.constant 3040 : i32
    %dma_start3A_613 = tpu.memref_slice %arg5[%dma_start3A_612] : memref<4000xi32, #tpu.memory_space<vmem>> -> memref<80xi32, #tpu.memory_space<vmem>>
    %dma_start3A_614 = arith.constant 0 : i32
    %dma_start3A_615 = arith.constant 0 : i32
    %dma_start3A_616 = tpu.memref_slice %arg2[%dma_start3A_614, %dma_start3A_615] : memref<100000x128xf32, #tpu.memory_space<hbm>> -> memref<100000x128xf32, #tpu.memory_space<hbm>>
    tpu.enqueue_indirect_dma source(%dma_start3A_616 : memref<100000x128xf32, #tpu.memory_space<hbm>>) target(%dma_start3A_611 : memref<80x128xf32, #tpu.memory_space<vmem>>) offsets(%dma_start3A_613 : memref<80xi32, #tpu.memory_space<vmem>>) semaphore(%arg8 : memref<!tpu.dma_semaphore, #tpu.memory_space<semaphore_mem>>)
    %dma_start3A_617 = arith.constant 320 : i32
    %dma_start3A_618 = arith.constant 0 : i32
    %dma_start3A_619 = tpu.memref_slice %arg7[%dma_start3A_617, %dma_start3A_618] : memref<400x128xf32, #tpu.memory_space<vmem>> -> memref<80x128xf32, #tpu.memory_space<vmem>>
    %dma_start3A_620 = arith.constant 3120 : i32
    %dma_start3A_621 = tpu.memref_slice %arg5[%dma_start3A_620] : memref<4000xi32, #tpu.memory_space<vmem>> -> memref<80xi32, #tpu.memory_space<vmem>>
    %dma_start3A_622 = arith.constant 0 : i32
    %dma_start3A_623 = arith.constant 0 : i32
    %dma_start3A_624 = tpu.memref_slice %arg2[%dma_start3A_622, %dma_start3A_623] : memref<100000x128xf32, #tpu.memory_space<hbm>> -> memref<100000x128xf32, #tpu.memory_space<hbm>>
    tpu.enqueue_indirect_dma source(%dma_start3A_624 : memref<100000x128xf32, #tpu.memory_space<hbm>>) target(%dma_start3A_619 : memref<80x128xf32, #tpu.memory_space<vmem>>) offsets(%dma_start3A_621 : memref<80xi32, #tpu.memory_space<vmem>>) semaphore(%arg8 : memref<!tpu.dma_semaphore, #tpu.memory_space<semaphore_mem>>)
    %mul3A_625 = arith.constant 4000 : i32
    %mul3A_626 = arith.muli %add3A, %mul3A_625 : i32
    %add3A_627 = arith.constant 2400 : i32
    %add3A_628 = arith.addi %mul3A_626, %add3A_627 : i32
    "tpu.region"() ({
      %run_scoped3A = tpu.sem_alloc : memref<!tpu.dma_semaphore, #tpu.memory_space<semaphore_mem>>
      %dma_start3A_841 = arith.constant 0 : i32
      %dma_start3A_842 = tpu.memref_slice %arg4[%add3A_628, %dma_start3A_841] : memref<128000x128xf32, #tpu.memory_space<hbm>> -> memref<400x128xf32, #tpu.memory_space<hbm>>
      %dma_start3A_843 = arith.constant 0 : i32
      %dma_start3A_844 = tpu.memref_slice %arg4[%add3A_628, %dma_start3A_843] : memref<128000x128xf32, #tpu.memory_space<hbm>> -> memref<400x128xf32, #tpu.memory_space<hbm>>
      tpu.enqueue_dma source(%arg6 : memref<400x128xf32, #tpu.memory_space<vmem>>) target(%dma_start3A_844 : memref<400x128xf32, #tpu.memory_space<hbm>>) target_semaphore(%run_scoped3A : memref<!tpu.dma_semaphore, #tpu.memory_space<semaphore_mem>>)
      %dma_wait3A_845 = arith.constant 0 : i32
      %dma_wait3A_846 = tpu.memref_slice %arg4[%add3A_628, %dma_wait3A_845] : memref<128000x128xf32, #tpu.memory_space<hbm>> -> memref<400x128xf32, #tpu.memory_space<hbm>>
      %dma_wait3A_847 = arith.constant 0 : i32
      %dma_wait3A_848 = tpu.memref_slice %arg4[%add3A_628, %dma_wait3A_847] : memref<128000x128xf32, #tpu.memory_space<hbm>> -> memref<400x128xf32, #tpu.memory_space<hbm>>
      tpu.wait_dma2 semaphore(%run_scoped3A : memref<!tpu.dma_semaphore, #tpu.memory_space<semaphore_mem>>) src(%arg6 : memref<400x128xf32, #tpu.memory_space<vmem>>) dst(%dma_wait3A_848 : memref<400x128xf32, #tpu.memory_space<hbm>>)
      tpu.yield
    }) : () -> ()
    %dma_wait3A_629 = arith.constant 0 : i32
    %dma_wait3A_630 = arith.constant 0 : i32
    %dma_wait3A_631 = tpu.memref_slice %arg7[%dma_wait3A_629, %dma_wait3A_630] : memref<400x128xf32, #tpu.memory_space<vmem>> -> memref<80x128xf32, #tpu.memory_space<vmem>>
    %dma_wait3A_632 = arith.constant 2800 : i32
    %dma_wait3A_633 = tpu.memref_slice %arg5[%dma_wait3A_632] : memref<4000xi32, #tpu.memory_space<vmem>> -> memref<80xi32, #tpu.memory_space<vmem>>
    %dma_wait3A_634 = arith.constant 0 : i32
    %dma_wait3A_635 = arith.constant 0 : i32
    %dma_wait3A_636 = tpu.memref_slice %arg2[%dma_wait3A_634, %dma_wait3A_635] : memref<100000x128xf32, #tpu.memory_space<hbm>> -> memref<100000x128xf32, #tpu.memory_space<hbm>>
    tpu.wait_indirect_dma semaphore(%arg8 : memref<!tpu.dma_semaphore, #tpu.memory_space<semaphore_mem>>) src(%dma_wait3A_636 : memref<100000x128xf32, #tpu.memory_space<hbm>>) dst(%dma_wait3A_631 : memref<80x128xf32, #tpu.memory_space<vmem>>)
    %dma_wait3A_637 = arith.constant 80 : i32
    %dma_wait3A_638 = arith.constant 0 : i32
    %dma_wait3A_639 = tpu.memref_slice %arg7[%dma_wait3A_637, %dma_wait3A_638] : memref<400x128xf32, #tpu.memory_space<vmem>> -> memref<80x128xf32, #tpu.memory_space<vmem>>
    %dma_wait3A_640 = arith.constant 2880 : i32
    %dma_wait3A_641 = tpu.memref_slice %arg5[%dma_wait3A_640] : memref<4000xi32, #tpu.memory_space<vmem>> -> memref<80xi32, #tpu.memory_space<vmem>>
    %dma_wait3A_642 = arith.constant 0 : i32
    %dma_wait3A_643 = arith.constant 0 : i32
    %dma_wait3A_644 = tpu.memref_slice %arg2[%dma_wait3A_642, %dma_wait3A_643] : memref<100000x128xf32, #tpu.memory_space<hbm>> -> memref<100000x128xf32, #tpu.memory_space<hbm>>
    tpu.wait_indirect_dma semaphore(%arg8 : memref<!tpu.dma_semaphore, #tpu.memory_space<semaphore_mem>>) src(%dma_wait3A_644 : memref<100000x128xf32, #tpu.memory_space<hbm>>) dst(%dma_wait3A_639 : memref<80x128xf32, #tpu.memory_space<vmem>>)
    %dma_wait3A_645 = arith.constant 160 : i32
    %dma_wait3A_646 = arith.constant 0 : i32
    %dma_wait3A_647 = tpu.memref_slice %arg7[%dma_wait3A_645, %dma_wait3A_646] : memref<400x128xf32, #tpu.memory_space<vmem>> -> memref<80x128xf32, #tpu.memory_space<vmem>>
    %dma_wait3A_648 = arith.constant 2960 : i32
    %dma_wait3A_649 = tpu.memref_slice %arg5[%dma_wait3A_648] : memref<4000xi32, #tpu.memory_space<vmem>> -> memref<80xi32, #tpu.memory_space<vmem>>
    %dma_wait3A_650 = arith.constant 0 : i32
    %dma_wait3A_651 = arith.constant 0 : i32
    %dma_wait3A_652 = tpu.memref_slice %arg2[%dma_wait3A_650, %dma_wait3A_651] : memref<100000x128xf32, #tpu.memory_space<hbm>> -> memref<100000x128xf32, #tpu.memory_space<hbm>>
    tpu.wait_indirect_dma semaphore(%arg8 : memref<!tpu.dma_semaphore, #tpu.memory_space<semaphore_mem>>) src(%dma_wait3A_652 : memref<100000x128xf32, #tpu.memory_space<hbm>>) dst(%dma_wait3A_647 : memref<80x128xf32, #tpu.memory_space<vmem>>)
    %dma_wait3A_653 = arith.constant 240 : i32
    %dma_wait3A_654 = arith.constant 0 : i32
    %dma_wait3A_655 = tpu.memref_slice %arg7[%dma_wait3A_653, %dma_wait3A_654] : memref<400x128xf32, #tpu.memory_space<vmem>> -> memref<80x128xf32, #tpu.memory_space<vmem>>
    %dma_wait3A_656 = arith.constant 3040 : i32
    %dma_wait3A_657 = tpu.memref_slice %arg5[%dma_wait3A_656] : memref<4000xi32, #tpu.memory_space<vmem>> -> memref<80xi32, #tpu.memory_space<vmem>>
    %dma_wait3A_658 = arith.constant 0 : i32
    %dma_wait3A_659 = arith.constant 0 : i32
    %dma_wait3A_660 = tpu.memref_slice %arg2[%dma_wait3A_658, %dma_wait3A_659] : memref<100000x128xf32, #tpu.memory_space<hbm>> -> memref<100000x128xf32, #tpu.memory_space<hbm>>
    tpu.wait_indirect_dma semaphore(%arg8 : memref<!tpu.dma_semaphore, #tpu.memory_space<semaphore_mem>>) src(%dma_wait3A_660 : memref<100000x128xf32, #tpu.memory_space<hbm>>) dst(%dma_wait3A_655 : memref<80x128xf32, #tpu.memory_space<vmem>>)
    %dma_wait3A_661 = arith.constant 320 : i32
    %dma_wait3A_662 = arith.constant 0 : i32
    %dma_wait3A_663 = tpu.memref_slice %arg7[%dma_wait3A_661, %dma_wait3A_662] : memref<400x128xf32, #tpu.memory_space<vmem>> -> memref<80x128xf32, #tpu.memory_space<vmem>>
    %dma_wait3A_664 = arith.constant 3120 : i32
    %dma_wait3A_665 = tpu.memref_slice %arg5[%dma_wait3A_664] : memref<4000xi32, #tpu.memory_space<vmem>> -> memref<80xi32, #tpu.memory_space<vmem>>
    %dma_wait3A_666 = arith.constant 0 : i32
    %dma_wait3A_667 = arith.constant 0 : i32
    %dma_wait3A_668 = tpu.memref_slice %arg2[%dma_wait3A_666, %dma_wait3A_667] : memref<100000x128xf32, #tpu.memory_space<hbm>> -> memref<100000x128xf32, #tpu.memory_space<hbm>>
    tpu.wait_indirect_dma semaphore(%arg8 : memref<!tpu.dma_semaphore, #tpu.memory_space<semaphore_mem>>) src(%dma_wait3A_668 : memref<100000x128xf32, #tpu.memory_space<hbm>>) dst(%dma_wait3A_663 : memref<80x128xf32, #tpu.memory_space<vmem>>)
    %dma_start3A_669 = arith.constant 0 : i32
    %dma_start3A_670 = arith.constant 0 : i32
    %dma_start3A_671 = tpu.memref_slice %arg6[%dma_start3A_669, %dma_start3A_670] : memref<400x128xf32, #tpu.memory_space<vmem>> -> memref<80x128xf32, #tpu.memory_space<vmem>>
    %dma_start3A_672 = arith.constant 3200 : i32
    %dma_start3A_673 = tpu.memref_slice %arg5[%dma_start3A_672] : memref<4000xi32, #tpu.memory_space<vmem>> -> memref<80xi32, #tpu.memory_space<vmem>>
    %dma_start3A_674 = arith.constant 0 : i32
    %dma_start3A_675 = arith.constant 0 : i32
    %dma_start3A_676 = tpu.memref_slice %arg2[%dma_start3A_674, %dma_start3A_675] : memref<100000x128xf32, #tpu.memory_space<hbm>> -> memref<100000x128xf32, #tpu.memory_space<hbm>>
    tpu.enqueue_indirect_dma source(%dma_start3A_676 : memref<100000x128xf32, #tpu.memory_space<hbm>>) target(%dma_start3A_671 : memref<80x128xf32, #tpu.memory_space<vmem>>) offsets(%dma_start3A_673 : memref<80xi32, #tpu.memory_space<vmem>>) semaphore(%arg8 : memref<!tpu.dma_semaphore, #tpu.memory_space<semaphore_mem>>)
    %dma_start3A_677 = arith.constant 80 : i32
    %dma_start3A_678 = arith.constant 0 : i32
    %dma_start3A_679 = tpu.memref_slice %arg6[%dma_start3A_677, %dma_start3A_678] : memref<400x128xf32, #tpu.memory_space<vmem>> -> memref<80x128xf32, #tpu.memory_space<vmem>>
    %dma_start3A_680 = arith.constant 3280 : i32
    %dma_start3A_681 = tpu.memref_slice %arg5[%dma_start3A_680] : memref<4000xi32, #tpu.memory_space<vmem>> -> memref<80xi32, #tpu.memory_space<vmem>>
    %dma_start3A_682 = arith.constant 0 : i32
    %dma_start3A_683 = arith.constant 0 : i32
    %dma_start3A_684 = tpu.memref_slice %arg2[%dma_start3A_682, %dma_start3A_683] : memref<100000x128xf32, #tpu.memory_space<hbm>> -> memref<100000x128xf32, #tpu.memory_space<hbm>>
    tpu.enqueue_indirect_dma source(%dma_start3A_684 : memref<100000x128xf32, #tpu.memory_space<hbm>>) target(%dma_start3A_679 : memref<80x128xf32, #tpu.memory_space<vmem>>) offsets(%dma_start3A_681 : memref<80xi32, #tpu.memory_space<vmem>>) semaphore(%arg8 : memref<!tpu.dma_semaphore, #tpu.memory_space<semaphore_mem>>)
    %dma_start3A_685 = arith.constant 160 : i32
    %dma_start3A_686 = arith.constant 0 : i32
    %dma_start3A_687 = tpu.memref_slice %arg6[%dma_start3A_685, %dma_start3A_686] : memref<400x128xf32, #tpu.memory_space<vmem>> -> memref<80x128xf32, #tpu.memory_space<vmem>>
    %dma_start3A_688 = arith.constant 3360 : i32
    %dma_start3A_689 = tpu.memref_slice %arg5[%dma_start3A_688] : memref<4000xi32, #tpu.memory_space<vmem>> -> memref<80xi32, #tpu.memory_space<vmem>>
    %dma_start3A_690 = arith.constant 0 : i32
    %dma_start3A_691 = arith.constant 0 : i32
    %dma_start3A_692 = tpu.memref_slice %arg2[%dma_start3A_690, %dma_start3A_691] : memref<100000x128xf32, #tpu.memory_space<hbm>> -> memref<100000x128xf32, #tpu.memory_space<hbm>>
    tpu.enqueue_indirect_dma source(%dma_start3A_692 : memref<100000x128xf32, #tpu.memory_space<hbm>>) target(%dma_start3A_687 : memref<80x128xf32, #tpu.memory_space<vmem>>) offsets(%dma_start3A_689 : memref<80xi32, #tpu.memory_space<vmem>>) semaphore(%arg8 : memref<!tpu.dma_semaphore, #tpu.memory_space<semaphore_mem>>)
    %dma_start3A_693 = arith.constant 240 : i32
    %dma_start3A_694 = arith.constant 0 : i32
    %dma_start3A_695 = tpu.memref_slice %arg6[%dma_start3A_693, %dma_start3A_694] : memref<400x128xf32, #tpu.memory_space<vmem>> -> memref<80x128xf32, #tpu.memory_space<vmem>>
    %dma_start3A_696 = arith.constant 3440 : i32
    %dma_start3A_697 = tpu.memref_slice %arg5[%dma_start3A_696] : memref<4000xi32, #tpu.memory_space<vmem>> -> memref<80xi32, #tpu.memory_space<vmem>>
    %dma_start3A_698 = arith.constant 0 : i32
    %dma_start3A_699 = arith.constant 0 : i32
    %dma_start3A_700 = tpu.memref_slice %arg2[%dma_start3A_698, %dma_start3A_699] : memref<100000x128xf32, #tpu.memory_space<hbm>> -> memref<100000x128xf32, #tpu.memory_space<hbm>>
    tpu.enqueue_indirect_dma source(%dma_start3A_700 : memref<100000x128xf32, #tpu.memory_space<hbm>>) target(%dma_start3A_695 : memref<80x128xf32, #tpu.memory_space<vmem>>) offsets(%dma_start3A_697 : memref<80xi32, #tpu.memory_space<vmem>>) semaphore(%arg8 : memref<!tpu.dma_semaphore, #tpu.memory_space<semaphore_mem>>)
    %dma_start3A_701 = arith.constant 320 : i32
    %dma_start3A_702 = arith.constant 0 : i32
    %dma_start3A_703 = tpu.memref_slice %arg6[%dma_start3A_701, %dma_start3A_702] : memref<400x128xf32, #tpu.memory_space<vmem>> -> memref<80x128xf32, #tpu.memory_space<vmem>>
    %dma_start3A_704 = arith.constant 3520 : i32
    %dma_start3A_705 = tpu.memref_slice %arg5[%dma_start3A_704] : memref<4000xi32, #tpu.memory_space<vmem>> -> memref<80xi32, #tpu.memory_space<vmem>>
    %dma_start3A_706 = arith.constant 0 : i32
    %dma_start3A_707 = arith.constant 0 : i32
    %dma_start3A_708 = tpu.memref_slice %arg2[%dma_start3A_706, %dma_start3A_707] : memref<100000x128xf32, #tpu.memory_space<hbm>> -> memref<100000x128xf32, #tpu.memory_space<hbm>>
    tpu.enqueue_indirect_dma source(%dma_start3A_708 : memref<100000x128xf32, #tpu.memory_space<hbm>>) target(%dma_start3A_703 : memref<80x128xf32, #tpu.memory_space<vmem>>) offsets(%dma_start3A_705 : memref<80xi32, #tpu.memory_space<vmem>>) semaphore(%arg8 : memref<!tpu.dma_semaphore, #tpu.memory_space<semaphore_mem>>)
    %mul3A_709 = arith.constant 4000 : i32
    %mul3A_710 = arith.muli %add3A, %mul3A_709 : i32
    %add3A_711 = arith.constant 2800 : i32
    %add3A_712 = arith.addi %mul3A_710, %add3A_711 : i32
    "tpu.region"() ({
      %run_scoped3A = tpu.sem_alloc : memref<!tpu.dma_semaphore, #tpu.memory_space<semaphore_mem>>
      %dma_start3A_841 = arith.constant 0 : i32
      %dma_start3A_842 = tpu.memref_slice %arg4[%add3A_712, %dma_start3A_841] : memref<128000x128xf32, #tpu.memory_space<hbm>> -> memref<400x128xf32, #tpu.memory_space<hbm>>
      %dma_start3A_843 = arith.constant 0 : i32
      %dma_start3A_844 = tpu.memref_slice %arg4[%add3A_712, %dma_start3A_843] : memref<128000x128xf32, #tpu.memory_space<hbm>> -> memref<400x128xf32, #tpu.memory_space<hbm>>
      tpu.enqueue_dma source(%arg7 : memref<400x128xf32, #tpu.memory_space<vmem>>) target(%dma_start3A_844 : memref<400x128xf32, #tpu.memory_space<hbm>>) target_semaphore(%run_scoped3A : memref<!tpu.dma_semaphore, #tpu.memory_space<semaphore_mem>>)
      %dma_wait3A_845 = arith.constant 0 : i32
      %dma_wait3A_846 = tpu.memref_slice %arg4[%add3A_712, %dma_wait3A_845] : memref<128000x128xf32, #tpu.memory_space<hbm>> -> memref<400x128xf32, #tpu.memory_space<hbm>>
      %dma_wait3A_847 = arith.constant 0 : i32
      %dma_wait3A_848 = tpu.memref_slice %arg4[%add3A_712, %dma_wait3A_847] : memref<128000x128xf32, #tpu.memory_space<hbm>> -> memref<400x128xf32, #tpu.memory_space<hbm>>
      tpu.wait_dma2 semaphore(%run_scoped3A : memref<!tpu.dma_semaphore, #tpu.memory_space<semaphore_mem>>) src(%arg7 : memref<400x128xf32, #tpu.memory_space<vmem>>) dst(%dma_wait3A_848 : memref<400x128xf32, #tpu.memory_space<hbm>>)
      tpu.yield
    }) : () -> ()
    %dma_wait3A_713 = arith.constant 0 : i32
    %dma_wait3A_714 = arith.constant 0 : i32
    %dma_wait3A_715 = tpu.memref_slice %arg6[%dma_wait3A_713, %dma_wait3A_714] : memref<400x128xf32, #tpu.memory_space<vmem>> -> memref<80x128xf32, #tpu.memory_space<vmem>>
    %dma_wait3A_716 = arith.constant 3200 : i32
    %dma_wait3A_717 = tpu.memref_slice %arg5[%dma_wait3A_716] : memref<4000xi32, #tpu.memory_space<vmem>> -> memref<80xi32, #tpu.memory_space<vmem>>
    %dma_wait3A_718 = arith.constant 0 : i32
    %dma_wait3A_719 = arith.constant 0 : i32
    %dma_wait3A_720 = tpu.memref_slice %arg2[%dma_wait3A_718, %dma_wait3A_719] : memref<100000x128xf32, #tpu.memory_space<hbm>> -> memref<100000x128xf32, #tpu.memory_space<hbm>>
    tpu.wait_indirect_dma semaphore(%arg8 : memref<!tpu.dma_semaphore, #tpu.memory_space<semaphore_mem>>) src(%dma_wait3A_720 : memref<100000x128xf32, #tpu.memory_space<hbm>>) dst(%dma_wait3A_715 : memref<80x128xf32, #tpu.memory_space<vmem>>)
    %dma_wait3A_721 = arith.constant 80 : i32
    %dma_wait3A_722 = arith.constant 0 : i32
    %dma_wait3A_723 = tpu.memref_slice %arg6[%dma_wait3A_721, %dma_wait3A_722] : memref<400x128xf32, #tpu.memory_space<vmem>> -> memref<80x128xf32, #tpu.memory_space<vmem>>
    %dma_wait3A_724 = arith.constant 3280 : i32
    %dma_wait3A_725 = tpu.memref_slice %arg5[%dma_wait3A_724] : memref<4000xi32, #tpu.memory_space<vmem>> -> memref<80xi32, #tpu.memory_space<vmem>>
    %dma_wait3A_726 = arith.constant 0 : i32
    %dma_wait3A_727 = arith.constant 0 : i32
    %dma_wait3A_728 = tpu.memref_slice %arg2[%dma_wait3A_726, %dma_wait3A_727] : memref<100000x128xf32, #tpu.memory_space<hbm>> -> memref<100000x128xf32, #tpu.memory_space<hbm>>
    tpu.wait_indirect_dma semaphore(%arg8 : memref<!tpu.dma_semaphore, #tpu.memory_space<semaphore_mem>>) src(%dma_wait3A_728 : memref<100000x128xf32, #tpu.memory_space<hbm>>) dst(%dma_wait3A_723 : memref<80x128xf32, #tpu.memory_space<vmem>>)
    %dma_wait3A_729 = arith.constant 160 : i32
    %dma_wait3A_730 = arith.constant 0 : i32
    %dma_wait3A_731 = tpu.memref_slice %arg6[%dma_wait3A_729, %dma_wait3A_730] : memref<400x128xf32, #tpu.memory_space<vmem>> -> memref<80x128xf32, #tpu.memory_space<vmem>>
    %dma_wait3A_732 = arith.constant 3360 : i32
    %dma_wait3A_733 = tpu.memref_slice %arg5[%dma_wait3A_732] : memref<4000xi32, #tpu.memory_space<vmem>> -> memref<80xi32, #tpu.memory_space<vmem>>
    %dma_wait3A_734 = arith.constant 0 : i32
    %dma_wait3A_735 = arith.constant 0 : i32
    %dma_wait3A_736 = tpu.memref_slice %arg2[%dma_wait3A_734, %dma_wait3A_735] : memref<100000x128xf32, #tpu.memory_space<hbm>> -> memref<100000x128xf32, #tpu.memory_space<hbm>>
    tpu.wait_indirect_dma semaphore(%arg8 : memref<!tpu.dma_semaphore, #tpu.memory_space<semaphore_mem>>) src(%dma_wait3A_736 : memref<100000x128xf32, #tpu.memory_space<hbm>>) dst(%dma_wait3A_731 : memref<80x128xf32, #tpu.memory_space<vmem>>)
    %dma_wait3A_737 = arith.constant 240 : i32
    %dma_wait3A_738 = arith.constant 0 : i32
    %dma_wait3A_739 = tpu.memref_slice %arg6[%dma_wait3A_737, %dma_wait3A_738] : memref<400x128xf32, #tpu.memory_space<vmem>> -> memref<80x128xf32, #tpu.memory_space<vmem>>
    %dma_wait3A_740 = arith.constant 3440 : i32
    %dma_wait3A_741 = tpu.memref_slice %arg5[%dma_wait3A_740] : memref<4000xi32, #tpu.memory_space<vmem>> -> memref<80xi32, #tpu.memory_space<vmem>>
    %dma_wait3A_742 = arith.constant 0 : i32
    %dma_wait3A_743 = arith.constant 0 : i32
    %dma_wait3A_744 = tpu.memref_slice %arg2[%dma_wait3A_742, %dma_wait3A_743] : memref<100000x128xf32, #tpu.memory_space<hbm>> -> memref<100000x128xf32, #tpu.memory_space<hbm>>
    tpu.wait_indirect_dma semaphore(%arg8 : memref<!tpu.dma_semaphore, #tpu.memory_space<semaphore_mem>>) src(%dma_wait3A_744 : memref<100000x128xf32, #tpu.memory_space<hbm>>) dst(%dma_wait3A_739 : memref<80x128xf32, #tpu.memory_space<vmem>>)
    %dma_wait3A_745 = arith.constant 320 : i32
    %dma_wait3A_746 = arith.constant 0 : i32
    %dma_wait3A_747 = tpu.memref_slice %arg6[%dma_wait3A_745, %dma_wait3A_746] : memref<400x128xf32, #tpu.memory_space<vmem>> -> memref<80x128xf32, #tpu.memory_space<vmem>>
    %dma_wait3A_748 = arith.constant 3520 : i32
    %dma_wait3A_749 = tpu.memref_slice %arg5[%dma_wait3A_748] : memref<4000xi32, #tpu.memory_space<vmem>> -> memref<80xi32, #tpu.memory_space<vmem>>
    %dma_wait3A_750 = arith.constant 0 : i32
    %dma_wait3A_751 = arith.constant 0 : i32
    %dma_wait3A_752 = tpu.memref_slice %arg2[%dma_wait3A_750, %dma_wait3A_751] : memref<100000x128xf32, #tpu.memory_space<hbm>> -> memref<100000x128xf32, #tpu.memory_space<hbm>>
    tpu.wait_indirect_dma semaphore(%arg8 : memref<!tpu.dma_semaphore, #tpu.memory_space<semaphore_mem>>) src(%dma_wait3A_752 : memref<100000x128xf32, #tpu.memory_space<hbm>>) dst(%dma_wait3A_747 : memref<80x128xf32, #tpu.memory_space<vmem>>)
    %dma_start3A_753 = arith.constant 0 : i32
    %dma_start3A_754 = arith.constant 0 : i32
    %dma_start3A_755 = tpu.memref_slice %arg7[%dma_start3A_753, %dma_start3A_754] : memref<400x128xf32, #tpu.memory_space<vmem>> -> memref<80x128xf32, #tpu.memory_space<vmem>>
    %dma_start3A_756 = arith.constant 3600 : i32
    %dma_start3A_757 = tpu.memref_slice %arg5[%dma_start3A_756] : memref<4000xi32, #tpu.memory_space<vmem>> -> memref<80xi32, #tpu.memory_space<vmem>>
    %dma_start3A_758 = arith.constant 0 : i32
    %dma_start3A_759 = arith.constant 0 : i32
    %dma_start3A_760 = tpu.memref_slice %arg2[%dma_start3A_758, %dma_start3A_759] : memref<100000x128xf32, #tpu.memory_space<hbm>> -> memref<100000x128xf32, #tpu.memory_space<hbm>>
    tpu.enqueue_indirect_dma source(%dma_start3A_760 : memref<100000x128xf32, #tpu.memory_space<hbm>>) target(%dma_start3A_755 : memref<80x128xf32, #tpu.memory_space<vmem>>) offsets(%dma_start3A_757 : memref<80xi32, #tpu.memory_space<vmem>>) semaphore(%arg8 : memref<!tpu.dma_semaphore, #tpu.memory_space<semaphore_mem>>)
    %dma_start3A_761 = arith.constant 80 : i32
    %dma_start3A_762 = arith.constant 0 : i32
    %dma_start3A_763 = tpu.memref_slice %arg7[%dma_start3A_761, %dma_start3A_762] : memref<400x128xf32, #tpu.memory_space<vmem>> -> memref<80x128xf32, #tpu.memory_space<vmem>>
    %dma_start3A_764 = arith.constant 3680 : i32
    %dma_start3A_765 = tpu.memref_slice %arg5[%dma_start3A_764] : memref<4000xi32, #tpu.memory_space<vmem>> -> memref<80xi32, #tpu.memory_space<vmem>>
    %dma_start3A_766 = arith.constant 0 : i32
    %dma_start3A_767 = arith.constant 0 : i32
    %dma_start3A_768 = tpu.memref_slice %arg2[%dma_start3A_766, %dma_start3A_767] : memref<100000x128xf32, #tpu.memory_space<hbm>> -> memref<100000x128xf32, #tpu.memory_space<hbm>>
    tpu.enqueue_indirect_dma source(%dma_start3A_768 : memref<100000x128xf32, #tpu.memory_space<hbm>>) target(%dma_start3A_763 : memref<80x128xf32, #tpu.memory_space<vmem>>) offsets(%dma_start3A_765 : memref<80xi32, #tpu.memory_space<vmem>>) semaphore(%arg8 : memref<!tpu.dma_semaphore, #tpu.memory_space<semaphore_mem>>)
    %dma_start3A_769 = arith.constant 160 : i32
    %dma_start3A_770 = arith.constant 0 : i32
    %dma_start3A_771 = tpu.memref_slice %arg7[%dma_start3A_769, %dma_start3A_770] : memref<400x128xf32, #tpu.memory_space<vmem>> -> memref<80x128xf32, #tpu.memory_space<vmem>>
    %dma_start3A_772 = arith.constant 3760 : i32
    %dma_start3A_773 = tpu.memref_slice %arg5[%dma_start3A_772] : memref<4000xi32, #tpu.memory_space<vmem>> -> memref<80xi32, #tpu.memory_space<vmem>>
    %dma_start3A_774 = arith.constant 0 : i32
    %dma_start3A_775 = arith.constant 0 : i32
    %dma_start3A_776 = tpu.memref_slice %arg2[%dma_start3A_774, %dma_start3A_775] : memref<100000x128xf32, #tpu.memory_space<hbm>> -> memref<100000x128xf32, #tpu.memory_space<hbm>>
    tpu.enqueue_indirect_dma source(%dma_start3A_776 : memref<100000x128xf32, #tpu.memory_space<hbm>>) target(%dma_start3A_771 : memref<80x128xf32, #tpu.memory_space<vmem>>) offsets(%dma_start3A_773 : memref<80xi32, #tpu.memory_space<vmem>>) semaphore(%arg8 : memref<!tpu.dma_semaphore, #tpu.memory_space<semaphore_mem>>)
    %dma_start3A_777 = arith.constant 240 : i32
    %dma_start3A_778 = arith.constant 0 : i32
    %dma_start3A_779 = tpu.memref_slice %arg7[%dma_start3A_777, %dma_start3A_778] : memref<400x128xf32, #tpu.memory_space<vmem>> -> memref<80x128xf32, #tpu.memory_space<vmem>>
    %dma_start3A_780 = arith.constant 3840 : i32
    %dma_start3A_781 = tpu.memref_slice %arg5[%dma_start3A_780] : memref<4000xi32, #tpu.memory_space<vmem>> -> memref<80xi32, #tpu.memory_space<vmem>>
    %dma_start3A_782 = arith.constant 0 : i32
    %dma_start3A_783 = arith.constant 0 : i32
    %dma_start3A_784 = tpu.memref_slice %arg2[%dma_start3A_782, %dma_start3A_783] : memref<100000x128xf32, #tpu.memory_space<hbm>> -> memref<100000x128xf32, #tpu.memory_space<hbm>>
    tpu.enqueue_indirect_dma source(%dma_start3A_784 : memref<100000x128xf32, #tpu.memory_space<hbm>>) target(%dma_start3A_779 : memref<80x128xf32, #tpu.memory_space<vmem>>) offsets(%dma_start3A_781 : memref<80xi32, #tpu.memory_space<vmem>>) semaphore(%arg8 : memref<!tpu.dma_semaphore, #tpu.memory_space<semaphore_mem>>)
    %dma_start3A_785 = arith.constant 320 : i32
    %dma_start3A_786 = arith.constant 0 : i32
    %dma_start3A_787 = tpu.memref_slice %arg7[%dma_start3A_785, %dma_start3A_786] : memref<400x128xf32, #tpu.memory_space<vmem>> -> memref<80x128xf32, #tpu.memory_space<vmem>>
    %dma_start3A_788 = arith.constant 3920 : i32
    %dma_start3A_789 = tpu.memref_slice %arg5[%dma_start3A_788] : memref<4000xi32, #tpu.memory_space<vmem>> -> memref<80xi32, #tpu.memory_space<vmem>>
    %dma_start3A_790 = arith.constant 0 : i32
    %dma_start3A_791 = arith.constant 0 : i32
    %dma_start3A_792 = tpu.memref_slice %arg2[%dma_start3A_790, %dma_start3A_791] : memref<100000x128xf32, #tpu.memory_space<hbm>> -> memref<100000x128xf32, #tpu.memory_space<hbm>>
    tpu.enqueue_indirect_dma source(%dma_start3A_792 : memref<100000x128xf32, #tpu.memory_space<hbm>>) target(%dma_start3A_787 : memref<80x128xf32, #tpu.memory_space<vmem>>) offsets(%dma_start3A_789 : memref<80xi32, #tpu.memory_space<vmem>>) semaphore(%arg8 : memref<!tpu.dma_semaphore, #tpu.memory_space<semaphore_mem>>)
    %mul3A_793 = arith.constant 4000 : i32
    %mul3A_794 = arith.muli %add3A, %mul3A_793 : i32
    %add3A_795 = arith.constant 3200 : i32
    %add3A_796 = arith.addi %mul3A_794, %add3A_795 : i32
    "tpu.region"() ({
      %run_scoped3A = tpu.sem_alloc : memref<!tpu.dma_semaphore, #tpu.memory_space<semaphore_mem>>
      %dma_start3A_841 = arith.constant 0 : i32
      %dma_start3A_842 = tpu.memref_slice %arg4[%add3A_796, %dma_start3A_841] : memref<128000x128xf32, #tpu.memory_space<hbm>> -> memref<400x128xf32, #tpu.memory_space<hbm>>
      %dma_start3A_843 = arith.constant 0 : i32
      %dma_start3A_844 = tpu.memref_slice %arg4[%add3A_796, %dma_start3A_843] : memref<128000x128xf32, #tpu.memory_space<hbm>> -> memref<400x128xf32, #tpu.memory_space<hbm>>
      tpu.enqueue_dma source(%arg6 : memref<400x128xf32, #tpu.memory_space<vmem>>) target(%dma_start3A_844 : memref<400x128xf32, #tpu.memory_space<hbm>>) target_semaphore(%run_scoped3A : memref<!tpu.dma_semaphore, #tpu.memory_space<semaphore_mem>>)
      %dma_wait3A_845 = arith.constant 0 : i32
      %dma_wait3A_846 = tpu.memref_slice %arg4[%add3A_796, %dma_wait3A_845] : memref<128000x128xf32, #tpu.memory_space<hbm>> -> memref<400x128xf32, #tpu.memory_space<hbm>>
      %dma_wait3A_847 = arith.constant 0 : i32
      %dma_wait3A_848 = tpu.memref_slice %arg4[%add3A_796, %dma_wait3A_847] : memref<128000x128xf32, #tpu.memory_space<hbm>> -> memref<400x128xf32, #tpu.memory_space<hbm>>
      tpu.wait_dma2 semaphore(%run_scoped3A : memref<!tpu.dma_semaphore, #tpu.memory_space<semaphore_mem>>) src(%arg6 : memref<400x128xf32, #tpu.memory_space<vmem>>) dst(%dma_wait3A_848 : memref<400x128xf32, #tpu.memory_space<hbm>>)
      tpu.yield
    }) : () -> ()
    %dma_wait3A_797 = arith.constant 0 : i32
    %dma_wait3A_798 = arith.constant 0 : i32
    %dma_wait3A_799 = tpu.memref_slice %arg7[%dma_wait3A_797, %dma_wait3A_798] : memref<400x128xf32, #tpu.memory_space<vmem>> -> memref<80x128xf32, #tpu.memory_space<vmem>>
    %dma_wait3A_800 = arith.constant 3600 : i32
    %dma_wait3A_801 = tpu.memref_slice %arg5[%dma_wait3A_800] : memref<4000xi32, #tpu.memory_space<vmem>> -> memref<80xi32, #tpu.memory_space<vmem>>
    %dma_wait3A_802 = arith.constant 0 : i32
    %dma_wait3A_803 = arith.constant 0 : i32
    %dma_wait3A_804 = tpu.memref_slice %arg2[%dma_wait3A_802, %dma_wait3A_803] : memref<100000x128xf32, #tpu.memory_space<hbm>> -> memref<100000x128xf32, #tpu.memory_space<hbm>>
    tpu.wait_indirect_dma semaphore(%arg8 : memref<!tpu.dma_semaphore, #tpu.memory_space<semaphore_mem>>) src(%dma_wait3A_804 : memref<100000x128xf32, #tpu.memory_space<hbm>>) dst(%dma_wait3A_799 : memref<80x128xf32, #tpu.memory_space<vmem>>)
    %dma_wait3A_805 = arith.constant 80 : i32
    %dma_wait3A_806 = arith.constant 0 : i32
    %dma_wait3A_807 = tpu.memref_slice %arg7[%dma_wait3A_805, %dma_wait3A_806] : memref<400x128xf32, #tpu.memory_space<vmem>> -> memref<80x128xf32, #tpu.memory_space<vmem>>
    %dma_wait3A_808 = arith.constant 3680 : i32
    %dma_wait3A_809 = tpu.memref_slice %arg5[%dma_wait3A_808] : memref<4000xi32, #tpu.memory_space<vmem>> -> memref<80xi32, #tpu.memory_space<vmem>>
    %dma_wait3A_810 = arith.constant 0 : i32
    %dma_wait3A_811 = arith.constant 0 : i32
    %dma_wait3A_812 = tpu.memref_slice %arg2[%dma_wait3A_810, %dma_wait3A_811] : memref<100000x128xf32, #tpu.memory_space<hbm>> -> memref<100000x128xf32, #tpu.memory_space<hbm>>
    tpu.wait_indirect_dma semaphore(%arg8 : memref<!tpu.dma_semaphore, #tpu.memory_space<semaphore_mem>>) src(%dma_wait3A_812 : memref<100000x128xf32, #tpu.memory_space<hbm>>) dst(%dma_wait3A_807 : memref<80x128xf32, #tpu.memory_space<vmem>>)
    %dma_wait3A_813 = arith.constant 160 : i32
    %dma_wait3A_814 = arith.constant 0 : i32
    %dma_wait3A_815 = tpu.memref_slice %arg7[%dma_wait3A_813, %dma_wait3A_814] : memref<400x128xf32, #tpu.memory_space<vmem>> -> memref<80x128xf32, #tpu.memory_space<vmem>>
    %dma_wait3A_816 = arith.constant 3760 : i32
    %dma_wait3A_817 = tpu.memref_slice %arg5[%dma_wait3A_816] : memref<4000xi32, #tpu.memory_space<vmem>> -> memref<80xi32, #tpu.memory_space<vmem>>
    %dma_wait3A_818 = arith.constant 0 : i32
    %dma_wait3A_819 = arith.constant 0 : i32
    %dma_wait3A_820 = tpu.memref_slice %arg2[%dma_wait3A_818, %dma_wait3A_819] : memref<100000x128xf32, #tpu.memory_space<hbm>> -> memref<100000x128xf32, #tpu.memory_space<hbm>>
    tpu.wait_indirect_dma semaphore(%arg8 : memref<!tpu.dma_semaphore, #tpu.memory_space<semaphore_mem>>) src(%dma_wait3A_820 : memref<100000x128xf32, #tpu.memory_space<hbm>>) dst(%dma_wait3A_815 : memref<80x128xf32, #tpu.memory_space<vmem>>)
    %dma_wait3A_821 = arith.constant 240 : i32
    %dma_wait3A_822 = arith.constant 0 : i32
    %dma_wait3A_823 = tpu.memref_slice %arg7[%dma_wait3A_821, %dma_wait3A_822] : memref<400x128xf32, #tpu.memory_space<vmem>> -> memref<80x128xf32, #tpu.memory_space<vmem>>
    %dma_wait3A_824 = arith.constant 3840 : i32
    %dma_wait3A_825 = tpu.memref_slice %arg5[%dma_wait3A_824] : memref<4000xi32, #tpu.memory_space<vmem>> -> memref<80xi32, #tpu.memory_space<vmem>>
    %dma_wait3A_826 = arith.constant 0 : i32
    %dma_wait3A_827 = arith.constant 0 : i32
    %dma_wait3A_828 = tpu.memref_slice %arg2[%dma_wait3A_826, %dma_wait3A_827] : memref<100000x128xf32, #tpu.memory_space<hbm>> -> memref<100000x128xf32, #tpu.memory_space<hbm>>
    tpu.wait_indirect_dma semaphore(%arg8 : memref<!tpu.dma_semaphore, #tpu.memory_space<semaphore_mem>>) src(%dma_wait3A_828 : memref<100000x128xf32, #tpu.memory_space<hbm>>) dst(%dma_wait3A_823 : memref<80x128xf32, #tpu.memory_space<vmem>>)
    %dma_wait3A_829 = arith.constant 320 : i32
    %dma_wait3A_830 = arith.constant 0 : i32
    %dma_wait3A_831 = tpu.memref_slice %arg7[%dma_wait3A_829, %dma_wait3A_830] : memref<400x128xf32, #tpu.memory_space<vmem>> -> memref<80x128xf32, #tpu.memory_space<vmem>>
    %dma_wait3A_832 = arith.constant 3920 : i32
    %dma_wait3A_833 = tpu.memref_slice %arg5[%dma_wait3A_832] : memref<4000xi32, #tpu.memory_space<vmem>> -> memref<80xi32, #tpu.memory_space<vmem>>
    %dma_wait3A_834 = arith.constant 0 : i32
    %dma_wait3A_835 = arith.constant 0 : i32
    %dma_wait3A_836 = tpu.memref_slice %arg2[%dma_wait3A_834, %dma_wait3A_835] : memref<100000x128xf32, #tpu.memory_space<hbm>> -> memref<100000x128xf32, #tpu.memory_space<hbm>>
    tpu.wait_indirect_dma semaphore(%arg8 : memref<!tpu.dma_semaphore, #tpu.memory_space<semaphore_mem>>) src(%dma_wait3A_836 : memref<100000x128xf32, #tpu.memory_space<hbm>>) dst(%dma_wait3A_831 : memref<80x128xf32, #tpu.memory_space<vmem>>)
    %mul3A_837 = arith.constant 4000 : i32
    %mul3A_838 = arith.muli %add3A, %mul3A_837 : i32
    %add3A_839 = arith.constant 3600 : i32
    %add3A_840 = arith.addi %mul3A_838, %add3A_839 : i32
    "tpu.region"() ({
      %run_scoped3A = tpu.sem_alloc : memref<!tpu.dma_semaphore, #tpu.memory_space<semaphore_mem>>
      %dma_start3A_841 = arith.constant 0 : i32
      %dma_start3A_842 = tpu.memref_slice %arg4[%add3A_840, %dma_start3A_841] : memref<128000x128xf32, #tpu.memory_space<hbm>> -> memref<400x128xf32, #tpu.memory_space<hbm>>
      %dma_start3A_843 = arith.constant 0 : i32
      %dma_start3A_844 = tpu.memref_slice %arg4[%add3A_840, %dma_start3A_843] : memref<128000x128xf32, #tpu.memory_space<hbm>> -> memref<400x128xf32, #tpu.memory_space<hbm>>
      tpu.enqueue_dma source(%arg7 : memref<400x128xf32, #tpu.memory_space<vmem>>) target(%dma_start3A_844 : memref<400x128xf32, #tpu.memory_space<hbm>>) target_semaphore(%run_scoped3A : memref<!tpu.dma_semaphore, #tpu.memory_space<semaphore_mem>>)
      %dma_wait3A_845 = arith.constant 0 : i32
      %dma_wait3A_846 = tpu.memref_slice %arg4[%add3A_840, %dma_wait3A_845] : memref<128000x128xf32, #tpu.memory_space<hbm>> -> memref<400x128xf32, #tpu.memory_space<hbm>>
      %dma_wait3A_847 = arith.constant 0 : i32
      %dma_wait3A_848 = tpu.memref_slice %arg4[%add3A_840, %dma_wait3A_847] : memref<128000x128xf32, #tpu.memory_space<hbm>> -> memref<400x128xf32, #tpu.memory_space<hbm>>
      tpu.wait_dma2 semaphore(%run_scoped3A : memref<!tpu.dma_semaphore, #tpu.memory_space<semaphore_mem>>) src(%arg7 : memref<400x128xf32, #tpu.memory_space<vmem>>) dst(%dma_wait3A_848 : memref<400x128xf32, #tpu.memory_space<hbm>>)
      tpu.yield
    }) : () -> ()
    return
  }
}

#map = affine_map<(d0, d1) -> (0, 0)>
#map1 = affine_map<(d0, d1) -> (0)>
module attributes {stable_mosaic.version = 14 : i64} {
  func.func @gather_rows(%arg0: i32, %arg1: i32, %arg2: memref<100000x128xf32, #tpu.memory_space<hbm>>, %arg3: memref<128000xi32, #tpu.memory_space<hbm>>, %arg4: memref<128000x128xf32, #tpu.memory_space<hbm>>, %arg5: memref<4000xi32, #tpu.memory_space<vmem>>, %arg6: memref<400x128xf32, #tpu.memory_space<vmem>>, %arg7: memref<400x128xf32, #tpu.memory_space<vmem>>, %arg8: memref<!tpu.dma_semaphore, #tpu.memory_space<semaphore_mem>>) attributes {dimension_semantics = [#tpu.dimension_semantics<core_parallel>, #tpu.dimension_semantics<subcore_parallel>], iteration_bounds = array<i64: 2, 16>, scalar_prefetch = 0 : i64, scratch_operands = 4 : i64, tpu.core_type = #tpu.core_type<sc_vector_subcore>, window_params = [{transform_indices = #map}, {transform_indices = #map1}, {transform_indices = #map}]} {
    %mul3A = arith.constant 2 : i32
    %mul3A_0 = arith.muli %arg1, %mul3A : i32
    %add3A = arith.addi %mul3A_0, %arg0 : i32
    %mul3A_1 = arith.constant 4000 : i32
    %mul3A_2 = arith.muli %add3A, %mul3A_1 : i32
    "tpu.region"() ({
      %run_scoped3A = tpu.sem_alloc : memref<!tpu.dma_semaphore, #tpu.memory_space<semaphore_mem>>
      %dma_start3A_841 = tpu.memref_slice %arg3[%mul3A_2] : memref<128000xi32, #tpu.memory_space<hbm>> -> memref<4000xi32, #tpu.memory_space<hbm>>
      %dma_start3A_842 = tpu.memref_slice %arg3[%mul3A_2] : memref<128000xi32, #tpu.memory_space<hbm>> -> memref<4000xi32, #tpu.memory_space<hbm>>
      tpu.enqueue_dma source(%dma_start3A_842 : memref<4000xi32, #tpu.memory_space<hbm>>) target(%arg5 : memref<4000xi32, #tpu.memory_space<vmem>>) target_semaphore(%run_scoped3A : memref<!tpu.dma_semaphore, #tpu.memory_space<semaphore_mem>>)
      %dma_wait3A_843 = tpu.memref_slice %arg3[%mul3A_2] : memref<128000xi32, #tpu.memory_space<hbm>> -> memref<4000xi32, #tpu.memory_space<hbm>>
      %dma_wait3A_844 = tpu.memref_slice %arg3[%mul3A_2] : memref<128000xi32, #tpu.memory_space<hbm>> -> memref<4000xi32, #tpu.memory_space<hbm>>
      tpu.wait_dma2 semaphore(%run_scoped3A : memref<!tpu.dma_semaphore, #tpu.memory_space<semaphore_mem>>) src(%dma_wait3A_844 : memref<4000xi32, #tpu.memory_space<hbm>>) dst(%arg5 : memref<4000xi32, #tpu.memory_space<vmem>>)
      tpu.yield
    }) : () -> ()
    %dma_start3A = arith.constant 0 : i32
    %dma_start3A_3 = arith.constant 0 : i32
    %dma_start3A_4 = tpu.memref_slice %arg6[%dma_start3A, %dma_start3A_3] : memref<400x128xf32, #tpu.memory_space<vmem>> -> memref<80x128xf32, #tpu.memory_space<vmem>>
    %dma_start3A_5 = arith.constant 0 : i32
    %dma_start3A_6 = tpu.memref_slice %arg5[%dma_start3A_5] : memref<4000xi32, #tpu.memory_space<vmem>> -> memref<80xi32, #tpu.memory_space<vmem>>
    %dma_start3A_7 = arith.constant 0 : i32
    %dma_start3A_8 = arith.constant 0 : i32
    %dma_start3A_9 = tpu.memref_slice %arg2[%dma_start3A_7, %dma_start3A_8] : memref<100000x128xf32, #tpu.memory_space<hbm>> -> memref<100000x128xf32, #tpu.memory_space<hbm>>
    tpu.enqueue_indirect_dma source(%dma_start3A_9 : memref<100000x128xf32, #tpu.memory_space<hbm>>) target(%dma_start3A_4 : memref<80x128xf32, #tpu.memory_space<vmem>>) offsets(%dma_start3A_6 : memref<80xi32, #tpu.memory_space<vmem>>) semaphore(%arg8 : memref<!tpu.dma_semaphore, #tpu.memory_space<semaphore_mem>>)
    %dma_start3A_10 = arith.constant 80 : i32
    %dma_start3A_11 = arith.constant 0 : i32
    %dma_start3A_12 = tpu.memref_slice %arg6[%dma_start3A_10, %dma_start3A_11] : memref<400x128xf32, #tpu.memory_space<vmem>> -> memref<80x128xf32, #tpu.memory_space<vmem>>
    %dma_start3A_13 = arith.constant 80 : i32
    %dma_start3A_14 = tpu.memref_slice %arg5[%dma_start3A_13] : memref<4000xi32, #tpu.memory_space<vmem>> -> memref<80xi32, #tpu.memory_space<vmem>>
    %dma_start3A_15 = arith.constant 0 : i32
    %dma_start3A_16 = arith.constant 0 : i32
    %dma_start3A_17 = tpu.memref_slice %arg2[%dma_start3A_15, %dma_start3A_16] : memref<100000x128xf32, #tpu.memory_space<hbm>> -> memref<100000x128xf32, #tpu.memory_space<hbm>>
    tpu.enqueue_indirect_dma source(%dma_start3A_17 : memref<100000x128xf32, #tpu.memory_space<hbm>>) target(%dma_start3A_12 : memref<80x128xf32, #tpu.memory_space<vmem>>) offsets(%dma_start3A_14 : memref<80xi32, #tpu.memory_space<vmem>>) semaphore(%arg8 : memref<!tpu.dma_semaphore, #tpu.memory_space<semaphore_mem>>)
    %dma_start3A_18 = arith.constant 160 : i32
    %dma_start3A_19 = arith.constant 0 : i32
    %dma_start3A_20 = tpu.memref_slice %arg6[%dma_start3A_18, %dma_start3A_19] : memref<400x128xf32, #tpu.memory_space<vmem>> -> memref<80x128xf32, #tpu.memory_space<vmem>>
    %dma_start3A_21 = arith.constant 160 : i32
    %dma_start3A_22 = tpu.memref_slice %arg5[%dma_start3A_21] : memref<4000xi32, #tpu.memory_space<vmem>> -> memref<80xi32, #tpu.memory_space<vmem>>
    %dma_start3A_23 = arith.constant 0 : i32
    %dma_start3A_24 = arith.constant 0 : i32
    %dma_start3A_25 = tpu.memref_slice %arg2[%dma_start3A_23, %dma_start3A_24] : memref<100000x128xf32, #tpu.memory_space<hbm>> -> memref<100000x128xf32, #tpu.memory_space<hbm>>
    tpu.enqueue_indirect_dma source(%dma_start3A_25 : memref<100000x128xf32, #tpu.memory_space<hbm>>) target(%dma_start3A_20 : memref<80x128xf32, #tpu.memory_space<vmem>>) offsets(%dma_start3A_22 : memref<80xi32, #tpu.memory_space<vmem>>) semaphore(%arg8 : memref<!tpu.dma_semaphore, #tpu.memory_space<semaphore_mem>>)
    %dma_start3A_26 = arith.constant 240 : i32
    %dma_start3A_27 = arith.constant 0 : i32
    %dma_start3A_28 = tpu.memref_slice %arg6[%dma_start3A_26, %dma_start3A_27] : memref<400x128xf32, #tpu.memory_space<vmem>> -> memref<80x128xf32, #tpu.memory_space<vmem>>
    %dma_start3A_29 = arith.constant 240 : i32
    %dma_start3A_30 = tpu.memref_slice %arg5[%dma_start3A_29] : memref<4000xi32, #tpu.memory_space<vmem>> -> memref<80xi32, #tpu.memory_space<vmem>>
    %dma_start3A_31 = arith.constant 0 : i32
    %dma_start3A_32 = arith.constant 0 : i32
    %dma_start3A_33 = tpu.memref_slice %arg2[%dma_start3A_31, %dma_start3A_32] : memref<100000x128xf32, #tpu.memory_space<hbm>> -> memref<100000x128xf32, #tpu.memory_space<hbm>>
    tpu.enqueue_indirect_dma source(%dma_start3A_33 : memref<100000x128xf32, #tpu.memory_space<hbm>>) target(%dma_start3A_28 : memref<80x128xf32, #tpu.memory_space<vmem>>) offsets(%dma_start3A_30 : memref<80xi32, #tpu.memory_space<vmem>>) semaphore(%arg8 : memref<!tpu.dma_semaphore, #tpu.memory_space<semaphore_mem>>)
    %dma_start3A_34 = arith.constant 320 : i32
    %dma_start3A_35 = arith.constant 0 : i32
    %dma_start3A_36 = tpu.memref_slice %arg6[%dma_start3A_34, %dma_start3A_35] : memref<400x128xf32, #tpu.memory_space<vmem>> -> memref<80x128xf32, #tpu.memory_space<vmem>>
    %dma_start3A_37 = arith.constant 320 : i32
    %dma_start3A_38 = tpu.memref_slice %arg5[%dma_start3A_37] : memref<4000xi32, #tpu.memory_space<vmem>> -> memref<80xi32, #tpu.memory_space<vmem>>
    %dma_start3A_39 = arith.constant 0 : i32
    %dma_start3A_40 = arith.constant 0 : i32
    %dma_start3A_41 = tpu.memref_slice %arg2[%dma_start3A_39, %dma_start3A_40] : memref<100000x128xf32, #tpu.memory_space<hbm>> -> memref<100000x128xf32, #tpu.memory_space<hbm>>
    tpu.enqueue_indirect_dma source(%dma_start3A_41 : memref<100000x128xf32, #tpu.memory_space<hbm>>) target(%dma_start3A_36 : memref<80x128xf32, #tpu.memory_space<vmem>>) offsets(%dma_start3A_38 : memref<80xi32, #tpu.memory_space<vmem>>) semaphore(%arg8 : memref<!tpu.dma_semaphore, #tpu.memory_space<semaphore_mem>>)
    %dma_wait3A = arith.constant 0 : i32
    %dma_wait3A_42 = arith.constant 0 : i32
    %dma_wait3A_43 = tpu.memref_slice %arg6[%dma_wait3A, %dma_wait3A_42] : memref<400x128xf32, #tpu.memory_space<vmem>> -> memref<80x128xf32, #tpu.memory_space<vmem>>
    %dma_wait3A_44 = arith.constant 0 : i32
    %dma_wait3A_45 = tpu.memref_slice %arg5[%dma_wait3A_44] : memref<4000xi32, #tpu.memory_space<vmem>> -> memref<80xi32, #tpu.memory_space<vmem>>
    %dma_wait3A_46 = arith.constant 0 : i32
    %dma_wait3A_47 = arith.constant 0 : i32
    %dma_wait3A_48 = tpu.memref_slice %arg2[%dma_wait3A_46, %dma_wait3A_47] : memref<100000x128xf32, #tpu.memory_space<hbm>> -> memref<100000x128xf32, #tpu.memory_space<hbm>>
    tpu.wait_indirect_dma semaphore(%arg8 : memref<!tpu.dma_semaphore, #tpu.memory_space<semaphore_mem>>) src(%dma_wait3A_48 : memref<100000x128xf32, #tpu.memory_space<hbm>>) dst(%dma_wait3A_43 : memref<80x128xf32, #tpu.memory_space<vmem>>)
    %dma_wait3A_49 = arith.constant 80 : i32
    %dma_wait3A_50 = arith.constant 0 : i32
    %dma_wait3A_51 = tpu.memref_slice %arg6[%dma_wait3A_49, %dma_wait3A_50] : memref<400x128xf32, #tpu.memory_space<vmem>> -> memref<80x128xf32, #tpu.memory_space<vmem>>
    %dma_wait3A_52 = arith.constant 80 : i32
    %dma_wait3A_53 = tpu.memref_slice %arg5[%dma_wait3A_52] : memref<4000xi32, #tpu.memory_space<vmem>> -> memref<80xi32, #tpu.memory_space<vmem>>
    %dma_wait3A_54 = arith.constant 0 : i32
    %dma_wait3A_55 = arith.constant 0 : i32
    %dma_wait3A_56 = tpu.memref_slice %arg2[%dma_wait3A_54, %dma_wait3A_55] : memref<100000x128xf32, #tpu.memory_space<hbm>> -> memref<100000x128xf32, #tpu.memory_space<hbm>>
    tpu.wait_indirect_dma semaphore(%arg8 : memref<!tpu.dma_semaphore, #tpu.memory_space<semaphore_mem>>) src(%dma_wait3A_56 : memref<100000x128xf32, #tpu.memory_space<hbm>>) dst(%dma_wait3A_51 : memref<80x128xf32, #tpu.memory_space<vmem>>)
    %dma_wait3A_57 = arith.constant 160 : i32
    %dma_wait3A_58 = arith.constant 0 : i32
    %dma_wait3A_59 = tpu.memref_slice %arg6[%dma_wait3A_57, %dma_wait3A_58] : memref<400x128xf32, #tpu.memory_space<vmem>> -> memref<80x128xf32, #tpu.memory_space<vmem>>
    %dma_wait3A_60 = arith.constant 160 : i32
    %dma_wait3A_61 = tpu.memref_slice %arg5[%dma_wait3A_60] : memref<4000xi32, #tpu.memory_space<vmem>> -> memref<80xi32, #tpu.memory_space<vmem>>
    %dma_wait3A_62 = arith.constant 0 : i32
    %dma_wait3A_63 = arith.constant 0 : i32
    %dma_wait3A_64 = tpu.memref_slice %arg2[%dma_wait3A_62, %dma_wait3A_63] : memref<100000x128xf32, #tpu.memory_space<hbm>> -> memref<100000x128xf32, #tpu.memory_space<hbm>>
    tpu.wait_indirect_dma semaphore(%arg8 : memref<!tpu.dma_semaphore, #tpu.memory_space<semaphore_mem>>) src(%dma_wait3A_64 : memref<100000x128xf32, #tpu.memory_space<hbm>>) dst(%dma_wait3A_59 : memref<80x128xf32, #tpu.memory_space<vmem>>)
    %dma_wait3A_65 = arith.constant 240 : i32
    %dma_wait3A_66 = arith.constant 0 : i32
    %dma_wait3A_67 = tpu.memref_slice %arg6[%dma_wait3A_65, %dma_wait3A_66] : memref<400x128xf32, #tpu.memory_space<vmem>> -> memref<80x128xf32, #tpu.memory_space<vmem>>
    %dma_wait3A_68 = arith.constant 240 : i32
    %dma_wait3A_69 = tpu.memref_slice %arg5[%dma_wait3A_68] : memref<4000xi32, #tpu.memory_space<vmem>> -> memref<80xi32, #tpu.memory_space<vmem>>
    %dma_wait3A_70 = arith.constant 0 : i32
    %dma_wait3A_71 = arith.constant 0 : i32
    %dma_wait3A_72 = tpu.memref_slice %arg2[%dma_wait3A_70, %dma_wait3A_71] : memref<100000x128xf32, #tpu.memory_space<hbm>> -> memref<100000x128xf32, #tpu.memory_space<hbm>>
    tpu.wait_indirect_dma semaphore(%arg8 : memref<!tpu.dma_semaphore, #tpu.memory_space<semaphore_mem>>) src(%dma_wait3A_72 : memref<100000x128xf32, #tpu.memory_space<hbm>>) dst(%dma_wait3A_67 : memref<80x128xf32, #tpu.memory_space<vmem>>)
    %dma_wait3A_73 = arith.constant 320 : i32
    %dma_wait3A_74 = arith.constant 0 : i32
    %dma_wait3A_75 = tpu.memref_slice %arg6[%dma_wait3A_73, %dma_wait3A_74] : memref<400x128xf32, #tpu.memory_space<vmem>> -> memref<80x128xf32, #tpu.memory_space<vmem>>
    %dma_wait3A_76 = arith.constant 320 : i32
    %dma_wait3A_77 = tpu.memref_slice %arg5[%dma_wait3A_76] : memref<4000xi32, #tpu.memory_space<vmem>> -> memref<80xi32, #tpu.memory_space<vmem>>
    %dma_wait3A_78 = arith.constant 0 : i32
    %dma_wait3A_79 = arith.constant 0 : i32
    %dma_wait3A_80 = tpu.memref_slice %arg2[%dma_wait3A_78, %dma_wait3A_79] : memref<100000x128xf32, #tpu.memory_space<hbm>> -> memref<100000x128xf32, #tpu.memory_space<hbm>>
    tpu.wait_indirect_dma semaphore(%arg8 : memref<!tpu.dma_semaphore, #tpu.memory_space<semaphore_mem>>) src(%dma_wait3A_80 : memref<100000x128xf32, #tpu.memory_space<hbm>>) dst(%dma_wait3A_75 : memref<80x128xf32, #tpu.memory_space<vmem>>)
    %dma_start3A_81 = arith.constant 0 : i32
    %dma_start3A_82 = arith.constant 0 : i32
    %dma_start3A_83 = tpu.memref_slice %arg7[%dma_start3A_81, %dma_start3A_82] : memref<400x128xf32, #tpu.memory_space<vmem>> -> memref<80x128xf32, #tpu.memory_space<vmem>>
    %dma_start3A_84 = arith.constant 400 : i32
    %dma_start3A_85 = tpu.memref_slice %arg5[%dma_start3A_84] : memref<4000xi32, #tpu.memory_space<vmem>> -> memref<80xi32, #tpu.memory_space<vmem>>
    %dma_start3A_86 = arith.constant 0 : i32
    %dma_start3A_87 = arith.constant 0 : i32
    %dma_start3A_88 = tpu.memref_slice %arg2[%dma_start3A_86, %dma_start3A_87] : memref<100000x128xf32, #tpu.memory_space<hbm>> -> memref<100000x128xf32, #tpu.memory_space<hbm>>
    tpu.enqueue_indirect_dma source(%dma_start3A_88 : memref<100000x128xf32, #tpu.memory_space<hbm>>) target(%dma_start3A_83 : memref<80x128xf32, #tpu.memory_space<vmem>>) offsets(%dma_start3A_85 : memref<80xi32, #tpu.memory_space<vmem>>) semaphore(%arg8 : memref<!tpu.dma_semaphore, #tpu.memory_space<semaphore_mem>>)
    %dma_start3A_89 = arith.constant 80 : i32
    %dma_start3A_90 = arith.constant 0 : i32
    %dma_start3A_91 = tpu.memref_slice %arg7[%dma_start3A_89, %dma_start3A_90] : memref<400x128xf32, #tpu.memory_space<vmem>> -> memref<80x128xf32, #tpu.memory_space<vmem>>
    %dma_start3A_92 = arith.constant 480 : i32
    %dma_start3A_93 = tpu.memref_slice %arg5[%dma_start3A_92] : memref<4000xi32, #tpu.memory_space<vmem>> -> memref<80xi32, #tpu.memory_space<vmem>>
    %dma_start3A_94 = arith.constant 0 : i32
    %dma_start3A_95 = arith.constant 0 : i32
    %dma_start3A_96 = tpu.memref_slice %arg2[%dma_start3A_94, %dma_start3A_95] : memref<100000x128xf32, #tpu.memory_space<hbm>> -> memref<100000x128xf32, #tpu.memory_space<hbm>>
    tpu.enqueue_indirect_dma source(%dma_start3A_96 : memref<100000x128xf32, #tpu.memory_space<hbm>>) target(%dma_start3A_91 : memref<80x128xf32, #tpu.memory_space<vmem>>) offsets(%dma_start3A_93 : memref<80xi32, #tpu.memory_space<vmem>>) semaphore(%arg8 : memref<!tpu.dma_semaphore, #tpu.memory_space<semaphore_mem>>)
    %dma_start3A_97 = arith.constant 160 : i32
    %dma_start3A_98 = arith.constant 0 : i32
    %dma_start3A_99 = tpu.memref_slice %arg7[%dma_start3A_97, %dma_start3A_98] : memref<400x128xf32, #tpu.memory_space<vmem>> -> memref<80x128xf32, #tpu.memory_space<vmem>>
    %dma_start3A_100 = arith.constant 560 : i32
    %dma_start3A_101 = tpu.memref_slice %arg5[%dma_start3A_100] : memref<4000xi32, #tpu.memory_space<vmem>> -> memref<80xi32, #tpu.memory_space<vmem>>
    %dma_start3A_102 = arith.constant 0 : i32
    %dma_start3A_103 = arith.constant 0 : i32
    %dma_start3A_104 = tpu.memref_slice %arg2[%dma_start3A_102, %dma_start3A_103] : memref<100000x128xf32, #tpu.memory_space<hbm>> -> memref<100000x128xf32, #tpu.memory_space<hbm>>
    tpu.enqueue_indirect_dma source(%dma_start3A_104 : memref<100000x128xf32, #tpu.memory_space<hbm>>) target(%dma_start3A_99 : memref<80x128xf32, #tpu.memory_space<vmem>>) offsets(%dma_start3A_101 : memref<80xi32, #tpu.memory_space<vmem>>) semaphore(%arg8 : memref<!tpu.dma_semaphore, #tpu.memory_space<semaphore_mem>>)
    %dma_start3A_105 = arith.constant 240 : i32
    %dma_start3A_106 = arith.constant 0 : i32
    %dma_start3A_107 = tpu.memref_slice %arg7[%dma_start3A_105, %dma_start3A_106] : memref<400x128xf32, #tpu.memory_space<vmem>> -> memref<80x128xf32, #tpu.memory_space<vmem>>
    %dma_start3A_108 = arith.constant 640 : i32
    %dma_start3A_109 = tpu.memref_slice %arg5[%dma_start3A_108] : memref<4000xi32, #tpu.memory_space<vmem>> -> memref<80xi32, #tpu.memory_space<vmem>>
    %dma_start3A_110 = arith.constant 0 : i32
    %dma_start3A_111 = arith.constant 0 : i32
    %dma_start3A_112 = tpu.memref_slice %arg2[%dma_start3A_110, %dma_start3A_111] : memref<100000x128xf32, #tpu.memory_space<hbm>> -> memref<100000x128xf32, #tpu.memory_space<hbm>>
    tpu.enqueue_indirect_dma source(%dma_start3A_112 : memref<100000x128xf32, #tpu.memory_space<hbm>>) target(%dma_start3A_107 : memref<80x128xf32, #tpu.memory_space<vmem>>) offsets(%dma_start3A_109 : memref<80xi32, #tpu.memory_space<vmem>>) semaphore(%arg8 : memref<!tpu.dma_semaphore, #tpu.memory_space<semaphore_mem>>)
    %dma_start3A_113 = arith.constant 320 : i32
    %dma_start3A_114 = arith.constant 0 : i32
    %dma_start3A_115 = tpu.memref_slice %arg7[%dma_start3A_113, %dma_start3A_114] : memref<400x128xf32, #tpu.memory_space<vmem>> -> memref<80x128xf32, #tpu.memory_space<vmem>>
    %dma_start3A_116 = arith.constant 720 : i32
    %dma_start3A_117 = tpu.memref_slice %arg5[%dma_start3A_116] : memref<4000xi32, #tpu.memory_space<vmem>> -> memref<80xi32, #tpu.memory_space<vmem>>
    %dma_start3A_118 = arith.constant 0 : i32
    %dma_start3A_119 = arith.constant 0 : i32
    %dma_start3A_120 = tpu.memref_slice %arg2[%dma_start3A_118, %dma_start3A_119] : memref<100000x128xf32, #tpu.memory_space<hbm>> -> memref<100000x128xf32, #tpu.memory_space<hbm>>
    tpu.enqueue_indirect_dma source(%dma_start3A_120 : memref<100000x128xf32, #tpu.memory_space<hbm>>) target(%dma_start3A_115 : memref<80x128xf32, #tpu.memory_space<vmem>>) offsets(%dma_start3A_117 : memref<80xi32, #tpu.memory_space<vmem>>) semaphore(%arg8 : memref<!tpu.dma_semaphore, #tpu.memory_space<semaphore_mem>>)
    %mul3A_121 = arith.constant 4000 : i32
    %mul3A_122 = arith.muli %add3A, %mul3A_121 : i32
    %add3A_123 = arith.constant 0 : i32
    %add3A_124 = arith.addi %mul3A_122, %add3A_123 : i32
    "tpu.region"() ({
      %run_scoped3A = tpu.sem_alloc : memref<!tpu.dma_semaphore, #tpu.memory_space<semaphore_mem>>
      %dma_start3A_841 = arith.constant 0 : i32
      %dma_start3A_842 = tpu.memref_slice %arg4[%add3A_124, %dma_start3A_841] : memref<128000x128xf32, #tpu.memory_space<hbm>> -> memref<400x128xf32, #tpu.memory_space<hbm>>
      %dma_start3A_843 = arith.constant 0 : i32
      %dma_start3A_844 = tpu.memref_slice %arg4[%add3A_124, %dma_start3A_843] : memref<128000x128xf32, #tpu.memory_space<hbm>> -> memref<400x128xf32, #tpu.memory_space<hbm>>
      tpu.enqueue_dma source(%arg6 : memref<400x128xf32, #tpu.memory_space<vmem>>) target(%dma_start3A_844 : memref<400x128xf32, #tpu.memory_space<hbm>>) target_semaphore(%run_scoped3A : memref<!tpu.dma_semaphore, #tpu.memory_space<semaphore_mem>>)
      %dma_wait3A_845 = arith.constant 0 : i32
      %dma_wait3A_846 = tpu.memref_slice %arg4[%add3A_124, %dma_wait3A_845] : memref<128000x128xf32, #tpu.memory_space<hbm>> -> memref<400x128xf32, #tpu.memory_space<hbm>>
      %dma_wait3A_847 = arith.constant 0 : i32
      %dma_wait3A_848 = tpu.memref_slice %arg4[%add3A_124, %dma_wait3A_847] : memref<128000x128xf32, #tpu.memory_space<hbm>> -> memref<400x128xf32, #tpu.memory_space<hbm>>
      tpu.wait_dma2 semaphore(%run_scoped3A : memref<!tpu.dma_semaphore, #tpu.memory_space<semaphore_mem>>) src(%arg6 : memref<400x128xf32, #tpu.memory_space<vmem>>) dst(%dma_wait3A_848 : memref<400x128xf32, #tpu.memory_space<hbm>>)
      tpu.yield
    }) : () -> ()
    %dma_wait3A_125 = arith.constant 0 : i32
    %dma_wait3A_126 = arith.constant 0 : i32
    %dma_wait3A_127 = tpu.memref_slice %arg7[%dma_wait3A_125, %dma_wait3A_126] : memref<400x128xf32, #tpu.memory_space<vmem>> -> memref<80x128xf32, #tpu.memory_space<vmem>>
    %dma_wait3A_128 = arith.constant 400 : i32
    %dma_wait3A_129 = tpu.memref_slice %arg5[%dma_wait3A_128] : memref<4000xi32, #tpu.memory_space<vmem>> -> memref<80xi32, #tpu.memory_space<vmem>>
    %dma_wait3A_130 = arith.constant 0 : i32
    %dma_wait3A_131 = arith.constant 0 : i32
    %dma_wait3A_132 = tpu.memref_slice %arg2[%dma_wait3A_130, %dma_wait3A_131] : memref<100000x128xf32, #tpu.memory_space<hbm>> -> memref<100000x128xf32, #tpu.memory_space<hbm>>
    tpu.wait_indirect_dma semaphore(%arg8 : memref<!tpu.dma_semaphore, #tpu.memory_space<semaphore_mem>>) src(%dma_wait3A_132 : memref<100000x128xf32, #tpu.memory_space<hbm>>) dst(%dma_wait3A_127 : memref<80x128xf32, #tpu.memory_space<vmem>>)
    %dma_wait3A_133 = arith.constant 80 : i32
    %dma_wait3A_134 = arith.constant 0 : i32
    %dma_wait3A_135 = tpu.memref_slice %arg7[%dma_wait3A_133, %dma_wait3A_134] : memref<400x128xf32, #tpu.memory_space<vmem>> -> memref<80x128xf32, #tpu.memory_space<vmem>>
    %dma_wait3A_136 = arith.constant 480 : i32
    %dma_wait3A_137 = tpu.memref_slice %arg5[%dma_wait3A_136] : memref<4000xi32, #tpu.memory_space<vmem>> -> memref<80xi32, #tpu.memory_space<vmem>>
    %dma_wait3A_138 = arith.constant 0 : i32
    %dma_wait3A_139 = arith.constant 0 : i32
    %dma_wait3A_140 = tpu.memref_slice %arg2[%dma_wait3A_138, %dma_wait3A_139] : memref<100000x128xf32, #tpu.memory_space<hbm>> -> memref<100000x128xf32, #tpu.memory_space<hbm>>
    tpu.wait_indirect_dma semaphore(%arg8 : memref<!tpu.dma_semaphore, #tpu.memory_space<semaphore_mem>>) src(%dma_wait3A_140 : memref<100000x128xf32, #tpu.memory_space<hbm>>) dst(%dma_wait3A_135 : memref<80x128xf32, #tpu.memory_space<vmem>>)
    %dma_wait3A_141 = arith.constant 160 : i32
    %dma_wait3A_142 = arith.constant 0 : i32
    %dma_wait3A_143 = tpu.memref_slice %arg7[%dma_wait3A_141, %dma_wait3A_142] : memref<400x128xf32, #tpu.memory_space<vmem>> -> memref<80x128xf32, #tpu.memory_space<vmem>>
    %dma_wait3A_144 = arith.constant 560 : i32
    %dma_wait3A_145 = tpu.memref_slice %arg5[%dma_wait3A_144] : memref<4000xi32, #tpu.memory_space<vmem>> -> memref<80xi32, #tpu.memory_space<vmem>>
    %dma_wait3A_146 = arith.constant 0 : i32
    %dma_wait3A_147 = arith.constant 0 : i32
    %dma_wait3A_148 = tpu.memref_slice %arg2[%dma_wait3A_146, %dma_wait3A_147] : memref<100000x128xf32, #tpu.memory_space<hbm>> -> memref<100000x128xf32, #tpu.memory_space<hbm>>
    tpu.wait_indirect_dma semaphore(%arg8 : memref<!tpu.dma_semaphore, #tpu.memory_space<semaphore_mem>>) src(%dma_wait3A_148 : memref<100000x128xf32, #tpu.memory_space<hbm>>) dst(%dma_wait3A_143 : memref<80x128xf32, #tpu.memory_space<vmem>>)
    %dma_wait3A_149 = arith.constant 240 : i32
    %dma_wait3A_150 = arith.constant 0 : i32
    %dma_wait3A_151 = tpu.memref_slice %arg7[%dma_wait3A_149, %dma_wait3A_150] : memref<400x128xf32, #tpu.memory_space<vmem>> -> memref<80x128xf32, #tpu.memory_space<vmem>>
    %dma_wait3A_152 = arith.constant 640 : i32
    %dma_wait3A_153 = tpu.memref_slice %arg5[%dma_wait3A_152] : memref<4000xi32, #tpu.memory_space<vmem>> -> memref<80xi32, #tpu.memory_space<vmem>>
    %dma_wait3A_154 = arith.constant 0 : i32
    %dma_wait3A_155 = arith.constant 0 : i32
    %dma_wait3A_156 = tpu.memref_slice %arg2[%dma_wait3A_154, %dma_wait3A_155] : memref<100000x128xf32, #tpu.memory_space<hbm>> -> memref<100000x128xf32, #tpu.memory_space<hbm>>
    tpu.wait_indirect_dma semaphore(%arg8 : memref<!tpu.dma_semaphore, #tpu.memory_space<semaphore_mem>>) src(%dma_wait3A_156 : memref<100000x128xf32, #tpu.memory_space<hbm>>) dst(%dma_wait3A_151 : memref<80x128xf32, #tpu.memory_space<vmem>>)
    %dma_wait3A_157 = arith.constant 320 : i32
    %dma_wait3A_158 = arith.constant 0 : i32
    %dma_wait3A_159 = tpu.memref_slice %arg7[%dma_wait3A_157, %dma_wait3A_158] : memref<400x128xf32, #tpu.memory_space<vmem>> -> memref<80x128xf32, #tpu.memory_space<vmem>>
    %dma_wait3A_160 = arith.constant 720 : i32
    %dma_wait3A_161 = tpu.memref_slice %arg5[%dma_wait3A_160] : memref<4000xi32, #tpu.memory_space<vmem>> -> memref<80xi32, #tpu.memory_space<vmem>>
    %dma_wait3A_162 = arith.constant 0 : i32
    %dma_wait3A_163 = arith.constant 0 : i32
    %dma_wait3A_164 = tpu.memref_slice %arg2[%dma_wait3A_162, %dma_wait3A_163] : memref<100000x128xf32, #tpu.memory_space<hbm>> -> memref<100000x128xf32, #tpu.memory_space<hbm>>
    tpu.wait_indirect_dma semaphore(%arg8 : memref<!tpu.dma_semaphore, #tpu.memory_space<semaphore_mem>>) src(%dma_wait3A_164 : memref<100000x128xf32, #tpu.memory_space<hbm>>) dst(%dma_wait3A_159 : memref<80x128xf32, #tpu.memory_space<vmem>>)
    %dma_start3A_165 = arith.constant 0 : i32
    %dma_start3A_166 = arith.constant 0 : i32
    %dma_start3A_167 = tpu.memref_slice %arg6[%dma_start3A_165, %dma_start3A_166] : memref<400x128xf32, #tpu.memory_space<vmem>> -> memref<80x128xf32, #tpu.memory_space<vmem>>
    %dma_start3A_168 = arith.constant 800 : i32
    %dma_start3A_169 = tpu.memref_slice %arg5[%dma_start3A_168] : memref<4000xi32, #tpu.memory_space<vmem>> -> memref<80xi32, #tpu.memory_space<vmem>>
    %dma_start3A_170 = arith.constant 0 : i32
    %dma_start3A_171 = arith.constant 0 : i32
    %dma_start3A_172 = tpu.memref_slice %arg2[%dma_start3A_170, %dma_start3A_171] : memref<100000x128xf32, #tpu.memory_space<hbm>> -> memref<100000x128xf32, #tpu.memory_space<hbm>>
    tpu.enqueue_indirect_dma source(%dma_start3A_172 : memref<100000x128xf32, #tpu.memory_space<hbm>>) target(%dma_start3A_167 : memref<80x128xf32, #tpu.memory_space<vmem>>) offsets(%dma_start3A_169 : memref<80xi32, #tpu.memory_space<vmem>>) semaphore(%arg8 : memref<!tpu.dma_semaphore, #tpu.memory_space<semaphore_mem>>)
    %dma_start3A_173 = arith.constant 80 : i32
    %dma_start3A_174 = arith.constant 0 : i32
    %dma_start3A_175 = tpu.memref_slice %arg6[%dma_start3A_173, %dma_start3A_174] : memref<400x128xf32, #tpu.memory_space<vmem>> -> memref<80x128xf32, #tpu.memory_space<vmem>>
    %dma_start3A_176 = arith.constant 880 : i32
    %dma_start3A_177 = tpu.memref_slice %arg5[%dma_start3A_176] : memref<4000xi32, #tpu.memory_space<vmem>> -> memref<80xi32, #tpu.memory_space<vmem>>
    %dma_start3A_178 = arith.constant 0 : i32
    %dma_start3A_179 = arith.constant 0 : i32
    %dma_start3A_180 = tpu.memref_slice %arg2[%dma_start3A_178, %dma_start3A_179] : memref<100000x128xf32, #tpu.memory_space<hbm>> -> memref<100000x128xf32, #tpu.memory_space<hbm>>
    tpu.enqueue_indirect_dma source(%dma_start3A_180 : memref<100000x128xf32, #tpu.memory_space<hbm>>) target(%dma_start3A_175 : memref<80x128xf32, #tpu.memory_space<vmem>>) offsets(%dma_start3A_177 : memref<80xi32, #tpu.memory_space<vmem>>) semaphore(%arg8 : memref<!tpu.dma_semaphore, #tpu.memory_space<semaphore_mem>>)
    %dma_start3A_181 = arith.constant 160 : i32
    %dma_start3A_182 = arith.constant 0 : i32
    %dma_start3A_183 = tpu.memref_slice %arg6[%dma_start3A_181, %dma_start3A_182] : memref<400x128xf32, #tpu.memory_space<vmem>> -> memref<80x128xf32, #tpu.memory_space<vmem>>
    %dma_start3A_184 = arith.constant 960 : i32
    %dma_start3A_185 = tpu.memref_slice %arg5[%dma_start3A_184] : memref<4000xi32, #tpu.memory_space<vmem>> -> memref<80xi32, #tpu.memory_space<vmem>>
    %dma_start3A_186 = arith.constant 0 : i32
    %dma_start3A_187 = arith.constant 0 : i32
    %dma_start3A_188 = tpu.memref_slice %arg2[%dma_start3A_186, %dma_start3A_187] : memref<100000x128xf32, #tpu.memory_space<hbm>> -> memref<100000x128xf32, #tpu.memory_space<hbm>>
    tpu.enqueue_indirect_dma source(%dma_start3A_188 : memref<100000x128xf32, #tpu.memory_space<hbm>>) target(%dma_start3A_183 : memref<80x128xf32, #tpu.memory_space<vmem>>) offsets(%dma_start3A_185 : memref<80xi32, #tpu.memory_space<vmem>>) semaphore(%arg8 : memref<!tpu.dma_semaphore, #tpu.memory_space<semaphore_mem>>)
    %dma_start3A_189 = arith.constant 240 : i32
    %dma_start3A_190 = arith.constant 0 : i32
    %dma_start3A_191 = tpu.memref_slice %arg6[%dma_start3A_189, %dma_start3A_190] : memref<400x128xf32, #tpu.memory_space<vmem>> -> memref<80x128xf32, #tpu.memory_space<vmem>>
    %dma_start3A_192 = arith.constant 1040 : i32
    %dma_start3A_193 = tpu.memref_slice %arg5[%dma_start3A_192] : memref<4000xi32, #tpu.memory_space<vmem>> -> memref<80xi32, #tpu.memory_space<vmem>>
    %dma_start3A_194 = arith.constant 0 : i32
    %dma_start3A_195 = arith.constant 0 : i32
    %dma_start3A_196 = tpu.memref_slice %arg2[%dma_start3A_194, %dma_start3A_195] : memref<100000x128xf32, #tpu.memory_space<hbm>> -> memref<100000x128xf32, #tpu.memory_space<hbm>>
    tpu.enqueue_indirect_dma source(%dma_start3A_196 : memref<100000x128xf32, #tpu.memory_space<hbm>>) target(%dma_start3A_191 : memref<80x128xf32, #tpu.memory_space<vmem>>) offsets(%dma_start3A_193 : memref<80xi32, #tpu.memory_space<vmem>>) semaphore(%arg8 : memref<!tpu.dma_semaphore, #tpu.memory_space<semaphore_mem>>)
    %dma_start3A_197 = arith.constant 320 : i32
    %dma_start3A_198 = arith.constant 0 : i32
    %dma_start3A_199 = tpu.memref_slice %arg6[%dma_start3A_197, %dma_start3A_198] : memref<400x128xf32, #tpu.memory_space<vmem>> -> memref<80x128xf32, #tpu.memory_space<vmem>>
    %dma_start3A_200 = arith.constant 1120 : i32
    %dma_start3A_201 = tpu.memref_slice %arg5[%dma_start3A_200] : memref<4000xi32, #tpu.memory_space<vmem>> -> memref<80xi32, #tpu.memory_space<vmem>>
    %dma_start3A_202 = arith.constant 0 : i32
    %dma_start3A_203 = arith.constant 0 : i32
    %dma_start3A_204 = tpu.memref_slice %arg2[%dma_start3A_202, %dma_start3A_203] : memref<100000x128xf32, #tpu.memory_space<hbm>> -> memref<100000x128xf32, #tpu.memory_space<hbm>>
    tpu.enqueue_indirect_dma source(%dma_start3A_204 : memref<100000x128xf32, #tpu.memory_space<hbm>>) target(%dma_start3A_199 : memref<80x128xf32, #tpu.memory_space<vmem>>) offsets(%dma_start3A_201 : memref<80xi32, #tpu.memory_space<vmem>>) semaphore(%arg8 : memref<!tpu.dma_semaphore, #tpu.memory_space<semaphore_mem>>)
    %mul3A_205 = arith.constant 4000 : i32
    %mul3A_206 = arith.muli %add3A, %mul3A_205 : i32
    %add3A_207 = arith.constant 400 : i32
    %add3A_208 = arith.addi %mul3A_206, %add3A_207 : i32
    "tpu.region"() ({
      %run_scoped3A = tpu.sem_alloc : memref<!tpu.dma_semaphore, #tpu.memory_space<semaphore_mem>>
      %dma_start3A_841 = arith.constant 0 : i32
      %dma_start3A_842 = tpu.memref_slice %arg4[%add3A_208, %dma_start3A_841] : memref<128000x128xf32, #tpu.memory_space<hbm>> -> memref<400x128xf32, #tpu.memory_space<hbm>>
      %dma_start3A_843 = arith.constant 0 : i32
      %dma_start3A_844 = tpu.memref_slice %arg4[%add3A_208, %dma_start3A_843] : memref<128000x128xf32, #tpu.memory_space<hbm>> -> memref<400x128xf32, #tpu.memory_space<hbm>>
      tpu.enqueue_dma source(%arg7 : memref<400x128xf32, #tpu.memory_space<vmem>>) target(%dma_start3A_844 : memref<400x128xf32, #tpu.memory_space<hbm>>) target_semaphore(%run_scoped3A : memref<!tpu.dma_semaphore, #tpu.memory_space<semaphore_mem>>)
      %dma_wait3A_845 = arith.constant 0 : i32
      %dma_wait3A_846 = tpu.memref_slice %arg4[%add3A_208, %dma_wait3A_845] : memref<128000x128xf32, #tpu.memory_space<hbm>> -> memref<400x128xf32, #tpu.memory_space<hbm>>
      %dma_wait3A_847 = arith.constant 0 : i32
      %dma_wait3A_848 = tpu.memref_slice %arg4[%add3A_208, %dma_wait3A_847] : memref<128000x128xf32, #tpu.memory_space<hbm>> -> memref<400x128xf32, #tpu.memory_space<hbm>>
      tpu.wait_dma2 semaphore(%run_scoped3A : memref<!tpu.dma_semaphore, #tpu.memory_space<semaphore_mem>>) src(%arg7 : memref<400x128xf32, #tpu.memory_space<vmem>>) dst(%dma_wait3A_848 : memref<400x128xf32, #tpu.memory_space<hbm>>)
      tpu.yield
    }) : () -> ()
    %dma_wait3A_209 = arith.constant 0 : i32
    %dma_wait3A_210 = arith.constant 0 : i32
    %dma_wait3A_211 = tpu.memref_slice %arg6[%dma_wait3A_209, %dma_wait3A_210] : memref<400x128xf32, #tpu.memory_space<vmem>> -> memref<80x128xf32, #tpu.memory_space<vmem>>
    %dma_wait3A_212 = arith.constant 800 : i32
    %dma_wait3A_213 = tpu.memref_slice %arg5[%dma_wait3A_212] : memref<4000xi32, #tpu.memory_space<vmem>> -> memref<80xi32, #tpu.memory_space<vmem>>
    %dma_wait3A_214 = arith.constant 0 : i32
    %dma_wait3A_215 = arith.constant 0 : i32
    %dma_wait3A_216 = tpu.memref_slice %arg2[%dma_wait3A_214, %dma_wait3A_215] : memref<100000x128xf32, #tpu.memory_space<hbm>> -> memref<100000x128xf32, #tpu.memory_space<hbm>>
    tpu.wait_indirect_dma semaphore(%arg8 : memref<!tpu.dma_semaphore, #tpu.memory_space<semaphore_mem>>) src(%dma_wait3A_216 : memref<100000x128xf32, #tpu.memory_space<hbm>>) dst(%dma_wait3A_211 : memref<80x128xf32, #tpu.memory_space<vmem>>)
    %dma_wait3A_217 = arith.constant 80 : i32
    %dma_wait3A_218 = arith.constant 0 : i32
    %dma_wait3A_219 = tpu.memref_slice %arg6[%dma_wait3A_217, %dma_wait3A_218] : memref<400x128xf32, #tpu.memory_space<vmem>> -> memref<80x128xf32, #tpu.memory_space<vmem>>
    %dma_wait3A_220 = arith.constant 880 : i32
    %dma_wait3A_221 = tpu.memref_slice %arg5[%dma_wait3A_220] : memref<4000xi32, #tpu.memory_space<vmem>> -> memref<80xi32, #tpu.memory_space<vmem>>
    %dma_wait3A_222 = arith.constant 0 : i32
    %dma_wait3A_223 = arith.constant 0 : i32
    %dma_wait3A_224 = tpu.memref_slice %arg2[%dma_wait3A_222, %dma_wait3A_223] : memref<100000x128xf32, #tpu.memory_space<hbm>> -> memref<100000x128xf32, #tpu.memory_space<hbm>>
    tpu.wait_indirect_dma semaphore(%arg8 : memref<!tpu.dma_semaphore, #tpu.memory_space<semaphore_mem>>) src(%dma_wait3A_224 : memref<100000x128xf32, #tpu.memory_space<hbm>>) dst(%dma_wait3A_219 : memref<80x128xf32, #tpu.memory_space<vmem>>)
    %dma_wait3A_225 = arith.constant 160 : i32
    %dma_wait3A_226 = arith.constant 0 : i32
    %dma_wait3A_227 = tpu.memref_slice %arg6[%dma_wait3A_225, %dma_wait3A_226] : memref<400x128xf32, #tpu.memory_space<vmem>> -> memref<80x128xf32, #tpu.memory_space<vmem>>
    %dma_wait3A_228 = arith.constant 960 : i32
    %dma_wait3A_229 = tpu.memref_slice %arg5[%dma_wait3A_228] : memref<4000xi32, #tpu.memory_space<vmem>> -> memref<80xi32, #tpu.memory_space<vmem>>
    %dma_wait3A_230 = arith.constant 0 : i32
    %dma_wait3A_231 = arith.constant 0 : i32
    %dma_wait3A_232 = tpu.memref_slice %arg2[%dma_wait3A_230, %dma_wait3A_231] : memref<100000x128xf32, #tpu.memory_space<hbm>> -> memref<100000x128xf32, #tpu.memory_space<hbm>>
    tpu.wait_indirect_dma semaphore(%arg8 : memref<!tpu.dma_semaphore, #tpu.memory_space<semaphore_mem>>) src(%dma_wait3A_232 : memref<100000x128xf32, #tpu.memory_space<hbm>>) dst(%dma_wait3A_227 : memref<80x128xf32, #tpu.memory_space<vmem>>)
    %dma_wait3A_233 = arith.constant 240 : i32
    %dma_wait3A_234 = arith.constant 0 : i32
    %dma_wait3A_235 = tpu.memref_slice %arg6[%dma_wait3A_233, %dma_wait3A_234] : memref<400x128xf32, #tpu.memory_space<vmem>> -> memref<80x128xf32, #tpu.memory_space<vmem>>
    %dma_wait3A_236 = arith.constant 1040 : i32
    %dma_wait3A_237 = tpu.memref_slice %arg5[%dma_wait3A_236] : memref<4000xi32, #tpu.memory_space<vmem>> -> memref<80xi32, #tpu.memory_space<vmem>>
    %dma_wait3A_238 = arith.constant 0 : i32
    %dma_wait3A_239 = arith.constant 0 : i32
    %dma_wait3A_240 = tpu.memref_slice %arg2[%dma_wait3A_238, %dma_wait3A_239] : memref<100000x128xf32, #tpu.memory_space<hbm>> -> memref<100000x128xf32, #tpu.memory_space<hbm>>
    tpu.wait_indirect_dma semaphore(%arg8 : memref<!tpu.dma_semaphore, #tpu.memory_space<semaphore_mem>>) src(%dma_wait3A_240 : memref<100000x128xf32, #tpu.memory_space<hbm>>) dst(%dma_wait3A_235 : memref<80x128xf32, #tpu.memory_space<vmem>>)
    %dma_wait3A_241 = arith.constant 320 : i32
    %dma_wait3A_242 = arith.constant 0 : i32
    %dma_wait3A_243 = tpu.memref_slice %arg6[%dma_wait3A_241, %dma_wait3A_242] : memref<400x128xf32, #tpu.memory_space<vmem>> -> memref<80x128xf32, #tpu.memory_space<vmem>>
    %dma_wait3A_244 = arith.constant 1120 : i32
    %dma_wait3A_245 = tpu.memref_slice %arg5[%dma_wait3A_244] : memref<4000xi32, #tpu.memory_space<vmem>> -> memref<80xi32, #tpu.memory_space<vmem>>
    %dma_wait3A_246 = arith.constant 0 : i32
    %dma_wait3A_247 = arith.constant 0 : i32
    %dma_wait3A_248 = tpu.memref_slice %arg2[%dma_wait3A_246, %dma_wait3A_247] : memref<100000x128xf32, #tpu.memory_space<hbm>> -> memref<100000x128xf32, #tpu.memory_space<hbm>>
    tpu.wait_indirect_dma semaphore(%arg8 : memref<!tpu.dma_semaphore, #tpu.memory_space<semaphore_mem>>) src(%dma_wait3A_248 : memref<100000x128xf32, #tpu.memory_space<hbm>>) dst(%dma_wait3A_243 : memref<80x128xf32, #tpu.memory_space<vmem>>)
    %dma_start3A_249 = arith.constant 0 : i32
    %dma_start3A_250 = arith.constant 0 : i32
    %dma_start3A_251 = tpu.memref_slice %arg7[%dma_start3A_249, %dma_start3A_250] : memref<400x128xf32, #tpu.memory_space<vmem>> -> memref<80x128xf32, #tpu.memory_space<vmem>>
    %dma_start3A_252 = arith.constant 1200 : i32
    %dma_start3A_253 = tpu.memref_slice %arg5[%dma_start3A_252] : memref<4000xi32, #tpu.memory_space<vmem>> -> memref<80xi32, #tpu.memory_space<vmem>>
    %dma_start3A_254 = arith.constant 0 : i32
    %dma_start3A_255 = arith.constant 0 : i32
    %dma_start3A_256 = tpu.memref_slice %arg2[%dma_start3A_254, %dma_start3A_255] : memref<100000x128xf32, #tpu.memory_space<hbm>> -> memref<100000x128xf32, #tpu.memory_space<hbm>>
    tpu.enqueue_indirect_dma source(%dma_start3A_256 : memref<100000x128xf32, #tpu.memory_space<hbm>>) target(%dma_start3A_251 : memref<80x128xf32, #tpu.memory_space<vmem>>) offsets(%dma_start3A_253 : memref<80xi32, #tpu.memory_space<vmem>>) semaphore(%arg8 : memref<!tpu.dma_semaphore, #tpu.memory_space<semaphore_mem>>)
    %dma_start3A_257 = arith.constant 80 : i32
    %dma_start3A_258 = arith.constant 0 : i32
    %dma_start3A_259 = tpu.memref_slice %arg7[%dma_start3A_257, %dma_start3A_258] : memref<400x128xf32, #tpu.memory_space<vmem>> -> memref<80x128xf32, #tpu.memory_space<vmem>>
    %dma_start3A_260 = arith.constant 1280 : i32
    %dma_start3A_261 = tpu.memref_slice %arg5[%dma_start3A_260] : memref<4000xi32, #tpu.memory_space<vmem>> -> memref<80xi32, #tpu.memory_space<vmem>>
    %dma_start3A_262 = arith.constant 0 : i32
    %dma_start3A_263 = arith.constant 0 : i32
    %dma_start3A_264 = tpu.memref_slice %arg2[%dma_start3A_262, %dma_start3A_263] : memref<100000x128xf32, #tpu.memory_space<hbm>> -> memref<100000x128xf32, #tpu.memory_space<hbm>>
    tpu.enqueue_indirect_dma source(%dma_start3A_264 : memref<100000x128xf32, #tpu.memory_space<hbm>>) target(%dma_start3A_259 : memref<80x128xf32, #tpu.memory_space<vmem>>) offsets(%dma_start3A_261 : memref<80xi32, #tpu.memory_space<vmem>>) semaphore(%arg8 : memref<!tpu.dma_semaphore, #tpu.memory_space<semaphore_mem>>)
    %dma_start3A_265 = arith.constant 160 : i32
    %dma_start3A_266 = arith.constant 0 : i32
    %dma_start3A_267 = tpu.memref_slice %arg7[%dma_start3A_265, %dma_start3A_266] : memref<400x128xf32, #tpu.memory_space<vmem>> -> memref<80x128xf32, #tpu.memory_space<vmem>>
    %dma_start3A_268 = arith.constant 1360 : i32
    %dma_start3A_269 = tpu.memref_slice %arg5[%dma_start3A_268] : memref<4000xi32, #tpu.memory_space<vmem>> -> memref<80xi32, #tpu.memory_space<vmem>>
    %dma_start3A_270 = arith.constant 0 : i32
    %dma_start3A_271 = arith.constant 0 : i32
    %dma_start3A_272 = tpu.memref_slice %arg2[%dma_start3A_270, %dma_start3A_271] : memref<100000x128xf32, #tpu.memory_space<hbm>> -> memref<100000x128xf32, #tpu.memory_space<hbm>>
    tpu.enqueue_indirect_dma source(%dma_start3A_272 : memref<100000x128xf32, #tpu.memory_space<hbm>>) target(%dma_start3A_267 : memref<80x128xf32, #tpu.memory_space<vmem>>) offsets(%dma_start3A_269 : memref<80xi32, #tpu.memory_space<vmem>>) semaphore(%arg8 : memref<!tpu.dma_semaphore, #tpu.memory_space<semaphore_mem>>)
    %dma_start3A_273 = arith.constant 240 : i32
    %dma_start3A_274 = arith.constant 0 : i32
    %dma_start3A_275 = tpu.memref_slice %arg7[%dma_start3A_273, %dma_start3A_274] : memref<400x128xf32, #tpu.memory_space<vmem>> -> memref<80x128xf32, #tpu.memory_space<vmem>>
    %dma_start3A_276 = arith.constant 1440 : i32
    %dma_start3A_277 = tpu.memref_slice %arg5[%dma_start3A_276] : memref<4000xi32, #tpu.memory_space<vmem>> -> memref<80xi32, #tpu.memory_space<vmem>>
    %dma_start3A_278 = arith.constant 0 : i32
    %dma_start3A_279 = arith.constant 0 : i32
    %dma_start3A_280 = tpu.memref_slice %arg2[%dma_start3A_278, %dma_start3A_279] : memref<100000x128xf32, #tpu.memory_space<hbm>> -> memref<100000x128xf32, #tpu.memory_space<hbm>>
    tpu.enqueue_indirect_dma source(%dma_start3A_280 : memref<100000x128xf32, #tpu.memory_space<hbm>>) target(%dma_start3A_275 : memref<80x128xf32, #tpu.memory_space<vmem>>) offsets(%dma_start3A_277 : memref<80xi32, #tpu.memory_space<vmem>>) semaphore(%arg8 : memref<!tpu.dma_semaphore, #tpu.memory_space<semaphore_mem>>)
    %dma_start3A_281 = arith.constant 320 : i32
    %dma_start3A_282 = arith.constant 0 : i32
    %dma_start3A_283 = tpu.memref_slice %arg7[%dma_start3A_281, %dma_start3A_282] : memref<400x128xf32, #tpu.memory_space<vmem>> -> memref<80x128xf32, #tpu.memory_space<vmem>>
    %dma_start3A_284 = arith.constant 1520 : i32
    %dma_start3A_285 = tpu.memref_slice %arg5[%dma_start3A_284] : memref<4000xi32, #tpu.memory_space<vmem>> -> memref<80xi32, #tpu.memory_space<vmem>>
    %dma_start3A_286 = arith.constant 0 : i32
    %dma_start3A_287 = arith.constant 0 : i32
    %dma_start3A_288 = tpu.memref_slice %arg2[%dma_start3A_286, %dma_start3A_287] : memref<100000x128xf32, #tpu.memory_space<hbm>> -> memref<100000x128xf32, #tpu.memory_space<hbm>>
    tpu.enqueue_indirect_dma source(%dma_start3A_288 : memref<100000x128xf32, #tpu.memory_space<hbm>>) target(%dma_start3A_283 : memref<80x128xf32, #tpu.memory_space<vmem>>) offsets(%dma_start3A_285 : memref<80xi32, #tpu.memory_space<vmem>>) semaphore(%arg8 : memref<!tpu.dma_semaphore, #tpu.memory_space<semaphore_mem>>)
    %mul3A_289 = arith.constant 4000 : i32
    %mul3A_290 = arith.muli %add3A, %mul3A_289 : i32
    %add3A_291 = arith.constant 800 : i32
    %add3A_292 = arith.addi %mul3A_290, %add3A_291 : i32
    "tpu.region"() ({
      %run_scoped3A = tpu.sem_alloc : memref<!tpu.dma_semaphore, #tpu.memory_space<semaphore_mem>>
      %dma_start3A_841 = arith.constant 0 : i32
      %dma_start3A_842 = tpu.memref_slice %arg4[%add3A_292, %dma_start3A_841] : memref<128000x128xf32, #tpu.memory_space<hbm>> -> memref<400x128xf32, #tpu.memory_space<hbm>>
      %dma_start3A_843 = arith.constant 0 : i32
      %dma_start3A_844 = tpu.memref_slice %arg4[%add3A_292, %dma_start3A_843] : memref<128000x128xf32, #tpu.memory_space<hbm>> -> memref<400x128xf32, #tpu.memory_space<hbm>>
      tpu.enqueue_dma source(%arg6 : memref<400x128xf32, #tpu.memory_space<vmem>>) target(%dma_start3A_844 : memref<400x128xf32, #tpu.memory_space<hbm>>) target_semaphore(%run_scoped3A : memref<!tpu.dma_semaphore, #tpu.memory_space<semaphore_mem>>)
      %dma_wait3A_845 = arith.constant 0 : i32
      %dma_wait3A_846 = tpu.memref_slice %arg4[%add3A_292, %dma_wait3A_845] : memref<128000x128xf32, #tpu.memory_space<hbm>> -> memref<400x128xf32, #tpu.memory_space<hbm>>
      %dma_wait3A_847 = arith.constant 0 : i32
      %dma_wait3A_848 = tpu.memref_slice %arg4[%add3A_292, %dma_wait3A_847] : memref<128000x128xf32, #tpu.memory_space<hbm>> -> memref<400x128xf32, #tpu.memory_space<hbm>>
      tpu.wait_dma2 semaphore(%run_scoped3A : memref<!tpu.dma_semaphore, #tpu.memory_space<semaphore_mem>>) src(%arg6 : memref<400x128xf32, #tpu.memory_space<vmem>>) dst(%dma_wait3A_848 : memref<400x128xf32, #tpu.memory_space<hbm>>)
      tpu.yield
    }) : () -> ()
    %dma_wait3A_293 = arith.constant 0 : i32
    %dma_wait3A_294 = arith.constant 0 : i32
    %dma_wait3A_295 = tpu.memref_slice %arg7[%dma_wait3A_293, %dma_wait3A_294] : memref<400x128xf32, #tpu.memory_space<vmem>> -> memref<80x128xf32, #tpu.memory_space<vmem>>
    %dma_wait3A_296 = arith.constant 1200 : i32
    %dma_wait3A_297 = tpu.memref_slice %arg5[%dma_wait3A_296] : memref<4000xi32, #tpu.memory_space<vmem>> -> memref<80xi32, #tpu.memory_space<vmem>>
    %dma_wait3A_298 = arith.constant 0 : i32
    %dma_wait3A_299 = arith.constant 0 : i32
    %dma_wait3A_300 = tpu.memref_slice %arg2[%dma_wait3A_298, %dma_wait3A_299] : memref<100000x128xf32, #tpu.memory_space<hbm>> -> memref<100000x128xf32, #tpu.memory_space<hbm>>
    tpu.wait_indirect_dma semaphore(%arg8 : memref<!tpu.dma_semaphore, #tpu.memory_space<semaphore_mem>>) src(%dma_wait3A_300 : memref<100000x128xf32, #tpu.memory_space<hbm>>) dst(%dma_wait3A_295 : memref<80x128xf32, #tpu.memory_space<vmem>>)
    %dma_wait3A_301 = arith.constant 80 : i32
    %dma_wait3A_302 = arith.constant 0 : i32
    %dma_wait3A_303 = tpu.memref_slice %arg7[%dma_wait3A_301, %dma_wait3A_302] : memref<400x128xf32, #tpu.memory_space<vmem>> -> memref<80x128xf32, #tpu.memory_space<vmem>>
    %dma_wait3A_304 = arith.constant 1280 : i32
    %dma_wait3A_305 = tpu.memref_slice %arg5[%dma_wait3A_304] : memref<4000xi32, #tpu.memory_space<vmem>> -> memref<80xi32, #tpu.memory_space<vmem>>
    %dma_wait3A_306 = arith.constant 0 : i32
    %dma_wait3A_307 = arith.constant 0 : i32
    %dma_wait3A_308 = tpu.memref_slice %arg2[%dma_wait3A_306, %dma_wait3A_307] : memref<100000x128xf32, #tpu.memory_space<hbm>> -> memref<100000x128xf32, #tpu.memory_space<hbm>>
    tpu.wait_indirect_dma semaphore(%arg8 : memref<!tpu.dma_semaphore, #tpu.memory_space<semaphore_mem>>) src(%dma_wait3A_308 : memref<100000x128xf32, #tpu.memory_space<hbm>>) dst(%dma_wait3A_303 : memref<80x128xf32, #tpu.memory_space<vmem>>)
    %dma_wait3A_309 = arith.constant 160 : i32
    %dma_wait3A_310 = arith.constant 0 : i32
    %dma_wait3A_311 = tpu.memref_slice %arg7[%dma_wait3A_309, %dma_wait3A_310] : memref<400x128xf32, #tpu.memory_space<vmem>> -> memref<80x128xf32, #tpu.memory_space<vmem>>
    %dma_wait3A_312 = arith.constant 1360 : i32
    %dma_wait3A_313 = tpu.memref_slice %arg5[%dma_wait3A_312] : memref<4000xi32, #tpu.memory_space<vmem>> -> memref<80xi32, #tpu.memory_space<vmem>>
    %dma_wait3A_314 = arith.constant 0 : i32
    %dma_wait3A_315 = arith.constant 0 : i32
    %dma_wait3A_316 = tpu.memref_slice %arg2[%dma_wait3A_314, %dma_wait3A_315] : memref<100000x128xf32, #tpu.memory_space<hbm>> -> memref<100000x128xf32, #tpu.memory_space<hbm>>
    tpu.wait_indirect_dma semaphore(%arg8 : memref<!tpu.dma_semaphore, #tpu.memory_space<semaphore_mem>>) src(%dma_wait3A_316 : memref<100000x128xf32, #tpu.memory_space<hbm>>) dst(%dma_wait3A_311 : memref<80x128xf32, #tpu.memory_space<vmem>>)
    %dma_wait3A_317 = arith.constant 240 : i32
    %dma_wait3A_318 = arith.constant 0 : i32
    %dma_wait3A_319 = tpu.memref_slice %arg7[%dma_wait3A_317, %dma_wait3A_318] : memref<400x128xf32, #tpu.memory_space<vmem>> -> memref<80x128xf32, #tpu.memory_space<vmem>>
    %dma_wait3A_320 = arith.constant 1440 : i32
    %dma_wait3A_321 = tpu.memref_slice %arg5[%dma_wait3A_320] : memref<4000xi32, #tpu.memory_space<vmem>> -> memref<80xi32, #tpu.memory_space<vmem>>
    %dma_wait3A_322 = arith.constant 0 : i32
    %dma_wait3A_323 = arith.constant 0 : i32
    %dma_wait3A_324 = tpu.memref_slice %arg2[%dma_wait3A_322, %dma_wait3A_323] : memref<100000x128xf32, #tpu.memory_space<hbm>> -> memref<100000x128xf32, #tpu.memory_space<hbm>>
    tpu.wait_indirect_dma semaphore(%arg8 : memref<!tpu.dma_semaphore, #tpu.memory_space<semaphore_mem>>) src(%dma_wait3A_324 : memref<100000x128xf32, #tpu.memory_space<hbm>>) dst(%dma_wait3A_319 : memref<80x128xf32, #tpu.memory_space<vmem>>)
    %dma_wait3A_325 = arith.constant 320 : i32
    %dma_wait3A_326 = arith.constant 0 : i32
    %dma_wait3A_327 = tpu.memref_slice %arg7[%dma_wait3A_325, %dma_wait3A_326] : memref<400x128xf32, #tpu.memory_space<vmem>> -> memref<80x128xf32, #tpu.memory_space<vmem>>
    %dma_wait3A_328 = arith.constant 1520 : i32
    %dma_wait3A_329 = tpu.memref_slice %arg5[%dma_wait3A_328] : memref<4000xi32, #tpu.memory_space<vmem>> -> memref<80xi32, #tpu.memory_space<vmem>>
    %dma_wait3A_330 = arith.constant 0 : i32
    %dma_wait3A_331 = arith.constant 0 : i32
    %dma_wait3A_332 = tpu.memref_slice %arg2[%dma_wait3A_330, %dma_wait3A_331] : memref<100000x128xf32, #tpu.memory_space<hbm>> -> memref<100000x128xf32, #tpu.memory_space<hbm>>
    tpu.wait_indirect_dma semaphore(%arg8 : memref<!tpu.dma_semaphore, #tpu.memory_space<semaphore_mem>>) src(%dma_wait3A_332 : memref<100000x128xf32, #tpu.memory_space<hbm>>) dst(%dma_wait3A_327 : memref<80x128xf32, #tpu.memory_space<vmem>>)
    %dma_start3A_333 = arith.constant 0 : i32
    %dma_start3A_334 = arith.constant 0 : i32
    %dma_start3A_335 = tpu.memref_slice %arg6[%dma_start3A_333, %dma_start3A_334] : memref<400x128xf32, #tpu.memory_space<vmem>> -> memref<80x128xf32, #tpu.memory_space<vmem>>
    %dma_start3A_336 = arith.constant 1600 : i32
    %dma_start3A_337 = tpu.memref_slice %arg5[%dma_start3A_336] : memref<4000xi32, #tpu.memory_space<vmem>> -> memref<80xi32, #tpu.memory_space<vmem>>
    %dma_start3A_338 = arith.constant 0 : i32
    %dma_start3A_339 = arith.constant 0 : i32
    %dma_start3A_340 = tpu.memref_slice %arg2[%dma_start3A_338, %dma_start3A_339] : memref<100000x128xf32, #tpu.memory_space<hbm>> -> memref<100000x128xf32, #tpu.memory_space<hbm>>
    tpu.enqueue_indirect_dma source(%dma_start3A_340 : memref<100000x128xf32, #tpu.memory_space<hbm>>) target(%dma_start3A_335 : memref<80x128xf32, #tpu.memory_space<vmem>>) offsets(%dma_start3A_337 : memref<80xi32, #tpu.memory_space<vmem>>) semaphore(%arg8 : memref<!tpu.dma_semaphore, #tpu.memory_space<semaphore_mem>>)
    %dma_start3A_341 = arith.constant 80 : i32
    %dma_start3A_342 = arith.constant 0 : i32
    %dma_start3A_343 = tpu.memref_slice %arg6[%dma_start3A_341, %dma_start3A_342] : memref<400x128xf32, #tpu.memory_space<vmem>> -> memref<80x128xf32, #tpu.memory_space<vmem>>
    %dma_start3A_344 = arith.constant 1680 : i32
    %dma_start3A_345 = tpu.memref_slice %arg5[%dma_start3A_344] : memref<4000xi32, #tpu.memory_space<vmem>> -> memref<80xi32, #tpu.memory_space<vmem>>
    %dma_start3A_346 = arith.constant 0 : i32
    %dma_start3A_347 = arith.constant 0 : i32
    %dma_start3A_348 = tpu.memref_slice %arg2[%dma_start3A_346, %dma_start3A_347] : memref<100000x128xf32, #tpu.memory_space<hbm>> -> memref<100000x128xf32, #tpu.memory_space<hbm>>
    tpu.enqueue_indirect_dma source(%dma_start3A_348 : memref<100000x128xf32, #tpu.memory_space<hbm>>) target(%dma_start3A_343 : memref<80x128xf32, #tpu.memory_space<vmem>>) offsets(%dma_start3A_345 : memref<80xi32, #tpu.memory_space<vmem>>) semaphore(%arg8 : memref<!tpu.dma_semaphore, #tpu.memory_space<semaphore_mem>>)
    %dma_start3A_349 = arith.constant 160 : i32
    %dma_start3A_350 = arith.constant 0 : i32
    %dma_start3A_351 = tpu.memref_slice %arg6[%dma_start3A_349, %dma_start3A_350] : memref<400x128xf32, #tpu.memory_space<vmem>> -> memref<80x128xf32, #tpu.memory_space<vmem>>
    %dma_start3A_352 = arith.constant 1760 : i32
    %dma_start3A_353 = tpu.memref_slice %arg5[%dma_start3A_352] : memref<4000xi32, #tpu.memory_space<vmem>> -> memref<80xi32, #tpu.memory_space<vmem>>
    %dma_start3A_354 = arith.constant 0 : i32
    %dma_start3A_355 = arith.constant 0 : i32
    %dma_start3A_356 = tpu.memref_slice %arg2[%dma_start3A_354, %dma_start3A_355] : memref<100000x128xf32, #tpu.memory_space<hbm>> -> memref<100000x128xf32, #tpu.memory_space<hbm>>
    tpu.enqueue_indirect_dma source(%dma_start3A_356 : memref<100000x128xf32, #tpu.memory_space<hbm>>) target(%dma_start3A_351 : memref<80x128xf32, #tpu.memory_space<vmem>>) offsets(%dma_start3A_353 : memref<80xi32, #tpu.memory_space<vmem>>) semaphore(%arg8 : memref<!tpu.dma_semaphore, #tpu.memory_space<semaphore_mem>>)
    %dma_start3A_357 = arith.constant 240 : i32
    %dma_start3A_358 = arith.constant 0 : i32
    %dma_start3A_359 = tpu.memref_slice %arg6[%dma_start3A_357, %dma_start3A_358] : memref<400x128xf32, #tpu.memory_space<vmem>> -> memref<80x128xf32, #tpu.memory_space<vmem>>
    %dma_start3A_360 = arith.constant 1840 : i32
    %dma_start3A_361 = tpu.memref_slice %arg5[%dma_start3A_360] : memref<4000xi32, #tpu.memory_space<vmem>> -> memref<80xi32, #tpu.memory_space<vmem>>
    %dma_start3A_362 = arith.constant 0 : i32
    %dma_start3A_363 = arith.constant 0 : i32
    %dma_start3A_364 = tpu.memref_slice %arg2[%dma_start3A_362, %dma_start3A_363] : memref<100000x128xf32, #tpu.memory_space<hbm>> -> memref<100000x128xf32, #tpu.memory_space<hbm>>
    tpu.enqueue_indirect_dma source(%dma_start3A_364 : memref<100000x128xf32, #tpu.memory_space<hbm>>) target(%dma_start3A_359 : memref<80x128xf32, #tpu.memory_space<vmem>>) offsets(%dma_start3A_361 : memref<80xi32, #tpu.memory_space<vmem>>) semaphore(%arg8 : memref<!tpu.dma_semaphore, #tpu.memory_space<semaphore_mem>>)
    %dma_start3A_365 = arith.constant 320 : i32
    %dma_start3A_366 = arith.constant 0 : i32
    %dma_start3A_367 = tpu.memref_slice %arg6[%dma_start3A_365, %dma_start3A_366] : memref<400x128xf32, #tpu.memory_space<vmem>> -> memref<80x128xf32, #tpu.memory_space<vmem>>
    %dma_start3A_368 = arith.constant 1920 : i32
    %dma_start3A_369 = tpu.memref_slice %arg5[%dma_start3A_368] : memref<4000xi32, #tpu.memory_space<vmem>> -> memref<80xi32, #tpu.memory_space<vmem>>
    %dma_start3A_370 = arith.constant 0 : i32
    %dma_start3A_371 = arith.constant 0 : i32
    %dma_start3A_372 = tpu.memref_slice %arg2[%dma_start3A_370, %dma_start3A_371] : memref<100000x128xf32, #tpu.memory_space<hbm>> -> memref<100000x128xf32, #tpu.memory_space<hbm>>
    tpu.enqueue_indirect_dma source(%dma_start3A_372 : memref<100000x128xf32, #tpu.memory_space<hbm>>) target(%dma_start3A_367 : memref<80x128xf32, #tpu.memory_space<vmem>>) offsets(%dma_start3A_369 : memref<80xi32, #tpu.memory_space<vmem>>) semaphore(%arg8 : memref<!tpu.dma_semaphore, #tpu.memory_space<semaphore_mem>>)
    %mul3A_373 = arith.constant 4000 : i32
    %mul3A_374 = arith.muli %add3A, %mul3A_373 : i32
    %add3A_375 = arith.constant 1200 : i32
    %add3A_376 = arith.addi %mul3A_374, %add3A_375 : i32
    "tpu.region"() ({
      %run_scoped3A = tpu.sem_alloc : memref<!tpu.dma_semaphore, #tpu.memory_space<semaphore_mem>>
      %dma_start3A_841 = arith.constant 0 : i32
      %dma_start3A_842 = tpu.memref_slice %arg4[%add3A_376, %dma_start3A_841] : memref<128000x128xf32, #tpu.memory_space<hbm>> -> memref<400x128xf32, #tpu.memory_space<hbm>>
      %dma_start3A_843 = arith.constant 0 : i32
      %dma_start3A_844 = tpu.memref_slice %arg4[%add3A_376, %dma_start3A_843] : memref<128000x128xf32, #tpu.memory_space<hbm>> -> memref<400x128xf32, #tpu.memory_space<hbm>>
      tpu.enqueue_dma source(%arg7 : memref<400x128xf32, #tpu.memory_space<vmem>>) target(%dma_start3A_844 : memref<400x128xf32, #tpu.memory_space<hbm>>) target_semaphore(%run_scoped3A : memref<!tpu.dma_semaphore, #tpu.memory_space<semaphore_mem>>)
      %dma_wait3A_845 = arith.constant 0 : i32
      %dma_wait3A_846 = tpu.memref_slice %arg4[%add3A_376, %dma_wait3A_845] : memref<128000x128xf32, #tpu.memory_space<hbm>> -> memref<400x128xf32, #tpu.memory_space<hbm>>
      %dma_wait3A_847 = arith.constant 0 : i32
      %dma_wait3A_848 = tpu.memref_slice %arg4[%add3A_376, %dma_wait3A_847] : memref<128000x128xf32, #tpu.memory_space<hbm>> -> memref<400x128xf32, #tpu.memory_space<hbm>>
      tpu.wait_dma2 semaphore(%run_scoped3A : memref<!tpu.dma_semaphore, #tpu.memory_space<semaphore_mem>>) src(%arg7 : memref<400x128xf32, #tpu.memory_space<vmem>>) dst(%dma_wait3A_848 : memref<400x128xf32, #tpu.memory_space<hbm>>)
      tpu.yield
    }) : () -> ()
    %dma_wait3A_377 = arith.constant 0 : i32
    %dma_wait3A_378 = arith.constant 0 : i32
    %dma_wait3A_379 = tpu.memref_slice %arg6[%dma_wait3A_377, %dma_wait3A_378] : memref<400x128xf32, #tpu.memory_space<vmem>> -> memref<80x128xf32, #tpu.memory_space<vmem>>
    %dma_wait3A_380 = arith.constant 1600 : i32
    %dma_wait3A_381 = tpu.memref_slice %arg5[%dma_wait3A_380] : memref<4000xi32, #tpu.memory_space<vmem>> -> memref<80xi32, #tpu.memory_space<vmem>>
    %dma_wait3A_382 = arith.constant 0 : i32
    %dma_wait3A_383 = arith.constant 0 : i32
    %dma_wait3A_384 = tpu.memref_slice %arg2[%dma_wait3A_382, %dma_wait3A_383] : memref<100000x128xf32, #tpu.memory_space<hbm>> -> memref<100000x128xf32, #tpu.memory_space<hbm>>
    tpu.wait_indirect_dma semaphore(%arg8 : memref<!tpu.dma_semaphore, #tpu.memory_space<semaphore_mem>>) src(%dma_wait3A_384 : memref<100000x128xf32, #tpu.memory_space<hbm>>) dst(%dma_wait3A_379 : memref<80x128xf32, #tpu.memory_space<vmem>>)
    %dma_wait3A_385 = arith.constant 80 : i32
    %dma_wait3A_386 = arith.constant 0 : i32
    %dma_wait3A_387 = tpu.memref_slice %arg6[%dma_wait3A_385, %dma_wait3A_386] : memref<400x128xf32, #tpu.memory_space<vmem>> -> memref<80x128xf32, #tpu.memory_space<vmem>>
    %dma_wait3A_388 = arith.constant 1680 : i32
    %dma_wait3A_389 = tpu.memref_slice %arg5[%dma_wait3A_388] : memref<4000xi32, #tpu.memory_space<vmem>> -> memref<80xi32, #tpu.memory_space<vmem>>
    %dma_wait3A_390 = arith.constant 0 : i32
    %dma_wait3A_391 = arith.constant 0 : i32
    %dma_wait3A_392 = tpu.memref_slice %arg2[%dma_wait3A_390, %dma_wait3A_391] : memref<100000x128xf32, #tpu.memory_space<hbm>> -> memref<100000x128xf32, #tpu.memory_space<hbm>>
    tpu.wait_indirect_dma semaphore(%arg8 : memref<!tpu.dma_semaphore, #tpu.memory_space<semaphore_mem>>) src(%dma_wait3A_392 : memref<100000x128xf32, #tpu.memory_space<hbm>>) dst(%dma_wait3A_387 : memref<80x128xf32, #tpu.memory_space<vmem>>)
    %dma_wait3A_393 = arith.constant 160 : i32
    %dma_wait3A_394 = arith.constant 0 : i32
    %dma_wait3A_395 = tpu.memref_slice %arg6[%dma_wait3A_393, %dma_wait3A_394] : memref<400x128xf32, #tpu.memory_space<vmem>> -> memref<80x128xf32, #tpu.memory_space<vmem>>
    %dma_wait3A_396 = arith.constant 1760 : i32
    %dma_wait3A_397 = tpu.memref_slice %arg5[%dma_wait3A_396] : memref<4000xi32, #tpu.memory_space<vmem>> -> memref<80xi32, #tpu.memory_space<vmem>>
    %dma_wait3A_398 = arith.constant 0 : i32
    %dma_wait3A_399 = arith.constant 0 : i32
    %dma_wait3A_400 = tpu.memref_slice %arg2[%dma_wait3A_398, %dma_wait3A_399] : memref<100000x128xf32, #tpu.memory_space<hbm>> -> memref<100000x128xf32, #tpu.memory_space<hbm>>
    tpu.wait_indirect_dma semaphore(%arg8 : memref<!tpu.dma_semaphore, #tpu.memory_space<semaphore_mem>>) src(%dma_wait3A_400 : memref<100000x128xf32, #tpu.memory_space<hbm>>) dst(%dma_wait3A_395 : memref<80x128xf32, #tpu.memory_space<vmem>>)
    %dma_wait3A_401 = arith.constant 240 : i32
    %dma_wait3A_402 = arith.constant 0 : i32
    %dma_wait3A_403 = tpu.memref_slice %arg6[%dma_wait3A_401, %dma_wait3A_402] : memref<400x128xf32, #tpu.memory_space<vmem>> -> memref<80x128xf32, #tpu.memory_space<vmem>>
    %dma_wait3A_404 = arith.constant 1840 : i32
    %dma_wait3A_405 = tpu.memref_slice %arg5[%dma_wait3A_404] : memref<4000xi32, #tpu.memory_space<vmem>> -> memref<80xi32, #tpu.memory_space<vmem>>
    %dma_wait3A_406 = arith.constant 0 : i32
    %dma_wait3A_407 = arith.constant 0 : i32
    %dma_wait3A_408 = tpu.memref_slice %arg2[%dma_wait3A_406, %dma_wait3A_407] : memref<100000x128xf32, #tpu.memory_space<hbm>> -> memref<100000x128xf32, #tpu.memory_space<hbm>>
    tpu.wait_indirect_dma semaphore(%arg8 : memref<!tpu.dma_semaphore, #tpu.memory_space<semaphore_mem>>) src(%dma_wait3A_408 : memref<100000x128xf32, #tpu.memory_space<hbm>>) dst(%dma_wait3A_403 : memref<80x128xf32, #tpu.memory_space<vmem>>)
    %dma_wait3A_409 = arith.constant 320 : i32
    %dma_wait3A_410 = arith.constant 0 : i32
    %dma_wait3A_411 = tpu.memref_slice %arg6[%dma_wait3A_409, %dma_wait3A_410] : memref<400x128xf32, #tpu.memory_space<vmem>> -> memref<80x128xf32, #tpu.memory_space<vmem>>
    %dma_wait3A_412 = arith.constant 1920 : i32
    %dma_wait3A_413 = tpu.memref_slice %arg5[%dma_wait3A_412] : memref<4000xi32, #tpu.memory_space<vmem>> -> memref<80xi32, #tpu.memory_space<vmem>>
    %dma_wait3A_414 = arith.constant 0 : i32
    %dma_wait3A_415 = arith.constant 0 : i32
    %dma_wait3A_416 = tpu.memref_slice %arg2[%dma_wait3A_414, %dma_wait3A_415] : memref<100000x128xf32, #tpu.memory_space<hbm>> -> memref<100000x128xf32, #tpu.memory_space<hbm>>
    tpu.wait_indirect_dma semaphore(%arg8 : memref<!tpu.dma_semaphore, #tpu.memory_space<semaphore_mem>>) src(%dma_wait3A_416 : memref<100000x128xf32, #tpu.memory_space<hbm>>) dst(%dma_wait3A_411 : memref<80x128xf32, #tpu.memory_space<vmem>>)
    %dma_start3A_417 = arith.constant 0 : i32
    %dma_start3A_418 = arith.constant 0 : i32
    %dma_start3A_419 = tpu.memref_slice %arg7[%dma_start3A_417, %dma_start3A_418] : memref<400x128xf32, #tpu.memory_space<vmem>> -> memref<80x128xf32, #tpu.memory_space<vmem>>
    %dma_start3A_420 = arith.constant 2000 : i32
    %dma_start3A_421 = tpu.memref_slice %arg5[%dma_start3A_420] : memref<4000xi32, #tpu.memory_space<vmem>> -> memref<80xi32, #tpu.memory_space<vmem>>
    %dma_start3A_422 = arith.constant 0 : i32
    %dma_start3A_423 = arith.constant 0 : i32
    %dma_start3A_424 = tpu.memref_slice %arg2[%dma_start3A_422, %dma_start3A_423] : memref<100000x128xf32, #tpu.memory_space<hbm>> -> memref<100000x128xf32, #tpu.memory_space<hbm>>
    tpu.enqueue_indirect_dma source(%dma_start3A_424 : memref<100000x128xf32, #tpu.memory_space<hbm>>) target(%dma_start3A_419 : memref<80x128xf32, #tpu.memory_space<vmem>>) offsets(%dma_start3A_421 : memref<80xi32, #tpu.memory_space<vmem>>) semaphore(%arg8 : memref<!tpu.dma_semaphore, #tpu.memory_space<semaphore_mem>>)
    %dma_start3A_425 = arith.constant 80 : i32
    %dma_start3A_426 = arith.constant 0 : i32
    %dma_start3A_427 = tpu.memref_slice %arg7[%dma_start3A_425, %dma_start3A_426] : memref<400x128xf32, #tpu.memory_space<vmem>> -> memref<80x128xf32, #tpu.memory_space<vmem>>
    %dma_start3A_428 = arith.constant 2080 : i32
    %dma_start3A_429 = tpu.memref_slice %arg5[%dma_start3A_428] : memref<4000xi32, #tpu.memory_space<vmem>> -> memref<80xi32, #tpu.memory_space<vmem>>
    %dma_start3A_430 = arith.constant 0 : i32
    %dma_start3A_431 = arith.constant 0 : i32
    %dma_start3A_432 = tpu.memref_slice %arg2[%dma_start3A_430, %dma_start3A_431] : memref<100000x128xf32, #tpu.memory_space<hbm>> -> memref<100000x128xf32, #tpu.memory_space<hbm>>
    tpu.enqueue_indirect_dma source(%dma_start3A_432 : memref<100000x128xf32, #tpu.memory_space<hbm>>) target(%dma_start3A_427 : memref<80x128xf32, #tpu.memory_space<vmem>>) offsets(%dma_start3A_429 : memref<80xi32, #tpu.memory_space<vmem>>) semaphore(%arg8 : memref<!tpu.dma_semaphore, #tpu.memory_space<semaphore_mem>>)
    %dma_start3A_433 = arith.constant 160 : i32
    %dma_start3A_434 = arith.constant 0 : i32
    %dma_start3A_435 = tpu.memref_slice %arg7[%dma_start3A_433, %dma_start3A_434] : memref<400x128xf32, #tpu.memory_space<vmem>> -> memref<80x128xf32, #tpu.memory_space<vmem>>
    %dma_start3A_436 = arith.constant 2160 : i32
    %dma_start3A_437 = tpu.memref_slice %arg5[%dma_start3A_436] : memref<4000xi32, #tpu.memory_space<vmem>> -> memref<80xi32, #tpu.memory_space<vmem>>
    %dma_start3A_438 = arith.constant 0 : i32
    %dma_start3A_439 = arith.constant 0 : i32
    %dma_start3A_440 = tpu.memref_slice %arg2[%dma_start3A_438, %dma_start3A_439] : memref<100000x128xf32, #tpu.memory_space<hbm>> -> memref<100000x128xf32, #tpu.memory_space<hbm>>
    tpu.enqueue_indirect_dma source(%dma_start3A_440 : memref<100000x128xf32, #tpu.memory_space<hbm>>) target(%dma_start3A_435 : memref<80x128xf32, #tpu.memory_space<vmem>>) offsets(%dma_start3A_437 : memref<80xi32, #tpu.memory_space<vmem>>) semaphore(%arg8 : memref<!tpu.dma_semaphore, #tpu.memory_space<semaphore_mem>>)
    %dma_start3A_441 = arith.constant 240 : i32
    %dma_start3A_442 = arith.constant 0 : i32
    %dma_start3A_443 = tpu.memref_slice %arg7[%dma_start3A_441, %dma_start3A_442] : memref<400x128xf32, #tpu.memory_space<vmem>> -> memref<80x128xf32, #tpu.memory_space<vmem>>
    %dma_start3A_444 = arith.constant 2240 : i32
    %dma_start3A_445 = tpu.memref_slice %arg5[%dma_start3A_444] : memref<4000xi32, #tpu.memory_space<vmem>> -> memref<80xi32, #tpu.memory_space<vmem>>
    %dma_start3A_446 = arith.constant 0 : i32
    %dma_start3A_447 = arith.constant 0 : i32
    %dma_start3A_448 = tpu.memref_slice %arg2[%dma_start3A_446, %dma_start3A_447] : memref<100000x128xf32, #tpu.memory_space<hbm>> -> memref<100000x128xf32, #tpu.memory_space<hbm>>
    tpu.enqueue_indirect_dma source(%dma_start3A_448 : memref<100000x128xf32, #tpu.memory_space<hbm>>) target(%dma_start3A_443 : memref<80x128xf32, #tpu.memory_space<vmem>>) offsets(%dma_start3A_445 : memref<80xi32, #tpu.memory_space<vmem>>) semaphore(%arg8 : memref<!tpu.dma_semaphore, #tpu.memory_space<semaphore_mem>>)
    %dma_start3A_449 = arith.constant 320 : i32
    %dma_start3A_450 = arith.constant 0 : i32
    %dma_start3A_451 = tpu.memref_slice %arg7[%dma_start3A_449, %dma_start3A_450] : memref<400x128xf32, #tpu.memory_space<vmem>> -> memref<80x128xf32, #tpu.memory_space<vmem>>
    %dma_start3A_452 = arith.constant 2320 : i32
    %dma_start3A_453 = tpu.memref_slice %arg5[%dma_start3A_452] : memref<4000xi32, #tpu.memory_space<vmem>> -> memref<80xi32, #tpu.memory_space<vmem>>
    %dma_start3A_454 = arith.constant 0 : i32
    %dma_start3A_455 = arith.constant 0 : i32
    %dma_start3A_456 = tpu.memref_slice %arg2[%dma_start3A_454, %dma_start3A_455] : memref<100000x128xf32, #tpu.memory_space<hbm>> -> memref<100000x128xf32, #tpu.memory_space<hbm>>
    tpu.enqueue_indirect_dma source(%dma_start3A_456 : memref<100000x128xf32, #tpu.memory_space<hbm>>) target(%dma_start3A_451 : memref<80x128xf32, #tpu.memory_space<vmem>>) offsets(%dma_start3A_453 : memref<80xi32, #tpu.memory_space<vmem>>) semaphore(%arg8 : memref<!tpu.dma_semaphore, #tpu.memory_space<semaphore_mem>>)
    %mul3A_457 = arith.constant 4000 : i32
    %mul3A_458 = arith.muli %add3A, %mul3A_457 : i32
    %add3A_459 = arith.constant 1600 : i32
    %add3A_460 = arith.addi %mul3A_458, %add3A_459 : i32
    "tpu.region"() ({
      %run_scoped3A = tpu.sem_alloc : memref<!tpu.dma_semaphore, #tpu.memory_space<semaphore_mem>>
      %dma_start3A_841 = arith.constant 0 : i32
      %dma_start3A_842 = tpu.memref_slice %arg4[%add3A_460, %dma_start3A_841] : memref<128000x128xf32, #tpu.memory_space<hbm>> -> memref<400x128xf32, #tpu.memory_space<hbm>>
      %dma_start3A_843 = arith.constant 0 : i32
      %dma_start3A_844 = tpu.memref_slice %arg4[%add3A_460, %dma_start3A_843] : memref<128000x128xf32, #tpu.memory_space<hbm>> -> memref<400x128xf32, #tpu.memory_space<hbm>>
      tpu.enqueue_dma source(%arg6 : memref<400x128xf32, #tpu.memory_space<vmem>>) target(%dma_start3A_844 : memref<400x128xf32, #tpu.memory_space<hbm>>) target_semaphore(%run_scoped3A : memref<!tpu.dma_semaphore, #tpu.memory_space<semaphore_mem>>)
      %dma_wait3A_845 = arith.constant 0 : i32
      %dma_wait3A_846 = tpu.memref_slice %arg4[%add3A_460, %dma_wait3A_845] : memref<128000x128xf32, #tpu.memory_space<hbm>> -> memref<400x128xf32, #tpu.memory_space<hbm>>
      %dma_wait3A_847 = arith.constant 0 : i32
      %dma_wait3A_848 = tpu.memref_slice %arg4[%add3A_460, %dma_wait3A_847] : memref<128000x128xf32, #tpu.memory_space<hbm>> -> memref<400x128xf32, #tpu.memory_space<hbm>>
      tpu.wait_dma2 semaphore(%run_scoped3A : memref<!tpu.dma_semaphore, #tpu.memory_space<semaphore_mem>>) src(%arg6 : memref<400x128xf32, #tpu.memory_space<vmem>>) dst(%dma_wait3A_848 : memref<400x128xf32, #tpu.memory_space<hbm>>)
      tpu.yield
    }) : () -> ()
    %dma_wait3A_461 = arith.constant 0 : i32
    %dma_wait3A_462 = arith.constant 0 : i32
    %dma_wait3A_463 = tpu.memref_slice %arg7[%dma_wait3A_461, %dma_wait3A_462] : memref<400x128xf32, #tpu.memory_space<vmem>> -> memref<80x128xf32, #tpu.memory_space<vmem>>
    %dma_wait3A_464 = arith.constant 2000 : i32
    %dma_wait3A_465 = tpu.memref_slice %arg5[%dma_wait3A_464] : memref<4000xi32, #tpu.memory_space<vmem>> -> memref<80xi32, #tpu.memory_space<vmem>>
    %dma_wait3A_466 = arith.constant 0 : i32
    %dma_wait3A_467 = arith.constant 0 : i32
    %dma_wait3A_468 = tpu.memref_slice %arg2[%dma_wait3A_466, %dma_wait3A_467] : memref<100000x128xf32, #tpu.memory_space<hbm>> -> memref<100000x128xf32, #tpu.memory_space<hbm>>
    tpu.wait_indirect_dma semaphore(%arg8 : memref<!tpu.dma_semaphore, #tpu.memory_space<semaphore_mem>>) src(%dma_wait3A_468 : memref<100000x128xf32, #tpu.memory_space<hbm>>) dst(%dma_wait3A_463 : memref<80x128xf32, #tpu.memory_space<vmem>>)
    %dma_wait3A_469 = arith.constant 80 : i32
    %dma_wait3A_470 = arith.constant 0 : i32
    %dma_wait3A_471 = tpu.memref_slice %arg7[%dma_wait3A_469, %dma_wait3A_470] : memref<400x128xf32, #tpu.memory_space<vmem>> -> memref<80x128xf32, #tpu.memory_space<vmem>>
    %dma_wait3A_472 = arith.constant 2080 : i32
    %dma_wait3A_473 = tpu.memref_slice %arg5[%dma_wait3A_472] : memref<4000xi32, #tpu.memory_space<vmem>> -> memref<80xi32, #tpu.memory_space<vmem>>
    %dma_wait3A_474 = arith.constant 0 : i32
    %dma_wait3A_475 = arith.constant 0 : i32
    %dma_wait3A_476 = tpu.memref_slice %arg2[%dma_wait3A_474, %dma_wait3A_475] : memref<100000x128xf32, #tpu.memory_space<hbm>> -> memref<100000x128xf32, #tpu.memory_space<hbm>>
    tpu.wait_indirect_dma semaphore(%arg8 : memref<!tpu.dma_semaphore, #tpu.memory_space<semaphore_mem>>) src(%dma_wait3A_476 : memref<100000x128xf32, #tpu.memory_space<hbm>>) dst(%dma_wait3A_471 : memref<80x128xf32, #tpu.memory_space<vmem>>)
    %dma_wait3A_477 = arith.constant 160 : i32
    %dma_wait3A_478 = arith.constant 0 : i32
    %dma_wait3A_479 = tpu.memref_slice %arg7[%dma_wait3A_477, %dma_wait3A_478] : memref<400x128xf32, #tpu.memory_space<vmem>> -> memref<80x128xf32, #tpu.memory_space<vmem>>
    %dma_wait3A_480 = arith.constant 2160 : i32
    %dma_wait3A_481 = tpu.memref_slice %arg5[%dma_wait3A_480] : memref<4000xi32, #tpu.memory_space<vmem>> -> memref<80xi32, #tpu.memory_space<vmem>>
    %dma_wait3A_482 = arith.constant 0 : i32
    %dma_wait3A_483 = arith.constant 0 : i32
    %dma_wait3A_484 = tpu.memref_slice %arg2[%dma_wait3A_482, %dma_wait3A_483] : memref<100000x128xf32, #tpu.memory_space<hbm>> -> memref<100000x128xf32, #tpu.memory_space<hbm>>
    tpu.wait_indirect_dma semaphore(%arg8 : memref<!tpu.dma_semaphore, #tpu.memory_space<semaphore_mem>>) src(%dma_wait3A_484 : memref<100000x128xf32, #tpu.memory_space<hbm>>) dst(%dma_wait3A_479 : memref<80x128xf32, #tpu.memory_space<vmem>>)
    %dma_wait3A_485 = arith.constant 240 : i32
    %dma_wait3A_486 = arith.constant 0 : i32
    %dma_wait3A_487 = tpu.memref_slice %arg7[%dma_wait3A_485, %dma_wait3A_486] : memref<400x128xf32, #tpu.memory_space<vmem>> -> memref<80x128xf32, #tpu.memory_space<vmem>>
    %dma_wait3A_488 = arith.constant 2240 : i32
    %dma_wait3A_489 = tpu.memref_slice %arg5[%dma_wait3A_488] : memref<4000xi32, #tpu.memory_space<vmem>> -> memref<80xi32, #tpu.memory_space<vmem>>
    %dma_wait3A_490 = arith.constant 0 : i32
    %dma_wait3A_491 = arith.constant 0 : i32
    %dma_wait3A_492 = tpu.memref_slice %arg2[%dma_wait3A_490, %dma_wait3A_491] : memref<100000x128xf32, #tpu.memory_space<hbm>> -> memref<100000x128xf32, #tpu.memory_space<hbm>>
    tpu.wait_indirect_dma semaphore(%arg8 : memref<!tpu.dma_semaphore, #tpu.memory_space<semaphore_mem>>) src(%dma_wait3A_492 : memref<100000x128xf32, #tpu.memory_space<hbm>>) dst(%dma_wait3A_487 : memref<80x128xf32, #tpu.memory_space<vmem>>)
    %dma_wait3A_493 = arith.constant 320 : i32
    %dma_wait3A_494 = arith.constant 0 : i32
    %dma_wait3A_495 = tpu.memref_slice %arg7[%dma_wait3A_493, %dma_wait3A_494] : memref<400x128xf32, #tpu.memory_space<vmem>> -> memref<80x128xf32, #tpu.memory_space<vmem>>
    %dma_wait3A_496 = arith.constant 2320 : i32
    %dma_wait3A_497 = tpu.memref_slice %arg5[%dma_wait3A_496] : memref<4000xi32, #tpu.memory_space<vmem>> -> memref<80xi32, #tpu.memory_space<vmem>>
    %dma_wait3A_498 = arith.constant 0 : i32
    %dma_wait3A_499 = arith.constant 0 : i32
    %dma_wait3A_500 = tpu.memref_slice %arg2[%dma_wait3A_498, %dma_wait3A_499] : memref<100000x128xf32, #tpu.memory_space<hbm>> -> memref<100000x128xf32, #tpu.memory_space<hbm>>
    tpu.wait_indirect_dma semaphore(%arg8 : memref<!tpu.dma_semaphore, #tpu.memory_space<semaphore_mem>>) src(%dma_wait3A_500 : memref<100000x128xf32, #tpu.memory_space<hbm>>) dst(%dma_wait3A_495 : memref<80x128xf32, #tpu.memory_space<vmem>>)
    %dma_start3A_501 = arith.constant 0 : i32
    %dma_start3A_502 = arith.constant 0 : i32
    %dma_start3A_503 = tpu.memref_slice %arg6[%dma_start3A_501, %dma_start3A_502] : memref<400x128xf32, #tpu.memory_space<vmem>> -> memref<80x128xf32, #tpu.memory_space<vmem>>
    %dma_start3A_504 = arith.constant 2400 : i32
    %dma_start3A_505 = tpu.memref_slice %arg5[%dma_start3A_504] : memref<4000xi32, #tpu.memory_space<vmem>> -> memref<80xi32, #tpu.memory_space<vmem>>
    %dma_start3A_506 = arith.constant 0 : i32
    %dma_start3A_507 = arith.constant 0 : i32
    %dma_start3A_508 = tpu.memref_slice %arg2[%dma_start3A_506, %dma_start3A_507] : memref<100000x128xf32, #tpu.memory_space<hbm>> -> memref<100000x128xf32, #tpu.memory_space<hbm>>
    tpu.enqueue_indirect_dma source(%dma_start3A_508 : memref<100000x128xf32, #tpu.memory_space<hbm>>) target(%dma_start3A_503 : memref<80x128xf32, #tpu.memory_space<vmem>>) offsets(%dma_start3A_505 : memref<80xi32, #tpu.memory_space<vmem>>) semaphore(%arg8 : memref<!tpu.dma_semaphore, #tpu.memory_space<semaphore_mem>>)
    %dma_start3A_509 = arith.constant 80 : i32
    %dma_start3A_510 = arith.constant 0 : i32
    %dma_start3A_511 = tpu.memref_slice %arg6[%dma_start3A_509, %dma_start3A_510] : memref<400x128xf32, #tpu.memory_space<vmem>> -> memref<80x128xf32, #tpu.memory_space<vmem>>
    %dma_start3A_512 = arith.constant 2480 : i32
    %dma_start3A_513 = tpu.memref_slice %arg5[%dma_start3A_512] : memref<4000xi32, #tpu.memory_space<vmem>> -> memref<80xi32, #tpu.memory_space<vmem>>
    %dma_start3A_514 = arith.constant 0 : i32
    %dma_start3A_515 = arith.constant 0 : i32
    %dma_start3A_516 = tpu.memref_slice %arg2[%dma_start3A_514, %dma_start3A_515] : memref<100000x128xf32, #tpu.memory_space<hbm>> -> memref<100000x128xf32, #tpu.memory_space<hbm>>
    tpu.enqueue_indirect_dma source(%dma_start3A_516 : memref<100000x128xf32, #tpu.memory_space<hbm>>) target(%dma_start3A_511 : memref<80x128xf32, #tpu.memory_space<vmem>>) offsets(%dma_start3A_513 : memref<80xi32, #tpu.memory_space<vmem>>) semaphore(%arg8 : memref<!tpu.dma_semaphore, #tpu.memory_space<semaphore_mem>>)
    %dma_start3A_517 = arith.constant 160 : i32
    %dma_start3A_518 = arith.constant 0 : i32
    %dma_start3A_519 = tpu.memref_slice %arg6[%dma_start3A_517, %dma_start3A_518] : memref<400x128xf32, #tpu.memory_space<vmem>> -> memref<80x128xf32, #tpu.memory_space<vmem>>
    %dma_start3A_520 = arith.constant 2560 : i32
    %dma_start3A_521 = tpu.memref_slice %arg5[%dma_start3A_520] : memref<4000xi32, #tpu.memory_space<vmem>> -> memref<80xi32, #tpu.memory_space<vmem>>
    %dma_start3A_522 = arith.constant 0 : i32
    %dma_start3A_523 = arith.constant 0 : i32
    %dma_start3A_524 = tpu.memref_slice %arg2[%dma_start3A_522, %dma_start3A_523] : memref<100000x128xf32, #tpu.memory_space<hbm>> -> memref<100000x128xf32, #tpu.memory_space<hbm>>
    tpu.enqueue_indirect_dma source(%dma_start3A_524 : memref<100000x128xf32, #tpu.memory_space<hbm>>) target(%dma_start3A_519 : memref<80x128xf32, #tpu.memory_space<vmem>>) offsets(%dma_start3A_521 : memref<80xi32, #tpu.memory_space<vmem>>) semaphore(%arg8 : memref<!tpu.dma_semaphore, #tpu.memory_space<semaphore_mem>>)
    %dma_start3A_525 = arith.constant 240 : i32
    %dma_start3A_526 = arith.constant 0 : i32
    %dma_start3A_527 = tpu.memref_slice %arg6[%dma_start3A_525, %dma_start3A_526] : memref<400x128xf32, #tpu.memory_space<vmem>> -> memref<80x128xf32, #tpu.memory_space<vmem>>
    %dma_start3A_528 = arith.constant 2640 : i32
    %dma_start3A_529 = tpu.memref_slice %arg5[%dma_start3A_528] : memref<4000xi32, #tpu.memory_space<vmem>> -> memref<80xi32, #tpu.memory_space<vmem>>
    %dma_start3A_530 = arith.constant 0 : i32
    %dma_start3A_531 = arith.constant 0 : i32
    %dma_start3A_532 = tpu.memref_slice %arg2[%dma_start3A_530, %dma_start3A_531] : memref<100000x128xf32, #tpu.memory_space<hbm>> -> memref<100000x128xf32, #tpu.memory_space<hbm>>
    tpu.enqueue_indirect_dma source(%dma_start3A_532 : memref<100000x128xf32, #tpu.memory_space<hbm>>) target(%dma_start3A_527 : memref<80x128xf32, #tpu.memory_space<vmem>>) offsets(%dma_start3A_529 : memref<80xi32, #tpu.memory_space<vmem>>) semaphore(%arg8 : memref<!tpu.dma_semaphore, #tpu.memory_space<semaphore_mem>>)
    %dma_start3A_533 = arith.constant 320 : i32
    %dma_start3A_534 = arith.constant 0 : i32
    %dma_start3A_535 = tpu.memref_slice %arg6[%dma_start3A_533, %dma_start3A_534] : memref<400x128xf32, #tpu.memory_space<vmem>> -> memref<80x128xf32, #tpu.memory_space<vmem>>
    %dma_start3A_536 = arith.constant 2720 : i32
    %dma_start3A_537 = tpu.memref_slice %arg5[%dma_start3A_536] : memref<4000xi32, #tpu.memory_space<vmem>> -> memref<80xi32, #tpu.memory_space<vmem>>
    %dma_start3A_538 = arith.constant 0 : i32
    %dma_start3A_539 = arith.constant 0 : i32
    %dma_start3A_540 = tpu.memref_slice %arg2[%dma_start3A_538, %dma_start3A_539] : memref<100000x128xf32, #tpu.memory_space<hbm>> -> memref<100000x128xf32, #tpu.memory_space<hbm>>
    tpu.enqueue_indirect_dma source(%dma_start3A_540 : memref<100000x128xf32, #tpu.memory_space<hbm>>) target(%dma_start3A_535 : memref<80x128xf32, #tpu.memory_space<vmem>>) offsets(%dma_start3A_537 : memref<80xi32, #tpu.memory_space<vmem>>) semaphore(%arg8 : memref<!tpu.dma_semaphore, #tpu.memory_space<semaphore_mem>>)
    %mul3A_541 = arith.constant 4000 : i32
    %mul3A_542 = arith.muli %add3A, %mul3A_541 : i32
    %add3A_543 = arith.constant 2000 : i32
    %add3A_544 = arith.addi %mul3A_542, %add3A_543 : i32
    "tpu.region"() ({
      %run_scoped3A = tpu.sem_alloc : memref<!tpu.dma_semaphore, #tpu.memory_space<semaphore_mem>>
      %dma_start3A_841 = arith.constant 0 : i32
      %dma_start3A_842 = tpu.memref_slice %arg4[%add3A_544, %dma_start3A_841] : memref<128000x128xf32, #tpu.memory_space<hbm>> -> memref<400x128xf32, #tpu.memory_space<hbm>>
      %dma_start3A_843 = arith.constant 0 : i32
      %dma_start3A_844 = tpu.memref_slice %arg4[%add3A_544, %dma_start3A_843] : memref<128000x128xf32, #tpu.memory_space<hbm>> -> memref<400x128xf32, #tpu.memory_space<hbm>>
      tpu.enqueue_dma source(%arg7 : memref<400x128xf32, #tpu.memory_space<vmem>>) target(%dma_start3A_844 : memref<400x128xf32, #tpu.memory_space<hbm>>) target_semaphore(%run_scoped3A : memref<!tpu.dma_semaphore, #tpu.memory_space<semaphore_mem>>)
      %dma_wait3A_845 = arith.constant 0 : i32
      %dma_wait3A_846 = tpu.memref_slice %arg4[%add3A_544, %dma_wait3A_845] : memref<128000x128xf32, #tpu.memory_space<hbm>> -> memref<400x128xf32, #tpu.memory_space<hbm>>
      %dma_wait3A_847 = arith.constant 0 : i32
      %dma_wait3A_848 = tpu.memref_slice %arg4[%add3A_544, %dma_wait3A_847] : memref<128000x128xf32, #tpu.memory_space<hbm>> -> memref<400x128xf32, #tpu.memory_space<hbm>>
      tpu.wait_dma2 semaphore(%run_scoped3A : memref<!tpu.dma_semaphore, #tpu.memory_space<semaphore_mem>>) src(%arg7 : memref<400x128xf32, #tpu.memory_space<vmem>>) dst(%dma_wait3A_848 : memref<400x128xf32, #tpu.memory_space<hbm>>)
      tpu.yield
    }) : () -> ()
    %dma_wait3A_545 = arith.constant 0 : i32
    %dma_wait3A_546 = arith.constant 0 : i32
    %dma_wait3A_547 = tpu.memref_slice %arg6[%dma_wait3A_545, %dma_wait3A_546] : memref<400x128xf32, #tpu.memory_space<vmem>> -> memref<80x128xf32, #tpu.memory_space<vmem>>
    %dma_wait3A_548 = arith.constant 2400 : i32
    %dma_wait3A_549 = tpu.memref_slice %arg5[%dma_wait3A_548] : memref<4000xi32, #tpu.memory_space<vmem>> -> memref<80xi32, #tpu.memory_space<vmem>>
    %dma_wait3A_550 = arith.constant 0 : i32
    %dma_wait3A_551 = arith.constant 0 : i32
    %dma_wait3A_552 = tpu.memref_slice %arg2[%dma_wait3A_550, %dma_wait3A_551] : memref<100000x128xf32, #tpu.memory_space<hbm>> -> memref<100000x128xf32, #tpu.memory_space<hbm>>
    tpu.wait_indirect_dma semaphore(%arg8 : memref<!tpu.dma_semaphore, #tpu.memory_space<semaphore_mem>>) src(%dma_wait3A_552 : memref<100000x128xf32, #tpu.memory_space<hbm>>) dst(%dma_wait3A_547 : memref<80x128xf32, #tpu.memory_space<vmem>>)
    %dma_wait3A_553 = arith.constant 80 : i32
    %dma_wait3A_554 = arith.constant 0 : i32
    %dma_wait3A_555 = tpu.memref_slice %arg6[%dma_wait3A_553, %dma_wait3A_554] : memref<400x128xf32, #tpu.memory_space<vmem>> -> memref<80x128xf32, #tpu.memory_space<vmem>>
    %dma_wait3A_556 = arith.constant 2480 : i32
    %dma_wait3A_557 = tpu.memref_slice %arg5[%dma_wait3A_556] : memref<4000xi32, #tpu.memory_space<vmem>> -> memref<80xi32, #tpu.memory_space<vmem>>
    %dma_wait3A_558 = arith.constant 0 : i32
    %dma_wait3A_559 = arith.constant 0 : i32
    %dma_wait3A_560 = tpu.memref_slice %arg2[%dma_wait3A_558, %dma_wait3A_559] : memref<100000x128xf32, #tpu.memory_space<hbm>> -> memref<100000x128xf32, #tpu.memory_space<hbm>>
    tpu.wait_indirect_dma semaphore(%arg8 : memref<!tpu.dma_semaphore, #tpu.memory_space<semaphore_mem>>) src(%dma_wait3A_560 : memref<100000x128xf32, #tpu.memory_space<hbm>>) dst(%dma_wait3A_555 : memref<80x128xf32, #tpu.memory_space<vmem>>)
    %dma_wait3A_561 = arith.constant 160 : i32
    %dma_wait3A_562 = arith.constant 0 : i32
    %dma_wait3A_563 = tpu.memref_slice %arg6[%dma_wait3A_561, %dma_wait3A_562] : memref<400x128xf32, #tpu.memory_space<vmem>> -> memref<80x128xf32, #tpu.memory_space<vmem>>
    %dma_wait3A_564 = arith.constant 2560 : i32
    %dma_wait3A_565 = tpu.memref_slice %arg5[%dma_wait3A_564] : memref<4000xi32, #tpu.memory_space<vmem>> -> memref<80xi32, #tpu.memory_space<vmem>>
    %dma_wait3A_566 = arith.constant 0 : i32
    %dma_wait3A_567 = arith.constant 0 : i32
    %dma_wait3A_568 = tpu.memref_slice %arg2[%dma_wait3A_566, %dma_wait3A_567] : memref<100000x128xf32, #tpu.memory_space<hbm>> -> memref<100000x128xf32, #tpu.memory_space<hbm>>
    tpu.wait_indirect_dma semaphore(%arg8 : memref<!tpu.dma_semaphore, #tpu.memory_space<semaphore_mem>>) src(%dma_wait3A_568 : memref<100000x128xf32, #tpu.memory_space<hbm>>) dst(%dma_wait3A_563 : memref<80x128xf32, #tpu.memory_space<vmem>>)
    %dma_wait3A_569 = arith.constant 240 : i32
    %dma_wait3A_570 = arith.constant 0 : i32
    %dma_wait3A_571 = tpu.memref_slice %arg6[%dma_wait3A_569, %dma_wait3A_570] : memref<400x128xf32, #tpu.memory_space<vmem>> -> memref<80x128xf32, #tpu.memory_space<vmem>>
    %dma_wait3A_572 = arith.constant 2640 : i32
    %dma_wait3A_573 = tpu.memref_slice %arg5[%dma_wait3A_572] : memref<4000xi32, #tpu.memory_space<vmem>> -> memref<80xi32, #tpu.memory_space<vmem>>
    %dma_wait3A_574 = arith.constant 0 : i32
    %dma_wait3A_575 = arith.constant 0 : i32
    %dma_wait3A_576 = tpu.memref_slice %arg2[%dma_wait3A_574, %dma_wait3A_575] : memref<100000x128xf32, #tpu.memory_space<hbm>> -> memref<100000x128xf32, #tpu.memory_space<hbm>>
    tpu.wait_indirect_dma semaphore(%arg8 : memref<!tpu.dma_semaphore, #tpu.memory_space<semaphore_mem>>) src(%dma_wait3A_576 : memref<100000x128xf32, #tpu.memory_space<hbm>>) dst(%dma_wait3A_571 : memref<80x128xf32, #tpu.memory_space<vmem>>)
    %dma_wait3A_577 = arith.constant 320 : i32
    %dma_wait3A_578 = arith.constant 0 : i32
    %dma_wait3A_579 = tpu.memref_slice %arg6[%dma_wait3A_577, %dma_wait3A_578] : memref<400x128xf32, #tpu.memory_space<vmem>> -> memref<80x128xf32, #tpu.memory_space<vmem>>
    %dma_wait3A_580 = arith.constant 2720 : i32
    %dma_wait3A_581 = tpu.memref_slice %arg5[%dma_wait3A_580] : memref<4000xi32, #tpu.memory_space<vmem>> -> memref<80xi32, #tpu.memory_space<vmem>>
    %dma_wait3A_582 = arith.constant 0 : i32
    %dma_wait3A_583 = arith.constant 0 : i32
    %dma_wait3A_584 = tpu.memref_slice %arg2[%dma_wait3A_582, %dma_wait3A_583] : memref<100000x128xf32, #tpu.memory_space<hbm>> -> memref<100000x128xf32, #tpu.memory_space<hbm>>
    tpu.wait_indirect_dma semaphore(%arg8 : memref<!tpu.dma_semaphore, #tpu.memory_space<semaphore_mem>>) src(%dma_wait3A_584 : memref<100000x128xf32, #tpu.memory_space<hbm>>) dst(%dma_wait3A_579 : memref<80x128xf32, #tpu.memory_space<vmem>>)
    %dma_start3A_585 = arith.constant 0 : i32
    %dma_start3A_586 = arith.constant 0 : i32
    %dma_start3A_587 = tpu.memref_slice %arg7[%dma_start3A_585, %dma_start3A_586] : memref<400x128xf32, #tpu.memory_space<vmem>> -> memref<80x128xf32, #tpu.memory_space<vmem>>
    %dma_start3A_588 = arith.constant 2800 : i32
    %dma_start3A_589 = tpu.memref_slice %arg5[%dma_start3A_588] : memref<4000xi32, #tpu.memory_space<vmem>> -> memref<80xi32, #tpu.memory_space<vmem>>
    %dma_start3A_590 = arith.constant 0 : i32
    %dma_start3A_591 = arith.constant 0 : i32
    %dma_start3A_592 = tpu.memref_slice %arg2[%dma_start3A_590, %dma_start3A_591] : memref<100000x128xf32, #tpu.memory_space<hbm>> -> memref<100000x128xf32, #tpu.memory_space<hbm>>
    tpu.enqueue_indirect_dma source(%dma_start3A_592 : memref<100000x128xf32, #tpu.memory_space<hbm>>) target(%dma_start3A_587 : memref<80x128xf32, #tpu.memory_space<vmem>>) offsets(%dma_start3A_589 : memref<80xi32, #tpu.memory_space<vmem>>) semaphore(%arg8 : memref<!tpu.dma_semaphore, #tpu.memory_space<semaphore_mem>>)
    %dma_start3A_593 = arith.constant 80 : i32
    %dma_start3A_594 = arith.constant 0 : i32
    %dma_start3A_595 = tpu.memref_slice %arg7[%dma_start3A_593, %dma_start3A_594] : memref<400x128xf32, #tpu.memory_space<vmem>> -> memref<80x128xf32, #tpu.memory_space<vmem>>
    %dma_start3A_596 = arith.constant 2880 : i32
    %dma_start3A_597 = tpu.memref_slice %arg5[%dma_start3A_596] : memref<4000xi32, #tpu.memory_space<vmem>> -> memref<80xi32, #tpu.memory_space<vmem>>
    %dma_start3A_598 = arith.constant 0 : i32
    %dma_start3A_599 = arith.constant 0 : i32
    %dma_start3A_600 = tpu.memref_slice %arg2[%dma_start3A_598, %dma_start3A_599] : memref<100000x128xf32, #tpu.memory_space<hbm>> -> memref<100000x128xf32, #tpu.memory_space<hbm>>
    tpu.enqueue_indirect_dma source(%dma_start3A_600 : memref<100000x128xf32, #tpu.memory_space<hbm>>) target(%dma_start3A_595 : memref<80x128xf32, #tpu.memory_space<vmem>>) offsets(%dma_start3A_597 : memref<80xi32, #tpu.memory_space<vmem>>) semaphore(%arg8 : memref<!tpu.dma_semaphore, #tpu.memory_space<semaphore_mem>>)
    %dma_start3A_601 = arith.constant 160 : i32
    %dma_start3A_602 = arith.constant 0 : i32
    %dma_start3A_603 = tpu.memref_slice %arg7[%dma_start3A_601, %dma_start3A_602] : memref<400x128xf32, #tpu.memory_space<vmem>> -> memref<80x128xf32, #tpu.memory_space<vmem>>
    %dma_start3A_604 = arith.constant 2960 : i32
    %dma_start3A_605 = tpu.memref_slice %arg5[%dma_start3A_604] : memref<4000xi32, #tpu.memory_space<vmem>> -> memref<80xi32, #tpu.memory_space<vmem>>
    %dma_start3A_606 = arith.constant 0 : i32
    %dma_start3A_607 = arith.constant 0 : i32
    %dma_start3A_608 = tpu.memref_slice %arg2[%dma_start3A_606, %dma_start3A_607] : memref<100000x128xf32, #tpu.memory_space<hbm>> -> memref<100000x128xf32, #tpu.memory_space<hbm>>
    tpu.enqueue_indirect_dma source(%dma_start3A_608 : memref<100000x128xf32, #tpu.memory_space<hbm>>) target(%dma_start3A_603 : memref<80x128xf32, #tpu.memory_space<vmem>>) offsets(%dma_start3A_605 : memref<80xi32, #tpu.memory_space<vmem>>) semaphore(%arg8 : memref<!tpu.dma_semaphore, #tpu.memory_space<semaphore_mem>>)
    %dma_start3A_609 = arith.constant 240 : i32
    %dma_start3A_610 = arith.constant 0 : i32
    %dma_start3A_611 = tpu.memref_slice %arg7[%dma_start3A_609, %dma_start3A_610] : memref<400x128xf32, #tpu.memory_space<vmem>> -> memref<80x128xf32, #tpu.memory_space<vmem>>
    %dma_start3A_612 = arith.constant 3040 : i32
    %dma_start3A_613 = tpu.memref_slice %arg5[%dma_start3A_612] : memref<4000xi32, #tpu.memory_space<vmem>> -> memref<80xi32, #tpu.memory_space<vmem>>
    %dma_start3A_614 = arith.constant 0 : i32
    %dma_start3A_615 = arith.constant 0 : i32
    %dma_start3A_616 = tpu.memref_slice %arg2[%dma_start3A_614, %dma_start3A_615] : memref<100000x128xf32, #tpu.memory_space<hbm>> -> memref<100000x128xf32, #tpu.memory_space<hbm>>
    tpu.enqueue_indirect_dma source(%dma_start3A_616 : memref<100000x128xf32, #tpu.memory_space<hbm>>) target(%dma_start3A_611 : memref<80x128xf32, #tpu.memory_space<vmem>>) offsets(%dma_start3A_613 : memref<80xi32, #tpu.memory_space<vmem>>) semaphore(%arg8 : memref<!tpu.dma_semaphore, #tpu.memory_space<semaphore_mem>>)
    %dma_start3A_617 = arith.constant 320 : i32
    %dma_start3A_618 = arith.constant 0 : i32
    %dma_start3A_619 = tpu.memref_slice %arg7[%dma_start3A_617, %dma_start3A_618] : memref<400x128xf32, #tpu.memory_space<vmem>> -> memref<80x128xf32, #tpu.memory_space<vmem>>
    %dma_start3A_620 = arith.constant 3120 : i32
    %dma_start3A_621 = tpu.memref_slice %arg5[%dma_start3A_620] : memref<4000xi32, #tpu.memory_space<vmem>> -> memref<80xi32, #tpu.memory_space<vmem>>
    %dma_start3A_622 = arith.constant 0 : i32
    %dma_start3A_623 = arith.constant 0 : i32
    %dma_start3A_624 = tpu.memref_slice %arg2[%dma_start3A_622, %dma_start3A_623] : memref<100000x128xf32, #tpu.memory_space<hbm>> -> memref<100000x128xf32, #tpu.memory_space<hbm>>
    tpu.enqueue_indirect_dma source(%dma_start3A_624 : memref<100000x128xf32, #tpu.memory_space<hbm>>) target(%dma_start3A_619 : memref<80x128xf32, #tpu.memory_space<vmem>>) offsets(%dma_start3A_621 : memref<80xi32, #tpu.memory_space<vmem>>) semaphore(%arg8 : memref<!tpu.dma_semaphore, #tpu.memory_space<semaphore_mem>>)
    %mul3A_625 = arith.constant 4000 : i32
    %mul3A_626 = arith.muli %add3A, %mul3A_625 : i32
    %add3A_627 = arith.constant 2400 : i32
    %add3A_628 = arith.addi %mul3A_626, %add3A_627 : i32
    "tpu.region"() ({
      %run_scoped3A = tpu.sem_alloc : memref<!tpu.dma_semaphore, #tpu.memory_space<semaphore_mem>>
      %dma_start3A_841 = arith.constant 0 : i32
      %dma_start3A_842 = tpu.memref_slice %arg4[%add3A_628, %dma_start3A_841] : memref<128000x128xf32, #tpu.memory_space<hbm>> -> memref<400x128xf32, #tpu.memory_space<hbm>>
      %dma_start3A_843 = arith.constant 0 : i32
      %dma_start3A_844 = tpu.memref_slice %arg4[%add3A_628, %dma_start3A_843] : memref<128000x128xf32, #tpu.memory_space<hbm>> -> memref<400x128xf32, #tpu.memory_space<hbm>>
      tpu.enqueue_dma source(%arg6 : memref<400x128xf32, #tpu.memory_space<vmem>>) target(%dma_start3A_844 : memref<400x128xf32, #tpu.memory_space<hbm>>) target_semaphore(%run_scoped3A : memref<!tpu.dma_semaphore, #tpu.memory_space<semaphore_mem>>)
      %dma_wait3A_845 = arith.constant 0 : i32
      %dma_wait3A_846 = tpu.memref_slice %arg4[%add3A_628, %dma_wait3A_845] : memref<128000x128xf32, #tpu.memory_space<hbm>> -> memref<400x128xf32, #tpu.memory_space<hbm>>
      %dma_wait3A_847 = arith.constant 0 : i32
      %dma_wait3A_848 = tpu.memref_slice %arg4[%add3A_628, %dma_wait3A_847] : memref<128000x128xf32, #tpu.memory_space<hbm>> -> memref<400x128xf32, #tpu.memory_space<hbm>>
      tpu.wait_dma2 semaphore(%run_scoped3A : memref<!tpu.dma_semaphore, #tpu.memory_space<semaphore_mem>>) src(%arg6 : memref<400x128xf32, #tpu.memory_space<vmem>>) dst(%dma_wait3A_848 : memref<400x128xf32, #tpu.memory_space<hbm>>)
      tpu.yield
    }) : () -> ()
    %dma_wait3A_629 = arith.constant 0 : i32
    %dma_wait3A_630 = arith.constant 0 : i32
    %dma_wait3A_631 = tpu.memref_slice %arg7[%dma_wait3A_629, %dma_wait3A_630] : memref<400x128xf32, #tpu.memory_space<vmem>> -> memref<80x128xf32, #tpu.memory_space<vmem>>
    %dma_wait3A_632 = arith.constant 2800 : i32
    %dma_wait3A_633 = tpu.memref_slice %arg5[%dma_wait3A_632] : memref<4000xi32, #tpu.memory_space<vmem>> -> memref<80xi32, #tpu.memory_space<vmem>>
    %dma_wait3A_634 = arith.constant 0 : i32
    %dma_wait3A_635 = arith.constant 0 : i32
    %dma_wait3A_636 = tpu.memref_slice %arg2[%dma_wait3A_634, %dma_wait3A_635] : memref<100000x128xf32, #tpu.memory_space<hbm>> -> memref<100000x128xf32, #tpu.memory_space<hbm>>
    tpu.wait_indirect_dma semaphore(%arg8 : memref<!tpu.dma_semaphore, #tpu.memory_space<semaphore_mem>>) src(%dma_wait3A_636 : memref<100000x128xf32, #tpu.memory_space<hbm>>) dst(%dma_wait3A_631 : memref<80x128xf32, #tpu.memory_space<vmem>>)
    %dma_wait3A_637 = arith.constant 80 : i32
    %dma_wait3A_638 = arith.constant 0 : i32
    %dma_wait3A_639 = tpu.memref_slice %arg7[%dma_wait3A_637, %dma_wait3A_638] : memref<400x128xf32, #tpu.memory_space<vmem>> -> memref<80x128xf32, #tpu.memory_space<vmem>>
    %dma_wait3A_640 = arith.constant 2880 : i32
    %dma_wait3A_641 = tpu.memref_slice %arg5[%dma_wait3A_640] : memref<4000xi32, #tpu.memory_space<vmem>> -> memref<80xi32, #tpu.memory_space<vmem>>
    %dma_wait3A_642 = arith.constant 0 : i32
    %dma_wait3A_643 = arith.constant 0 : i32
    %dma_wait3A_644 = tpu.memref_slice %arg2[%dma_wait3A_642, %dma_wait3A_643] : memref<100000x128xf32, #tpu.memory_space<hbm>> -> memref<100000x128xf32, #tpu.memory_space<hbm>>
    tpu.wait_indirect_dma semaphore(%arg8 : memref<!tpu.dma_semaphore, #tpu.memory_space<semaphore_mem>>) src(%dma_wait3A_644 : memref<100000x128xf32, #tpu.memory_space<hbm>>) dst(%dma_wait3A_639 : memref<80x128xf32, #tpu.memory_space<vmem>>)
    %dma_wait3A_645 = arith.constant 160 : i32
    %dma_wait3A_646 = arith.constant 0 : i32
    %dma_wait3A_647 = tpu.memref_slice %arg7[%dma_wait3A_645, %dma_wait3A_646] : memref<400x128xf32, #tpu.memory_space<vmem>> -> memref<80x128xf32, #tpu.memory_space<vmem>>
    %dma_wait3A_648 = arith.constant 2960 : i32
    %dma_wait3A_649 = tpu.memref_slice %arg5[%dma_wait3A_648] : memref<4000xi32, #tpu.memory_space<vmem>> -> memref<80xi32, #tpu.memory_space<vmem>>
    %dma_wait3A_650 = arith.constant 0 : i32
    %dma_wait3A_651 = arith.constant 0 : i32
    %dma_wait3A_652 = tpu.memref_slice %arg2[%dma_wait3A_650, %dma_wait3A_651] : memref<100000x128xf32, #tpu.memory_space<hbm>> -> memref<100000x128xf32, #tpu.memory_space<hbm>>
    tpu.wait_indirect_dma semaphore(%arg8 : memref<!tpu.dma_semaphore, #tpu.memory_space<semaphore_mem>>) src(%dma_wait3A_652 : memref<100000x128xf32, #tpu.memory_space<hbm>>) dst(%dma_wait3A_647 : memref<80x128xf32, #tpu.memory_space<vmem>>)
    %dma_wait3A_653 = arith.constant 240 : i32
    %dma_wait3A_654 = arith.constant 0 : i32
    %dma_wait3A_655 = tpu.memref_slice %arg7[%dma_wait3A_653, %dma_wait3A_654] : memref<400x128xf32, #tpu.memory_space<vmem>> -> memref<80x128xf32, #tpu.memory_space<vmem>>
    %dma_wait3A_656 = arith.constant 3040 : i32
    %dma_wait3A_657 = tpu.memref_slice %arg5[%dma_wait3A_656] : memref<4000xi32, #tpu.memory_space<vmem>> -> memref<80xi32, #tpu.memory_space<vmem>>
    %dma_wait3A_658 = arith.constant 0 : i32
    %dma_wait3A_659 = arith.constant 0 : i32
    %dma_wait3A_660 = tpu.memref_slice %arg2[%dma_wait3A_658, %dma_wait3A_659] : memref<100000x128xf32, #tpu.memory_space<hbm>> -> memref<100000x128xf32, #tpu.memory_space<hbm>>
    tpu.wait_indirect_dma semaphore(%arg8 : memref<!tpu.dma_semaphore, #tpu.memory_space<semaphore_mem>>) src(%dma_wait3A_660 : memref<100000x128xf32, #tpu.memory_space<hbm>>) dst(%dma_wait3A_655 : memref<80x128xf32, #tpu.memory_space<vmem>>)
    %dma_wait3A_661 = arith.constant 320 : i32
    %dma_wait3A_662 = arith.constant 0 : i32
    %dma_wait3A_663 = tpu.memref_slice %arg7[%dma_wait3A_661, %dma_wait3A_662] : memref<400x128xf32, #tpu.memory_space<vmem>> -> memref<80x128xf32, #tpu.memory_space<vmem>>
    %dma_wait3A_664 = arith.constant 3120 : i32
    %dma_wait3A_665 = tpu.memref_slice %arg5[%dma_wait3A_664] : memref<4000xi32, #tpu.memory_space<vmem>> -> memref<80xi32, #tpu.memory_space<vmem>>
    %dma_wait3A_666 = arith.constant 0 : i32
    %dma_wait3A_667 = arith.constant 0 : i32
    %dma_wait3A_668 = tpu.memref_slice %arg2[%dma_wait3A_666, %dma_wait3A_667] : memref<100000x128xf32, #tpu.memory_space<hbm>> -> memref<100000x128xf32, #tpu.memory_space<hbm>>
    tpu.wait_indirect_dma semaphore(%arg8 : memref<!tpu.dma_semaphore, #tpu.memory_space<semaphore_mem>>) src(%dma_wait3A_668 : memref<100000x128xf32, #tpu.memory_space<hbm>>) dst(%dma_wait3A_663 : memref<80x128xf32, #tpu.memory_space<vmem>>)
    %dma_start3A_669 = arith.constant 0 : i32
    %dma_start3A_670 = arith.constant 0 : i32
    %dma_start3A_671 = tpu.memref_slice %arg6[%dma_start3A_669, %dma_start3A_670] : memref<400x128xf32, #tpu.memory_space<vmem>> -> memref<80x128xf32, #tpu.memory_space<vmem>>
    %dma_start3A_672 = arith.constant 3200 : i32
    %dma_start3A_673 = tpu.memref_slice %arg5[%dma_start3A_672] : memref<4000xi32, #tpu.memory_space<vmem>> -> memref<80xi32, #tpu.memory_space<vmem>>
    %dma_start3A_674 = arith.constant 0 : i32
    %dma_start3A_675 = arith.constant 0 : i32
    %dma_start3A_676 = tpu.memref_slice %arg2[%dma_start3A_674, %dma_start3A_675] : memref<100000x128xf32, #tpu.memory_space<hbm>> -> memref<100000x128xf32, #tpu.memory_space<hbm>>
    tpu.enqueue_indirect_dma source(%dma_start3A_676 : memref<100000x128xf32, #tpu.memory_space<hbm>>) target(%dma_start3A_671 : memref<80x128xf32, #tpu.memory_space<vmem>>) offsets(%dma_start3A_673 : memref<80xi32, #tpu.memory_space<vmem>>) semaphore(%arg8 : memref<!tpu.dma_semaphore, #tpu.memory_space<semaphore_mem>>)
    %dma_start3A_677 = arith.constant 80 : i32
    %dma_start3A_678 = arith.constant 0 : i32
    %dma_start3A_679 = tpu.memref_slice %arg6[%dma_start3A_677, %dma_start3A_678] : memref<400x128xf32, #tpu.memory_space<vmem>> -> memref<80x128xf32, #tpu.memory_space<vmem>>
    %dma_start3A_680 = arith.constant 3280 : i32
    %dma_start3A_681 = tpu.memref_slice %arg5[%dma_start3A_680] : memref<4000xi32, #tpu.memory_space<vmem>> -> memref<80xi32, #tpu.memory_space<vmem>>
    %dma_start3A_682 = arith.constant 0 : i32
    %dma_start3A_683 = arith.constant 0 : i32
    %dma_start3A_684 = tpu.memref_slice %arg2[%dma_start3A_682, %dma_start3A_683] : memref<100000x128xf32, #tpu.memory_space<hbm>> -> memref<100000x128xf32, #tpu.memory_space<hbm>>
    tpu.enqueue_indirect_dma source(%dma_start3A_684 : memref<100000x128xf32, #tpu.memory_space<hbm>>) target(%dma_start3A_679 : memref<80x128xf32, #tpu.memory_space<vmem>>) offsets(%dma_start3A_681 : memref<80xi32, #tpu.memory_space<vmem>>) semaphore(%arg8 : memref<!tpu.dma_semaphore, #tpu.memory_space<semaphore_mem>>)
    %dma_start3A_685 = arith.constant 160 : i32
    %dma_start3A_686 = arith.constant 0 : i32
    %dma_start3A_687 = tpu.memref_slice %arg6[%dma_start3A_685, %dma_start3A_686] : memref<400x128xf32, #tpu.memory_space<vmem>> -> memref<80x128xf32, #tpu.memory_space<vmem>>
    %dma_start3A_688 = arith.constant 3360 : i32
    %dma_start3A_689 = tpu.memref_slice %arg5[%dma_start3A_688] : memref<4000xi32, #tpu.memory_space<vmem>> -> memref<80xi32, #tpu.memory_space<vmem>>
    %dma_start3A_690 = arith.constant 0 : i32
    %dma_start3A_691 = arith.constant 0 : i32
    %dma_start3A_692 = tpu.memref_slice %arg2[%dma_start3A_690, %dma_start3A_691] : memref<100000x128xf32, #tpu.memory_space<hbm>> -> memref<100000x128xf32, #tpu.memory_space<hbm>>
    tpu.enqueue_indirect_dma source(%dma_start3A_692 : memref<100000x128xf32, #tpu.memory_space<hbm>>) target(%dma_start3A_687 : memref<80x128xf32, #tpu.memory_space<vmem>>) offsets(%dma_start3A_689 : memref<80xi32, #tpu.memory_space<vmem>>) semaphore(%arg8 : memref<!tpu.dma_semaphore, #tpu.memory_space<semaphore_mem>>)
    %dma_start3A_693 = arith.constant 240 : i32
    %dma_start3A_694 = arith.constant 0 : i32
    %dma_start3A_695 = tpu.memref_slice %arg6[%dma_start3A_693, %dma_start3A_694] : memref<400x128xf32, #tpu.memory_space<vmem>> -> memref<80x128xf32, #tpu.memory_space<vmem>>
    %dma_start3A_696 = arith.constant 3440 : i32
    %dma_start3A_697 = tpu.memref_slice %arg5[%dma_start3A_696] : memref<4000xi32, #tpu.memory_space<vmem>> -> memref<80xi32, #tpu.memory_space<vmem>>
    %dma_start3A_698 = arith.constant 0 : i32
    %dma_start3A_699 = arith.constant 0 : i32
    %dma_start3A_700 = tpu.memref_slice %arg2[%dma_start3A_698, %dma_start3A_699] : memref<100000x128xf32, #tpu.memory_space<hbm>> -> memref<100000x128xf32, #tpu.memory_space<hbm>>
    tpu.enqueue_indirect_dma source(%dma_start3A_700 : memref<100000x128xf32, #tpu.memory_space<hbm>>) target(%dma_start3A_695 : memref<80x128xf32, #tpu.memory_space<vmem>>) offsets(%dma_start3A_697 : memref<80xi32, #tpu.memory_space<vmem>>) semaphore(%arg8 : memref<!tpu.dma_semaphore, #tpu.memory_space<semaphore_mem>>)
    %dma_start3A_701 = arith.constant 320 : i32
    %dma_start3A_702 = arith.constant 0 : i32
    %dma_start3A_703 = tpu.memref_slice %arg6[%dma_start3A_701, %dma_start3A_702] : memref<400x128xf32, #tpu.memory_space<vmem>> -> memref<80x128xf32, #tpu.memory_space<vmem>>
    %dma_start3A_704 = arith.constant 3520 : i32
    %dma_start3A_705 = tpu.memref_slice %arg5[%dma_start3A_704] : memref<4000xi32, #tpu.memory_space<vmem>> -> memref<80xi32, #tpu.memory_space<vmem>>
    %dma_start3A_706 = arith.constant 0 : i32
    %dma_start3A_707 = arith.constant 0 : i32
    %dma_start3A_708 = tpu.memref_slice %arg2[%dma_start3A_706, %dma_start3A_707] : memref<100000x128xf32, #tpu.memory_space<hbm>> -> memref<100000x128xf32, #tpu.memory_space<hbm>>
    tpu.enqueue_indirect_dma source(%dma_start3A_708 : memref<100000x128xf32, #tpu.memory_space<hbm>>) target(%dma_start3A_703 : memref<80x128xf32, #tpu.memory_space<vmem>>) offsets(%dma_start3A_705 : memref<80xi32, #tpu.memory_space<vmem>>) semaphore(%arg8 : memref<!tpu.dma_semaphore, #tpu.memory_space<semaphore_mem>>)
    %mul3A_709 = arith.constant 4000 : i32
    %mul3A_710 = arith.muli %add3A, %mul3A_709 : i32
    %add3A_711 = arith.constant 2800 : i32
    %add3A_712 = arith.addi %mul3A_710, %add3A_711 : i32
    "tpu.region"() ({
      %run_scoped3A = tpu.sem_alloc : memref<!tpu.dma_semaphore, #tpu.memory_space<semaphore_mem>>
      %dma_start3A_841 = arith.constant 0 : i32
      %dma_start3A_842 = tpu.memref_slice %arg4[%add3A_712, %dma_start3A_841] : memref<128000x128xf32, #tpu.memory_space<hbm>> -> memref<400x128xf32, #tpu.memory_space<hbm>>
      %dma_start3A_843 = arith.constant 0 : i32
      %dma_start3A_844 = tpu.memref_slice %arg4[%add3A_712, %dma_start3A_843] : memref<128000x128xf32, #tpu.memory_space<hbm>> -> memref<400x128xf32, #tpu.memory_space<hbm>>
      tpu.enqueue_dma source(%arg7 : memref<400x128xf32, #tpu.memory_space<vmem>>) target(%dma_start3A_844 : memref<400x128xf32, #tpu.memory_space<hbm>>) target_semaphore(%run_scoped3A : memref<!tpu.dma_semaphore, #tpu.memory_space<semaphore_mem>>)
      %dma_wait3A_845 = arith.constant 0 : i32
      %dma_wait3A_846 = tpu.memref_slice %arg4[%add3A_712, %dma_wait3A_845] : memref<128000x128xf32, #tpu.memory_space<hbm>> -> memref<400x128xf32, #tpu.memory_space<hbm>>
      %dma_wait3A_847 = arith.constant 0 : i32
      %dma_wait3A_848 = tpu.memref_slice %arg4[%add3A_712, %dma_wait3A_847] : memref<128000x128xf32, #tpu.memory_space<hbm>> -> memref<400x128xf32, #tpu.memory_space<hbm>>
      tpu.wait_dma2 semaphore(%run_scoped3A : memref<!tpu.dma_semaphore, #tpu.memory_space<semaphore_mem>>) src(%arg7 : memref<400x128xf32, #tpu.memory_space<vmem>>) dst(%dma_wait3A_848 : memref<400x128xf32, #tpu.memory_space<hbm>>)
      tpu.yield
    }) : () -> ()
    %dma_wait3A_713 = arith.constant 0 : i32
    %dma_wait3A_714 = arith.constant 0 : i32
    %dma_wait3A_715 = tpu.memref_slice %arg6[%dma_wait3A_713, %dma_wait3A_714] : memref<400x128xf32, #tpu.memory_space<vmem>> -> memref<80x128xf32, #tpu.memory_space<vmem>>
    %dma_wait3A_716 = arith.constant 3200 : i32
    %dma_wait3A_717 = tpu.memref_slice %arg5[%dma_wait3A_716] : memref<4000xi32, #tpu.memory_space<vmem>> -> memref<80xi32, #tpu.memory_space<vmem>>
    %dma_wait3A_718 = arith.constant 0 : i32
    %dma_wait3A_719 = arith.constant 0 : i32
    %dma_wait3A_720 = tpu.memref_slice %arg2[%dma_wait3A_718, %dma_wait3A_719] : memref<100000x128xf32, #tpu.memory_space<hbm>> -> memref<100000x128xf32, #tpu.memory_space<hbm>>
    tpu.wait_indirect_dma semaphore(%arg8 : memref<!tpu.dma_semaphore, #tpu.memory_space<semaphore_mem>>) src(%dma_wait3A_720 : memref<100000x128xf32, #tpu.memory_space<hbm>>) dst(%dma_wait3A_715 : memref<80x128xf32, #tpu.memory_space<vmem>>)
    %dma_wait3A_721 = arith.constant 80 : i32
    %dma_wait3A_722 = arith.constant 0 : i32
    %dma_wait3A_723 = tpu.memref_slice %arg6[%dma_wait3A_721, %dma_wait3A_722] : memref<400x128xf32, #tpu.memory_space<vmem>> -> memref<80x128xf32, #tpu.memory_space<vmem>>
    %dma_wait3A_724 = arith.constant 3280 : i32
    %dma_wait3A_725 = tpu.memref_slice %arg5[%dma_wait3A_724] : memref<4000xi32, #tpu.memory_space<vmem>> -> memref<80xi32, #tpu.memory_space<vmem>>
    %dma_wait3A_726 = arith.constant 0 : i32
    %dma_wait3A_727 = arith.constant 0 : i32
    %dma_wait3A_728 = tpu.memref_slice %arg2[%dma_wait3A_726, %dma_wait3A_727] : memref<100000x128xf32, #tpu.memory_space<hbm>> -> memref<100000x128xf32, #tpu.memory_space<hbm>>
    tpu.wait_indirect_dma semaphore(%arg8 : memref<!tpu.dma_semaphore, #tpu.memory_space<semaphore_mem>>) src(%dma_wait3A_728 : memref<100000x128xf32, #tpu.memory_space<hbm>>) dst(%dma_wait3A_723 : memref<80x128xf32, #tpu.memory_space<vmem>>)
    %dma_wait3A_729 = arith.constant 160 : i32
    %dma_wait3A_730 = arith.constant 0 : i32
    %dma_wait3A_731 = tpu.memref_slice %arg6[%dma_wait3A_729, %dma_wait3A_730] : memref<400x128xf32, #tpu.memory_space<vmem>> -> memref<80x128xf32, #tpu.memory_space<vmem>>
    %dma_wait3A_732 = arith.constant 3360 : i32
    %dma_wait3A_733 = tpu.memref_slice %arg5[%dma_wait3A_732] : memref<4000xi32, #tpu.memory_space<vmem>> -> memref<80xi32, #tpu.memory_space<vmem>>
    %dma_wait3A_734 = arith.constant 0 : i32
    %dma_wait3A_735 = arith.constant 0 : i32
    %dma_wait3A_736 = tpu.memref_slice %arg2[%dma_wait3A_734, %dma_wait3A_735] : memref<100000x128xf32, #tpu.memory_space<hbm>> -> memref<100000x128xf32, #tpu.memory_space<hbm>>
    tpu.wait_indirect_dma semaphore(%arg8 : memref<!tpu.dma_semaphore, #tpu.memory_space<semaphore_mem>>) src(%dma_wait3A_736 : memref<100000x128xf32, #tpu.memory_space<hbm>>) dst(%dma_wait3A_731 : memref<80x128xf32, #tpu.memory_space<vmem>>)
    %dma_wait3A_737 = arith.constant 240 : i32
    %dma_wait3A_738 = arith.constant 0 : i32
    %dma_wait3A_739 = tpu.memref_slice %arg6[%dma_wait3A_737, %dma_wait3A_738] : memref<400x128xf32, #tpu.memory_space<vmem>> -> memref<80x128xf32, #tpu.memory_space<vmem>>
    %dma_wait3A_740 = arith.constant 3440 : i32
    %dma_wait3A_741 = tpu.memref_slice %arg5[%dma_wait3A_740] : memref<4000xi32, #tpu.memory_space<vmem>> -> memref<80xi32, #tpu.memory_space<vmem>>
    %dma_wait3A_742 = arith.constant 0 : i32
    %dma_wait3A_743 = arith.constant 0 : i32
    %dma_wait3A_744 = tpu.memref_slice %arg2[%dma_wait3A_742, %dma_wait3A_743] : memref<100000x128xf32, #tpu.memory_space<hbm>> -> memref<100000x128xf32, #tpu.memory_space<hbm>>
    tpu.wait_indirect_dma semaphore(%arg8 : memref<!tpu.dma_semaphore, #tpu.memory_space<semaphore_mem>>) src(%dma_wait3A_744 : memref<100000x128xf32, #tpu.memory_space<hbm>>) dst(%dma_wait3A_739 : memref<80x128xf32, #tpu.memory_space<vmem>>)
    %dma_wait3A_745 = arith.constant 320 : i32
    %dma_wait3A_746 = arith.constant 0 : i32
    %dma_wait3A_747 = tpu.memref_slice %arg6[%dma_wait3A_745, %dma_wait3A_746] : memref<400x128xf32, #tpu.memory_space<vmem>> -> memref<80x128xf32, #tpu.memory_space<vmem>>
    %dma_wait3A_748 = arith.constant 3520 : i32
    %dma_wait3A_749 = tpu.memref_slice %arg5[%dma_wait3A_748] : memref<4000xi32, #tpu.memory_space<vmem>> -> memref<80xi32, #tpu.memory_space<vmem>>
    %dma_wait3A_750 = arith.constant 0 : i32
    %dma_wait3A_751 = arith.constant 0 : i32
    %dma_wait3A_752 = tpu.memref_slice %arg2[%dma_wait3A_750, %dma_wait3A_751] : memref<100000x128xf32, #tpu.memory_space<hbm>> -> memref<100000x128xf32, #tpu.memory_space<hbm>>
    tpu.wait_indirect_dma semaphore(%arg8 : memref<!tpu.dma_semaphore, #tpu.memory_space<semaphore_mem>>) src(%dma_wait3A_752 : memref<100000x128xf32, #tpu.memory_space<hbm>>) dst(%dma_wait3A_747 : memref<80x128xf32, #tpu.memory_space<vmem>>)
    %dma_start3A_753 = arith.constant 0 : i32
    %dma_start3A_754 = arith.constant 0 : i32
    %dma_start3A_755 = tpu.memref_slice %arg7[%dma_start3A_753, %dma_start3A_754] : memref<400x128xf32, #tpu.memory_space<vmem>> -> memref<80x128xf32, #tpu.memory_space<vmem>>
    %dma_start3A_756 = arith.constant 3600 : i32
    %dma_start3A_757 = tpu.memref_slice %arg5[%dma_start3A_756] : memref<4000xi32, #tpu.memory_space<vmem>> -> memref<80xi32, #tpu.memory_space<vmem>>
    %dma_start3A_758 = arith.constant 0 : i32
    %dma_start3A_759 = arith.constant 0 : i32
    %dma_start3A_760 = tpu.memref_slice %arg2[%dma_start3A_758, %dma_start3A_759] : memref<100000x128xf32, #tpu.memory_space<hbm>> -> memref<100000x128xf32, #tpu.memory_space<hbm>>
    tpu.enqueue_indirect_dma source(%dma_start3A_760 : memref<100000x128xf32, #tpu.memory_space<hbm>>) target(%dma_start3A_755 : memref<80x128xf32, #tpu.memory_space<vmem>>) offsets(%dma_start3A_757 : memref<80xi32, #tpu.memory_space<vmem>>) semaphore(%arg8 : memref<!tpu.dma_semaphore, #tpu.memory_space<semaphore_mem>>)
    %dma_start3A_761 = arith.constant 80 : i32
    %dma_start3A_762 = arith.constant 0 : i32
    %dma_start3A_763 = tpu.memref_slice %arg7[%dma_start3A_761, %dma_start3A_762] : memref<400x128xf32, #tpu.memory_space<vmem>> -> memref<80x128xf32, #tpu.memory_space<vmem>>
    %dma_start3A_764 = arith.constant 3680 : i32
    %dma_start3A_765 = tpu.memref_slice %arg5[%dma_start3A_764] : memref<4000xi32, #tpu.memory_space<vmem>> -> memref<80xi32, #tpu.memory_space<vmem>>
    %dma_start3A_766 = arith.constant 0 : i32
    %dma_start3A_767 = arith.constant 0 : i32
    %dma_start3A_768 = tpu.memref_slice %arg2[%dma_start3A_766, %dma_start3A_767] : memref<100000x128xf32, #tpu.memory_space<hbm>> -> memref<100000x128xf32, #tpu.memory_space<hbm>>
    tpu.enqueue_indirect_dma source(%dma_start3A_768 : memref<100000x128xf32, #tpu.memory_space<hbm>>) target(%dma_start3A_763 : memref<80x128xf32, #tpu.memory_space<vmem>>) offsets(%dma_start3A_765 : memref<80xi32, #tpu.memory_space<vmem>>) semaphore(%arg8 : memref<!tpu.dma_semaphore, #tpu.memory_space<semaphore_mem>>)
    %dma_start3A_769 = arith.constant 160 : i32
    %dma_start3A_770 = arith.constant 0 : i32
    %dma_start3A_771 = tpu.memref_slice %arg7[%dma_start3A_769, %dma_start3A_770] : memref<400x128xf32, #tpu.memory_space<vmem>> -> memref<80x128xf32, #tpu.memory_space<vmem>>
    %dma_start3A_772 = arith.constant 3760 : i32
    %dma_start3A_773 = tpu.memref_slice %arg5[%dma_start3A_772] : memref<4000xi32, #tpu.memory_space<vmem>> -> memref<80xi32, #tpu.memory_space<vmem>>
    %dma_start3A_774 = arith.constant 0 : i32
    %dma_start3A_775 = arith.constant 0 : i32
    %dma_start3A_776 = tpu.memref_slice %arg2[%dma_start3A_774, %dma_start3A_775] : memref<100000x128xf32, #tpu.memory_space<hbm>> -> memref<100000x128xf32, #tpu.memory_space<hbm>>
    tpu.enqueue_indirect_dma source(%dma_start3A_776 : memref<100000x128xf32, #tpu.memory_space<hbm>>) target(%dma_start3A_771 : memref<80x128xf32, #tpu.memory_space<vmem>>) offsets(%dma_start3A_773 : memref<80xi32, #tpu.memory_space<vmem>>) semaphore(%arg8 : memref<!tpu.dma_semaphore, #tpu.memory_space<semaphore_mem>>)
    %dma_start3A_777 = arith.constant 240 : i32
    %dma_start3A_778 = arith.constant 0 : i32
    %dma_start3A_779 = tpu.memref_slice %arg7[%dma_start3A_777, %dma_start3A_778] : memref<400x128xf32, #tpu.memory_space<vmem>> -> memref<80x128xf32, #tpu.memory_space<vmem>>
    %dma_start3A_780 = arith.constant 3840 : i32
    %dma_start3A_781 = tpu.memref_slice %arg5[%dma_start3A_780] : memref<4000xi32, #tpu.memory_space<vmem>> -> memref<80xi32, #tpu.memory_space<vmem>>
    %dma_start3A_782 = arith.constant 0 : i32
    %dma_start3A_783 = arith.constant 0 : i32
    %dma_start3A_784 = tpu.memref_slice %arg2[%dma_start3A_782, %dma_start3A_783] : memref<100000x128xf32, #tpu.memory_space<hbm>> -> memref<100000x128xf32, #tpu.memory_space<hbm>>
    tpu.enqueue_indirect_dma source(%dma_start3A_784 : memref<100000x128xf32, #tpu.memory_space<hbm>>) target(%dma_start3A_779 : memref<80x128xf32, #tpu.memory_space<vmem>>) offsets(%dma_start3A_781 : memref<80xi32, #tpu.memory_space<vmem>>) semaphore(%arg8 : memref<!tpu.dma_semaphore, #tpu.memory_space<semaphore_mem>>)
    %dma_start3A_785 = arith.constant 320 : i32
    %dma_start3A_786 = arith.constant 0 : i32
    %dma_start3A_787 = tpu.memref_slice %arg7[%dma_start3A_785, %dma_start3A_786] : memref<400x128xf32, #tpu.memory_space<vmem>> -> memref<80x128xf32, #tpu.memory_space<vmem>>
    %dma_start3A_788 = arith.constant 3920 : i32
    %dma_start3A_789 = tpu.memref_slice %arg5[%dma_start3A_788] : memref<4000xi32, #tpu.memory_space<vmem>> -> memref<80xi32, #tpu.memory_space<vmem>>
    %dma_start3A_790 = arith.constant 0 : i32
    %dma_start3A_791 = arith.constant 0 : i32
    %dma_start3A_792 = tpu.memref_slice %arg2[%dma_start3A_790, %dma_start3A_791] : memref<100000x128xf32, #tpu.memory_space<hbm>> -> memref<100000x128xf32, #tpu.memory_space<hbm>>
    tpu.enqueue_indirect_dma source(%dma_start3A_792 : memref<100000x128xf32, #tpu.memory_space<hbm>>) target(%dma_start3A_787 : memref<80x128xf32, #tpu.memory_space<vmem>>) offsets(%dma_start3A_789 : memref<80xi32, #tpu.memory_space<vmem>>) semaphore(%arg8 : memref<!tpu.dma_semaphore, #tpu.memory_space<semaphore_mem>>)
    %mul3A_793 = arith.constant 4000 : i32
    %mul3A_794 = arith.muli %add3A, %mul3A_793 : i32
    %add3A_795 = arith.constant 3200 : i32
    %add3A_796 = arith.addi %mul3A_794, %add3A_795 : i32
    "tpu.region"() ({
      %run_scoped3A = tpu.sem_alloc : memref<!tpu.dma_semaphore, #tpu.memory_space<semaphore_mem>>
      %dma_start3A_841 = arith.constant 0 : i32
      %dma_start3A_842 = tpu.memref_slice %arg4[%add3A_796, %dma_start3A_841] : memref<128000x128xf32, #tpu.memory_space<hbm>> -> memref<400x128xf32, #tpu.memory_space<hbm>>
      %dma_start3A_843 = arith.constant 0 : i32
      %dma_start3A_844 = tpu.memref_slice %arg4[%add3A_796, %dma_start3A_843] : memref<128000x128xf32, #tpu.memory_space<hbm>> -> memref<400x128xf32, #tpu.memory_space<hbm>>
      tpu.enqueue_dma source(%arg6 : memref<400x128xf32, #tpu.memory_space<vmem>>) target(%dma_start3A_844 : memref<400x128xf32, #tpu.memory_space<hbm>>) target_semaphore(%run_scoped3A : memref<!tpu.dma_semaphore, #tpu.memory_space<semaphore_mem>>)
      %dma_wait3A_845 = arith.constant 0 : i32
      %dma_wait3A_846 = tpu.memref_slice %arg4[%add3A_796, %dma_wait3A_845] : memref<128000x128xf32, #tpu.memory_space<hbm>> -> memref<400x128xf32, #tpu.memory_space<hbm>>
      %dma_wait3A_847 = arith.constant 0 : i32
      %dma_wait3A_848 = tpu.memref_slice %arg4[%add3A_796, %dma_wait3A_847] : memref<128000x128xf32, #tpu.memory_space<hbm>> -> memref<400x128xf32, #tpu.memory_space<hbm>>
      tpu.wait_dma2 semaphore(%run_scoped3A : memref<!tpu.dma_semaphore, #tpu.memory_space<semaphore_mem>>) src(%arg6 : memref<400x128xf32, #tpu.memory_space<vmem>>) dst(%dma_wait3A_848 : memref<400x128xf32, #tpu.memory_space<hbm>>)
      tpu.yield
    }) : () -> ()
    %dma_wait3A_797 = arith.constant 0 : i32
    %dma_wait3A_798 = arith.constant 0 : i32
    %dma_wait3A_799 = tpu.memref_slice %arg7[%dma_wait3A_797, %dma_wait3A_798] : memref<400x128xf32, #tpu.memory_space<vmem>> -> memref<80x128xf32, #tpu.memory_space<vmem>>
    %dma_wait3A_800 = arith.constant 3600 : i32
    %dma_wait3A_801 = tpu.memref_slice %arg5[%dma_wait3A_800] : memref<4000xi32, #tpu.memory_space<vmem>> -> memref<80xi32, #tpu.memory_space<vmem>>
    %dma_wait3A_802 = arith.constant 0 : i32
    %dma_wait3A_803 = arith.constant 0 : i32
    %dma_wait3A_804 = tpu.memref_slice %arg2[%dma_wait3A_802, %dma_wait3A_803] : memref<100000x128xf32, #tpu.memory_space<hbm>> -> memref<100000x128xf32, #tpu.memory_space<hbm>>
    tpu.wait_indirect_dma semaphore(%arg8 : memref<!tpu.dma_semaphore, #tpu.memory_space<semaphore_mem>>) src(%dma_wait3A_804 : memref<100000x128xf32, #tpu.memory_space<hbm>>) dst(%dma_wait3A_799 : memref<80x128xf32, #tpu.memory_space<vmem>>)
    %dma_wait3A_805 = arith.constant 80 : i32
    %dma_wait3A_806 = arith.constant 0 : i32
    %dma_wait3A_807 = tpu.memref_slice %arg7[%dma_wait3A_805, %dma_wait3A_806] : memref<400x128xf32, #tpu.memory_space<vmem>> -> memref<80x128xf32, #tpu.memory_space<vmem>>
    %dma_wait3A_808 = arith.constant 3680 : i32
    %dma_wait3A_809 = tpu.memref_slice %arg5[%dma_wait3A_808] : memref<4000xi32, #tpu.memory_space<vmem>> -> memref<80xi32, #tpu.memory_space<vmem>>
    %dma_wait3A_810 = arith.constant 0 : i32
    %dma_wait3A_811 = arith.constant 0 : i32
    %dma_wait3A_812 = tpu.memref_slice %arg2[%dma_wait3A_810, %dma_wait3A_811] : memref<100000x128xf32, #tpu.memory_space<hbm>> -> memref<100000x128xf32, #tpu.memory_space<hbm>>
    tpu.wait_indirect_dma semaphore(%arg8 : memref<!tpu.dma_semaphore, #tpu.memory_space<semaphore_mem>>) src(%dma_wait3A_812 : memref<100000x128xf32, #tpu.memory_space<hbm>>) dst(%dma_wait3A_807 : memref<80x128xf32, #tpu.memory_space<vmem>>)
    %dma_wait3A_813 = arith.constant 160 : i32
    %dma_wait3A_814 = arith.constant 0 : i32
    %dma_wait3A_815 = tpu.memref_slice %arg7[%dma_wait3A_813, %dma_wait3A_814] : memref<400x128xf32, #tpu.memory_space<vmem>> -> memref<80x128xf32, #tpu.memory_space<vmem>>
    %dma_wait3A_816 = arith.constant 3760 : i32
    %dma_wait3A_817 = tpu.memref_slice %arg5[%dma_wait3A_816] : memref<4000xi32, #tpu.memory_space<vmem>> -> memref<80xi32, #tpu.memory_space<vmem>>
    %dma_wait3A_818 = arith.constant 0 : i32
    %dma_wait3A_819 = arith.constant 0 : i32
    %dma_wait3A_820 = tpu.memref_slice %arg2[%dma_wait3A_818, %dma_wait3A_819] : memref<100000x128xf32, #tpu.memory_space<hbm>> -> memref<100000x128xf32, #tpu.memory_space<hbm>>
    tpu.wait_indirect_dma semaphore(%arg8 : memref<!tpu.dma_semaphore, #tpu.memory_space<semaphore_mem>>) src(%dma_wait3A_820 : memref<100000x128xf32, #tpu.memory_space<hbm>>) dst(%dma_wait3A_815 : memref<80x128xf32, #tpu.memory_space<vmem>>)
    %dma_wait3A_821 = arith.constant 240 : i32
    %dma_wait3A_822 = arith.constant 0 : i32
    %dma_wait3A_823 = tpu.memref_slice %arg7[%dma_wait3A_821, %dma_wait3A_822] : memref<400x128xf32, #tpu.memory_space<vmem>> -> memref<80x128xf32, #tpu.memory_space<vmem>>
    %dma_wait3A_824 = arith.constant 3840 : i32
    %dma_wait3A_825 = tpu.memref_slice %arg5[%dma_wait3A_824] : memref<4000xi32, #tpu.memory_space<vmem>> -> memref<80xi32, #tpu.memory_space<vmem>>
    %dma_wait3A_826 = arith.constant 0 : i32
    %dma_wait3A_827 = arith.constant 0 : i32
    %dma_wait3A_828 = tpu.memref_slice %arg2[%dma_wait3A_826, %dma_wait3A_827] : memref<100000x128xf32, #tpu.memory_space<hbm>> -> memref<100000x128xf32, #tpu.memory_space<hbm>>
    tpu.wait_indirect_dma semaphore(%arg8 : memref<!tpu.dma_semaphore, #tpu.memory_space<semaphore_mem>>) src(%dma_wait3A_828 : memref<100000x128xf32, #tpu.memory_space<hbm>>) dst(%dma_wait3A_823 : memref<80x128xf32, #tpu.memory_space<vmem>>)
    %dma_wait3A_829 = arith.constant 320 : i32
    %dma_wait3A_830 = arith.constant 0 : i32
    %dma_wait3A_831 = tpu.memref_slice %arg7[%dma_wait3A_829, %dma_wait3A_830] : memref<400x128xf32, #tpu.memory_space<vmem>> -> memref<80x128xf32, #tpu.memory_space<vmem>>
    %dma_wait3A_832 = arith.constant 3920 : i32
    %dma_wait3A_833 = tpu.memref_slice %arg5[%dma_wait3A_832] : memref<4000xi32, #tpu.memory_space<vmem>> -> memref<80xi32, #tpu.memory_space<vmem>>
    %dma_wait3A_834 = arith.constant 0 : i32
    %dma_wait3A_835 = arith.constant 0 : i32
    %dma_wait3A_836 = tpu.memref_slice %arg2[%dma_wait3A_834, %dma_wait3A_835] : memref<100000x128xf32, #tpu.memory_space<hbm>> -> memref<100000x128xf32, #tpu.memory_space<hbm>>
    tpu.wait_indirect_dma semaphore(%arg8 : memref<!tpu.dma_semaphore, #tpu.memory_space<semaphore_mem>>) src(%dma_wait3A_836 : memref<100000x128xf32, #tpu.memory_space<hbm>>) dst(%dma_wait3A_831 : memref<80x128xf32, #tpu.memory_space<vmem>>)
    %mul3A_837 = arith.constant 4000 : i32
    %mul3A_838 = arith.muli %add3A, %mul3A_837 : i32
    %add3A_839 = arith.constant 3600 : i32
    %add3A_840 = arith.addi %mul3A_838, %add3A_839 : i32
    "tpu.region"() ({
      %run_scoped3A = tpu.sem_alloc : memref<!tpu.dma_semaphore, #tpu.memory_space<semaphore_mem>>
      %dma_start3A_841 = arith.constant 0 : i32
      %dma_start3A_842 = tpu.memref_slice %arg4[%add3A_840, %dma_start3A_841] : memref<128000x128xf32, #tpu.memory_space<hbm>> -> memref<400x128xf32, #tpu.memory_space<hbm>>
      %dma_start3A_843 = arith.constant 0 : i32
      %dma_start3A_844 = tpu.memref_slice %arg4[%add3A_840, %dma_start3A_843] : memref<128000x128xf32, #tpu.memory_space<hbm>> -> memref<400x128xf32, #tpu.memory_space<hbm>>
      tpu.enqueue_dma source(%arg7 : memref<400x128xf32, #tpu.memory_space<vmem>>) target(%dma_start3A_844 : memref<400x128xf32, #tpu.memory_space<hbm>>) target_semaphore(%run_scoped3A : memref<!tpu.dma_semaphore, #tpu.memory_space<semaphore_mem>>)
      %dma_wait3A_845 = arith.constant 0 : i32
      %dma_wait3A_846 = tpu.memref_slice %arg4[%add3A_840, %dma_wait3A_845] : memref<128000x128xf32, #tpu.memory_space<hbm>> -> memref<400x128xf32, #tpu.memory_space<hbm>>
      %dma_wait3A_847 = arith.constant 0 : i32
      %dma_wait3A_848 = tpu.memref_slice %arg4[%add3A_840, %dma_wait3A_847] : memref<128000x128xf32, #tpu.memory_space<hbm>> -> memref<400x128xf32, #tpu.memory_space<hbm>>
      tpu.wait_dma2 semaphore(%run_scoped3A : memref<!tpu.dma_semaphore, #tpu.memory_space<semaphore_mem>>) src(%arg7 : memref<400x128xf32, #tpu.memory_space<vmem>>) dst(%dma_wait3A_848 : memref<400x128xf32, #tpu.memory_space<hbm>>)
      tpu.yield
    }) : () -> ()
    return
  }
}

module attributes {stable_mosaic.version = 14 : i64} {
  func.func @_tc_body(%arg0: i32, %arg1: memref<128x200xi32, #tpu.memory_space<vmem>>, %arg2: memref<128x50xi32, #tpu.memory_space<vmem>>, %arg3: memref<25600x128xf32, #tpu.memory_space<vmem>>, %arg4: memref<6400x128xf32, #tpu.memory_space<vmem>>, %arg5: memref<1x384xf32, #tpu.memory_space<vmem>>, %arg6: memref<1x384xf32, #tpu.memory_space<vmem>>, %arg7: memref<1x1xf32, #tpu.memory_space<vmem>>, %arg8: memref<1x1xf32, #tpu.memory_space<vmem>>, %arg9: memref<128x200xf32, #tpu.memory_space<vmem>>, %arg10: memref<128x200xf32, #tpu.memory_space<vmem>>, %arg11: memref<128x200xf32, #tpu.memory_space<vmem>>, %arg12: memref<128x200xf32, #tpu.memory_space<vmem>>) attributes {dimension_semantics = [#tpu.dimension_semantics<arbitrary>], iteration_bounds = array<i64: 4>, scalar_prefetch = 0 : i64, scratch_operands = 0 : i64, tpu.core_type = #tpu.core_type<tc>, window_params = [{transform_indices = @transform_0, window_bounds = array<i64: 128, 200>}, {transform_indices = @transform_1, window_bounds = array<i64: 128, 50>}, {transform_indices = @transform_2, window_bounds = array<i64: 25600, 128>}, {transform_indices = @transform_3, window_bounds = array<i64: 6400, 128>}, {pipeline_mode = #tpu.pipeline_mode<synchronous>, transform_indices = @transform_4, window_bounds = array<i64: 1, 384>}, {pipeline_mode = #tpu.pipeline_mode<synchronous>, transform_indices = @transform_5, window_bounds = array<i64: 1, 384>}, {pipeline_mode = #tpu.pipeline_mode<synchronous>, transform_indices = @transform_6, window_bounds = array<i64: 1, 1>}, {pipeline_mode = #tpu.pipeline_mode<synchronous>, transform_indices = @transform_7, window_bounds = array<i64: 1, 1>}, {transform_indices = @transform_8, window_bounds = array<i64: 128, 200>}, {transform_indices = @transform_9, window_bounds = array<i64: 128, 200>}, {transform_indices = @transform_10, window_bounds = array<i64: 128, 200>}, {transform_indices = @transform_11, window_bounds = array<i64: 128, 200>}]} {
    %get3A = arith.constant 0 : index
    %get3A_0 = arith.constant 0 : index
    %get3A_1 = vector.load %arg1[%get3A, %get3A_0] : memref<128x200xi32, #tpu.memory_space<vmem>>, vector<128x200xi32>
    %get3A_2 = arith.constant 0 : index
    %get3A_3 = arith.constant 0 : index
    %get3A_4 = vector.load %arg2[%get3A_2, %get3A_3] : memref<128x50xi32, #tpu.memory_space<vmem>>, vector<128x50xi32>
    %get3A_5 = arith.constant 0 : index
    %get3A_6 = arith.constant 0 : index
    %get3A_7 = vector.load %arg3[%get3A_5, %get3A_6] : memref<25600x128xf32, #tpu.memory_space<vmem>>, vector<25600x128xf32>
    %get3A_8 = arith.constant 0 : index
    %get3A_9 = arith.constant 0 : index
    %get3A_10 = vector.load %arg4[%get3A_8, %get3A_9] : memref<6400x128xf32, #tpu.memory_space<vmem>>, vector<6400x128xf32>
    %get3A_11 = arith.constant 0 : index
    %get3A_12 = arith.constant 0 : index
    %get3A_13 = vector.load %arg5[%get3A_11, %get3A_12] : memref<1x384xf32, #tpu.memory_space<vmem>>, vector<1x384xf32>
    %get3A_14 = arith.constant 0 : index
    %get3A_15 = arith.constant 0 : index
    %get3A_16 = vector.load %arg6[%get3A_14, %get3A_15] : memref<1x384xf32, #tpu.memory_space<vmem>>, vector<1x384xf32>
    %ne3A = arith.constant 0 : i32
    %ne3A_17 = vector.broadcast %ne3A : i32 to vector<128x50xi32>
    %ne3A_18 = arith.cmpi ne, %get3A_4, %ne3A_17 : vector<128x50xi32>
    %convert_element_type3A = arith.extui %ne3A_18 : vector<128x50xi1> to vector<128x50xi32>
    %convert_element_type3A_19 = arith.sitofp %convert_element_type3A : vector<128x50xi32> to vector<128x50xf32>
    %broadcast_in_dim3A = arith.constant 1.000000e+00 : f32
    %broadcast_in_dim3A_20 = vector.broadcast %broadcast_in_dim3A : f32 to vector<1x50xf32>
    %dot_general3A = arith.constant dense<0.000000e+00> : vector<128x1xf32>
    %dot_general3A_21 = tpu.matmul %convert_element_type3A_19, %broadcast_in_dim3A_20, %dot_general3A {dimension_numbers = #tpu.dot_dimension_numbers<[1], [1], [0], [0], [0, 0, 1, 0], [], []>, precision = #tpu.contract_precision<fp32>, transpose_lhs_hint = false} : vector<128x50xf32>, vector<1x50xf32>, vector<128x1xf32> -> vector<128x1xf32>
    %reshape3A = vector.shape_cast %get3A_10 : vector<6400x128xf32> to vector<128x50x128xf32>
    %reduce_sum3A = arith.constant dense<0.000000e+00> : vector<128x128xf32>
    %reduce_sum3A_22 = vector.multi_reduction <add>, %reshape3A, %reduce_sum3A [1] : vector<128x50x128xf32> to vector<128x128xf32>
    %div3A = vector.broadcast %dot_general3A_21 : vector<128x1xf32> to vector<128x128xf32>
    %div3A_23 = arith.divf %reduce_sum3A_22, %div3A : vector<128x128xf32>
    %slice3A = vector.extract_strided_slice %get3A_13 {offsets = [0, 0], sizes = [1, 128], strides = [1, 1]} : vector<1x384xf32> to vector<1x128xf32>
    %slice3A_24 = vector.extract_strided_slice %get3A_13 {offsets = [0, 128], sizes = [1, 128], strides = [1, 1]} : vector<1x384xf32> to vector<1x128xf32>
    %slice3A_25 = vector.extract_strided_slice %get3A_13 {offsets = [0, 256], sizes = [1, 128], strides = [1, 1]} : vector<1x384xf32> to vector<1x128xf32>
    %slice3A_26 = vector.extract_strided_slice %get3A_16 {offsets = [0, 0], sizes = [1, 128], strides = [1, 1]} : vector<1x384xf32> to vector<1x128xf32>
    %slice3A_27 = vector.extract_strided_slice %get3A_16 {offsets = [0, 128], sizes = [1, 128], strides = [1, 1]} : vector<1x384xf32> to vector<1x128xf32>
    %slice3A_28 = vector.extract_strided_slice %get3A_16 {offsets = [0, 256], sizes = [1, 128], strides = [1, 1]} : vector<1x384xf32> to vector<1x128xf32>
    %mul3A = vector.broadcast %slice3A_25 : vector<1x128xf32> to vector<128x128xf32>
    %mul3A_29 = arith.mulf %mul3A, %div3A_23 : vector<128x128xf32>
    %add3A = vector.broadcast %slice3A : vector<1x128xf32> to vector<128x128xf32>
    %add3A_30 = arith.addf %add3A, %mul3A_29 : vector<128x128xf32>
    %mul3A_31 = vector.broadcast %slice3A_28 : vector<1x128xf32> to vector<128x128xf32>
    %mul3A_32 = arith.mulf %mul3A_31, %div3A_23 : vector<128x128xf32>
    %add3A_33 = vector.broadcast %slice3A_26 : vector<1x128xf32> to vector<128x128xf32>
    %add3A_34 = arith.addf %add3A_33, %mul3A_32 : vector<128x128xf32>
    %broadcast_in_dim3A_35 = vector.shape_cast %add3A_30 : vector<128x128xf32> to vector<128x1x128xf32>
    %broadcast_in_dim3A_36 = vector.shape_cast %add3A_34 : vector<128x128xf32> to vector<128x1x128xf32>
    %concatenate3A = tpu.concatenate %broadcast_in_dim3A_35, %broadcast_in_dim3A_36 in 1 : vector<128x1x128xf32>, vector<128x1x128xf32> -> vector<128x2x128xf32>
    %mul3A_37 = vector.broadcast %slice3A_24 : vector<1x128xf32> to vector<128x128xf32>
    %mul3A_38 = arith.mulf %div3A_23, %mul3A_37 : vector<128x128xf32>
    %reduce_sum3A_39 = arith.constant dense<0.000000e+00> : vector<128xf32>
    %reduce_sum3A_40 = vector.multi_reduction <add>, %mul3A_38, %reduce_sum3A_39 [1] : vector<128x128xf32> to vector<128xf32>
    %broadcast_in_dim3A_41 = vector.shape_cast %reduce_sum3A_40 : vector<128xf32> to vector<128x1xf32>
    %get3A_42 = arith.constant 0 : index
    %get3A_43 = arith.constant 0 : index
    %get3A_44 = vector.load %arg7[%get3A_42, %get3A_43] : memref<1x1xf32, #tpu.memory_space<vmem>>, vector<1x1xf32>
    %get3A_45 = vector.extract %get3A_44[0, 0] : f32 from vector<1x1xf32>
    %add3A_46 = vector.broadcast %get3A_45 : f32 to vector<128x1xf32>
    %add3A_47 = arith.addf %broadcast_in_dim3A_41, %add3A_46 : vector<128x1xf32>
    %mul3A_48 = vector.broadcast %slice3A_27 : vector<1x128xf32> to vector<128x128xf32>
    %mul3A_49 = arith.mulf %div3A_23, %mul3A_48 : vector<128x128xf32>
    %reduce_sum3A_50 = arith.constant dense<0.000000e+00> : vector<128xf32>
    %reduce_sum3A_51 = vector.multi_reduction <add>, %mul3A_49, %reduce_sum3A_50 [1] : vector<128x128xf32> to vector<128xf32>
    %broadcast_in_dim3A_52 = vector.shape_cast %reduce_sum3A_51 : vector<128xf32> to vector<128x1xf32>
    %get3A_53 = arith.constant 0 : index
    %get3A_54 = arith.constant 0 : index
    %get3A_55 = vector.load %arg8[%get3A_53, %get3A_54] : memref<1x1xf32, #tpu.memory_space<vmem>>, vector<1x1xf32>
    %get3A_56 = vector.extract %get3A_55[0, 0] : f32 from vector<1x1xf32>
    %add3A_57 = vector.broadcast %get3A_56 : f32 to vector<128x1xf32>
    %add3A_58 = arith.addf %broadcast_in_dim3A_52, %add3A_57 : vector<128x1xf32>
    %reshape3A_59 = vector.shape_cast %get3A_7 : vector<25600x128xf32> to vector<128x200x128xf32>
    %dot_general3A_60 = arith.constant dense<0.000000e+00> : vector<128x2x200xf32>
    %dot_general3A_61 = tpu.matmul %concatenate3A, %reshape3A_59, %dot_general3A_60 {dimension_numbers = #tpu.dot_dimension_numbers<[2], [2], [1], [1], [0, 0, 0, 1, 1, 1], [0], [0]>, transpose_lhs_hint = false} : vector<128x2x128xf32>, vector<128x200x128xf32>, vector<128x2x200xf32> -> vector<128x2x200xf32>
    %slice3A_62 = vector.extract_strided_slice %dot_general3A_61 {offsets = [0, 0, 0], sizes = [128, 1, 200], strides = [1, 1, 1]} : vector<128x2x200xf32> to vector<128x1x200xf32>
    %squeeze3A = vector.shape_cast %slice3A_62 : vector<128x1x200xf32> to vector<128x200xf32>
    %add3A_63 = vector.broadcast %add3A_47 : vector<128x1xf32> to vector<128x200xf32>
    %add3A_64 = arith.addf %squeeze3A, %add3A_63 : vector<128x200xf32>
    %slice3A_65 = vector.extract_strided_slice %dot_general3A_61 {offsets = [0, 1, 0], sizes = [128, 1, 200], strides = [1, 1, 1]} : vector<128x2x200xf32> to vector<128x1x200xf32>
    %squeeze3A_66 = vector.shape_cast %slice3A_65 : vector<128x1x200xf32> to vector<128x200xf32>
    %add3A_67 = vector.broadcast %add3A_58 : vector<128x1xf32> to vector<128x200xf32>
    %add3A_68 = arith.addf %squeeze3A_66, %add3A_67 : vector<128x200xf32>
    %ne3A_69 = arith.constant 0 : i32
    %ne3A_70 = vector.broadcast %ne3A_69 : i32 to vector<128x200xi32>
    %ne3A_71 = arith.cmpi ne, %get3A_1, %ne3A_70 : vector<128x200xi32>
    %broadcast_in_dim3A_72 = arith.constant 1.000000e+00 : f32
    %broadcast_in_dim3A_73 = vector.broadcast %broadcast_in_dim3A_72 : f32 to vector<1x200xf32>
    %slice3A_74 = vector.extract_strided_slice %get3A_13 {offsets = [0, 0], sizes = [1, 1], strides = [1, 1]} : vector<1x384xf32> to vector<1x1xf32>
    %mul3A_75 = arith.constant 0.000000e+00 : f32
    %mul3A_76 = vector.broadcast %mul3A_75 : f32 to vector<1x1xf32>
    %mul3A_77 = arith.mulf %slice3A_74, %mul3A_76 : vector<1x1xf32>
    %add3A_78 = arith.constant 1.401300e-45 : f32
    %add3A_79 = vector.broadcast %add3A_78 : f32 to vector<1x1xf32>
    %add3A_80 = arith.addf %mul3A_77, %add3A_79 : vector<1x1xf32>
    %log3A = math.log %add3A_80 : vector<1x1xf32>
    %jit3A = arith.constant -1.000000e+07 : f32
    %broadcast_in_dim3A_81 = vector.broadcast %jit3A : f32 to vector<128x200xf32>
    %select_n3A = arith.select %ne3A_71, %add3A_64, %broadcast_in_dim3A_81 : vector<128x200xi1>, vector<128x200xf32>
    %add3A_82 = vector.broadcast %log3A : vector<1x1xf32> to vector<128x200xf32>
    %add3A_83 = arith.addf %select_n3A, %add3A_82 : vector<128x200xf32>
    %select_n3A_84 = arith.select %ne3A_71, %select_n3A, %add3A_83 : vector<128x200xi1>, vector<128x200xf32>
    %reduce_max3A = arith.constant dense<0xFF800000> : vector<128xf32>
    %reduce_max3A_85 = vector.multi_reduction <maximumf>, %select_n3A_84, %reduce_max3A [1] : vector<128x200xf32> to vector<128xf32>
    %broadcast_in_dim3A_86 = vector.shape_cast %reduce_max3A_85 : vector<128xf32> to vector<128x1xf32>
    %sub3A = vector.broadcast %broadcast_in_dim3A_86 : vector<128x1xf32> to vector<128x200xf32>
    %sub3A_87 = arith.subf %select_n3A_84, %sub3A : vector<128x200xf32>
    %exp3A = math.exp %sub3A_87 : vector<128x200xf32>
    %dot_general3A_88 = arith.constant dense<0.000000e+00> : vector<128x1xf32>
    %dot_general3A_89 = tpu.matmul %exp3A, %broadcast_in_dim3A_73, %dot_general3A_88 {dimension_numbers = #tpu.dot_dimension_numbers<[1], [1], [0], [0], [0, 0, 1, 0], [], []>, precision = #tpu.contract_precision<fp32>, transpose_lhs_hint = false} : vector<128x200xf32>, vector<1x200xf32>, vector<128x1xf32> -> vector<128x1xf32>
    %log3A_90 = math.log %dot_general3A_89 : vector<128x1xf32>
    %sub3A_91 = vector.broadcast %log3A_90 : vector<128x1xf32> to vector<128x200xf32>
    %sub3A_92 = arith.subf %sub3A_87, %sub3A_91 : vector<128x200xf32>
    %swap3A = arith.constant 0 : index
    %swap3A_93 = arith.constant 0 : index
    %swap3A_94 = vector.load %arg9[%swap3A, %swap3A_93] : memref<128x200xf32, #tpu.memory_space<vmem>>, vector<128x200xf32>
    tpu.vector_store %arg9[%swap3A, %swap3A_93], %select_n3A {strides = array<i32>} : memref<128x200xf32, #tpu.memory_space<vmem>>, vector<128x200xf32>,
    %swap3A_95 = arith.constant 0 : index
    %swap3A_96 = arith.constant 0 : index
    %swap3A_97 = vector.load %arg11[%swap3A_95, %swap3A_96] : memref<128x200xf32, #tpu.memory_space<vmem>>, vector<128x200xf32>
    tpu.vector_store %arg11[%swap3A_95, %swap3A_96], %sub3A_92 {strides = array<i32>} : memref<128x200xf32, #tpu.memory_space<vmem>>, vector<128x200xf32>,
    %jit3A_98 = arith.constant -1.000000e+07 : f32
    %broadcast_in_dim3A_99 = vector.broadcast %jit3A_98 : f32 to vector<128x200xf32>
    %select_n3A_100 = arith.select %ne3A_71, %add3A_68, %broadcast_in_dim3A_99 : vector<128x200xi1>, vector<128x200xf32>
    %add3A_101 = vector.broadcast %log3A : vector<1x1xf32> to vector<128x200xf32>
    %add3A_102 = arith.addf %select_n3A_100, %add3A_101 : vector<128x200xf32>
    %select_n3A_103 = arith.select %ne3A_71, %select_n3A_100, %add3A_102 : vector<128x200xi1>, vector<128x200xf32>
    %reduce_max3A_104 = arith.constant dense<0xFF800000> : vector<128xf32>
    %reduce_max3A_105 = vector.multi_reduction <maximumf>, %select_n3A_103, %reduce_max3A_104 [1] : vector<128x200xf32> to vector<128xf32>
    %broadcast_in_dim3A_106 = vector.shape_cast %reduce_max3A_105 : vector<128xf32> to vector<128x1xf32>
    %sub3A_107 = vector.broadcast %broadcast_in_dim3A_106 : vector<128x1xf32> to vector<128x200xf32>
    %sub3A_108 = arith.subf %select_n3A_103, %sub3A_107 : vector<128x200xf32>
    %exp3A_109 = math.exp %sub3A_108 : vector<128x200xf32>
    %dot_general3A_110 = arith.constant dense<0.000000e+00> : vector<128x1xf32>
    %dot_general3A_111 = tpu.matmul %exp3A_109, %broadcast_in_dim3A_73, %dot_general3A_110 {dimension_numbers = #tpu.dot_dimension_numbers<[1], [1], [0], [0], [0, 0, 1, 0], [], []>, precision = #tpu.contract_precision<fp32>, transpose_lhs_hint = false} : vector<128x200xf32>, vector<1x200xf32>, vector<128x1xf32> -> vector<128x1xf32>
    %log3A_112 = math.log %dot_general3A_111 : vector<128x1xf32>
    %sub3A_113 = vector.broadcast %log3A_112 : vector<128x1xf32> to vector<128x200xf32>
    %sub3A_114 = arith.subf %sub3A_108, %sub3A_113 : vector<128x200xf32>
    %swap3A_115 = arith.constant 0 : index
    %swap3A_116 = arith.constant 0 : index
    %swap3A_117 = vector.load %arg10[%swap3A_115, %swap3A_116] : memref<128x200xf32, #tpu.memory_space<vmem>>, vector<128x200xf32>
    tpu.vector_store %arg10[%swap3A_115, %swap3A_116], %select_n3A_100 {strides = array<i32>} : memref<128x200xf32, #tpu.memory_space<vmem>>, vector<128x200xf32>,
    %swap3A_118 = arith.constant 0 : index
    %swap3A_119 = arith.constant 0 : index
    %swap3A_120 = vector.load %arg12[%swap3A_118, %swap3A_119] : memref<128x200xf32, #tpu.memory_space<vmem>>, vector<128x200xf32>
    tpu.vector_store %arg12[%swap3A_118, %swap3A_119], %sub3A_114 {strides = array<i32>} : memref<128x200xf32, #tpu.memory_space<vmem>>, vector<128x200xf32>,
    return
  }
  func.func @transform_0(%arg0: i32) -> (i32, i32) {
    %c0_i32 = arith.constant 0 : i32
    %c0_i32_0 = arith.constant 0 : i32
    return %arg0, %c0_i32 : i32, i32
  }
  func.func @transform_1(%arg0: i32) -> (i32, i32) {
    %c0_i32 = arith.constant 0 : i32
    %c0_i32_0 = arith.constant 0 : i32
    return %arg0, %c0_i32 : i32, i32
  }
  func.func @transform_2(%arg0: i32) -> (i32, i32) {
    %c0_i32 = arith.constant 0 : i32
    %c0_i32_0 = arith.constant 0 : i32
    return %arg0, %c0_i32 : i32, i32
  }
  func.func @transform_3(%arg0: i32) -> (i32, i32) {
    %add3A = arith.constant 16 : i32
    %add3A_0 = arith.addi %add3A, %arg0 : i32
    %c0_i32 = arith.constant 0 : i32
    %c0_i32_1 = arith.constant 0 : i32
    return %add3A_0, %c0_i32 : i32, i32
  }
  func.func @transform_4(%arg0: i32) -> (i32, i32) {
    %c0_i32 = arith.constant 0 : i32
    %c0_i32_0 = arith.constant 0 : i32
    %c0_i32_1 = arith.constant 0 : i32
    return %c0_i32, %c0_i32_0 : i32, i32
  }
  func.func @transform_5(%arg0: i32) -> (i32, i32) {
    %c0_i32 = arith.constant 0 : i32
    %c0_i32_0 = arith.constant 0 : i32
    %c0_i32_1 = arith.constant 0 : i32
    return %c0_i32, %c0_i32_0 : i32, i32
  }
  func.func @transform_6(%arg0: i32) -> (i32, i32) {
    %c0_i32 = arith.constant 0 : i32
    %c0_i32_0 = arith.constant 0 : i32
    %c0_i32_1 = arith.constant 0 : i32
    return %c0_i32, %c0_i32_0 : i32, i32
  }
  func.func @transform_7(%arg0: i32) -> (i32, i32) {
    %c0_i32 = arith.constant 0 : i32
    %c0_i32_0 = arith.constant 0 : i32
    %c0_i32_1 = arith.constant 0 : i32
    return %c0_i32, %c0_i32_0 : i32, i32
  }
  func.func @transform_8(%arg0: i32) -> (i32, i32) {
    %c0_i32 = arith.constant 0 : i32
    %c0_i32_0 = arith.constant 0 : i32
    return %arg0, %c0_i32 : i32, i32
  }
  func.func @transform_9(%arg0: i32) -> (i32, i32) {
    %c0_i32 = arith.constant 0 : i32
    %c0_i32_0 = arith.constant 0 : i32
    return %arg0, %c0_i32 : i32, i32
  }
  func.func @transform_10(%arg0: i32) -> (i32, i32) {
    %c0_i32 = arith.constant 0 : i32
    %c0_i32_0 = arith.constant 0 : i32
    return %arg0, %c0_i32 : i32, i32
  }
  func.func @transform_11(%arg0: i32) -> (i32, i32) {
    %c0_i32 = arith.constant 0 : i32
    %c0_i32_0 = arith.constant 0 : i32
    return %arg0, %c0_i32 : i32, i32
  }
}

</mosaic_0001>

<sc_bundles>
// kernel: kernel.6.cloned.1.call-start
scs
__scs_entry_jumppad:
0x0: {  	(pc) =	sbr.rel $0x88, $3  }
0x1: {  	(tag) =	ssettag $0x0;
	lr =	simm.s32 $0x1  }
0x2: {  	[smem:$0x3F9A] =	sst lr;
	_ =	strace $0xD0000000  }
0x3: {  	_ = 	snop  }
0x4: {  	_ = 	snop  }
0x5: {  	_ = 	snop  }
0x6: {  	_ = 	snop  }
0x7: {  	_ = 	snop  }
__scs_overlays_trampoline_lowered:
0x8: {  	[smem:$0x3FA9] =	sst s0  }
0x9: {  	[smem:$0x3FAA] =	sst s1  }
0xa: {  	[smem:$0x3FAB] =	sst s2  }
0xb: {  	[smem:$0x3FAC] =	sst s3  }
0xc: {  	[smem:$0x3FAD] =	sst s4  }
0xd: {  	[smem:$0x3FAE] =	sst s5  }
0xe: {  	[smem:$0x3FAF] =	sst s6  }
0xf: {  	[smem:$0x3FB0] =	sst s7  }
0x10: {  	[smem:$0x3FB1] =	sst s8  }
0x11: {  	[smem:$0x3FB2] =	sst s9;
	s0 =	simm.s32 @!p0 $0x0  }
0x12: {  	s1 =	sld [smem:$0x3F98];
	s0 =	simm.s32 @p0 $0x1  }
0x13: {  	[smem:$0x3FB3] =	sst s0;
	s0 =	simm.s32 @!p1 $0x0  }
0x14: {  	s2 =	sld [smem:$0x3F97];
	s0 =	simm.s32 @p1 $0x1  }
0x15: {  	[smem:$0x3FB4] =	sst s0;
	s0 =	simm.s32 @!p2 $0x0  }
0x16: {  	s3 =	sld [smem:$0x3FDB];
	s0 =	simm.s32 @p2 $0x1  }
0x17: {  	s4 =	simm.s32 $0x1BF5;
	[smem:$0x3FB6] =	sst s0  }
0x18: {  	s0 =	sld [smem:$0x3F99];
	_ =	swait.ge [sflag:s4], $0x0  }
0x19: {  	s7 =	sld [smem:$0x3F9A]  }
0x1a: {  	s8 =	sadd.s32 $0xFFFFE003, lr  }
0x1b: {  	s9 =	sadd.s32 $0xFFFFFEF7, lr;
	s5 =	simm.s32 $0xFFFFFFFF;
	p2 =	slt.u32 s8, $0xFFFFF086  }
0x1c: {  	p1 =	slt.u32 s9, $0xF7A;
	s5 =	simm.s32 @!p2 $0x0  }
0x1d: {  	s5 =	simm.s32 @p1 $0x1;
	p0 =	seq.s32 s7, s2  }
0x1e: {  	s7 =	smul.u32 @!p0 $0xF7A, s2;
	p2 =	seq.s32 @!p0 s5, $0x0  }
0x1f: {  	s9 =	smul.u32 $0xF7A, s1;
	s8 =	simm.s32 @!p0 $0x1BF5;
	p2 =	por !p2, p0  }
0x20: {  	[sflag:s8] =	ssyncset.s32 @!p0 $0xFFFFF086;
	s6 =	sadd.s32 @!p0 s3, s7;
	s7 =	simm.s32 @!p0 $0x108  }
0x21: {  	s3 =	sadd.s32 s3, s9;
	s6 =	sadd.s32 @!p0 $0x88, s6;
	s7 =	simm.s32 @p2 $0x1082  }
0x22: {  	[simem:s7], [sflag:s8] =	dma.local @!p0 [hbm:s6], $0xF7A  }
0x23: {  	s9 =	sor.u32 $0xD0000000, s2;
	s6 =	simm.s32 $0x108;
	_ =	swait.ge @!p0 [sflag:s8], $0x0  }
0x24: {  	s3 =	sadd.s32 $0x88, s3;
	s6 =	simm.s32 @!p1 $0x1082;
	[sflag:s4] =	ssyncset.s32 $0xFFFFF086  }
0x25: {  	[simem:s6], [sflag:s4] =	dma.local [hbm:s3], $0xF7A  }
0x26: {  	[smem:$0x3F9A] =	sst s1;
	(tag) =	ssettag s2;
	_ =	strace s9  }
0x27: {  	s1 =	sld [smem:$0x3FAA]  }
0x28: {  	s2 =	sld [smem:$0x3FAB]  }
0x29: {  	s4 =	sld [smem:$0x3FAD]  }
0x2a: {  	p0 =	seq.s32 s5, $0x0;
	s5 =	sld [smem:$0x3FAE]  }
0x2b: {  	s6 =	sld [smem:$0x3FAF]  }
0x2c: {  	s7 =	sld [smem:$0x3FB0]  }
0x2d: {  	s3 =	simm.s32 $0x108;
	s8 =	sld [smem:$0x3FB1]  }
0x2e: {  	s3 =	simm.s32 @!p0 $0x1082;
	s9 =	sld [smem:$0x3FB2]  }
0x2f: {  	lr =	sadd.s32 s0, s3;
	s0 =	sld [smem:$0x3FA9]  }
0x30: {  	s3 =	sld [smem:$0x3FAC]  }
0x31: {  	[smem:$0x3FB5] =	sst s10  }
0x32: {  	s10 =	sld [smem:$0x3FB3];
	_ =	sdelay $0x3  }
0x33: {  	p0 =	seq.s32 s10, $0x1;
	s10 =	sld [smem:$0x3FB5];
	_ =	sdelay $0x3  }
0x34: {  	[smem:$0x3FB5] =	sst s10  }
0x35: {  	s10 =	sld [smem:$0x3FB4];
	_ =	sdelay $0x3  }
0x36: {  	p1 =	seq.s32 s10, $0x1;
	s10 =	sld [smem:$0x3FB5];
	_ =	sdelay $0x3  }
0x37: {  	[smem:$0x3FB5] =	sst s10  }
0x38: {  	s10 =	sld [smem:$0x3FB6]  }
0x39: {  	_ = 	snop;
	(pc) =	sbr.ind lr, $3  }
0x3a: {  	_ = 	snop  }
0x3b: {  	_ = 	snop  }
0x3c: {  	p2 =	seq.s32 s10, $0x1;
	s10 =	sld [smem:$0x3FB5]  }
0x3d: {  	_ =	shalt  }
0x3e: {  	_ =	shalt  }
0x3f: {  	_ =	shalt  }
0x40: {  	_ =	shalt  }
0x41: {  	_ =	shalt  }
0x42: {  	_ =	shalt  }
0x43: {  	_ =	shalt  }
0x44: {  	_ =	shalt  }
0x45: {  	_ =	shalt  }
0x46: {  	_ =	shalt  }
0x47: {  	_ =	shalt  }
0x48: {  	_ =	shalt  }
0x49: {  	_ =	shalt  }
0x4a: {  	_ =	shalt  }
0x4b: {  	_ =	shalt  }
0x4c: {  	_ =	shalt  }
0x4d: {  	_ =	shalt  }
0x4e: {  	_ =	shalt  }
0x4f: {  	_ =	shalt  }
0x50: {  	_ =	shalt  }
0x51: {  	_ =	shalt  }
0x52: {  	_ =	shalt  }
0x53: {  	_ =	shalt  }
0x54: {  	_ =	shalt  }
0x55: {  	_ =	shalt  }
0x56: {  	_ =	shalt  }
0x57: {  	_ =	shalt  }
0x58: {  	_ =	shalt  }
0x59: {  	_ =	shalt  }
0x5a: {  	_ =	shalt  }
0x5b: {  	_ =	shalt  }
0x5c: {  	_ =	shalt  }
0x5d: {  	_ =	shalt  }
0x5e: {  	_ =	shalt  }
0x5f: {  	_ =	shalt  }
0x60: {  	_ =	shalt  }
0x61: {  	_ =	shalt  }
0x62: {  	_ =	shalt  }
0x63: {  	_ =	shalt  }
0x64: {  	_ =	shalt  }
0x65: {  	_ =	shalt  }
0x66: {  	_ =	shalt  }
0x67: {  	_ =	shalt  }
0x68: {  	_ =	shalt  }
0x69: {  	_ =	shalt  }
0x6a: {  	_ =	shalt  }
0x6b: {  	_ =	shalt  }
0x6c: {  	_ =	shalt  }
0x6d: {  	_ =	shalt  }
0x6e: {  	_ =	shalt  }
0x6f: {  	_ =	shalt  }
0x70: {  	_ =	shalt  }
0x71: {  	_ =	shalt  }
0x72: {  	_ =	shalt  }
0x73: {  	_ =	shalt  }
0x74: {  	_ =	shalt  }
0x75: {  	_ =	shalt  }
0x76: {  	_ =	shalt  }
0x77: {  	_ =	shalt  }
0x78: {  	_ =	shalt  }
0x79: {  	_ =	shalt  }
0x7a: {  	_ =	shalt  }
0x7b: {  	_ =	shalt  }
0x7c: {  	_ =	shalt  }
0x7d: {  	_ =	shalt  }
0x7e: {  	_ =	shalt  }
0x7f: {  	_ =	shalt  }
0x80: {  	_ =	shalt  }
0x81: {  	_ =	shalt  }
0x82: {  	_ =	shalt  }
0x83: {  	_ =	shalt  }
0x84: {  	_ =	shalt  }
0x85: {  	_ =	shalt  }
0x86: {  	_ =	shalt  }
0x87: {  	_ =	shalt  }
.Lfunc_end0:
.L_simem_size_0:
called_computation_lowered:
.L_overlay_start_0:
0x88: {  	s2 =	sld [smem:$0x3FD9]  }
0x89: {  	s3 =	sld [smem:$0x3FFE];
	_ =	sdelay $0x1  }
0x8a: {  	s1 =	srdreg.scid  }
0x8b: {  	s0 =	sand.u32 $0x1, s1  }
0x8c: {  	s15 =	sshll.u32 s0, $0xA;
	s2 =	sadd.s32 s3, s2  }
0x8d: {  	s2 =	sadd.s32 s2, s15  }
0x8e: {  	[smem:$0x3FC1] =	sst s2  }
0x8f: {  	_ = 	snop  }
0x90: {  	s16 =	sld [smem:$0x3FD0];
	_ =	sdelay $0x2  }
0x91: {  	s4 =	simm.s32 $0xB;
	s5 =	simm.s32 $0x10;
	s2 =	sld [smem:$0x3FC7]  }
0x92: {  	[smem:s5], [sflag:s4] =	dma.local [hbm:s16], $0x1  }
0x93: {  	_ =	swait.eq [sflag:s4], $0x1  }
0x94: {  	[sflag:s4] =	ssyncset.done $0x0  }
0x95: {  	[sflag:s4] =	ssyncadd.s32 $0xFFFFFFFF  }
0x96: {  	s17 =	sld [smem:$0x10];
	(tm) =	ssettm $0x1  }
0x97: {  	s18 =	sld [smem:$0x3FFB];
	_ =	sdelay $0x3  }
0x98: {  	_ =	strace s18  }
0x99: {  	s3 =	sld [smem:$0x3FFC];
	_ =	sdelay $0x3  }
0x9a: {  	_ =	strace s3  }
0x9b: {  	s3 =	sld [smem:$0x3FFD];
	_ =	sdelay $0x3  }
0x9c: {  	_ =	strace s3  }
0x9d: {  	_ =	strace $0x8FFFFFFF  }
0x9e: {  	s19 =	sld [smem:$0x3FDB];
	_ =	sdelay $0x1  }
0x9f: {  	s20 =	simm.s32 $_scs_section_size  }
0xa0: {  	s6 =	simm.s32 $_size__tile_overlayer_lowered;
	s7 =	simm.s32 $_tile_overlayer_lowered  }
0xa1: {  	s8 =	simm.s32 $0x1BFF;
	s21 =	sshll.u32 s7, $0x1;
	s5 =	sadd.s32 s20, s19  }
0xa2: {  	s22 =	simm.s32 $0x0;
	s6 =	sshll.u32 s6, $0x1;
	s7 =	sadd.s32 s21, s5  }
0xa3: {  	[timem:s22], [sflag:s8] =	dma.local [hbm:s7], s6  }
0xa4: {  	_ =	swait.ge [sflag:s8], s6  }
0xa5: {  	s6 =	ssub.s32 $0x0, s6;
	[sflag:s8] =	ssyncset.done $0x0  }
0xa6: {  	[sflag:s8] =	ssyncadd.s32 s6;
	_ =	sdelay $0x1  }
0xa7: {  	s23 =	simm.s32 $0x1B8B  }
0xa8: {  	_ =	swait.ge [sflag:s23], $0x1  }
0xa9: {  	[sflag:s23] =	ssyncset.done $0x0  }
0xaa: {  	[sflag:s23] =	ssyncadd.s32 $0xFFFFFFFF  }
0xab: {  	s6 =	sld [smem:$0x0]  }
0xac: {  	s7 =	sand.u32 $0xFFFFFFFE, s1  }
0xad: {  	p0 =	sne.s32 s1, s7  }
0xae: {  	s7 =	sshll.u32 @p0 s7, $0xE  }
0xaf: {  	s7 =	sadd.s32 @p0 $0x11B8D, s7;
	s8 =	sshll.u32 @p0 s6, $0x11  }
0xb0: {  	s7 =	sor.u32 @p0 s8, s7  }
0xb1: {  	[sflag:s7] =	ssyncadd.remote.s32 @p0 $0x1;
	_ =	sdelay $0x1  }
0xb2: {  	s7 =	simm.s32 @p0 $0x1B8D  }
0xb3: {  	_ =	swait.eq @p0 [sflag:s7], $0x1  }
0xb4: {  	[sflag:s7] =	ssyncadd.s32 @p0 $0xFFFFFFFF  }
0xb5: {  	s8 =	sshll.u32 @!p0 s1, $0xE  }
0xb6: {  	s8 =	sor.u32 @!p0 $0x4000, s8;
	s7 =	simm.s32 @!p0 $0x1B8D  }
0xb7: {  	s6 =	sshll.u32 @!p0 s6, $0x11;
	s8 =	sadd.s32 @!p0 $0x11B8D, s8;
	_ =	swait.eq @!p0 [sflag:s7], $0x1  }
0xb8: {  	s6 =	sor.u32 @!p0 s6, s8;
	[sflag:s7] =	ssyncadd.s32 @!p0 $0xFFFFFFFF  }
0xb9: {  	s25 =	simm.s32 $0x1B8E;
	s24 =	sld [smem:$0x3FFE];
	[sflag:s6] =	ssyncadd.remote.s32 @!p0 $0x1  }
0xba: {  	s26 =	simm.s32 $execute0_lowered;
	[smem:$0x3FD2] =	sst s25  }
0xbb: {  	s7 =	sshll.u32 s26, $0x1;
	_ =	strace $0x80000049;
	[dreg:$0x1] =	wrdreg $0xFFFFFFFF  }
0xbc: {  	s28 =	simm.s32 $_size_execute0_lowered;
	s5 =	sadd.s32 s5, s7;
	[dreg:$0x0] =	wrdreg $0x0  }
0xbd: {  	s7 =	sshll.u32 s28, $0x1;
	[dreg:$0x2] =	wrdreg s5  }
0xbe: {  	[dreg:$0x3] =	wrdreg s7  }
0xbf: {  	[dreg:$0x4] =	wrdreg $0xC0  }
0xc0: {  	_ =	task [dreg:s22], $0x5FFFF  }
0xc1: {  	[dreg:$0x1] =	wrdreg $0xFFFFFFFF  }
0xc2: {  	[dreg:$0x0] =	wrdreg $0x60  }
0xc3: {  	[dreg:$0x2] =	wrdreg s2  }
0xc4: {  	[dreg:$0x3] =	wrdreg s17  }
0xc5: {  	[dreg:$0x4] =	wrdreg s24  }
0xc6: {  	[dreg:$0x5] =	wrdreg $0x9  }
0xc7: {  	_ =	task.clear_ibuf [dreg:s22], $0x6FFFF;
	_ =	strace $0x90000049  }
0xc8: {  	s29 =	simm.s32 $0x9;
	_ =	strace $0x8000004B  }
0xc9: {  	_ =	swait.ge [sflag:s29], $0x1  }
0xca: {  	[sflag:s29] =	ssyncadd.s32 $0xFFFFFFFF  }
0xcb: {  	_ =	strace $0x9000004B  }
0xcc: {  	_ =	sfence  }
0xcd: {  	s30 =	sld [smem:$0x0];
	_ =	sdelay $0x2  }
0xce: {  	s31 =	sshll.u32 s1, $0xD;
	s1 =	sshrl.u32 s1, $0x2  }
0xcf: {  	s4 =	sand.u32 $0x4000, s31;
	s1 =	sadd.s32 s1, s30  }
0xd0: {  	s0 =	sor.u32 s4, s0;
	s1 =	sshll.u32 s1, $0x11  }
0xd1: {  	s0 =	sor.u32 s1, s0  }
0xd2: {  	s0 =	sadd.s32 $0x8F2B, s0  }
0xd3: {  	[sflag:s0] =	ssyncadd.remote.s32 $0x1  }
0xd4: {  	_ =	sfence.sel $0xFFFF  }
0xd5: {  	[dreg:$0x0] =	wrdreg $0xFFFFFFFF;
	(pc) =	sbr.abs _section_cstart, $3  }
0xd6: {  	[dreg:$0x1] =	wrdreg $0xFFFFFFFF  }
0xd7: {  	_ =	task.clear_ibuf [dreg:s22], $0x2FFFF;
	_ =	strace $0x9FFFFFFF  }
0xd8: {  	(tm) =	ssettm $0x7FFFFFFF  }
0xd9: {  	_ =	shalt  }
tec
execute0_lowered:
.L_overlay_start_1:
0x0: {  	(tag) =	ssettag $0x1  }
0x1: {  	s3 =	rddreg [dreg:$0x0]  }
0x2: {  	s4 =	rddreg [dreg:$0x1]  }
0x3: {  	s5 =	rddreg [dreg:$0x2];
	s2 =	simm.s32 $0x0  }
0x4: {  	s13 =	simm.s32 $0xA0;
	[smem:$0x7FF] =	sst s2  }
0x5: {  	s14 =	simm.s32 $0xF0;
	_ =	strace $0x8000004A;
	[dreg:$0xf] =	wrdreg s13  }
0x6: {  	s15 =	simm.s32 $0x140;
	[dreg:$0x10] =	wrdreg s14  }
0x7: {  	s16 =	simm.s32 $0x190;
	[dreg:$0x11] =	wrdreg s15  }
0x8: {  	s18 =	simm.s32 $0x1E0;
	[dreg:$0x12] =	wrdreg s16  }
0x9: {  	s0 =	srdreg.scid;
	s19 =	simm.s32 $0x230;
	[dreg:$0x13] =	wrdreg s18  }
0xa: {  	s17 =	stileid.u32;
	s20 =	simm.s32 $0x280;
	[dreg:$0x14] =	wrdreg s19  }
0xb: {  	s21 =	simm.s32 $0x2D0;
	s22 =	simm.s32 $0x320;
	[dreg:$0x15] =	wrdreg s20  }
0xc: {  	s1 =	sand.u32 $0x1, s0;
	s23 =	sshll.u32 s17, $0x1;
	[dreg:$0x16] =	wrdreg s21  }
0xd: {  	s0 =	sor.u32 s1, s23;
	[dreg:$0x17] =	wrdreg s22;
	s23 =	simm.s32 $0x370  }
0xe: {  	s13 =	simm.s32 $0x730;
	[dreg:$0x18] =	wrdreg s23  }
0xf: {  	s14 =	simm.s32 $0x780;
	[smem:$0x7F1] =	sst s13  }
0x10: {  	s15 =	simm.s32 $0x7D0;
	[smem:$0x7F2] =	sst s14  }
0x11: {  	s16 =	simm.s32 $0x820;
	[smem:$0x7F3] =	sst s15  }
0x12: {  	s18 =	simm.s32 $0x870;
	[smem:$0x7F4] =	sst s16  }
0x13: {  	s19 =	simm.s32 $0x8C0;
	[smem:$0x7F5] =	sst s18  }
0x14: {  	s20 =	simm.s32 $0x910;
	[smem:$0x7F6] =	sst s19  }
0x15: {  	s21 =	simm.s32 $0x960;
	s6 =	smul.u32 $0x1F4, s0;
	[smem:$0x7F7] =	sst s20  }
0x16: {  	s22 =	simm.s32 $0x9B0;
	s7 =	smul.u32 $0x7D000, s0;
	[smem:$0x7F8] =	sst s21  }
0x17: {  	s0 =	smul.u32 $0xFA00, s0;
	[smem:$0x7F9] =	sst s22;
	s23 =	simm.s32 $0xA00  }
0x18: {  	s5 =	sadd.s32 $0x1FA800, s5;
	[smem:$0x7FA] =	sst s23;
	s4 =	sadd.s32 s4, s6  }
0x19: {  	s24 =	sshrl.u32 s7, $0x3;
	s0 =	sadd.s32 s5, s0;
	[dreg:$0x4] =	wrdreg s4  }
0x1a: {  	s25 =	sadd.s32 s5, s24;
	[dreg:$0x5] =	wrdreg s0;
	s24 =	simm.s32 $0x3C0  }
0x1b: {  	s4 =	simm.s32 $0x4B0;
	[dreg:$0x19] =	wrdreg s24  }
0x1c: {  	s30 =	simm.s32 $0xB40;
	s31 =	simm.s32 $0xB90;
	[dreg:$0x1c] =	wrdreg s4  }
0x1d: {  	s29 =	simm.s32 $0xC30;
	s26 =	sadd.s32 $0x1900, s25;
	s0 =	rddreg [dreg:$0x4]  }
0x1e: {  	p0 =	por $0x0, $0x0;
	s5 =	sadd.s32 $0x3200, s25;
	[dreg:$0x6] =	wrdreg s26  }
0x1f: {  	s28 =	simm.s32 $0xDC0;
	s6 =	sadd.s32 $0x4B00, s25;
	[dreg:$0x7] =	wrdreg s5  }
0x20: {  	s1 =	ssub.s32 $0x2, s1;
	s7 =	sadd.s32 $0x6400, s25;
	[dreg:$0x8] =	wrdreg s6  }
0x21: {  	s13 =	simm.s32 $0x3800;
	s8 =	sadd.s32 $0x7D00, s25;
	[dreg:$0x9] =	wrdreg s7  }
0x22: {  	s14 =	simm.s32 $0x6000;
	s9 =	sadd.s32 $0x9600, s25;
	[dreg:$0xa] =	wrdreg s8  }
0x23: {  	s15 =	simm.s32 $0x8800;
	s10 =	sadd.s32 $0xAF00, s25;
	[dreg:$0xb] =	wrdreg s9  }
0x24: {  	s16 =	simm.s32 $0xB000;
	s11 =	sadd.s32 $0xC800, s25;
	[dreg:$0xc] =	wrdreg s10  }
0x25: {  	s19 =	simm.s32 $0xE10;
	s12 =	sadd.s32 $0xE100, s25;
	[dreg:$0xd] =	wrdreg s11  }
0x26: {  	s20 =	simm.s32 $0xE60;
	s25 =	simm.s32 $0x410;
	[dreg:$0xe] =	wrdreg s12  }
0x27: {  	s21 =	simm.s32 $0xEB0;
	s24 =	simm.s32 $0xA50;
	[dreg:$0x1a] =	wrdreg s25  }
0x28: {  	s22 =	simm.s32 $0xF00;
	s26 =	simm.s32 $0x460;
	[smem:$0x7FB] =	sst s24  }
0x29: {  	s18 =	simm.s32 $0xF50;
	s5 =	simm.s32 $0x500;
	[dreg:$0x1b] =	wrdreg s26  }
0x2a: {  	s23 =	simm.s32 $0xBE0;
	s6 =	simm.s32 $0x550;
	[dreg:$0x1d] =	wrdreg s5  }
0x2b: {  	s4 =	simm.s32 $0x2;
	s7 =	simm.s32 $0x5A0;
	[dreg:$0x1e] =	wrdreg s6  }
0x2c: {  	s8 =	simm.s32 $0x5F0;
	s9 =	simm.s32 $0x640;
	[dreg:$0x1f] =	wrdreg s7  }
0x2d: {  	s10 =	simm.s32 $0x690;
	s11 =	sshrl.u32 s1, $0x1;
	[smem:$0x7ED] =	sst s8  }
0x2e: {  	s12 =	simm.s32 $0x6E0;
	[smem:$0x7EE] =	sst s9;
	s1 =	ssub.s32 s1, s11  }
0x2f: {  	s25 =	simm.s32 $0xAA0;
	[smem:$0x7EF] =	sst s10;
	s1 =	smax.u32 s1, $0x1  }
0x30: {  	s24 =	simm.s32 $0xCD0;
	[smem:$0x7F0] =	sst s12;
	p1 =	sne.s32 s1, $0x1  }
.Ltmp0:
0x31: {  	s6 =	simm.s32 $0x50;
	s8 =	simm.s32 $0x1000;
	(pc) =	sbr.rel @!p1 .LBB2_1-.Ltmp0, $4  }
0x32: {  	s5 =	simm.s32 $0x1;
	s7 =	simm.s32 $0xD800;
	s9 =	simm.s32 $0x10000  }
0x33: {  	s10 =	simm.s32 $0x12800;
	[smem:$0x7FC] =	sst s25;
	s26 =	simm.s32 $0xAF0  }
0x34: {  	s12 =	simm.s32 $0x15000;
	s11 =	simm.s32 $0x17800;
	s25 =	simm.s32 $0xD20  }
0x35: {  	[smem:$0x7FD] =	sst s26;
	s26 =	simm.s32 $0xD70;
	s1 =	sadd.s32 $0xFFFFFFFF, s1  }
0x36: {  	[tilespmem:s2], [sflag:$0x2] =	stream.linear.gather [hbm4b:s0+s2], $0xFA0, $0x38;
	[tilespmem:$0x1A000] =	vst v63  }
0x37: {  	_ =	swait.ge [sflag:s4], $0xFA0  }
0x38: {  	[sflag:s4] =	ssyncset.done $0x0  }
0x39: {  	[sflag:s4] =	ssyncadd.s32 $0xFFFFF060  }
0x3a: {  	[tilespmem:s8], [sflag:$0x1] =	stream.indirect.gather [hbm4b:s3+s6], $0x80, s2, s6, $0xb8;
	[tilespmem:$0x1A000] =	vst v63  }
0x3b: {  	_ = 	snop  }
0x3c: {  	[tilespmem:s13], [sflag:$0x1] =	stream.indirect.gather [hbm4b:s3+s6], $0x80, s6, s6, $0xb8;
	[tilespmem:$0x1A000] =	vst v63  }
0x3d: {  	s0 =	rddreg [dreg:$0xf]  }
0x3e: {  	[tilespmem:s14], [sflag:$0x1] =	stream.indirect.gather [hbm4b:s3+s6], $0x80, s0, s6, $0xb8;
	[tilespmem:$0x1A000] =	vst v63  }
0x3f: {  	s17 =	smov.u32 s1;
	s1 =	rddreg [dreg:$0x10]  }
0x40: {  	[tilespmem:s15], [sflag:$0x1] =	stream.indirect.gather [hbm4b:s3+s6], $0x80, s1, s6, $0xb8;
	[tilespmem:$0x1A000] =	vst v63  }
0x41: {  	s0 =	rddreg [dreg:$0x11]  }
0x42: {  	[tilespmem:s16], [sflag:$0x1] =	stream.indirect.gather [hbm4b:s3+s6], $0x80, s0, s6, $0xb8;
	[tilespmem:$0x1A000] =	vst v63  }
0x43: {  	_ =	swait.ge [sflag:s5], $0x2800  }
0x44: {  	[sflag:s5] =	ssyncset.done $0x0  }
0x45: {  	[sflag:s5] =	ssyncadd.s32 $0xFFFFD800  }
0x46: {  	_ =	swait.ge [sflag:s5], $0x2800  }
0x47: {  	[sflag:s5] =	ssyncset.done $0x0  }
0x48: {  	[sflag:s5] =	ssyncadd.s32 $0xFFFFD800  }
0x49: {  	_ =	swait.ge [sflag:s5], $0x2800  }
0x4a: {  	[sflag:s5] =	ssyncset.done $0x0  }
0x4b: {  	[sflag:s5] =	ssyncadd.s32 $0xFFFFD800  }
0x4c: {  	_ =	swait.ge [sflag:s5], $0x2800  }
0x4d: {  	[sflag:s5] =	ssyncset.done $0x0  }
0x4e: {  	[sflag:s5] =	ssyncadd.s32 $0xFFFFD800  }
0x4f: {  	_ =	swait.ge [sflag:s5], $0x2800  }
0x50: {  	[sflag:s5] =	ssyncset.done $0x0  }
0x51: {  	s0 =	rddreg [dreg:$0x12];
	[sflag:s5] =	ssyncadd.s32 $0xFFFFD800  }
0x52: {  	[tilespmem:s7], [sflag:$0x1] =	stream.indirect.gather [hbm4b:s3+s6], $0x80, s0, s6, $0xb8;
	[tilespmem:$0x1A000] =	vst v63  }
0x53: {  	s1 =	rddreg [dreg:$0x13]  }
0x54: {  	[tilespmem:s9], [sflag:$0x1] =	stream.indirect.gather [hbm4b:s3+s6], $0x80, s1, s6, $0xb8;
	[tilespmem:$0x1A000] =	vst v63  }
0x55: {  	s0 =	rddreg [dreg:$0x14]  }
0x56: {  	[tilespmem:s10], [sflag:$0x1] =	stream.indirect.gather [hbm4b:s3+s6], $0x80, s0, s6, $0xb8;
	[tilespmem:$0x1A000] =	vst v63  }
0x57: {  	s1 =	rddreg [dreg:$0x15]  }
0x58: {  	[tilespmem:s12], [sflag:$0x1] =	stream.indirect.gather [hbm4b:s3+s6], $0x80, s1, s6, $0xb8;
	[tilespmem:$0x1A000] =	vst v63  }
0x59: {  	s0 =	rddreg [dreg:$0x16]  }
0x5a: {  	[tilespmem:s11], [sflag:$0x1] =	stream.indirect.gather [hbm4b:s3+s6], $0x80, s0, s6, $0xb8;
	[tilespmem:$0x1A000] =	vst v63  }
0x5b: {  	s1 =	rddreg [dreg:$0x5]  }
0x5c: {  	[hbm4b:s1+s2] =	stream.linear.scatter [tilespmem:s8], [sflag:$0x2], $0xC800, $0x38;
	[tilespmem:$0x1A000] =	vst v63  }
0x5d: {  	_ =	swait.ge [sflag:s4], $0xC800  }
0x5e: {  	[sflag:s4] =	ssyncset.done $0x0  }
0x5f: {  	[sflag:s4] =	ssyncadd.s32 $0xFFFF3800  }
0x60: {  	_ =	swait.ge [sflag:s5], $0x2800  }
0x61: {  	[sflag:s5] =	ssyncset.done $0x0  }
0x62: {  	[sflag:s5] =	ssyncadd.s32 $0xFFFFD800  }
0x63: {  	_ =	swait.ge [sflag:s5], $0x2800  }
0x64: {  	[sflag:s5] =	ssyncset.done $0x0  }
0x65: {  	[sflag:s5] =	ssyncadd.s32 $0xFFFFD800  }
0x66: {  	_ =	swait.ge [sflag:s5], $0x2800  }
0x67: {  	[sflag:s5] =	ssyncset.done $0x0  }
0x68: {  	[sflag:s5] =	ssyncadd.s32 $0xFFFFD800  }
0x69: {  	_ =	swait.ge [sflag:s5], $0x2800  }
0x6a: {  	[sflag:s5] =	ssyncset.done $0x0  }
0x6b: {  	[sflag:s5] =	ssyncadd.s32 $0xFFFFD800  }
0x6c: {  	_ =	swait.ge [sflag:s5], $0x2800  }
0x6d: {  	[sflag:s5] =	ssyncset.done $0x0  }
0x6e: {  	s0 =	rddreg [dreg:$0x17];
	[sflag:s5] =	ssyncadd.s32 $0xFFFFD800  }
0x6f: {  	[tilespmem:s8], [sflag:$0x1] =	stream.indirect.gather [hbm4b:s3+s6], $0x80, s0, s6, $0xb8;
	[tilespmem:$0x1A000] =	vst v63  }
0x70: {  	s1 =	rddreg [dreg:$0x18]  }
0x71: {  	[tilespmem:s13], [sflag:$0x1] =	stream.indirect.gather [hbm4b:s3+s6], $0x80, s1, s6, $0xb8;
	[tilespmem:$0x1A000] =	vst v63  }
0x72: {  	s0 =	rddreg [dreg:$0x19]  }
0x73: {  	[tilespmem:s14], [sflag:$0x1] =	stream.indirect.gather [hbm4b:s3+s6], $0x80, s0, s6, $0xb8;
	[tilespmem:$0x1A000] =	vst v63  }
0x74: {  	s1 =	rddreg [dreg:$0x1a]  }
0x75: {  	[tilespmem:s15], [sflag:$0x1] =	stream.indirect.gather [hbm4b:s3+s6], $0x80, s1, s6, $0xb8;
	[tilespmem:$0x1A000] =	vst v63  }
0x76: {  	s0 =	rddreg [dreg:$0x1b]  }
0x77: {  	[tilespmem:s16], [sflag:$0x1] =	stream.indirect.gather [hbm4b:s3+s6], $0x80, s0, s6, $0xb8;
	[tilespmem:$0x1A000] =	vst v63  }
0x78: {  	s1 =	rddreg [dreg:$0x6]  }
0x79: {  	[hbm4b:s1+s2] =	stream.linear.scatter [tilespmem:s7], [sflag:$0x2], $0xC800, $0x38;
	[tilespmem:$0x1A000] =	vst v63  }
0x7a: {  	_ =	swait.ge [sflag:s4], $0xC800  }
0x7b: {  	[sflag:s4] =	ssyncset.done $0x0  }
0x7c: {  	[sflag:s4] =	ssyncadd.s32 $0xFFFF3800  }
0x7d: {  	_ =	swait.ge [sflag:s5], $0x2800  }
0x7e: {  	[sflag:s5] =	ssyncset.done $0x0  }
0x7f: {  	[sflag:s5] =	ssyncadd.s32 $0xFFFFD800  }
0x80: {  	_ =	swait.ge [sflag:s5], $0x2800  }
0x81: {  	[sflag:s5] =	ssyncset.done $0x0  }
0x82: {  	[sflag:s5] =	ssyncadd.s32 $0xFFFFD800  }
0x83: {  	_ =	swait.ge [sflag:s5], $0x2800  }
0x84: {  	[sflag:s5] =	ssyncset.done $0x0  }
0x85: {  	[sflag:s5] =	ssyncadd.s32 $0xFFFFD800  }
0x86: {  	_ =	swait.ge [sflag:s5], $0x2800  }
0x87: {  	[sflag:s5] =	ssyncset.done $0x0  }
0x88: {  	[sflag:s5] =	ssyncadd.s32 $0xFFFFD800  }
0x89: {  	_ =	swait.ge [sflag:s5], $0x2800  }
0x8a: {  	s0 =	rddreg [dreg:$0x1c];
	[sflag:s5] =	ssyncset.done $0x0  }
0x8b: {  	s1 =	rddreg [dreg:$0x1d];
	[sflag:s5] =	ssyncadd.s32 $0xFFFFD800  }
0x8c: {  	[tilespmem:s7], [sflag:$0x1] =	stream.indirect.gather [hbm4b:s3+s6], $0x80, s0, s6, $0xb8;
	[tilespmem:$0x1A000] =	vst v63  }
0x8d: {  	s0 =	rddreg [dreg:$0x1e]  }
0x8e: {  	[tilespmem:s9], [sflag:$0x1] =	stream.indirect.gather [hbm4b:s3+s6], $0x80, s1, s6, $0xb8;
	[tilespmem:$0x1A000] =	vst v63  }
0x8f: {  	s1 =	rddreg [dreg:$0x1f]  }
0x90: {  	[tilespmem:s10], [sflag:$0x1] =	stream.indirect.gather [hbm4b:s3+s6], $0x80, s0, s6, $0xb8;
	[tilespmem:$0x1A000] =	vst v63  }
0x91: {  	s0 =	sld [smem:$0x7ED]  }
0x92: {  	[tilespmem:s12], [sflag:$0x1] =	stream.indirect.gather [hbm4b:s3+s6], $0x80, s1, s6, $0xb8;
	[tilespmem:$0x1A000] =	vst v63  }
0x93: {  	_ = 	snop  }
0x94: {  	[tilespmem:s11], [sflag:$0x1] =	stream.indirect.gather [hbm4b:s3+s6], $0x80, s0, s6, $0xb8;
	[tilespmem:$0x1A000] =	vst v63  }
0x95: {  	s1 =	rddreg [dreg:$0x7]  }
0x96: {  	[hbm4b:s1+s2] =	stream.linear.scatter [tilespmem:s8], [sflag:$0x2], $0xC800, $0x38;
	[tilespmem:$0x1A000] =	vst v63  }
0x97: {  	_ =	swait.ge [sflag:s4], $0xC800  }
0x98: {  	[sflag:s4] =	ssyncset.done $0x0  }
0x99: {  	[sflag:s4] =	ssyncadd.s32 $0xFFFF3800  }
0x9a: {  	_ =	swait.ge [sflag:s5], $0x2800  }
0x9b: {  	[sflag:s5] =	ssyncset.done $0x0  }
0x9c: {  	[sflag:s5] =	ssyncadd.s32 $0xFFFFD800  }
0x9d: {  	_ =	swait.ge [sflag:s5], $0x2800  }
0x9e: {  	[sflag:s5] =	ssyncset.done $0x0  }
0x9f: {  	[sflag:s5] =	ssyncadd.s32 $0xFFFFD800  }
0xa0: {  	_ =	swait.ge [sflag:s5], $0x2800  }
0xa1: {  	[sflag:s5] =	ssyncset.done $0x0  }
0xa2: {  	[sflag:s5] =	ssyncadd.s32 $0xFFFFD800  }
0xa3: {  	_ =	swait.ge [sflag:s5], $0x2800  }
0xa4: {  	[sflag:s5] =	ssyncset.done $0x0  }
0xa5: {  	[sflag:s5] =	ssyncadd.s32 $0xFFFFD800  }
0xa6: {  	_ =	swait.ge [sflag:s5], $0x2800  }
0xa7: {  	s0 =	sld [smem:$0x7EE]  }
0xa8: {  	[sflag:s5] =	ssyncset.done $0x0  }
0xa9: {  	s1 =	sld [smem:$0x7EF];
	[sflag:s5] =	ssyncadd.s32 $0xFFFFD800  }
0xaa: {  	[tilespmem:s8], [sflag:$0x1] =	stream.indirect.gather [hbm4b:s3+s6], $0x80, s0, s6, $0xb8;
	[tilespmem:$0x1A000] =	vst v63  }
0xab: {  	s0 =	sld [smem:$0x7F0]  }
0xac: {  	[tilespmem:s13], [sflag:$0x1] =	stream.indirect.gather [hbm4b:s3+s6], $0x80, s1, s6, $0xb8;
	[tilespmem:$0x1A000] =	vst v63  }
0xad: {  	s1 =	sld [smem:$0x7F1]  }
0xae: {  	[tilespmem:s14], [sflag:$0x1] =	stream.indirect.gather [hbm4b:s3+s6], $0x80, s0, s6, $0xb8;
	[tilespmem:$0x1A000] =	vst v63  }
0xaf: {  	s0 =	sld [smem:$0x7F2]  }
0xb0: {  	[tilespmem:s15], [sflag:$0x1] =	stream.indirect.gather [hbm4b:s3+s6], $0x80, s1, s6, $0xb8;
	[tilespmem:$0x1A000] =	vst v63  }
0xb1: {  	_ = 	snop  }
0xb2: {  	[tilespmem:s16], [sflag:$0x1] =	stream.indirect.gather [hbm4b:s3+s6], $0x80, s0, s6, $0xb8;
	[tilespmem:$0x1A000] =	vst v63  }
0xb3: {  	s1 =	rddreg [dreg:$0x8]  }
0xb4: {  	[hbm4b:s1+s2] =	stream.linear.scatter [tilespmem:s7], [sflag:$0x2], $0xC800, $0x38;
	[tilespmem:$0x1A000] =	vst v63  }
0xb5: {  	_ =	swait.ge [sflag:s4], $0xC800  }
0xb6: {  	[sflag:s4] =	ssyncset.done $0x0  }
0xb7: {  	[sflag:s4] =	ssyncadd.s32 $0xFFFF3800  }
0xb8: {  	_ =	swait.ge [sflag:s5], $0x2800  }
0xb9: {  	[sflag:s5] =	ssyncset.done $0x0  }
0xba: {  	[sflag:s5] =	ssyncadd.s32 $0xFFFFD800  }
0xbb: {  	_ =	swait.ge [sflag:s5], $0x2800  }
0xbc: {  	[sflag:s5] =	ssyncset.done $0x0  }
0xbd: {  	[sflag:s5] =	ssyncadd.s32 $0xFFFFD800  }
0xbe: {  	_ =	swait.ge [sflag:s5], $0x2800  }
0xbf: {  	[sflag:s5] =	ssyncset.done $0x0  }
0xc0: {  	[sflag:s5] =	ssyncadd.s32 $0xFFFFD800  }
0xc1: {  	_ =	swait.ge [sflag:s5], $0x2800  }
0xc2: {  	[sflag:s5] =	ssyncset.done $0x0  }
0xc3: {  	[sflag:s5] =	ssyncadd.s32 $0xFFFFD800  }
0xc4: {  	_ =	swait.ge [sflag:s5], $0x2800  }
0xc5: {  	s0 =	sld [smem:$0x7F3]  }
0xc6: {  	[sflag:s5] =	ssyncset.done $0x0  }
0xc7: {  	s1 =	sld [smem:$0x7F4];
	[sflag:s5] =	ssyncadd.s32 $0xFFFFD800  }
0xc8: {  	[tilespmem:s7], [sflag:$0x1] =	stream.indirect.gather [hbm4b:s3+s6], $0x80, s0, s6, $0xb8;
	[tilespmem:$0x1A000] =	vst v63  }
0xc9: {  	s0 =	sld [smem:$0x7F5]  }
0xca: {  	[tilespmem:s9], [sflag:$0x1] =	stream.indirect.gather [hbm4b:s3+s6], $0x80, s1, s6, $0xb8;
	[tilespmem:$0x1A000] =	vst v63  }
0xcb: {  	s1 =	sld [smem:$0x7F6]  }
0xcc: {  	[tilespmem:s10], [sflag:$0x1] =	stream.indirect.gather [hbm4b:s3+s6], $0x80, s0, s6, $0xb8;
	[tilespmem:$0x1A000] =	vst v63  }
0xcd: {  	s0 =	sld [smem:$0x7F7]  }
0xce: {  	[tilespmem:s12], [sflag:$0x1] =	stream.indirect.gather [hbm4b:s3+s6], $0x80, s1, s6, $0xb8;
	[tilespmem:$0x1A000] =	vst v63  }
0xcf: {  	_ = 	snop  }
0xd0: {  	[tilespmem:s11], [sflag:$0x1] =	stream.indirect.gather [hbm4b:s3+s6], $0x80, s0, s6, $0xb8;
	[tilespmem:$0x1A000] =	vst v63  }
0xd1: {  	s1 =	rddreg [dreg:$0x9]  }
0xd2: {  	[hbm4b:s1+s2] =	stream.linear.scatter [tilespmem:s8], [sflag:$0x2], $0xC800, $0x38;
	[tilespmem:$0x1A000] =	vst v63  }
0xd3: {  	_ =	swait.ge [sflag:s4], $0xC800  }
0xd4: {  	[sflag:s4] =	ssyncset.done $0x0  }
0xd5: {  	[sflag:s4] =	ssyncadd.s32 $0xFFFF3800  }
0xd6: {  	_ =	swait.ge [sflag:s5], $0x2800  }
0xd7: {  	[sflag:s5] =	ssyncset.done $0x0  }
0xd8: {  	[sflag:s5] =	ssyncadd.s32 $0xFFFFD800  }
0xd9: {  	_ =	swait.ge [sflag:s5], $0x2800  }
0xda: {  	[sflag:s5] =	ssyncset.done $0x0  }
0xdb: {  	[sflag:s5] =	ssyncadd.s32 $0xFFFFD800  }
0xdc: {  	_ =	swait.ge [sflag:s5], $0x2800  }
0xdd: {  	[sflag:s5] =	ssyncset.done $0x0  }
0xde: {  	[sflag:s5] =	ssyncadd.s32 $0xFFFFD800  }
0xdf: {  	_ =	swait.ge [sflag:s5], $0x2800  }
0xe0: {  	[sflag:s5] =	ssyncset.done $0x0  }
0xe1: {  	[sflag:s5] =	ssyncadd.s32 $0xFFFFD800  }
0xe2: {  	_ =	swait.ge [sflag:s5], $0x2800  }
0xe3: {  	s0 =	sld [smem:$0x7F8]  }
0xe4: {  	[sflag:s5] =	ssyncset.done $0x0  }
0xe5: {  	s1 =	sld [smem:$0x7F9];
	[sflag:s5] =	ssyncadd.s32 $0xFFFFD800  }
0xe6: {  	[tilespmem:s8], [sflag:$0x1] =	stream.indirect.gather [hbm4b:s3+s6], $0x80, s0, s6, $0xb8;
	[tilespmem:$0x1A000] =	vst v63  }
0xe7: {  	s0 =	sld [smem:$0x7FA]  }
0xe8: {  	[tilespmem:s13], [sflag:$0x1] =	stream.indirect.gather [hbm4b:s3+s6], $0x80, s1, s6, $0xb8;
	[tilespmem:$0x1A000] =	vst v63  }
0xe9: {  	s1 =	sld [smem:$0x7FB]  }
0xea: {  	[tilespmem:s14], [sflag:$0x1] =	stream.indirect.gather [hbm4b:s3+s6], $0x80, s0, s6, $0xb8;
	[tilespmem:$0x1A000] =	vst v63  }
0xeb: {  	s0 =	sld [smem:$0x7FC]  }
0xec: {  	[tilespmem:s15], [sflag:$0x1] =	stream.indirect.gather [hbm4b:s3+s6], $0x80, s1, s6, $0xb8;
	[tilespmem:$0x1A000] =	vst v63  }
0xed: {  	_ = 	snop  }
0xee: {  	[tilespmem:s16], [sflag:$0x1] =	stream.indirect.gather [hbm4b:s3+s6], $0x80, s0, s6, $0xb8;
	[tilespmem:$0x1A000] =	vst v63  }
0xef: {  	s1 =	rddreg [dreg:$0xa]  }
0xf0: {  	[hbm4b:s1+s2] =	stream.linear.scatter [tilespmem:s7], [sflag:$0x2], $0xC800, $0x38;
	[tilespmem:$0x1A000] =	vst v63  }
0xf1: {  	_ =	swait.ge [sflag:s4], $0xC800  }
0xf2: {  	[sflag:s4] =	ssyncset.done $0x0  }
0xf3: {  	[sflag:s4] =	ssyncadd.s32 $0xFFFF3800  }
0xf4: {  	_ =	swait.ge [sflag:s5], $0x2800  }
0xf5: {  	[sflag:s5] =	ssyncset.done $0x0  }
0xf6: {  	[sflag:s5] =	ssyncadd.s32 $0xFFFFD800  }
0xf7: {  	_ =	swait.ge [sflag:s5], $0x2800  }
0xf8: {  	[sflag:s5] =	ssyncset.done $0x0  }
0xf9: {  	[sflag:s5] =	ssyncadd.s32 $0xFFFFD800  }
0xfa: {  	_ =	swait.ge [sflag:s5], $0x2800  }
0xfb: {  	[sflag:s5] =	ssyncset.done $0x0  }
0xfc: {  	[sflag:s5] =	ssyncadd.s32 $0xFFFFD800  }
0xfd: {  	_ =	swait.ge [sflag:s5], $0x2800  }
0xfe: {  	[sflag:s5] =	ssyncset.done $0x0  }
0xff: {  	[sflag:s5] =	ssyncadd.s32 $0xFFFFD800  }
0x100: {  	_ =	swait.ge [sflag:s5], $0x2800  }
0x101: {  	s1 =	sld [smem:$0x7FD]  }
0x102: {  	[sflag:s5] =	ssyncset.done $0x0  }
0x103: {  	[sflag:s5] =	ssyncadd.s32 $0xFFFFD800  }
0x104: {  	[tilespmem:s7], [sflag:$0x1] =	stream.indirect.gather [hbm4b:s3+s6], $0x80, s1, s6, $0xb8;
	[tilespmem:$0x1A000] =	vst v63  }
0x105: {  	_ = 	snop  }
0x106: {  	[tilespmem:s9], [sflag:$0x1] =	stream.indirect.gather [hbm4b:s3+s6], $0x80, s30, s6, $0xb8;
	[tilespmem:$0x1A000] =	vst v63  }
0x107: {  	_ = 	snop  }
0x108: {  	[tilespmem:s10], [sflag:$0x1] =	stream.indirect.gather [hbm4b:s3+s6], $0x80, s31, s6, $0xb8;
	[tilespmem:$0x1A000] =	vst v63  }
0x109: {  	_ = 	snop  }
0x10a: {  	[tilespmem:s12], [sflag:$0x1] =	stream.indirect.gather [hbm4b:s3+s6], $0x80, s23, s6, $0xb8;
	[tilespmem:$0x1A000] =	vst v63  }
0x10b: {  	_ = 	snop  }
0x10c: {  	[tilespmem:s11], [sflag:$0x1] =	stream.indirect.gather [hbm4b:s3+s6], $0x80, s29, s6, $0xb8;
	[tilespmem:$0x1A000] =	vst v63  }
0x10d: {  	s1 =	rddreg [dreg:$0xb]  }
0x10e: {  	[hbm4b:s1+s2] =	stream.linear.scatter [tilespmem:s8], [sflag:$0x2], $0xC800, $0x38;
	[tilespmem:$0x1A000] =	vst v63  }
0x10f: {  	_ =	swait.ge [sflag:s4], $0xC800  }
0x110: {  	[sflag:s4] =	ssyncset.done $0x0  }
0x111: {  	[sflag:s4] =	ssyncadd.s32 $0xFFFF3800  }
0x112: {  	_ =	swait.ge [sflag:s5], $0x2800  }
0x113: {  	[sflag:s5] =	ssyncset.done $0x0  }
0x114: {  	[sflag:s5] =	ssyncadd.s32 $0xFFFFD800  }
0x115: {  	_ =	swait.ge [sflag:s5], $0x2800  }
0x116: {  	[sflag:s5] =	ssyncset.done $0x0  }
0x117: {  	[sflag:s5] =	ssyncadd.s32 $0xFFFFD800  }
0x118: {  	_ =	swait.ge [sflag:s5], $0x2800  }
0x119: {  	[sflag:s5] =	ssyncset.done $0x0  }
0x11a: {  	[sflag:s5] =	ssyncadd.s32 $0xFFFFD800  }
0x11b: {  	_ =	swait.ge [sflag:s5], $0x2800  }
0x11c: {  	[sflag:s5] =	ssyncset.done $0x0  }
0x11d: {  	[sflag:s5] =	ssyncadd.s32 $0xFFFFD800  }
0x11e: {  	_ =	swait.ge [sflag:s5], $0x2800  }
0x11f: {  	[sflag:s5] =	ssyncset.done $0x0  }
0x120: {  	s1 =	simm.s32 $0xC80;
	[sflag:s5] =	ssyncadd.s32 $0xFFFFD800  }
0x121: {  	[tilespmem:s8], [sflag:$0x1] =	stream.indirect.gather [hbm4b:s3+s6], $0x80, s1, s6, $0xb8;
	[tilespmem:$0x1A000] =	vst v63  }
0x122: {  	_ = 	snop  }
0x123: {  	[tilespmem:s13], [sflag:$0x1] =	stream.indirect.gather [hbm4b:s3+s6], $0x80, s24, s6, $0xb8;
	[tilespmem:$0x1A000] =	vst v63  }
0x124: {  	_ = 	snop  }
0x125: {  	[tilespmem:s14], [sflag:$0x1] =	stream.indirect.gather [hbm4b:s3+s6], $0x80, s25, s6, $0xb8;
	[tilespmem:$0x1A000] =	vst v63  }
0x126: {  	_ = 	snop  }
0x127: {  	[tilespmem:s15], [sflag:$0x1] =	stream.indirect.gather [hbm4b:s3+s6], $0x80, s26, s6, $0xb8;
	[tilespmem:$0x1A000] =	vst v63  }
0x128: {  	_ = 	snop  }
0x129: {  	[tilespmem:s16], [sflag:$0x1] =	stream.indirect.gather [hbm4b:s3+s6], $0x80, s28, s6, $0xb8;
	[tilespmem:$0x1A000] =	vst v63  }
0x12a: {  	s1 =	rddreg [dreg:$0xc]  }
0x12b: {  	[hbm4b:s1+s2] =	stream.linear.scatter [tilespmem:s7], [sflag:$0x2], $0xC800, $0x38;
	[tilespmem:$0x1A000] =	vst v63  }
0x12c: {  	_ =	swait.ge [sflag:s4], $0xC800  }
0x12d: {  	[sflag:s4] =	ssyncset.done $0x0  }
0x12e: {  	[sflag:s4] =	ssyncadd.s32 $0xFFFF3800  }
0x12f: {  	_ =	swait.ge [sflag:s5], $0x2800  }
0x130: {  	[sflag:s5] =	ssyncset.done $0x0  }
0x131: {  	[sflag:s5] =	ssyncadd.s32 $0xFFFFD800  }
0x132: {  	_ =	swait.ge [sflag:s5], $0x2800  }
0x133: {  	[sflag:s5] =	ssyncset.done $0x0  }
0x134: {  	[sflag:s5] =	ssyncadd.s32 $0xFFFFD800  }
0x135: {  	_ =	swait.ge [sflag:s5], $0x2800  }
0x136: {  	[sflag:s5] =	ssyncset.done $0x0  }
0x137: {  	[sflag:s5] =	ssyncadd.s32 $0xFFFFD800  }
0x138: {  	_ =	swait.ge [sflag:s5], $0x2800  }
0x139: {  	[sflag:s5] =	ssyncset.done $0x0  }
0x13a: {  	[sflag:s5] =	ssyncadd.s32 $0xFFFFD800  }
0x13b: {  	_ =	swait.ge [sflag:s5], $0x2800  }
0x13c: {  	[sflag:s5] =	ssyncset.done $0x0  }
0x13d: {  	[sflag:s5] =	ssyncadd.s32 $0xFFFFD800  }
0x13e: {  	[tilespmem:s7], [sflag:$0x1] =	stream.indirect.gather [hbm4b:s3+s6], $0x80, s19, s6, $0xb8;
	[tilespmem:$0x1A000] =	vst v63  }
0x13f: {  	_ = 	snop  }
0x140: {  	[tilespmem:s9], [sflag:$0x1] =	stream.indirect.gather [hbm4b:s3+s6], $0x80, s20, s6, $0xb8;
	[tilespmem:$0x1A000] =	vst v63  }
0x141: {  	_ = 	snop  }
0x142: {  	[tilespmem:s10], [sflag:$0x1] =	stream.indirect.gather [hbm4b:s3+s6], $0x80, s21, s6, $0xb8;
	[tilespmem:$0x1A000] =	vst v63  }
0x143: {  	_ = 	snop  }
0x144: {  	[tilespmem:s12], [sflag:$0x1] =	stream.indirect.gather [hbm4b:s3+s6], $0x80, s22, s6, $0xb8;
	[tilespmem:$0x1A000] =	vst v63  }
0x145: {  	_ = 	snop  }
0x146: {  	[tilespmem:s11], [sflag:$0x1] =	stream.indirect.gather [hbm4b:s3+s6], $0x80, s18, s6, $0xb8;
	[tilespmem:$0x1A000] =	vst v63  }
0x147: {  	s1 =	rddreg [dreg:$0xd]  }
0x148: {  	[hbm4b:s1+s2] =	stream.linear.scatter [tilespmem:s8], [sflag:$0x2], $0xC800, $0x38;
	[tilespmem:$0x1A000] =	vst v63  }
0x149: {  	_ =	swait.ge [sflag:s4], $0xC800  }
0x14a: {  	[sflag:s4] =	ssyncset.done $0x0  }
0x14b: {  	[sflag:s4] =	ssyncadd.s32 $0xFFFF3800  }
0x14c: {  	_ =	swait.ge [sflag:s5], $0x2800  }
0x14d: {  	[sflag:s5] =	ssyncset.done $0x0  }
0x14e: {  	[sflag:s5] =	ssyncadd.s32 $0xFFFFD800  }
0x14f: {  	_ =	swait.ge [sflag:s5], $0x2800  }
0x150: {  	[sflag:s5] =	ssyncset.done $0x0  }
0x151: {  	[sflag:s5] =	ssyncadd.s32 $0xFFFFD800  }
0x152: {  	_ =	swait.ge [sflag:s5], $0x2800  }
0x153: {  	[sflag:s5] =	ssyncset.done $0x0  }
0x154: {  	[sflag:s5] =	ssyncadd.s32 $0xFFFFD800  }
0x155: {  	_ =	swait.ge [sflag:s5], $0x2800  }
0x156: {  	[sflag:s5] =	ssyncset.done $0x0  }
0x157: {  	[sflag:s5] =	ssyncadd.s32 $0xFFFFD800  }
0x158: {  	p1 =	sne.s32 s17, $0x1;
	_ =	swait.ge [sflag:s5], $0x2800  }
.Ltmp1:
0x159: {  	[sflag:s5] =	ssyncset.done $0x0;
	(pc) =	sbr.rel @!p1 .LBB2_3-.Ltmp1, $4  }
0x15a: {  	s1 =	rddreg [dreg:$0xe];
	[sflag:s5] =	ssyncadd.s32 $0xFFFFD800  }
0x15b: {  	[hbm4b:s1+s2] =	stream.linear.scatter [tilespmem:s7], [sflag:$0x2], $0xC800, $0x38;
	[tilespmem:$0x1A000] =	vst v63  }
0x15c: {  	p0 =	por $0x1, $0x1;
	_ =	swait.ge [sflag:s4], $0xC800  }
0x15d: {  	s1 =	sadd.s32 $0xFFFFFFFF, s17;
	s0 =	rddreg [dreg:$0x4];
	[sflag:s4] =	ssyncset.done $0x0  }
.LBB2_4:
0x15e: {  	[sflag:s4] =	ssyncadd.s32 $0xFFFF3800  }
0x15f: {  	[tilespmem:s2], [sflag:$0x2] =	stream.linear.gather [hbm4b:s0+s2], $0xFA0, $0x38;
	[tilespmem:$0x1A000] =	vst v63  }
0x160: {  	_ =	swait.ge [sflag:s4], $0xFA0  }
0x161: {  	[sflag:s4] =	ssyncset.done $0x0  }
0x162: {  	[sflag:s4] =	ssyncadd.s32 $0xFFFFF060  }
0x163: {  	[tilespmem:s8], [sflag:$0x1] =	stream.indirect.gather [hbm4b:s3+s6], $0x80, s2, s6, $0xb8;
	[tilespmem:$0x1A000] =	vst v63  }
0x164: {  	_ = 	snop  }
0x165: {  	[tilespmem:s13], [sflag:$0x1] =	stream.indirect.gather [hbm4b:s3+s6], $0x80, s6, s6, $0xb8;
	[tilespmem:$0x1A000] =	vst v63  }
0x166: {  	s0 =	rddreg [dreg:$0xf]  }
0x167: {  	[tilespmem:s14], [sflag:$0x1] =	stream.indirect.gather [hbm4b:s3+s6], $0x80, s0, s6, $0xb8;
	[tilespmem:$0x1A000] =	vst v63  }
0x168: {  	s17 =	rddreg [dreg:$0x10]  }
0x169: {  	[tilespmem:s15], [sflag:$0x1] =	stream.indirect.gather [hbm4b:s3+s6], $0x80, s17, s6, $0xb8;
	[tilespmem:$0x1A000] =	vst v63  }
0x16a: {  	s0 =	rddreg [dreg:$0x11]  }
0x16b: {  	[tilespmem:s16], [sflag:$0x1] =	stream.indirect.gather [hbm4b:s3+s6], $0x80, s0, s6, $0xb8;
	[tilespmem:$0x1A000] =	vst v63  }
0x16c: {  	_ =	swait.ge [sflag:s5], $0x2800  }
0x16d: {  	[sflag:s5] =	ssyncset.done $0x0  }
0x16e: {  	[sflag:s5] =	ssyncadd.s32 $0xFFFFD800  }
0x16f: {  	_ =	swait.ge [sflag:s5], $0x2800  }
0x170: {  	[sflag:s5] =	ssyncset.done $0x0  }
0x171: {  	[sflag:s5] =	ssyncadd.s32 $0xFFFFD800  }
0x172: {  	_ =	swait.ge [sflag:s5], $0x2800  }
0x173: {  	[sflag:s5] =	ssyncset.done $0x0  }
0x174: {  	[sflag:s5] =	ssyncadd.s32 $0xFFFFD800  }
0x175: {  	_ =	swait.ge [sflag:s5], $0x2800  }
0x176: {  	[sflag:s5] =	ssyncset.done $0x0  }
0x177: {  	[sflag:s5] =	ssyncadd.s32 $0xFFFFD800  }
0x178: {  	_ =	swait.ge [sflag:s5], $0x2800  }
0x179: {  	[sflag:s5] =	ssyncset.done $0x0  }
0x17a: {  	s0 =	rddreg [dreg:$0x12];
	[sflag:s5] =	ssyncadd.s32 $0xFFFFD800  }
0x17b: {  	[tilespmem:s7], [sflag:$0x1] =	stream.indirect.gather [hbm4b:s3+s6], $0x80, s0, s6, $0xb8;
	[tilespmem:$0x1A000] =	vst v63  }
0x17c: {  	s17 =	rddreg [dreg:$0x13]  }
0x17d: {  	[tilespmem:s9], [sflag:$0x1] =	stream.indirect.gather [hbm4b:s3+s6], $0x80, s17, s6, $0xb8;
	[tilespmem:$0x1A000] =	vst v63  }
0x17e: {  	s0 =	rddreg [dreg:$0x14]  }
0x17f: {  	[tilespmem:s10], [sflag:$0x1] =	stream.indirect.gather [hbm4b:s3+s6], $0x80, s0, s6, $0xb8;
	[tilespmem:$0x1A000] =	vst v63  }
0x180: {  	s17 =	rddreg [dreg:$0x15]  }
0x181: {  	[tilespmem:s12], [sflag:$0x1] =	stream.indirect.gather [hbm4b:s3+s6], $0x80, s17, s6, $0xb8;
	[tilespmem:$0x1A000] =	vst v63  }
0x182: {  	s0 =	rddreg [dreg:$0x16]  }
0x183: {  	[tilespmem:s11], [sflag:$0x1] =	stream.indirect.gather [hbm4b:s3+s6], $0x80, s0, s6, $0xb8;
	[tilespmem:$0x1A000] =	vst v63  }
0x184: {  	s17 =	rddreg [dreg:$0x5]  }
0x185: {  	[hbm4b:s17+s2] =	stream.linear.scatter [tilespmem:s8], [sflag:$0x2], $0xC800, $0x38;
	[tilespmem:$0x1A000] =	vst v63  }
0x186: {  	_ =	swait.ge [sflag:s4], $0xC800  }
0x187: {  	[sflag:s4] =	ssyncset.done $0x0  }
0x188: {  	[sflag:s4] =	ssyncadd.s32 $0xFFFF3800  }
0x189: {  	_ =	swait.ge [sflag:s5], $0x2800  }
0x18a: {  	[sflag:s5] =	ssyncset.done $0x0  }
0x18b: {  	[sflag:s5] =	ssyncadd.s32 $0xFFFFD800  }
0x18c: {  	_ =	swait.ge [sflag:s5], $0x2800  }
0x18d: {  	[sflag:s5] =	ssyncset.done $0x0  }
0x18e: {  	[sflag:s5] =	ssyncadd.s32 $0xFFFFD800  }
0x18f: {  	_ =	swait.ge [sflag:s5], $0x2800  }
0x190: {  	[sflag:s5] =	ssyncset.done $0x0  }
0x191: {  	[sflag:s5] =	ssyncadd.s32 $0xFFFFD800  }
0x192: {  	_ =	swait.ge [sflag:s5], $0x2800  }
0x193: {  	[sflag:s5] =	ssyncset.done $0x0  }
0x194: {  	[sflag:s5] =	ssyncadd.s32 $0xFFFFD800  }
0x195: {  	_ =	swait.ge [sflag:s5], $0x2800  }
0x196: {  	[sflag:s5] =	ssyncset.done $0x0  }
0x197: {  	s0 =	rddreg [dreg:$0x17];
	[sflag:s5] =	ssyncadd.s32 $0xFFFFD800  }
0x198: {  	[tilespmem:s8], [sflag:$0x1] =	stream.indirect.gather [hbm4b:s3+s6], $0x80, s0, s6, $0xb8;
	[tilespmem:$0x1A000] =	vst v63  }
0x199: {  	s17 =	rddreg [dreg:$0x18]  }
0x19a: {  	[tilespmem:s13], [sflag:$0x1] =	stream.indirect.gather [hbm4b:s3+s6], $0x80, s17, s6, $0xb8;
	[tilespmem:$0x1A000] =	vst v63  }
0x19b: {  	s0 =	rddreg [dreg:$0x19]  }
0x19c: {  	[tilespmem:s14], [sflag:$0x1] =	stream.indirect.gather [hbm4b:s3+s6], $0x80, s0, s6, $0xb8;
	[tilespmem:$0x1A000] =	vst v63  }
0x19d: {  	s17 =	rddreg [dreg:$0x1a]  }
0x19e: {  	[tilespmem:s15], [sflag:$0x1] =	stream.indirect.gather [hbm4b:s3+s6], $0x80, s17, s6, $0xb8;
	[tilespmem:$0x1A000] =	vst v63  }
0x19f: {  	s0 =	rddreg [dreg:$0x1b]  }
0x1a0: {  	[tilespmem:s16], [sflag:$0x1] =	stream.indirect.gather [hbm4b:s3+s6], $0x80, s0, s6, $0xb8;
	[tilespmem:$0x1A000] =	vst v63  }
0x1a1: {  	s17 =	rddreg [dreg:$0x6]  }
0x1a2: {  	[hbm4b:s17+s2] =	stream.linear.scatter [tilespmem:s7], [sflag:$0x2], $0xC800, $0x38;
	[tilespmem:$0x1A000] =	vst v63  }
0x1a3: {  	_ =	swait.ge [sflag:s4], $0xC800  }
0x1a4: {  	[sflag:s4] =	ssyncset.done $0x0  }
0x1a5: {  	[sflag:s4] =	ssyncadd.s32 $0xFFFF3800  }
0x1a6: {  	_ =	swait.ge [sflag:s5], $0x2800  }
0x1a7: {  	[sflag:s5] =	ssyncset.done $0x0  }
0x1a8: {  	[sflag:s5] =	ssyncadd.s32 $0xFFFFD800  }
0x1a9: {  	_ =	swait.ge [sflag:s5], $0x2800  }
0x1aa: {  	[sflag:s5] =	ssyncset.done $0x0  }
0x1ab: {  	[sflag:s5] =	ssyncadd.s32 $0xFFFFD800  }
0x1ac: {  	_ =	swait.ge [sflag:s5], $0x2800  }
0x1ad: {  	[sflag:s5] =	ssyncset.done $0x0  }
0x1ae: {  	[sflag:s5] =	ssyncadd.s32 $0xFFFFD800  }
0x1af: {  	_ =	swait.ge [sflag:s5], $0x2800  }
0x1b0: {  	[sflag:s5] =	ssyncset.done $0x0  }
0x1b1: {  	[sflag:s5] =	ssyncadd.s32 $0xFFFFD800  }
0x1b2: {  	_ =	swait.ge [sflag:s5], $0x2800  }
0x1b3: {  	s0 =	rddreg [dreg:$0x1c];
	[sflag:s5] =	ssyncset.done $0x0  }
0x1b4: {  	s17 =	rddreg [dreg:$0x1d];
	[sflag:s5] =	ssyncadd.s32 $0xFFFFD800  }
0x1b5: {  	[tilespmem:s7], [sflag:$0x1] =	stream.indirect.gather [hbm4b:s3+s6], $0x80, s0, s6, $0xb8;
	[tilespmem:$0x1A000] =	vst v63  }
0x1b6: {  	s0 =	rddreg [dreg:$0x1e]  }
0x1b7: {  	[tilespmem:s9], [sflag:$0x1] =	stream.indirect.gather [hbm4b:s3+s6], $0x80, s17, s6, $0xb8;
	[tilespmem:$0x1A000] =	vst v63  }
0x1b8: {  	s17 =	rddreg [dreg:$0x1f]  }
0x1b9: {  	[tilespmem:s10], [sflag:$0x1] =	stream.indirect.gather [hbm4b:s3+s6], $0x80, s0, s6, $0xb8;
	[tilespmem:$0x1A000] =	vst v63  }
0x1ba: {  	s0 =	sld [smem:$0x7ED]  }
0x1bb: {  	[tilespmem:s12], [sflag:$0x1] =	stream.indirect.gather [hbm4b:s3+s6], $0x80, s17, s6, $0xb8;
	[tilespmem:$0x1A000] =	vst v63  }
0x1bc: {  	_ = 	snop  }
0x1bd: {  	[tilespmem:s11], [sflag:$0x1] =	stream.indirect.gather [hbm4b:s3+s6], $0x80, s0, s6, $0xb8;
	[tilespmem:$0x1A000] =	vst v63  }
0x1be: {  	s17 =	rddreg [dreg:$0x7]  }
0x1bf: {  	[hbm4b:s17+s2] =	stream.linear.scatter [tilespmem:s8], [sflag:$0x2], $0xC800, $0x38;
	[tilespmem:$0x1A000] =	vst v63  }
0x1c0: {  	_ =	swait.ge [sflag:s4], $0xC800  }
0x1c1: {  	[sflag:s4] =	ssyncset.done $0x0  }
0x1c2: {  	[sflag:s4] =	ssyncadd.s32 $0xFFFF3800  }
0x1c3: {  	_ =	swait.ge [sflag:s5], $0x2800  }
0x1c4: {  	[sflag:s5] =	ssyncset.done $0x0  }
0x1c5: {  	[sflag:s5] =	ssyncadd.s32 $0xFFFFD800  }
0x1c6: {  	_ =	swait.ge [sflag:s5], $0x2800  }
0x1c7: {  	[sflag:s5] =	ssyncset.done $0x0  }
0x1c8: {  	[sflag:s5] =	ssyncadd.s32 $0xFFFFD800  }
0x1c9: {  	_ =	swait.ge [sflag:s5], $0x2800  }
0x1ca: {  	[sflag:s5] =	ssyncset.done $0x0  }
0x1cb: {  	[sflag:s5] =	ssyncadd.s32 $0xFFFFD800  }
0x1cc: {  	_ =	swait.ge [sflag:s5], $0x2800  }
0x1cd: {  	[sflag:s5] =	ssyncset.done $0x0  }
0x1ce: {  	[sflag:s5] =	ssyncadd.s32 $0xFFFFD800  }
0x1cf: {  	_ =	swait.ge [sflag:s5], $0x2800  }
0x1d0: {  	s0 =	sld [smem:$0x7EE]  }
0x1d1: {  	[sflag:s5] =	ssyncset.done $0x0  }
0x1d2: {  	s17 =	sld [smem:$0x7EF];
	[sflag:s5] =	ssyncadd.s32 $0xFFFFD800  }
0x1d3: {  	[tilespmem:s8], [sflag:$0x1] =	stream.indirect.gather [hbm4b:s3+s6], $0x80, s0, s6, $0xb8;
	[tilespmem:$0x1A000] =	vst v63  }
0x1d4: {  	s0 =	sld [smem:$0x7F0]  }
0x1d5: {  	[tilespmem:s13], [sflag:$0x1] =	stream.indirect.gather [hbm4b:s3+s6], $0x80, s17, s6, $0xb8;
	[tilespmem:$0x1A000] =	vst v63  }
0x1d6: {  	s17 =	sld [smem:$0x7F1]  }
0x1d7: {  	[tilespmem:s14], [sflag:$0x1] =	stream.indirect.gather [hbm4b:s3+s6], $0x80, s0, s6, $0xb8;
	[tilespmem:$0x1A000] =	vst v63  }
0x1d8: {  	s0 =	sld [smem:$0x7F2]  }
0x1d9: {  	[tilespmem:s15], [sflag:$0x1] =	stream.indirect.gather [hbm4b:s3+s6], $0x80, s17, s6, $0xb8;
	[tilespmem:$0x1A000] =	vst v63  }
0x1da: {  	_ = 	snop  }
0x1db: {  	[tilespmem:s16], [sflag:$0x1] =	stream.indirect.gather [hbm4b:s3+s6], $0x80, s0, s6, $0xb8;
	[tilespmem:$0x1A000] =	vst v63  }
0x1dc: {  	s17 =	rddreg [dreg:$0x8]  }
0x1dd: {  	[hbm4b:s17+s2] =	stream.linear.scatter [tilespmem:s7], [sflag:$0x2], $0xC800, $0x38;
	[tilespmem:$0x1A000] =	vst v63  }
0x1de: {  	_ =	swait.ge [sflag:s4], $0xC800  }
0x1df: {  	[sflag:s4] =	ssyncset.done $0x0  }
0x1e0: {  	[sflag:s4] =	ssyncadd.s32 $0xFFFF3800  }
0x1e1: {  	_ =	swait.ge [sflag:s5], $0x2800  }
0x1e2: {  	[sflag:s5] =	ssyncset.done $0x0  }
0x1e3: {  	[sflag:s5] =	ssyncadd.s32 $0xFFFFD800  }
0x1e4: {  	_ =	swait.ge [sflag:s5], $0x2800  }
0x1e5: {  	[sflag:s5] =	ssyncset.done $0x0  }
0x1e6: {  	[sflag:s5] =	ssyncadd.s32 $0xFFFFD800  }
0x1e7: {  	_ =	swait.ge [sflag:s5], $0x2800  }
0x1e8: {  	[sflag:s5] =	ssyncset.done $0x0  }
0x1e9: {  	[sflag:s5] =	ssyncadd.s32 $0xFFFFD800  }
0x1ea: {  	_ =	swait.ge [sflag:s5], $0x2800  }
0x1eb: {  	[sflag:s5] =	ssyncset.done $0x0  }
0x1ec: {  	[sflag:s5] =	ssyncadd.s32 $0xFFFFD800  }
0x1ed: {  	_ =	swait.ge [sflag:s5], $0x2800  }
0x1ee: {  	s0 =	sld [smem:$0x7F3]  }
0x1ef: {  	[sflag:s5] =	ssyncset.done $0x0  }
0x1f0: {  	s17 =	sld [smem:$0x7F4];
	[sflag:s5] =	ssyncadd.s32 $0xFFFFD800  }
0x1f1: {  	[tilespmem:s7], [sflag:$0x1] =	stream.indirect.gather [hbm4b:s3+s6], $0x80, s0, s6, $0xb8;
	[tilespmem:$0x1A000] =	vst v63  }
0x1f2: {  	s0 =	sld [smem:$0x7F5]  }
0x1f3: {  	[tilespmem:s9], [sflag:$0x1] =	stream.indirect.gather [hbm4b:s3+s6], $0x80, s17, s6, $0xb8;
	[tilespmem:$0x1A000] =	vst v63  }
0x1f4: {  	s17 =	sld [smem:$0x7F6]  }
0x1f5: {  	[tilespmem:s10], [sflag:$0x1] =	stream.indirect.gather [hbm4b:s3+s6], $0x80, s0, s6, $0xb8;
	[tilespmem:$0x1A000] =	vst v63  }
0x1f6: {  	s0 =	sld [smem:$0x7F7]  }
0x1f7: {  	[tilespmem:s12], [sflag:$0x1] =	stream.indirect.gather [hbm4b:s3+s6], $0x80, s17, s6, $0xb8;
	[tilespmem:$0x1A000] =	vst v63  }
0x1f8: {  	_ = 	snop  }
0x1f9: {  	[tilespmem:s11], [sflag:$0x1] =	stream.indirect.gather [hbm4b:s3+s6], $0x80, s0, s6, $0xb8;
	[tilespmem:$0x1A000] =	vst v63  }
0x1fa: {  	s17 =	rddreg [dreg:$0x9]  }
0x1fb: {  	[hbm4b:s17+s2] =	stream.linear.scatter [tilespmem:s8], [sflag:$0x2], $0xC800, $0x38;
	[tilespmem:$0x1A000] =	vst v63  }
0x1fc: {  	_ =	swait.ge [sflag:s4], $0xC800  }
0x1fd: {  	[sflag:s4] =	ssyncset.done $0x0  }
0x1fe: {  	[sflag:s4] =	ssyncadd.s32 $0xFFFF3800  }
0x1ff: {  	_ =	swait.ge [sflag:s5], $0x2800  }
0x200: {  	[sflag:s5] =	ssyncset.done $0x0  }
0x201: {  	[sflag:s5] =	ssyncadd.s32 $0xFFFFD800  }
0x202: {  	_ =	swait.ge [sflag:s5], $0x2800  }
0x203: {  	[sflag:s5] =	ssyncset.done $0x0  }
0x204: {  	[sflag:s5] =	ssyncadd.s32 $0xFFFFD800  }
0x205: {  	_ =	swait.ge [sflag:s5], $0x2800  }
0x206: {  	[sflag:s5] =	ssyncset.done $0x0  }
0x207: {  	[sflag:s5] =	ssyncadd.s32 $0xFFFFD800  }
0x208: {  	_ =	swait.ge [sflag:s5], $0x2800  }
0x209: {  	[sflag:s5] =	ssyncset.done $0x0  }
0x20a: {  	[sflag:s5] =	ssyncadd.s32 $0xFFFFD800  }
0x20b: {  	_ =	swait.ge [sflag:s5], $0x2800  }
0x20c: {  	s0 =	sld [smem:$0x7F8]  }
0x20d: {  	[sflag:s5] =	ssyncset.done $0x0  }
0x20e: {  	s17 =	sld [smem:$0x7F9];
	[sflag:s5] =	ssyncadd.s32 $0xFFFFD800  }
0x20f: {  	[tilespmem:s8], [sflag:$0x1] =	stream.indirect.gather [hbm4b:s3+s6], $0x80, s0, s6, $0xb8;
	[tilespmem:$0x1A000] =	vst v63  }
0x210: {  	s0 =	sld [smem:$0x7FA]  }
0x211: {  	[tilespmem:s13], [sflag:$0x1] =	stream.indirect.gather [hbm4b:s3+s6], $0x80, s17, s6, $0xb8;
	[tilespmem:$0x1A000] =	vst v63  }
0x212: {  	s17 =	sld [smem:$0x7FB]  }
0x213: {  	[tilespmem:s14], [sflag:$0x1] =	stream.indirect.gather [hbm4b:s3+s6], $0x80, s0, s6, $0xb8;
	[tilespmem:$0x1A000] =	vst v63  }
0x214: {  	s0 =	sld [smem:$0x7FC]  }
0x215: {  	[tilespmem:s15], [sflag:$0x1] =	stream.indirect.gather [hbm4b:s3+s6], $0x80, s17, s6, $0xb8;
	[tilespmem:$0x1A000] =	vst v63  }
0x216: {  	_ = 	snop  }
0x217: {  	[tilespmem:s16], [sflag:$0x1] =	stream.indirect.gather [hbm4b:s3+s6], $0x80, s0, s6, $0xb8;
	[tilespmem:$0x1A000] =	vst v63  }
0x218: {  	s17 =	rddreg [dreg:$0xa]  }
0x219: {  	[hbm4b:s17+s2] =	stream.linear.scatter [tilespmem:s7], [sflag:$0x2], $0xC800, $0x38;
	[tilespmem:$0x1A000] =	vst v63  }
0x21a: {  	_ =	swait.ge [sflag:s4], $0xC800  }
0x21b: {  	[sflag:s4] =	ssyncset.done $0x0  }
0x21c: {  	[sflag:s4] =	ssyncadd.s32 $0xFFFF3800  }
0x21d: {  	_ =	swait.ge [sflag:s5], $0x2800  }
0x21e: {  	[sflag:s5] =	ssyncset.done $0x0  }
0x21f: {  	[sflag:s5] =	ssyncadd.s32 $0xFFFFD800  }
0x220: {  	_ =	swait.ge [sflag:s5], $0x2800  }
0x221: {  	[sflag:s5] =	ssyncset.done $0x0  }
0x222: {  	[sflag:s5] =	ssyncadd.s32 $0xFFFFD800  }
0x223: {  	_ =	swait.ge [sflag:s5], $0x2800  }
0x224: {  	[sflag:s5] =	ssyncset.done $0x0  }
0x225: {  	[sflag:s5] =	ssyncadd.s32 $0xFFFFD800  }
0x226: {  	_ =	swait.ge [sflag:s5], $0x2800  }
0x227: {  	[sflag:s5] =	ssyncset.done $0x0  }
0x228: {  	[sflag:s5] =	ssyncadd.s32 $0xFFFFD800  }
0x229: {  	_ =	swait.ge [sflag:s5], $0x2800  }
0x22a: {  	s17 =	sld [smem:$0x7FD]  }
0x22b: {  	[sflag:s5] =	ssyncset.done $0x0  }
0x22c: {  	[sflag:s5] =	ssyncadd.s32 $0xFFFFD800  }
0x22d: {  	[tilespmem:s7], [sflag:$0x1] =	stream.indirect.gather [hbm4b:s3+s6], $0x80, s17, s6, $0xb8;
	[tilespmem:$0x1A000] =	vst v63  }
0x22e: {  	_ = 	snop  }
0x22f: {  	[tilespmem:s9], [sflag:$0x1] =	stream.indirect.gather [hbm4b:s3+s6], $0x80, s30, s6, $0xb8;
	[tilespmem:$0x1A000] =	vst v63  }
0x230: {  	_ = 	snop  }
0x231: {  	[tilespmem:s10], [sflag:$0x1] =	stream.indirect.gather [hbm4b:s3+s6], $0x80, s31, s6, $0xb8;
	[tilespmem:$0x1A000] =	vst v63  }
0x232: {  	_ = 	snop  }
0x233: {  	[tilespmem:s12], [sflag:$0x1] =	stream.indirect.gather [hbm4b:s3+s6], $0x80, s23, s6, $0xb8;
	[tilespmem:$0x1A000] =	vst v63  }
0x234: {  	_ = 	snop  }
0x235: {  	[tilespmem:s11], [sflag:$0x1] =	stream.indirect.gather [hbm4b:s3+s6], $0x80, s29, s6, $0xb8;
	[tilespmem:$0x1A000] =	vst v63  }
0x236: {  	s17 =	rddreg [dreg:$0xb]  }
0x237: {  	[hbm4b:s17+s2] =	stream.linear.scatter [tilespmem:s8], [sflag:$0x2], $0xC800, $0x38;
	[tilespmem:$0x1A000] =	vst v63  }
0x238: {  	_ =	swait.ge [sflag:s4], $0xC800  }
0x239: {  	[sflag:s4] =	ssyncset.done $0x0  }
0x23a: {  	[sflag:s4] =	ssyncadd.s32 $0xFFFF3800  }
0x23b: {  	_ =	swait.ge [sflag:s5], $0x2800  }
0x23c: {  	[sflag:s5] =	ssyncset.done $0x0  }
0x23d: {  	[sflag:s5] =	ssyncadd.s32 $0xFFFFD800  }
0x23e: {  	_ =	swait.ge [sflag:s5], $0x2800  }
0x23f: {  	[sflag:s5] =	ssyncset.done $0x0  }
0x240: {  	[sflag:s5] =	ssyncadd.s32 $0xFFFFD800  }
0x241: {  	_ =	swait.ge [sflag:s5], $0x2800  }
0x242: {  	[sflag:s5] =	ssyncset.done $0x0  }
0x243: {  	[sflag:s5] =	ssyncadd.s32 $0xFFFFD800  }
0x244: {  	_ =	swait.ge [sflag:s5], $0x2800  }
0x245: {  	[sflag:s5] =	ssyncset.done $0x0  }
0x246: {  	[sflag:s5] =	ssyncadd.s32 $0xFFFFD800  }
0x247: {  	_ =	swait.ge [sflag:s5], $0x2800  }
0x248: {  	[sflag:s5] =	ssyncset.done $0x0  }
0x249: {  	s17 =	simm.s32 $0xC80;
	[sflag:s5] =	ssyncadd.s32 $0xFFFFD800  }
0x24a: {  	[tilespmem:s8], [sflag:$0x1] =	stream.indirect.gather [hbm4b:s3+s6], $0x80, s17, s6, $0xb8;
	[tilespmem:$0x1A000] =	vst v63  }
0x24b: {  	_ = 	snop  }
0x24c: {  	[tilespmem:s13], [sflag:$0x1] =	stream.indirect.gather [hbm4b:s3+s6], $0x80, s24, s6, $0xb8;
	[tilespmem:$0x1A000] =	vst v63  }
0x24d: {  	_ = 	snop  }
0x24e: {  	[tilespmem:s14], [sflag:$0x1] =	stream.indirect.gather [hbm4b:s3+s6], $0x80, s25, s6, $0xb8;
	[tilespmem:$0x1A000] =	vst v63  }
0x24f: {  	_ = 	snop  }
0x250: {  	[tilespmem:s15], [sflag:$0x1] =	stream.indirect.gather [hbm4b:s3+s6], $0x80, s26, s6, $0xb8;
	[tilespmem:$0x1A000] =	vst v63  }
0x251: {  	_ = 	snop  }
0x252: {  	[tilespmem:s16], [sflag:$0x1] =	stream.indirect.gather [hbm4b:s3+s6], $0x80, s28, s6, $0xb8;
	[tilespmem:$0x1A000] =	vst v63  }
0x253: {  	s17 =	rddreg [dreg:$0xc]  }
0x254: {  	[hbm4b:s17+s2] =	stream.linear.scatter [tilespmem:s7], [sflag:$0x2], $0xC800, $0x38;
	[tilespmem:$0x1A000] =	vst v63  }
0x255: {  	_ =	swait.ge [sflag:s4], $0xC800  }
0x256: {  	[sflag:s4] =	ssyncset.done $0x0  }
0x257: {  	[sflag:s4] =	ssyncadd.s32 $0xFFFF3800  }
0x258: {  	_ =	swait.ge [sflag:s5], $0x2800  }
0x259: {  	[sflag:s5] =	ssyncset.done $0x0  }
0x25a: {  	[sflag:s5] =	ssyncadd.s32 $0xFFFFD800  }
0x25b: {  	_ =	swait.ge [sflag:s5], $0x2800  }
0x25c: {  	[sflag:s5] =	ssyncset.done $0x0  }
0x25d: {  	[sflag:s5] =	ssyncadd.s32 $0xFFFFD800  }
0x25e: {  	_ =	swait.ge [sflag:s5], $0x2800  }
0x25f: {  	[sflag:s5] =	ssyncset.done $0x0  }
0x260: {  	[sflag:s5] =	ssyncadd.s32 $0xFFFFD800  }
0x261: {  	_ =	swait.ge [sflag:s5], $0x2800  }
0x262: {  	[sflag:s5] =	ssyncset.done $0x0  }
0x263: {  	[sflag:s5] =	ssyncadd.s32 $0xFFFFD800  }
0x264: {  	_ =	swait.ge [sflag:s5], $0x2800  }
0x265: {  	[sflag:s5] =	ssyncset.done $0x0  }
0x266: {  	[sflag:s5] =	ssyncadd.s32 $0xFFFFD800  }
0x267: {  	[tilespmem:s7], [sflag:$0x1] =	stream.indirect.gather [hbm4b:s3+s6], $0x80, s19, s6, $0xb8;
	[tilespmem:$0x1A000] =	vst v63  }
0x268: {  	_ = 	snop  }
0x269: {  	[tilespmem:s9], [sflag:$0x1] =	stream.indirect.gather [hbm4b:s3+s6], $0x80, s20, s6, $0xb8;
	[tilespmem:$0x1A000] =	vst v63  }
0x26a: {  	_ = 	snop  }
0x26b: {  	[tilespmem:s10], [sflag:$0x1] =	stream.indirect.gather [hbm4b:s3+s6], $0x80, s21, s6, $0xb8;
	[tilespmem:$0x1A000] =	vst v63  }
0x26c: {  	_ = 	snop  }
0x26d: {  	[tilespmem:s12], [sflag:$0x1] =	stream.indirect.gather [hbm4b:s3+s6], $0x80, s22, s6, $0xb8;
	[tilespmem:$0x1A000] =	vst v63  }
0x26e: {  	_ = 	snop  }
0x26f: {  	[tilespmem:s11], [sflag:$0x1] =	stream.indirect.gather [hbm4b:s3+s6], $0x80, s18, s6, $0xb8;
	[tilespmem:$0x1A000] =	vst v63  }
0x270: {  	s17 =	rddreg [dreg:$0xd]  }
0x271: {  	[hbm4b:s17+s2] =	stream.linear.scatter [tilespmem:s8], [sflag:$0x2], $0xC800, $0x38;
	[tilespmem:$0x1A000] =	vst v63  }
0x272: {  	_ =	swait.ge [sflag:s4], $0xC800  }
0x273: {  	[sflag:s4] =	ssyncset.done $0x0  }
0x274: {  	[sflag:s4] =	ssyncadd.s32 $0xFFFF3800  }
0x275: {  	_ =	swait.ge [sflag:s5], $0x2800  }
0x276: {  	[sflag:s5] =	ssyncset.done $0x0  }
0x277: {  	[sflag:s5] =	ssyncadd.s32 $0xFFFFD800  }
0x278: {  	_ =	swait.ge [sflag:s5], $0x2800  }
0x279: {  	[sflag:s5] =	ssyncset.done $0x0  }
0x27a: {  	[sflag:s5] =	ssyncadd.s32 $0xFFFFD800  }
0x27b: {  	_ =	swait.ge [sflag:s5], $0x2800  }
0x27c: {  	[sflag:s5] =	ssyncset.done $0x0  }
0x27d: {  	[sflag:s5] =	ssyncadd.s32 $0xFFFFD800  }
0x27e: {  	_ =	swait.ge [sflag:s5], $0x2800  }
0x27f: {  	[sflag:s5] =	ssyncset.done $0x0  }
0x280: {  	[sflag:s5] =	ssyncadd.s32 $0xFFFFD800  }
0x281: {  	p1 =	sne.s32 s1, $0x1;
	_ =	swait.ge [sflag:s5], $0x2800  }
.Ltmp2:
0x282: {  	[sflag:s5] =	ssyncset.done $0x0;
	(pc) =	sbr.rel @p1 .LBB2_4-.Ltmp2, $4  }
0x283: {  	s17 =	rddreg [dreg:$0xe];
	[sflag:s5] =	ssyncadd.s32 $0xFFFFD800  }
0x284: {  	[hbm4b:s17+s2] =	stream.linear.scatter [tilespmem:s7], [sflag:$0x2], $0xC800, $0x38;
	[tilespmem:$0x1A000] =	vst v63  }
0x285: {  	_ =	swait.ge [sflag:s4], $0xC800  }
0x286: {  	s1 =	sadd.s32 $0xFFFFFFFF, s1;
	s0 =	rddreg [dreg:$0x4];
	[sflag:s4] =	ssyncset.done $0x0  }
0x287: {  	s22 =	simm.s32 $0xBE0;
	s31 =	simm.s32 $0xB90  }
0x288: {  	s30 =	simm.s32 $0xB40;
	s29 =	simm.s32 $0xC30;
	s28 =	simm.s32 $0xDC0  }
0x289: {  	s26 =	simm.s32 $0xD70;
	s25 =	simm.s32 $0xD20;
	s24 =	simm.s32 $0xCD0  }
0x28a: {  	s23 =	simm.s32 $0xC80;
	s21 =	simm.s32 $0xEB0;
	s20 =	simm.s32 $0xE60  }
0x28b: {  	s19 =	simm.s32 $0xE10;
	s18 =	simm.s32 $0xF50;
	s17 =	stileid.u32  }
.LBB2_6:
0x28c: {  	[sflag:s4] =	ssyncadd.s32 @p0 $0xFFFF3800  }
0x28d: {  	[tilespmem:s2], [sflag:$0x2] =	stream.linear.gather [hbm4b:s0+s2], $0xFA0, $0x38;
	[tilespmem:$0x1A000] =	vst v63  }
0x28e: {  	_ =	swait.ge [sflag:s4], $0xFA0  }
0x28f: {  	[sflag:s4] =	ssyncset.done $0x0  }
0x290: {  	[sflag:s4] =	ssyncadd.s32 $0xFFFFF060  }
0x291: {  	[tilespmem:s8], [sflag:$0x1] =	stream.indirect.gather [hbm4b:s3+s6], $0x80, s2, s6, $0xb8;
	[tilespmem:$0x1A000] =	vst v63  }
0x292: {  	_ = 	snop  }
0x293: {  	[tilespmem:s13], [sflag:$0x1] =	stream.indirect.gather [hbm4b:s3+s6], $0x80, s6, s6, $0xb8;
	[tilespmem:$0x1A000] =	vst v63  }
0x294: {  	s0 =	rddreg [dreg:$0xf]  }
0x295: {  	[tilespmem:s14], [sflag:$0x1] =	stream.indirect.gather [hbm4b:s3+s6], $0x80, s0, s6, $0xb8;
	[tilespmem:$0x1A000] =	vst v63  }
0x296: {  	s1 =	rddreg [dreg:$0x10]  }
0x297: {  	[tilespmem:s15], [sflag:$0x1] =	stream.indirect.gather [hbm4b:s3+s6], $0x80, s1, s6, $0xb8;
	[tilespmem:$0x1A000] =	vst v63  }
0x298: {  	s0 =	rddreg [dreg:$0x11]  }
0x299: {  	[tilespmem:s16], [sflag:$0x1] =	stream.indirect.gather [hbm4b:s3+s6], $0x80, s0, s6, $0xb8;
	[tilespmem:$0x1A000] =	vst v63  }
0x29a: {  	_ =	swait.ge [sflag:s5], $0x2800  }
0x29b: {  	[sflag:s5] =	ssyncset.done $0x0  }
0x29c: {  	[sflag:s5] =	ssyncadd.s32 $0xFFFFD800  }
0x29d: {  	_ =	swait.ge [sflag:s5], $0x2800  }
0x29e: {  	[sflag:s5] =	ssyncset.done $0x0  }
0x29f: {  	[sflag:s5] =	ssyncadd.s32 $0xFFFFD800  }
0x2a0: {  	_ =	swait.ge [sflag:s5], $0x2800  }
0x2a1: {  	[sflag:s5] =	ssyncset.done $0x0  }
0x2a2: {  	[sflag:s5] =	ssyncadd.s32 $0xFFFFD800  }
0x2a3: {  	_ =	swait.ge [sflag:s5], $0x2800  }
0x2a4: {  	[sflag:s5] =	ssyncset.done $0x0  }
0x2a5: {  	[sflag:s5] =	ssyncadd.s32 $0xFFFFD800  }
0x2a6: {  	_ =	swait.ge [sflag:s5], $0x2800  }
0x2a7: {  	[sflag:s5] =	ssyncset.done $0x0  }
0x2a8: {  	s0 =	rddreg [dreg:$0x12];
	[sflag:s5] =	ssyncadd.s32 $0xFFFFD800  }
0x2a9: {  	[tilespmem:s7], [sflag:$0x1] =	stream.indirect.gather [hbm4b:s3+s6], $0x80, s0, s6, $0xb8;
	[tilespmem:$0x1A000] =	vst v63  }
0x2aa: {  	s1 =	rddreg [dreg:$0x13]  }
0x2ab: {  	[tilespmem:s9], [sflag:$0x1] =	stream.indirect.gather [hbm4b:s3+s6], $0x80, s1, s6, $0xb8;
	[tilespmem:$0x1A000] =	vst v63  }
0x2ac: {  	s0 =	rddreg [dreg:$0x14]  }
0x2ad: {  	[tilespmem:s10], [sflag:$0x1] =	stream.indirect.gather [hbm4b:s3+s6], $0x80, s0, s6, $0xb8;
	[tilespmem:$0x1A000] =	vst v63  }
0x2ae: {  	s1 =	rddreg [dreg:$0x15]  }
0x2af: {  	[tilespmem:s12], [sflag:$0x1] =	stream.indirect.gather [hbm4b:s3+s6], $0x80, s1, s6, $0xb8;
	[tilespmem:$0x1A000] =	vst v63  }
0x2b0: {  	s0 =	rddreg [dreg:$0x16]  }
0x2b1: {  	[tilespmem:s11], [sflag:$0x1] =	stream.indirect.gather [hbm4b:s3+s6], $0x80, s0, s6, $0xb8;
	[tilespmem:$0x1A000] =	vst v63  }
0x2b2: {  	s1 =	rddreg [dreg:$0x5]  }
0x2b3: {  	[hbm4b:s1+s2] =	stream.linear.scatter [tilespmem:s8], [sflag:$0x2], $0xC800, $0x38;
	[tilespmem:$0x1A000] =	vst v63  }
0x2b4: {  	_ =	swait.ge [sflag:s4], $0xC800  }
0x2b5: {  	[sflag:s4] =	ssyncset.done $0x0  }
0x2b6: {  	[sflag:s4] =	ssyncadd.s32 $0xFFFF3800  }
0x2b7: {  	_ =	swait.ge [sflag:s5], $0x2800  }
0x2b8: {  	[sflag:s5] =	ssyncset.done $0x0  }
0x2b9: {  	[sflag:s5] =	ssyncadd.s32 $0xFFFFD800  }
0x2ba: {  	_ =	swait.ge [sflag:s5], $0x2800  }
0x2bb: {  	[sflag:s5] =	ssyncset.done $0x0  }
0x2bc: {  	[sflag:s5] =	ssyncadd.s32 $0xFFFFD800  }
0x2bd: {  	_ =	swait.ge [sflag:s5], $0x2800  }
0x2be: {  	[sflag:s5] =	ssyncset.done $0x0  }
0x2bf: {  	[sflag:s5] =	ssyncadd.s32 $0xFFFFD800  }
0x2c0: {  	_ =	swait.ge [sflag:s5], $0x2800  }
0x2c1: {  	[sflag:s5] =	ssyncset.done $0x0  }
0x2c2: {  	[sflag:s5] =	ssyncadd.s32 $0xFFFFD800  }
0x2c3: {  	_ =	swait.ge [sflag:s5], $0x2800  }
0x2c4: {  	[sflag:s5] =	ssyncset.done $0x0  }
0x2c5: {  	s0 =	rddreg [dreg:$0x17];
	[sflag:s5] =	ssyncadd.s32 $0xFFFFD800  }
0x2c6: {  	[tilespmem:s8], [sflag:$0x1] =	stream.indirect.gather [hbm4b:s3+s6], $0x80, s0, s6, $0xb8;
	[tilespmem:$0x1A000] =	vst v63  }
0x2c7: {  	s1 =	rddreg [dreg:$0x18]  }
0x2c8: {  	[tilespmem:s13], [sflag:$0x1] =	stream.indirect.gather [hbm4b:s3+s6], $0x80, s1, s6, $0xb8;
	[tilespmem:$0x1A000] =	vst v63  }
0x2c9: {  	s0 =	rddreg [dreg:$0x19]  }
0x2ca: {  	[tilespmem:s14], [sflag:$0x1] =	stream.indirect.gather [hbm4b:s3+s6], $0x80, s0, s6, $0xb8;
	[tilespmem:$0x1A000] =	vst v63  }
0x2cb: {  	s1 =	rddreg [dreg:$0x1a]  }
0x2cc: {  	[tilespmem:s15], [sflag:$0x1] =	stream.indirect.gather [hbm4b:s3+s6], $0x80, s1, s6, $0xb8;
	[tilespmem:$0x1A000] =	vst v63  }
0x2cd: {  	s0 =	rddreg [dreg:$0x1b]  }
0x2ce: {  	[tilespmem:s16], [sflag:$0x1] =	stream.indirect.gather [hbm4b:s3+s6], $0x80, s0, s6, $0xb8;
	[tilespmem:$0x1A000] =	vst v63  }
0x2cf: {  	s1 =	rddreg [dreg:$0x6]  }
0x2d0: {  	[hbm4b:s1+s2] =	stream.linear.scatter [tilespmem:s7], [sflag:$0x2], $0xC800, $0x38;
	[tilespmem:$0x1A000] =	vst v63  }
0x2d1: {  	_ =	swait.ge [sflag:s4], $0xC800  }
0x2d2: {  	[sflag:s4] =	ssyncset.done $0x0  }
0x2d3: {  	[sflag:s4] =	ssyncadd.s32 $0xFFFF3800  }
0x2d4: {  	_ =	swait.ge [sflag:s5], $0x2800  }
0x2d5: {  	[sflag:s5] =	ssyncset.done $0x0  }
0x2d6: {  	[sflag:s5] =	ssyncadd.s32 $0xFFFFD800  }
0x2d7: {  	_ =	swait.ge [sflag:s5], $0x2800  }
0x2d8: {  	[sflag:s5] =	ssyncset.done $0x0  }
0x2d9: {  	[sflag:s5] =	ssyncadd.s32 $0xFFFFD800  }
0x2da: {  	_ =	swait.ge [sflag:s5], $0x2800  }
0x2db: {  	[sflag:s5] =	ssyncset.done $0x0  }
0x2dc: {  	[sflag:s5] =	ssyncadd.s32 $0xFFFFD800  }
0x2dd: {  	_ =	swait.ge [sflag:s5], $0x2800  }
0x2de: {  	[sflag:s5] =	ssyncset.done $0x0  }
0x2df: {  	[sflag:s5] =	ssyncadd.s32 $0xFFFFD800  }
0x2e0: {  	_ =	swait.ge [sflag:s5], $0x2800  }
0x2e1: {  	s0 =	rddreg [dreg:$0x1c];
	[sflag:s5] =	ssyncset.done $0x0  }
0x2e2: {  	s1 =	rddreg [dreg:$0x1d];
	[sflag:s5] =	ssyncadd.s32 $0xFFFFD800  }
0x2e3: {  	[tilespmem:s7], [sflag:$0x1] =	stream.indirect.gather [hbm4b:s3+s6], $0x80, s0, s6, $0xb8;
	[tilespmem:$0x1A000] =	vst v63  }
0x2e4: {  	s0 =	rddreg [dreg:$0x1e]  }
0x2e5: {  	[tilespmem:s9], [sflag:$0x1] =	stream.indirect.gather [hbm4b:s3+s6], $0x80, s1, s6, $0xb8;
	[tilespmem:$0x1A000] =	vst v63  }
0x2e6: {  	s1 =	rddreg [dreg:$0x1f]  }
0x2e7: {  	[tilespmem:s10], [sflag:$0x1] =	stream.indirect.gather [hbm4b:s3+s6], $0x80, s0, s6, $0xb8;
	[tilespmem:$0x1A000] =	vst v63  }
0x2e8: {  	s0 =	sld [smem:$0x7ED]  }
0x2e9: {  	[tilespmem:s12], [sflag:$0x1] =	stream.indirect.gather [hbm4b:s3+s6], $0x80, s1, s6, $0xb8;
	[tilespmem:$0x1A000] =	vst v63  }
0x2ea: {  	_ = 	snop  }
0x2eb: {  	[tilespmem:s11], [sflag:$0x1] =	stream.indirect.gather [hbm4b:s3+s6], $0x80, s0, s6, $0xb8;
	[tilespmem:$0x1A000] =	vst v63  }
0x2ec: {  	s1 =	rddreg [dreg:$0x7]  }
0x2ed: {  	[hbm4b:s1+s2] =	stream.linear.scatter [tilespmem:s8], [sflag:$0x2], $0xC800, $0x38;
	[tilespmem:$0x1A000] =	vst v63  }
0x2ee: {  	_ =	swait.ge [sflag:s4], $0xC800  }
0x2ef: {  	[sflag:s4] =	ssyncset.done $0x0  }
0x2f0: {  	[sflag:s4] =	ssyncadd.s32 $0xFFFF3800  }
0x2f1: {  	_ =	swait.ge [sflag:s5], $0x2800  }
0x2f2: {  	[sflag:s5] =	ssyncset.done $0x0  }
0x2f3: {  	[sflag:s5] =	ssyncadd.s32 $0xFFFFD800  }
0x2f4: {  	_ =	swait.ge [sflag:s5], $0x2800  }
0x2f5: {  	[sflag:s5] =	ssyncset.done $0x0  }
0x2f6: {  	[sflag:s5] =	ssyncadd.s32 $0xFFFFD800  }
0x2f7: {  	_ =	swait.ge [sflag:s5], $0x2800  }
0x2f8: {  	[sflag:s5] =	ssyncset.done $0x0  }
0x2f9: {  	[sflag:s5] =	ssyncadd.s32 $0xFFFFD800  }
0x2fa: {  	_ =	swait.ge [sflag:s5], $0x2800  }
0x2fb: {  	[sflag:s5] =	ssyncset.done $0x0  }
0x2fc: {  	[sflag:s5] =	ssyncadd.s32 $0xFFFFD800  }
0x2fd: {  	_ =	swait.ge [sflag:s5], $0x2800  }
0x2fe: {  	s0 =	sld [smem:$0x7EE]  }
0x2ff: {  	[sflag:s5] =	ssyncset.done $0x0  }
0x300: {  	s1 =	sld [smem:$0x7EF];
	[sflag:s5] =	ssyncadd.s32 $0xFFFFD800  }
0x301: {  	[tilespmem:s8], [sflag:$0x1] =	stream.indirect.gather [hbm4b:s3+s6], $0x80, s0, s6, $0xb8;
	[tilespmem:$0x1A000] =	vst v63  }
0x302: {  	s0 =	sld [smem:$0x7F0]  }
0x303: {  	[tilespmem:s13], [sflag:$0x1] =	stream.indirect.gather [hbm4b:s3+s6], $0x80, s1, s6, $0xb8;
	[tilespmem:$0x1A000] =	vst v63  }
0x304: {  	s1 =	sld [smem:$0x7F1]  }
0x305: {  	[tilespmem:s14], [sflag:$0x1] =	stream.indirect.gather [hbm4b:s3+s6], $0x80, s0, s6, $0xb8;
	[tilespmem:$0x1A000] =	vst v63  }
0x306: {  	s0 =	sld [smem:$0x7F2]  }
0x307: {  	[tilespmem:s15], [sflag:$0x1] =	stream.indirect.gather [hbm4b:s3+s6], $0x80, s1, s6, $0xb8;
	[tilespmem:$0x1A000] =	vst v63  }
0x308: {  	_ = 	snop  }
0x309: {  	[tilespmem:s16], [sflag:$0x1] =	stream.indirect.gather [hbm4b:s3+s6], $0x80, s0, s6, $0xb8;
	[tilespmem:$0x1A000] =	vst v63  }
0x30a: {  	s1 =	rddreg [dreg:$0x8]  }
0x30b: {  	[hbm4b:s1+s2] =	stream.linear.scatter [tilespmem:s7], [sflag:$0x2], $0xC800, $0x38;
	[tilespmem:$0x1A000] =	vst v63  }
0x30c: {  	_ =	swait.ge [sflag:s4], $0xC800  }
0x30d: {  	[sflag:s4] =	ssyncset.done $0x0  }
0x30e: {  	[sflag:s4] =	ssyncadd.s32 $0xFFFF3800  }
0x30f: {  	_ =	swait.ge [sflag:s5], $0x2800  }
0x310: {  	[sflag:s5] =	ssyncset.done $0x0  }
0x311: {  	[sflag:s5] =	ssyncadd.s32 $0xFFFFD800  }
0x312: {  	_ =	swait.ge [sflag:s5], $0x2800  }
0x313: {  	[sflag:s5] =	ssyncset.done $0x0  }
0x314: {  	[sflag:s5] =	ssyncadd.s32 $0xFFFFD800  }
0x315: {  	_ =	swait.ge [sflag:s5], $0x2800  }
0x316: {  	[sflag:s5] =	ssyncset.done $0x0  }
0x317: {  	[sflag:s5] =	ssyncadd.s32 $0xFFFFD800  }
0x318: {  	_ =	swait.ge [sflag:s5], $0x2800  }
0x319: {  	[sflag:s5] =	ssyncset.done $0x0  }
0x31a: {  	[sflag:s5] =	ssyncadd.s32 $0xFFFFD800  }
0x31b: {  	_ =	swait.ge [sflag:s5], $0x2800  }
0x31c: {  	s0 =	sld [smem:$0x7F3]  }
0x31d: {  	[sflag:s5] =	ssyncset.done $0x0  }
0x31e: {  	s1 =	sld [smem:$0x7F4];
	[sflag:s5] =	ssyncadd.s32 $0xFFFFD800  }
0x31f: {  	[tilespmem:s7], [sflag:$0x1] =	stream.indirect.gather [hbm4b:s3+s6], $0x80, s0, s6, $0xb8;
	[tilespmem:$0x1A000] =	vst v63  }
0x320: {  	s0 =	sld [smem:$0x7F5]  }
0x321: {  	[tilespmem:s9], [sflag:$0x1] =	stream.indirect.gather [hbm4b:s3+s6], $0x80, s1, s6, $0xb8;
	[tilespmem:$0x1A000] =	vst v63  }
0x322: {  	s1 =	sld [smem:$0x7F6]  }
0x323: {  	[tilespmem:s10], [sflag:$0x1] =	stream.indirect.gather [hbm4b:s3+s6], $0x80, s0, s6, $0xb8;
	[tilespmem:$0x1A000] =	vst v63  }
0x324: {  	s0 =	sld [smem:$0x7F7]  }
0x325: {  	[tilespmem:s12], [sflag:$0x1] =	stream.indirect.gather [hbm4b:s3+s6], $0x80, s1, s6, $0xb8;
	[tilespmem:$0x1A000] =	vst v63  }
0x326: {  	_ = 	snop  }
0x327: {  	[tilespmem:s11], [sflag:$0x1] =	stream.indirect.gather [hbm4b:s3+s6], $0x80, s0, s6, $0xb8;
	[tilespmem:$0x1A000] =	vst v63  }
0x328: {  	s1 =	rddreg [dreg:$0x9]  }
0x329: {  	[hbm4b:s1+s2] =	stream.linear.scatter [tilespmem:s8], [sflag:$0x2], $0xC800, $0x38;
	[tilespmem:$0x1A000] =	vst v63  }
0x32a: {  	_ =	swait.ge [sflag:s4], $0xC800  }
0x32b: {  	[sflag:s4] =	ssyncset.done $0x0  }
0x32c: {  	[sflag:s4] =	ssyncadd.s32 $0xFFFF3800  }
0x32d: {  	_ =	swait.ge [sflag:s5], $0x2800  }
0x32e: {  	[sflag:s5] =	ssyncset.done $0x0  }
0x32f: {  	[sflag:s5] =	ssyncadd.s32 $0xFFFFD800  }
0x330: {  	_ =	swait.ge [sflag:s5], $0x2800  }
0x331: {  	[sflag:s5] =	ssyncset.done $0x0  }
0x332: {  	[sflag:s5] =	ssyncadd.s32 $0xFFFFD800  }
0x333: {  	_ =	swait.ge [sflag:s5], $0x2800  }
0x334: {  	[sflag:s5] =	ssyncset.done $0x0  }
0x335: {  	[sflag:s5] =	ssyncadd.s32 $0xFFFFD800  }
0x336: {  	_ =	swait.ge [sflag:s5], $0x2800  }
0x337: {  	[sflag:s5] =	ssyncset.done $0x0  }
0x338: {  	[sflag:s5] =	ssyncadd.s32 $0xFFFFD800  }
0x339: {  	_ =	swait.ge [sflag:s5], $0x2800  }
0x33a: {  	s0 =	sld [smem:$0x7F8]  }
0x33b: {  	[sflag:s5] =	ssyncset.done $0x0  }
0x33c: {  	s1 =	sld [smem:$0x7F9];
	[sflag:s5] =	ssyncadd.s32 $0xFFFFD800  }
0x33d: {  	[tilespmem:s8], [sflag:$0x1] =	stream.indirect.gather [hbm4b:s3+s6], $0x80, s0, s6, $0xb8;
	[tilespmem:$0x1A000] =	vst v63  }
0x33e: {  	s0 =	sld [smem:$0x7FA]  }
0x33f: {  	[tilespmem:s13], [sflag:$0x1] =	stream.indirect.gather [hbm4b:s3+s6], $0x80, s1, s6, $0xb8;
	[tilespmem:$0x1A000] =	vst v63  }
0x340: {  	s1 =	sld [smem:$0x7FB]  }
0x341: {  	[tilespmem:s14], [sflag:$0x1] =	stream.indirect.gather [hbm4b:s3+s6], $0x80, s0, s6, $0xb8;
	[tilespmem:$0x1A000] =	vst v63  }
0x342: {  	s0 =	sld [smem:$0x7FC]  }
0x343: {  	[tilespmem:s15], [sflag:$0x1] =	stream.indirect.gather [hbm4b:s3+s6], $0x80, s1, s6, $0xb8;
	[tilespmem:$0x1A000] =	vst v63  }
0x344: {  	_ = 	snop  }
0x345: {  	[tilespmem:s16], [sflag:$0x1] =	stream.indirect.gather [hbm4b:s3+s6], $0x80, s0, s6, $0xb8;
	[tilespmem:$0x1A000] =	vst v63  }
0x346: {  	s1 =	rddreg [dreg:$0xa]  }
0x347: {  	[hbm4b:s1+s2] =	stream.linear.scatter [tilespmem:s7], [sflag:$0x2], $0xC800, $0x38;
	[tilespmem:$0x1A000] =	vst v63  }
0x348: {  	_ =	swait.ge [sflag:s4], $0xC800  }
0x349: {  	[sflag:s4] =	ssyncset.done $0x0  }
0x34a: {  	[sflag:s4] =	ssyncadd.s32 $0xFFFF3800  }
0x34b: {  	_ =	swait.ge [sflag:s5], $0x2800  }
0x34c: {  	[sflag:s5] =	ssyncset.done $0x0  }
0x34d: {  	[sflag:s5] =	ssyncadd.s32 $0xFFFFD800  }
0x34e: {  	_ =	swait.ge [sflag:s5], $0x2800  }
0x34f: {  	[sflag:s5] =	ssyncset.done $0x0  }
0x350: {  	[sflag:s5] =	ssyncadd.s32 $0xFFFFD800  }
0x351: {  	_ =	swait.ge [sflag:s5], $0x2800  }
0x352: {  	[sflag:s5] =	ssyncset.done $0x0  }
0x353: {  	[sflag:s5] =	ssyncadd.s32 $0xFFFFD800  }
0x354: {  	_ =	swait.ge [sflag:s5], $0x2800  }
0x355: {  	[sflag:s5] =	ssyncset.done $0x0  }
0x356: {  	[sflag:s5] =	ssyncadd.s32 $0xFFFFD800  }
0x357: {  	_ =	swait.ge [sflag:s5], $0x2800  }
0x358: {  	s1 =	sld [smem:$0x7FD]  }
0x359: {  	[sflag:s5] =	ssyncset.done $0x0  }
0x35a: {  	[sflag:s5] =	ssyncadd.s32 $0xFFFFD800  }
0x35b: {  	[tilespmem:s7], [sflag:$0x1] =	stream.indirect.gather [hbm4b:s3+s6], $0x80, s1, s6, $0xb8;
	[tilespmem:$0x1A000] =	vst v63  }
0x35c: {  	_ = 	snop  }
0x35d: {  	[tilespmem:s9], [sflag:$0x1] =	stream.indirect.gather [hbm4b:s3+s6], $0x80, s30, s6, $0xb8;
	[tilespmem:$0x1A000] =	vst v63  }
0x35e: {  	_ = 	snop  }
0x35f: {  	[tilespmem:s10], [sflag:$0x1] =	stream.indirect.gather [hbm4b:s3+s6], $0x80, s31, s6, $0xb8;
	[tilespmem:$0x1A000] =	vst v63  }
0x360: {  	_ = 	snop  }
0x361: {  	[tilespmem:s12], [sflag:$0x1] =	stream.indirect.gather [hbm4b:s3+s6], $0x80, s22, s6, $0xb8;
	[tilespmem:$0x1A000] =	vst v63  }
0x362: {  	_ = 	snop  }
0x363: {  	[tilespmem:s11], [sflag:$0x1] =	stream.indirect.gather [hbm4b:s3+s6], $0x80, s29, s6, $0xb8;
	[tilespmem:$0x1A000] =	vst v63  }
0x364: {  	s22 =	rddreg [dreg:$0xb]  }
0x365: {  	[hbm4b:s22+s2] =	stream.linear.scatter [tilespmem:s8], [sflag:$0x2], $0xC800, $0x38;
	[tilespmem:$0x1A000] =	vst v63  }
0x366: {  	_ =	swait.ge [sflag:s4], $0xC800  }
0x367: {  	[sflag:s4] =	ssyncset.done $0x0  }
0x368: {  	[sflag:s4] =	ssyncadd.s32 $0xFFFF3800  }
0x369: {  	_ =	swait.ge [sflag:s5], $0x2800  }
0x36a: {  	[sflag:s5] =	ssyncset.done $0x0  }
0x36b: {  	[sflag:s5] =	ssyncadd.s32 $0xFFFFD800  }
0x36c: {  	_ =	swait.ge [sflag:s5], $0x2800  }
0x36d: {  	[sflag:s5] =	ssyncset.done $0x0  }
0x36e: {  	[sflag:s5] =	ssyncadd.s32 $0xFFFFD800  }
0x36f: {  	_ =	swait.ge [sflag:s5], $0x2800  }
0x370: {  	[sflag:s5] =	ssyncset.done $0x0  }
0x371: {  	[sflag:s5] =	ssyncadd.s32 $0xFFFFD800  }
0x372: {  	_ =	swait.ge [sflag:s5], $0x2800  }
0x373: {  	[sflag:s5] =	ssyncset.done $0x0  }
0x374: {  	[sflag:s5] =	ssyncadd.s32 $0xFFFFD800  }
0x375: {  	_ =	swait.ge [sflag:s5], $0x2800  }
0x376: {  	[sflag:s5] =	ssyncset.done $0x0  }
0x377: {  	[sflag:s5] =	ssyncadd.s32 $0xFFFFD800  }
0x378: {  	[tilespmem:s8], [sflag:$0x1] =	stream.indirect.gather [hbm4b:s3+s6], $0x80, s23, s6, $0xb8;
	[tilespmem:$0x1A000] =	vst v63  }
0x379: {  	_ = 	snop  }
0x37a: {  	[tilespmem:s13], [sflag:$0x1] =	stream.indirect.gather [hbm4b:s3+s6], $0x80, s24, s6, $0xb8;
	[tilespmem:$0x1A000] =	vst v63  }
0x37b: {  	_ = 	snop  }
0x37c: {  	[tilespmem:s14], [sflag:$0x1] =	stream.indirect.gather [hbm4b:s3+s6], $0x80, s25, s6, $0xb8;
	[tilespmem:$0x1A000] =	vst v63  }
0x37d: {  	_ = 	snop  }
0x37e: {  	[tilespmem:s15], [sflag:$0x1] =	stream.indirect.gather [hbm4b:s3+s6], $0x80, s26, s6, $0xb8;
	[tilespmem:$0x1A000] =	vst v63  }
0x37f: {  	_ = 	snop  }
0x380: {  	[tilespmem:s16], [sflag:$0x1] =	stream.indirect.gather [hbm4b:s3+s6], $0x80, s28, s6, $0xb8;
	[tilespmem:$0x1A000] =	vst v63  }
0x381: {  	s26 =	rddreg [dreg:$0xc]  }
0x382: {  	[hbm4b:s26+s2] =	stream.linear.scatter [tilespmem:s7], [sflag:$0x2], $0xC800, $0x38;
	[tilespmem:$0x1A000] =	vst v63  }
0x383: {  	_ =	swait.ge [sflag:s4], $0xC800  }
0x384: {  	[sflag:s4] =	ssyncset.done $0x0  }
0x385: {  	[sflag:s4] =	ssyncadd.s32 $0xFFFF3800  }
0x386: {  	_ =	swait.ge [sflag:s5], $0x2800  }
0x387: {  	[sflag:s5] =	ssyncset.done $0x0  }
0x388: {  	[sflag:s5] =	ssyncadd.s32 $0xFFFFD800  }
0x389: {  	_ =	swait.ge [sflag:s5], $0x2800  }
0x38a: {  	[sflag:s5] =	ssyncset.done $0x0  }
0x38b: {  	[sflag:s5] =	ssyncadd.s32 $0xFFFFD800  }
0x38c: {  	_ =	swait.ge [sflag:s5], $0x2800  }
0x38d: {  	[sflag:s5] =	ssyncset.done $0x0  }
0x38e: {  	[sflag:s5] =	ssyncadd.s32 $0xFFFFD800  }
0x38f: {  	_ =	swait.ge [sflag:s5], $0x2800  }
0x390: {  	[sflag:s5] =	ssyncset.done $0x0  }
0x391: {  	[sflag:s5] =	ssyncadd.s32 $0xFFFFD800  }
0x392: {  	_ =	swait.ge [sflag:s5], $0x2800  }
0x393: {  	[sflag:s5] =	ssyncset.done $0x0  }
0x394: {  	[sflag:s5] =	ssyncadd.s32 $0xFFFFD800  }
0x395: {  	[tilespmem:s7], [sflag:$0x1] =	stream.indirect.gather [hbm4b:s3+s6], $0x80, s19, s6, $0xb8;
	[tilespmem:$0x1A000] =	vst v63  }
0x396: {  	_ = 	snop  }
0x397: {  	[tilespmem:s9], [sflag:$0x1] =	stream.indirect.gather [hbm4b:s3+s6], $0x80, s20, s6, $0xb8;
	[tilespmem:$0x1A000] =	vst v63  }
0x398: {  	_ = 	snop  }
0x399: {  	[tilespmem:s10], [sflag:$0x1] =	stream.indirect.gather [hbm4b:s3+s6], $0x80, s21, s6, $0xb8;
	[tilespmem:$0x1A000] =	vst v63  }
0x39a: {  	s29 =	simm.s32 $0xF00  }
0x39b: {  	[tilespmem:s12], [sflag:$0x1] =	stream.indirect.gather [hbm4b:s3+s6], $0x80, s29, s6, $0xb8;
	[tilespmem:$0x1A000] =	vst v63  }
0x39c: {  	_ = 	snop  }
0x39d: {  	[tilespmem:s11], [sflag:$0x1] =	stream.indirect.gather [hbm4b:s3+s6], $0x80, s18, s6, $0xb8;
	[tilespmem:$0x1A000] =	vst v63  }
0x39e: {  	s30 =	rddreg [dreg:$0xd]  }
0x39f: {  	[hbm4b:s30+s2] =	stream.linear.scatter [tilespmem:s8], [sflag:$0x2], $0xC800, $0x38;
	[tilespmem:$0x1A000] =	vst v63  }
0x3a0: {  	_ =	swait.ge [sflag:s4], $0xC800  }
0x3a1: {  	[sflag:s4] =	ssyncset.done $0x0  }
0x3a2: {  	[sflag:s4] =	ssyncadd.s32 $0xFFFF3800  }
0x3a3: {  	_ =	swait.ge [sflag:s5], $0x2800  }
0x3a4: {  	[sflag:s5] =	ssyncset.done $0x0  }
0x3a5: {  	[sflag:s5] =	ssyncadd.s32 $0xFFFFD800  }
0x3a6: {  	_ =	swait.ge [sflag:s5], $0x2800  }
0x3a7: {  	[sflag:s5] =	ssyncset.done $0x0  }
0x3a8: {  	[sflag:s5] =	ssyncadd.s32 $0xFFFFD800  }
0x3a9: {  	_ =	swait.ge [sflag:s5], $0x2800  }
0x3aa: {  	[sflag:s5] =	ssyncset.done $0x0  }
0x3ab: {  	[sflag:s5] =	ssyncadd.s32 $0xFFFFD800  }
0x3ac: {  	_ =	swait.ge [sflag:s5], $0x2800  }
0x3ad: {  	[sflag:s5] =	ssyncset.done $0x0  }
0x3ae: {  	[sflag:s5] =	ssyncadd.s32 $0xFFFFD800  }
0x3af: {  	_ =	swait.ge [sflag:s5], $0x2800  }
0x3b0: {  	[sflag:s5] =	ssyncset.done $0x0  }
0x3b1: {  	s31 =	rddreg [dreg:$0xe];
	[sflag:s5] =	ssyncadd.s32 $0xFFFFD800  }
0x3b2: {  	[hbm4b:s31+s2] =	stream.linear.scatter [tilespmem:s7], [sflag:$0x2], $0xC800, $0x38;
	[tilespmem:$0x1A000] =	vst v63  }
0x3b3: {  	_ =	swait.ge [sflag:s4], $0xC800  }
0x3b4: {  	[sflag:s4] =	ssyncset.done $0x0  }
0x3b5: {  	[sflag:s4] =	ssyncadd.s32 $0xFFFF3800  }
0x3b6: {  	_ =	sfence.sel $0x180000  }
0x3b7: {  	[bflag:$0x0] =	sbarrier.arrive $0xFFFF  }
0x3b8: {  	_ =	strace $0x9000004A  }
0x3b9: {  	[bflag:$0x2] =	sbarrier.arrive $0xFFFF  }
0x3ba: {  	p0 =	sne.s32 s17, $0x0;
	s0 =	rddreg [dreg:$0x3]  }
0x3bb: {  	s0 =	sadd.s32 @!p0 $0x100000, s0  }
0x3bc: {  	[sflag:s0] =	ssyncadd.tile.s32 @!p0 $0x1;
	_ =	shalt  }
.LBB2_1:
.Ltmp3:
0x3bd: {  	s22 =	simm.s32 $0xBE0;
	(pc) =	sbr.rel .LBB2_6-.Ltmp3, $4  }
0x3be: {  	s31 =	simm.s32 $0xB90;
	s30 =	simm.s32 $0xB40;
	s29 =	simm.s32 $0xC30  }
0x3bf: {  	s28 =	simm.s32 $0xDC0;
	s26 =	simm.s32 $0xD70;
	s25 =	simm.s32 $0xD20  }
0x3c0: {  	s24 =	simm.s32 $0xCD0;
	s23 =	simm.s32 $0xC80;
	s21 =	simm.s32 $0xEB0  }
0x3c1: {  	s20 =	simm.s32 $0xE60;
	s19 =	simm.s32 $0xE10;
	s18 =	simm.s32 $0xF50  }
.LBB2_3:
.Ltmp4:
0x3c2: {  	s22 =	simm.s32 $0xBE0;
	s31 =	simm.s32 $0xB90;
	(pc) =	sbr.rel .LBB2_6-.Ltmp4, $4  }
0x3c3: {  	s30 =	simm.s32 $0xB40;
	s29 =	simm.s32 $0xC30;
	s28 =	simm.s32 $0xDC0  }
0x3c4: {  	s26 =	simm.s32 $0xD70;
	s25 =	simm.s32 $0xD20;
	s24 =	simm.s32 $0xCD0  }
0x3c5: {  	s23 =	simm.s32 $0xC80;
	s21 =	simm.s32 $0xEB0;
	s20 =	simm.s32 $0xE60  }
0x3c6: {  	s19 =	simm.s32 $0xE10;
	s18 =	simm.s32 $0xF50;
	s17 =	stileid.u32  }
.Lfunc_end2:
_tile_overlayer_lowered:
.L_overlay_start_2:
0x3c7: {  	(tag) =	ssettag $0x2  }
0x3c8: {  	s0 =	rddreg [dreg:$0x0];
	s2 =	stileid.u32  }
0x3c9: {  	s1 =	rddreg [dreg:$0x1];
	p0 =	sne.s32 s2, $0x0  }
0x3ca: {  	s3 =	rddreg [dreg:$0x2];
	[bflag:$0x3] =	sbarrier.arrive $0xFFFF;
	s2 =	simm.s32 @!p0 $0x1C02  }
0x3cb: {  	[timem:s3], [sflag:s2] =	dma.local @!p0 [hbm:s0], s1  }
0x3cc: {  	s0 =	simm.s32 @!p0 $0x2  }
0x3cd: {  	_ =	swait.ge @!p0 [sflag:s0], s1  }
0x3ce: {  	s1 =	ssub.s32 @!p0 $0x0, s1;
	[sflag:s0] =	ssyncset.done @!p0 $0x0  }
0x3cf: {  	[sflag:s0] =	ssyncadd.s32 @!p0 s1  }
0x3d0: {  	[bflag:$0x3] =	sbarrier.arrive $0xFFFF  }
0x3d1: {  	_ =	shalt  }

// kernel: kernel.9.cloned.1.call-start
scs
__scs_entry_jumppad:
0x0: {  	(pc) =	sbr.rel $0x88, $3  }
0x1: {  	(tag) =	ssettag $0x0;
	lr =	simm.s32 $0x1  }
0x2: {  	[smem:$0x3F9A] =	sst lr;
	_ =	strace $0xD0000000  }
0x3: {  	_ = 	snop  }
0x4: {  	_ = 	snop  }
0x5: {  	_ = 	snop  }
0x6: {  	_ = 	snop  }
0x7: {  	_ = 	snop  }
__scs_overlays_trampoline_lowered:
0x8: {  	[smem:$0x3FA9] =	sst s0  }
0x9: {  	[smem:$0x3FAA] =	sst s1  }
0xa: {  	[smem:$0x3FAB] =	sst s2  }
0xb: {  	[smem:$0x3FAC] =	sst s3  }
0xc: {  	[smem:$0x3FAD] =	sst s4  }
0xd: {  	[smem:$0x3FAE] =	sst s5  }
0xe: {  	[smem:$0x3FAF] =	sst s6  }
0xf: {  	[smem:$0x3FB0] =	sst s7  }
0x10: {  	[smem:$0x3FB1] =	sst s8  }
0x11: {  	[smem:$0x3FB2] =	sst s9;
	s0 =	simm.s32 @!p0 $0x0  }
0x12: {  	s1 =	sld [smem:$0x3F98];
	s0 =	simm.s32 @p0 $0x1  }
0x13: {  	[smem:$0x3FB3] =	sst s0;
	s0 =	simm.s32 @!p1 $0x0  }
0x14: {  	s2 =	sld [smem:$0x3F97];
	s0 =	simm.s32 @p1 $0x1  }
0x15: {  	[smem:$0x3FB4] =	sst s0;
	s0 =	simm.s32 @!p2 $0x0  }
0x16: {  	s3 =	sld [smem:$0x3FDB];
	s0 =	simm.s32 @p2 $0x1  }
0x17: {  	s4 =	simm.s32 $0x1BF5;
	[smem:$0x3FB6] =	sst s0  }
0x18: {  	s0 =	sld [smem:$0x3F99];
	_ =	swait.ge [sflag:s4], $0x0  }
0x19: {  	s7 =	sld [smem:$0x3F9A]  }
0x1a: {  	s8 =	sadd.s32 $0xFFFFE003, lr  }
0x1b: {  	s9 =	sadd.s32 $0xFFFFFEF7, lr;
	s5 =	simm.s32 $0xFFFFFFFF;
	p2 =	slt.u32 s8, $0xFFFFF086  }
0x1c: {  	p1 =	slt.u32 s9, $0xF7A;
	s5 =	simm.s32 @!p2 $0x0  }
0x1d: {  	s5 =	simm.s32 @p1 $0x1;
	p0 =	seq.s32 s7, s2  }
0x1e: {  	s7 =	smul.u32 @!p0 $0xF7A, s2;
	p2 =	seq.s32 @!p0 s5, $0x0  }
0x1f: {  	s9 =	smul.u32 $0xF7A, s1;
	s8 =	simm.s32 @!p0 $0x1BF5;
	p2 =	por !p2, p0  }
0x20: {  	[sflag:s8] =	ssyncset.s32 @!p0 $0xFFFFF086;
	s6 =	sadd.s32 @!p0 s3, s7;
	s7 =	simm.s32 @!p0 $0x108  }
0x21: {  	s3 =	sadd.s32 s3, s9;
	s6 =	sadd.s32 @!p0 $0x88, s6;
	s7 =	simm.s32 @p2 $0x1082  }
0x22: {  	[simem:s7], [sflag:s8] =	dma.local @!p0 [hbm:s6], $0xF7A  }
0x23: {  	s9 =	sor.u32 $0xD0000000, s2;
	s6 =	simm.s32 $0x108;
	_ =	swait.ge @!p0 [sflag:s8], $0x0  }
0x24: {  	s3 =	sadd.s32 $0x88, s3;
	s6 =	simm.s32 @!p1 $0x1082;
	[sflag:s4] =	ssyncset.s32 $0xFFFFF086  }
0x25: {  	[simem:s6], [sflag:s4] =	dma.local [hbm:s3], $0xF7A  }
0x26: {  	[smem:$0x3F9A] =	sst s1;
	(tag) =	ssettag s2;
	_ =	strace s9  }
0x27: {  	s1 =	sld [smem:$0x3FAA]  }
0x28: {  	s2 =	sld [smem:$0x3FAB]  }
0x29: {  	s4 =	sld [smem:$0x3FAD]  }
0x2a: {  	p0 =	seq.s32 s5, $0x0;
	s5 =	sld [smem:$0x3FAE]  }
0x2b: {  	s6 =	sld [smem:$0x3FAF]  }
0x2c: {  	s7 =	sld [smem:$0x3FB0]  }
0x2d: {  	s3 =	simm.s32 $0x108;
	s8 =	sld [smem:$0x3FB1]  }
0x2e: {  	s3 =	simm.s32 @!p0 $0x1082;
	s9 =	sld [smem:$0x3FB2]  }
0x2f: {  	lr =	sadd.s32 s0, s3;
	s0 =	sld [smem:$0x3FA9]  }
0x30: {  	s3 =	sld [smem:$0x3FAC]  }
0x31: {  	[smem:$0x3FB5] =	sst s10  }
0x32: {  	s10 =	sld [smem:$0x3FB3];
	_ =	sdelay $0x3  }
0x33: {  	p0 =	seq.s32 s10, $0x1;
	s10 =	sld [smem:$0x3FB5];
	_ =	sdelay $0x3  }
0x34: {  	[smem:$0x3FB5] =	sst s10  }
0x35: {  	s10 =	sld [smem:$0x3FB4];
	_ =	sdelay $0x3  }
0x36: {  	p1 =	seq.s32 s10, $0x1;
	s10 =	sld [smem:$0x3FB5];
	_ =	sdelay $0x3  }
0x37: {  	[smem:$0x3FB5] =	sst s10  }
0x38: {  	s10 =	sld [smem:$0x3FB6]  }
0x39: {  	_ = 	snop;
	(pc) =	sbr.ind lr, $3  }
0x3a: {  	_ = 	snop  }
0x3b: {  	_ = 	snop  }
0x3c: {  	p2 =	seq.s32 s10, $0x1;
	s10 =	sld [smem:$0x3FB5]  }
0x3d: {  	_ =	shalt  }
0x3e: {  	_ =	shalt  }
0x3f: {  	_ =	shalt  }
0x40: {  	_ =	shalt  }
0x41: {  	_ =	shalt  }
0x42: {  	_ =	shalt  }
0x43: {  	_ =	shalt  }
0x44: {  	_ =	shalt  }
0x45: {  	_ =	shalt  }
0x46: {  	_ =	shalt  }
0x47: {  	_ =	shalt  }
0x48: {  	_ =	shalt  }
0x49: {  	_ =	shalt  }
0x4a: {  	_ =	shalt  }
0x4b: {  	_ =	shalt  }
0x4c: {  	_ =	shalt  }
0x4d: {  	_ =	shalt  }
0x4e: {  	_ =	shalt  }
0x4f: {  	_ =	shalt  }
0x50: {  	_ =	shalt  }
0x51: {  	_ =	shalt  }
0x52: {  	_ =	shalt  }
0x53: {  	_ =	shalt  }
0x54: {  	_ =	shalt  }
0x55: {  	_ =	shalt  }
0x56: {  	_ =	shalt  }
0x57: {  	_ =	shalt  }
0x58: {  	_ =	shalt  }
0x59: {  	_ =	shalt  }
0x5a: {  	_ =	shalt  }
0x5b: {  	_ =	shalt  }
0x5c: {  	_ =	shalt  }
0x5d: {  	_ =	shalt  }
0x5e: {  	_ =	shalt  }
0x5f: {  	_ =	shalt  }
0x60: {  	_ =	shalt  }
0x61: {  	_ =	shalt  }
0x62: {  	_ =	shalt  }
0x63: {  	_ =	shalt  }
0x64: {  	_ =	shalt  }
0x65: {  	_ =	shalt  }
0x66: {  	_ =	shalt  }
0x67: {  	_ =	shalt  }
0x68: {  	_ =	shalt  }
0x69: {  	_ =	shalt  }
0x6a: {  	_ =	shalt  }
0x6b: {  	_ =	shalt  }
0x6c: {  	_ =	shalt  }
0x6d: {  	_ =	shalt  }
0x6e: {  	_ =	shalt  }
0x6f: {  	_ =	shalt  }
0x70: {  	_ =	shalt  }
0x71: {  	_ =	shalt  }
0x72: {  	_ =	shalt  }
0x73: {  	_ =	shalt  }
0x74: {  	_ =	shalt  }
0x75: {  	_ =	shalt  }
0x76: {  	_ =	shalt  }
0x77: {  	_ =	shalt  }
0x78: {  	_ =	shalt  }
0x79: {  	_ =	shalt  }
0x7a: {  	_ =	shalt  }
0x7b: {  	_ =	shalt  }
0x7c: {  	_ =	shalt  }
0x7d: {  	_ =	shalt  }
0x7e: {  	_ =	shalt  }
0x7f: {  	_ =	shalt  }
0x80: {  	_ =	shalt  }
0x81: {  	_ =	shalt  }
0x82: {  	_ =	shalt  }
0x83: {  	_ =	shalt  }
0x84: {  	_ =	shalt  }
0x85: {  	_ =	shalt  }
0x86: {  	_ =	shalt  }
0x87: {  	_ =	shalt  }
.Lfunc_end0:
.L_simem_size_0:
called_computation.1_lowered:
.L_overlay_start_0:
0x88: {  	s2 =	sld [smem:$0x3FD9]  }
0x89: {  	s3 =	sld [smem:$0x3FFE];
	_ =	sdelay $0x1  }
0x8a: {  	s1 =	srdreg.scid  }
0x8b: {  	s0 =	sand.u32 $0x1, s1  }
0x8c: {  	s14 =	sshll.u32 s0, $0xA;
	s2 =	sadd.s32 s3, s2  }
0x8d: {  	s2 =	sadd.s32 s2, s14  }
0x8e: {  	[smem:$0x3FC1] =	sst s2  }
0x8f: {  	_ = 	snop  }
0x90: {  	s2 =	sld [smem:$0x3FD0];
	_ =	sdelay $0x2  }
0x91: {  	s4 =	simm.s32 $0xB;
	s5 =	simm.s32 $0x10;
	s15 =	sld [smem:$0x3FC7]  }
0x92: {  	[smem:s5], [sflag:s4] =	dma.local [hbm:s2], $0x1  }
0x93: {  	_ =	swait.eq [sflag:s4], $0x1  }
0x94: {  	[sflag:s4] =	ssyncset.done $0x0  }
0x95: {  	[sflag:s4] =	ssyncadd.s32 $0xFFFFFFFF  }
0x96: {  	s16 =	sld [smem:$0x11];
	(tm) =	ssettm $0x1  }
0x97: {  	s17 =	sld [smem:$0x3FFB];
	_ =	sdelay $0x3  }
0x98: {  	_ =	strace s17  }
0x99: {  	s4 =	sld [smem:$0x3FFC];
	_ =	sdelay $0x3  }
0x9a: {  	_ =	strace s4  }
0x9b: {  	s4 =	sld [smem:$0x3FFD];
	_ =	sdelay $0x3  }
0x9c: {  	_ =	strace s4  }
0x9d: {  	_ =	strace $0x8FFFFFFF  }
0x9e: {  	s18 =	sld [smem:$0x3FDB];
	_ =	sdelay $0x1  }
0x9f: {  	s19 =	simm.s32 $_scs_section_size  }
0xa0: {  	s6 =	simm.s32 $_size__tile_overlayer_lowered;
	s7 =	simm.s32 $_tile_overlayer_lowered  }
0xa1: {  	s22 =	simm.s32 $0x1BFF;
	s21 =	sshll.u32 s7, $0x1;
	s4 =	sadd.s32 s19, s18  }
0xa2: {  	s8 =	simm.s32 $0x0;
	s20 =	sshll.u32 s6, $0x1;
	s6 =	sadd.s32 s21, s4  }
0xa3: {  	[timem:s8], [sflag:s22] =	dma.local [hbm:s6], s20  }
0xa4: {  	_ =	swait.ge [sflag:s22], s20  }
0xa5: {  	s5 =	ssub.s32 $0x0, s20;
	[sflag:s22] =	ssyncset.done $0x0  }
0xa6: {  	[sflag:s22] =	ssyncadd.s32 s5;
	_ =	sdelay $0x1  }
0xa7: {  	s23 =	simm.s32 $0x1B8B  }
0xa8: {  	_ =	swait.ge [sflag:s23], $0x1  }
0xa9: {  	[sflag:s23] =	ssyncset.done $0x0  }
0xaa: {  	s25 =	simm.s32 $0x1B8E;
	s24 =	sld [smem:$0x3FFE];
	[sflag:s23] =	ssyncadd.s32 $0xFFFFFFFF  }
0xab: {  	s26 =	simm.s32 $execute0_lowered;
	[smem:$0x3FD2] =	sst s25  }
0xac: {  	s6 =	sshll.u32 s26, $0x1;
	_ =	strace $0x80000046;
	[dreg:$0x1] =	wrdreg $0xFFFFFFFF  }
0xad: {  	s28 =	simm.s32 $_size_execute0_lowered;
	s4 =	sadd.s32 s4, s6;
	[dreg:$0x0] =	wrdreg $0x0  }
0xae: {  	s6 =	sshll.u32 s28, $0x1;
	[dreg:$0x2] =	wrdreg s4  }
0xaf: {  	[dreg:$0x3] =	wrdreg s6  }
0xb0: {  	[dreg:$0x4] =	wrdreg $0xC0  }
0xb1: {  	_ =	task [dreg:s8], $0x5FFFF  }
0xb2: {  	[dreg:$0x1] =	wrdreg $0xFFFFFFFF  }
0xb3: {  	[dreg:$0x0] =	wrdreg $0x60  }
0xb4: {  	[dreg:$0x2] =	wrdreg s15  }
0xb5: {  	[dreg:$0x3] =	wrdreg s16  }
0xb6: {  	[dreg:$0x4] =	wrdreg s24  }
0xb7: {  	[dreg:$0x5] =	wrdreg $0xA  }
0xb8: {  	_ =	task.clear_ibuf [dreg:s8], $0x6FFFF;
	_ =	strace $0x90000046  }
0xb9: {  	s29 =	simm.s32 $0xA;
	_ =	strace $0x80000048  }
0xba: {  	_ =	swait.ge [sflag:s29], $0x1  }
0xbb: {  	[sflag:s29] =	ssyncadd.s32 $0xFFFFFFFF  }
0xbc: {  	_ =	strace $0x90000048  }
0xbd: {  	_ =	sfence  }
0xbe: {  	s30 =	sld [smem:$0x0];
	_ =	sdelay $0x2  }
0xbf: {  	s31 =	sshll.u32 s1, $0xD;
	s1 =	sshrl.u32 s1, $0x2  }
0xc0: {  	s3 =	sand.u32 $0x4000, s31;
	s1 =	sadd.s32 s1, s30  }
0xc1: {  	s0 =	sor.u32 s3, s0;
	s1 =	sshll.u32 s1, $0x11  }
0xc2: {  	s0 =	sor.u32 s1, s0  }
0xc3: {  	s0 =	sadd.s32 $0x8F2B, s0  }
0xc4: {  	[sflag:s0] =	ssyncadd.remote.s32 $0x1  }
0xc5: {  	_ =	sfence.sel $0xFFFF  }
0xc6: {  	[dreg:$0x0] =	wrdreg $0xFFFFFFFF;
	(pc) =	sbr.abs _section_cstart, $3  }
0xc7: {  	[dreg:$0x1] =	wrdreg $0xFFFFFFFF  }
0xc8: {  	_ =	task.clear_ibuf [dreg:s8], $0x2FFFF;
	_ =	strace $0x9FFFFFFF  }
0xc9: {  	(tm) =	ssettm $0x7FFFFFFF  }
tec
execute0_lowered:
.L_overlay_start_1:
0x0: {  	(tag) =	ssettag $0x1  }
0x1: {  	s3 =	rddreg [dreg:$0x0]  }
0x2: {  	s4 =	rddreg [dreg:$0x1]  }
0x3: {  	s5 =	rddreg [dreg:$0x2];
	s2 =	simm.s32 $0x0  }
0x4: {  	s13 =	simm.s32 $0xA0;
	[smem:$0x7FF] =	sst s2  }
0x5: {  	s14 =	simm.s32 $0xF0;
	_ =	strace $0x80000047;
	[dreg:$0xf] =	wrdreg s13  }
0x6: {  	s15 =	simm.s32 $0x140;
	[dreg:$0x10] =	wrdreg s14  }
0x7: {  	s16 =	simm.s32 $0x190;
	[dreg:$0x11] =	wrdreg s15  }
0x8: {  	s18 =	simm.s32 $0x1E0;
	[dreg:$0x12] =	wrdreg s16  }
0x9: {  	s0 =	srdreg.scid;
	s19 =	simm.s32 $0x230;
	[dreg:$0x13] =	wrdreg s18  }
0xa: {  	s17 =	stileid.u32;
	s20 =	simm.s32 $0x280;
	[dreg:$0x14] =	wrdreg s19  }
0xb: {  	s21 =	simm.s32 $0x2D0;
	s22 =	simm.s32 $0x320;
	[dreg:$0x15] =	wrdreg s20  }
0xc: {  	s1 =	sand.u32 $0x1, s0;
	s23 =	sshll.u32 s17, $0x1;
	[dreg:$0x16] =	wrdreg s21  }
0xd: {  	s0 =	sor.u32 s1, s23;
	[dreg:$0x17] =	wrdreg s22;
	s23 =	simm.s32 $0x370  }
0xe: {  	s13 =	simm.s32 $0x730;
	[dreg:$0x18] =	wrdreg s23  }
0xf: {  	s14 =	simm.s32 $0x780;
	[smem:$0x7F1] =	sst s13  }
0x10: {  	s15 =	simm.s32 $0x7D0;
	[smem:$0x7F2] =	sst s14  }
0x11: {  	s16 =	simm.s32 $0x820;
	[smem:$0x7F3] =	sst s15  }
0x12: {  	s18 =	simm.s32 $0x870;
	[smem:$0x7F4] =	sst s16  }
0x13: {  	s19 =	simm.s32 $0x8C0;
	[smem:$0x7F5] =	sst s18  }
0x14: {  	s20 =	simm.s32 $0x910;
	[smem:$0x7F6] =	sst s19  }
0x15: {  	s21 =	simm.s32 $0x960;
	s6 =	smul.u32 $0x1F4, s0;
	[smem:$0x7F7] =	sst s20  }
0x16: {  	s22 =	simm.s32 $0x9B0;
	s7 =	smul.u32 $0x7D000, s0;
	[smem:$0x7F8] =	sst s21  }
0x17: {  	s0 =	smul.u32 $0xFA00, s0;
	[smem:$0x7F9] =	sst s22;
	s23 =	simm.s32 $0xA00  }
0x18: {  	s5 =	sadd.s32 $0x4800, s5;
	[smem:$0x7FA] =	sst s23;
	s4 =	sadd.s32 s4, s6  }
0x19: {  	s24 =	sshrl.u32 s7, $0x3;
	s0 =	sadd.s32 s5, s0;
	[dreg:$0x4] =	wrdreg s4  }
0x1a: {  	s25 =	sadd.s32 s5, s24;
	[dreg:$0x5] =	wrdreg s0;
	s24 =	simm.s32 $0x3C0  }
0x1b: {  	s4 =	simm.s32 $0x4B0;
	[dreg:$0x19] =	wrdreg s24  }
0x1c: {  	s30 =	simm.s32 $0xB40;
	s31 =	simm.s32 $0xB90;
	[dreg:$0x1c] =	wrdreg s4  }
0x1d: {  	s29 =	simm.s32 $0xC30;
	s26 =	sadd.s32 $0x1900, s25;
	s0 =	rddreg [dreg:$0x4]  }
0x1e: {  	p0 =	por $0x0, $0x0;
	s5 =	sadd.s32 $0x3200, s25;
	[dreg:$0x6] =	wrdreg s26  }
0x1f: {  	s28 =	simm.s32 $0xDC0;
	s6 =	sadd.s32 $0x4B00, s25;
	[dreg:$0x7] =	wrdreg s5  }
0x20: {  	s1 =	ssub.s32 $0x2, s1;
	s7 =	sadd.s32 $0x6400, s25;
	[dreg:$0x8] =	wrdreg s6  }
0x21: {  	s13 =	simm.s32 $0x3800;
	s8 =	sadd.s32 $0x7D00, s25;
	[dreg:$0x9] =	wrdreg s7  }
0x22: {  	s14 =	simm.s32 $0x6000;
	s9 =	sadd.s32 $0x9600, s25;
	[dreg:$0xa] =	wrdreg s8  }
0x23: {  	s15 =	simm.s32 $0x8800;
	s10 =	sadd.s32 $0xAF00, s25;
	[dreg:$0xb] =	wrdreg s9  }
0x24: {  	s16 =	simm.s32 $0xB000;
	s11 =	sadd.s32 $0xC800, s25;
	[dreg:$0xc] =	wrdreg s10  }
0x25: {  	s19 =	simm.s32 $0xE10;
	s12 =	sadd.s32 $0xE100, s25;
	[dreg:$0xd] =	wrdreg s11  }
0x26: {  	s20 =	simm.s32 $0xE60;
	s25 =	simm.s32 $0x410;
	[dreg:$0xe] =	wrdreg s12  }
0x27: {  	s21 =	simm.s32 $0xEB0;
	s24 =	simm.s32 $0xA50;
	[dreg:$0x1a] =	wrdreg s25  }
0x28: {  	s22 =	simm.s32 $0xF00;
	s26 =	simm.s32 $0x460;
	[smem:$0x7FB] =	sst s24  }
0x29: {  	s18 =	simm.s32 $0xF50;
	s5 =	simm.s32 $0x500;
	[dreg:$0x1b] =	wrdreg s26  }
0x2a: {  	s23 =	simm.s32 $0xBE0;
	s6 =	simm.s32 $0x550;
	[dreg:$0x1d] =	wrdreg s5  }
0x2b: {  	s4 =	simm.s32 $0x2;
	s7 =	simm.s32 $0x5A0;
	[dreg:$0x1e] =	wrdreg s6  }
0x2c: {  	s8 =	simm.s32 $0x5F0;
	s9 =	simm.s32 $0x640;
	[dreg:$0x1f] =	wrdreg s7  }
0x2d: {  	s10 =	simm.s32 $0x690;
	s11 =	sshrl.u32 s1, $0x1;
	[smem:$0x7ED] =	sst s8  }
0x2e: {  	s12 =	simm.s32 $0x6E0;
	[smem:$0x7EE] =	sst s9;
	s1 =	ssub.s32 s1, s11  }
0x2f: {  	s25 =	simm.s32 $0xAA0;
	[smem:$0x7EF] =	sst s10;
	s1 =	smax.u32 s1, $0x1  }
0x30: {  	s24 =	simm.s32 $0xCD0;
	[smem:$0x7F0] =	sst s12;
	p1 =	sne.s32 s1, $0x1  }
.Ltmp0:
0x31: {  	s6 =	simm.s32 $0x50;
	s8 =	simm.s32 $0x1000;
	(pc) =	sbr.rel @!p1 .LBB2_1-.Ltmp0, $4  }
0x32: {  	s5 =	simm.s32 $0x1;
	s7 =	simm.s32 $0xD800;
	s9 =	simm.s32 $0x10000  }
0x33: {  	s10 =	simm.s32 $0x12800;
	[smem:$0x7FC] =	sst s25;
	s26 =	simm.s32 $0xAF0  }
0x34: {  	s12 =	simm.s32 $0x15000;
	s11 =	simm.s32 $0x17800;
	s25 =	simm.s32 $0xD20  }
0x35: {  	[smem:$0x7FD] =	sst s26;
	s26 =	simm.s32 $0xD70;
	s1 =	sadd.s32 $0xFFFFFFFF, s1  }
0x36: {  	[tilespmem:s2], [sflag:$0x2] =	stream.linear.gather [hbm4b:s0+s2], $0xFA0, $0x38;
	[tilespmem:$0x1A000] =	vst v63  }
0x37: {  	_ =	swait.ge [sflag:s4], $0xFA0  }
0x38: {  	[sflag:s4] =	ssyncset.done $0x0  }
0x39: {  	[sflag:s4] =	ssyncadd.s32 $0xFFFFF060  }
0x3a: {  	[tilespmem:s8], [sflag:$0x1] =	stream.indirect.gather [hbm4b:s3+s6], $0x80, s2, s6, $0xb8;
	[tilespmem:$0x1A000] =	vst v63  }
0x3b: {  	_ = 	snop  }
0x3c: {  	[tilespmem:s13], [sflag:$0x1] =	stream.indirect.gather [hbm4b:s3+s6], $0x80, s6, s6, $0xb8;
	[tilespmem:$0x1A000] =	vst v63  }
0x3d: {  	s0 =	rddreg [dreg:$0xf]  }
0x3e: {  	[tilespmem:s14], [sflag:$0x1] =	stream.indirect.gather [hbm4b:s3+s6], $0x80, s0, s6, $0xb8;
	[tilespmem:$0x1A000] =	vst v63  }
0x3f: {  	s17 =	smov.u32 s1;
	s1 =	rddreg [dreg:$0x10]  }
0x40: {  	[tilespmem:s15], [sflag:$0x1] =	stream.indirect.gather [hbm4b:s3+s6], $0x80, s1, s6, $0xb8;
	[tilespmem:$0x1A000] =	vst v63  }
0x41: {  	s0 =	rddreg [dreg:$0x11]  }
0x42: {  	[tilespmem:s16], [sflag:$0x1] =	stream.indirect.gather [hbm4b:s3+s6], $0x80, s0, s6, $0xb8;
	[tilespmem:$0x1A000] =	vst v63  }
0x43: {  	_ =	swait.ge [sflag:s5], $0x2800  }
0x44: {  	[sflag:s5] =	ssyncset.done $0x0  }
0x45: {  	[sflag:s5] =	ssyncadd.s32 $0xFFFFD800  }
0x46: {  	_ =	swait.ge [sflag:s5], $0x2800  }
0x47: {  	[sflag:s5] =	ssyncset.done $0x0  }
0x48: {  	[sflag:s5] =	ssyncadd.s32 $0xFFFFD800  }
0x49: {  	_ =	swait.ge [sflag:s5], $0x2800  }
0x4a: {  	[sflag:s5] =	ssyncset.done $0x0  }
0x4b: {  	[sflag:s5] =	ssyncadd.s32 $0xFFFFD800  }
0x4c: {  	_ =	swait.ge [sflag:s5], $0x2800  }
0x4d: {  	[sflag:s5] =	ssyncset.done $0x0  }
0x4e: {  	[sflag:s5] =	ssyncadd.s32 $0xFFFFD800  }
0x4f: {  	_ =	swait.ge [sflag:s5], $0x2800  }
0x50: {  	[sflag:s5] =	ssyncset.done $0x0  }
0x51: {  	s0 =	rddreg [dreg:$0x12];
	[sflag:s5] =	ssyncadd.s32 $0xFFFFD800  }
0x52: {  	[tilespmem:s7], [sflag:$0x1] =	stream.indirect.gather [hbm4b:s3+s6], $0x80, s0, s6, $0xb8;
	[tilespmem:$0x1A000] =	vst v63  }
0x53: {  	s1 =	rddreg [dreg:$0x13]  }
0x54: {  	[tilespmem:s9], [sflag:$0x1] =	stream.indirect.gather [hbm4b:s3+s6], $0x80, s1, s6, $0xb8;
	[tilespmem:$0x1A000] =	vst v63  }
0x55: {  	s0 =	rddreg [dreg:$0x14]  }
0x56: {  	[tilespmem:s10], [sflag:$0x1] =	stream.indirect.gather [hbm4b:s3+s6], $0x80, s0, s6, $0xb8;
	[tilespmem:$0x1A000] =	vst v63  }
0x57: {  	s1 =	rddreg [dreg:$0x15]  }
0x58: {  	[tilespmem:s12], [sflag:$0x1] =	stream.indirect.gather [hbm4b:s3+s6], $0x80, s1, s6, $0xb8;
	[tilespmem:$0x1A000] =	vst v63  }
0x59: {  	s0 =	rddreg [dreg:$0x16]  }
0x5a: {  	[tilespmem:s11], [sflag:$0x1] =	stream.indirect.gather [hbm4b:s3+s6], $0x80, s0, s6, $0xb8;
	[tilespmem:$0x1A000] =	vst v63  }
0x5b: {  	s1 =	rddreg [dreg:$0x5]  }
0x5c: {  	[hbm4b:s1+s2] =	stream.linear.scatter [tilespmem:s8], [sflag:$0x2], $0xC800, $0x38;
	[tilespmem:$0x1A000] =	vst v63  }
0x5d: {  	_ =	swait.ge [sflag:s4], $0xC800  }
0x5e: {  	[sflag:s4] =	ssyncset.done $0x0  }
0x5f: {  	[sflag:s4] =	ssyncadd.s32 $0xFFFF3800  }
0x60: {  	_ =	swait.ge [sflag:s5], $0x2800  }
0x61: {  	[sflag:s5] =	ssyncset.done $0x0  }
0x62: {  	[sflag:s5] =	ssyncadd.s32 $0xFFFFD800  }
0x63: {  	_ =	swait.ge [sflag:s5], $0x2800  }
0x64: {  	[sflag:s5] =	ssyncset.done $0x0  }
0x65: {  	[sflag:s5] =	ssyncadd.s32 $0xFFFFD800  }
0x66: {  	_ =	swait.ge [sflag:s5], $0x2800  }
0x67: {  	[sflag:s5] =	ssyncset.done $0x0  }
0x68: {  	[sflag:s5] =	ssyncadd.s32 $0xFFFFD800  }
0x69: {  	_ =	swait.ge [sflag:s5], $0x2800  }
0x6a: {  	[sflag:s5] =	ssyncset.done $0x0  }
0x6b: {  	[sflag:s5] =	ssyncadd.s32 $0xFFFFD800  }
0x6c: {  	_ =	swait.ge [sflag:s5], $0x2800  }
0x6d: {  	[sflag:s5] =	ssyncset.done $0x0  }
0x6e: {  	s0 =	rddreg [dreg:$0x17];
	[sflag:s5] =	ssyncadd.s32 $0xFFFFD800  }
0x6f: {  	[tilespmem:s8], [sflag:$0x1] =	stream.indirect.gather [hbm4b:s3+s6], $0x80, s0, s6, $0xb8;
	[tilespmem:$0x1A000] =	vst v63  }
0x70: {  	s1 =	rddreg [dreg:$0x18]  }
0x71: {  	[tilespmem:s13], [sflag:$0x1] =	stream.indirect.gather [hbm4b:s3+s6], $0x80, s1, s6, $0xb8;
	[tilespmem:$0x1A000] =	vst v63  }
0x72: {  	s0 =	rddreg [dreg:$0x19]  }
0x73: {  	[tilespmem:s14], [sflag:$0x1] =	stream.indirect.gather [hbm4b:s3+s6], $0x80, s0, s6, $0xb8;
	[tilespmem:$0x1A000] =	vst v63  }
0x74: {  	s1 =	rddreg [dreg:$0x1a]  }
0x75: {  	[tilespmem:s15], [sflag:$0x1] =	stream.indirect.gather [hbm4b:s3+s6], $0x80, s1, s6, $0xb8;
	[tilespmem:$0x1A000] =	vst v63  }
0x76: {  	s0 =	rddreg [dreg:$0x1b]  }
0x77: {  	[tilespmem:s16], [sflag:$0x1] =	stream.indirect.gather [hbm4b:s3+s6], $0x80, s0, s6, $0xb8;
	[tilespmem:$0x1A000] =	vst v63  }
0x78: {  	s1 =	rddreg [dreg:$0x6]  }
0x79: {  	[hbm4b:s1+s2] =	stream.linear.scatter [tilespmem:s7], [sflag:$0x2], $0xC800, $0x38;
	[tilespmem:$0x1A000] =	vst v63  }
0x7a: {  	_ =	swait.ge [sflag:s4], $0xC800  }
0x7b: {  	[sflag:s4] =	ssyncset.done $0x0  }
0x7c: {  	[sflag:s4] =	ssyncadd.s32 $0xFFFF3800  }
0x7d: {  	_ =	swait.ge [sflag:s5], $0x2800  }
0x7e: {  	[sflag:s5] =	ssyncset.done $0x0  }
0x7f: {  	[sflag:s5] =	ssyncadd.s32 $0xFFFFD800  }
0x80: {  	_ =	swait.ge [sflag:s5], $0x2800  }
0x81: {  	[sflag:s5] =	ssyncset.done $0x0  }
0x82: {  	[sflag:s5] =	ssyncadd.s32 $0xFFFFD800  }
0x83: {  	_ =	swait.ge [sflag:s5], $0x2800  }
0x84: {  	[sflag:s5] =	ssyncset.done $0x0  }
0x85: {  	[sflag:s5] =	ssyncadd.s32 $0xFFFFD800  }
0x86: {  	_ =	swait.ge [sflag:s5], $0x2800  }
0x87: {  	[sflag:s5] =	ssyncset.done $0x0  }
0x88: {  	[sflag:s5] =	ssyncadd.s32 $0xFFFFD800  }
0x89: {  	_ =	swait.ge [sflag:s5], $0x2800  }
0x8a: {  	s0 =	rddreg [dreg:$0x1c];
	[sflag:s5] =	ssyncset.done $0x0  }
0x8b: {  	s1 =	rddreg [dreg:$0x1d];
	[sflag:s5] =	ssyncadd.s32 $0xFFFFD800  }
0x8c: {  	[tilespmem:s7], [sflag:$0x1] =	stream.indirect.gather [hbm4b:s3+s6], $0x80, s0, s6, $0xb8;
	[tilespmem:$0x1A000] =	vst v63  }
0x8d: {  	s0 =	rddreg [dreg:$0x1e]  }
0x8e: {  	[tilespmem:s9], [sflag:$0x1] =	stream.indirect.gather [hbm4b:s3+s6], $0x80, s1, s6, $0xb8;
	[tilespmem:$0x1A000] =	vst v63  }
0x8f: {  	s1 =	rddreg [dreg:$0x1f]  }
0x90: {  	[tilespmem:s10], [sflag:$0x1] =	stream.indirect.gather [hbm4b:s3+s6], $0x80, s0, s6, $0xb8;
	[tilespmem:$0x1A000] =	vst v63  }
0x91: {  	s0 =	sld [smem:$0x7ED]  }
0x92: {  	[tilespmem:s12], [sflag:$0x1] =	stream.indirect.gather [hbm4b:s3+s6], $0x80, s1, s6, $0xb8;
	[tilespmem:$0x1A000] =	vst v63  }
0x93: {  	_ = 	snop  }
0x94: {  	[tilespmem:s11], [sflag:$0x1] =	stream.indirect.gather [hbm4b:s3+s6], $0x80, s0, s6, $0xb8;
	[tilespmem:$0x1A000] =	vst v63  }
0x95: {  	s1 =	rddreg [dreg:$0x7]  }
0x96: {  	[hbm4b:s1+s2] =	stream.linear.scatter [tilespmem:s8], [sflag:$0x2], $0xC800, $0x38;
	[tilespmem:$0x1A000] =	vst v63  }
0x97: {  	_ =	swait.ge [sflag:s4], $0xC800  }
0x98: {  	[sflag:s4] =	ssyncset.done $0x0  }
0x99: {  	[sflag:s4] =	ssyncadd.s32 $0xFFFF3800  }
0x9a: {  	_ =	swait.ge [sflag:s5], $0x2800  }
0x9b: {  	[sflag:s5] =	ssyncset.done $0x0  }
0x9c: {  	[sflag:s5] =	ssyncadd.s32 $0xFFFFD800  }
0x9d: {  	_ =	swait.ge [sflag:s5], $0x2800  }
0x9e: {  	[sflag:s5] =	ssyncset.done $0x0  }
0x9f: {  	[sflag:s5] =	ssyncadd.s32 $0xFFFFD800  }
0xa0: {  	_ =	swait.ge [sflag:s5], $0x2800  }
0xa1: {  	[sflag:s5] =	ssyncset.done $0x0  }
0xa2: {  	[sflag:s5] =	ssyncadd.s32 $0xFFFFD800  }
0xa3: {  	_ =	swait.ge [sflag:s5], $0x2800  }
0xa4: {  	[sflag:s5] =	ssyncset.done $0x0  }
0xa5: {  	[sflag:s5] =	ssyncadd.s32 $0xFFFFD800  }
0xa6: {  	_ =	swait.ge [sflag:s5], $0x2800  }
0xa7: {  	s0 =	sld [smem:$0x7EE]  }
0xa8: {  	[sflag:s5] =	ssyncset.done $0x0  }
0xa9: {  	s1 =	sld [smem:$0x7EF];
	[sflag:s5] =	ssyncadd.s32 $0xFFFFD800  }
0xaa: {  	[tilespmem:s8], [sflag:$0x1] =	stream.indirect.gather [hbm4b:s3+s6], $0x80, s0, s6, $0xb8;
	[tilespmem:$0x1A000] =	vst v63  }
0xab: {  	s0 =	sld [smem:$0x7F0]  }
0xac: {  	[tilespmem:s13], [sflag:$0x1] =	stream.indirect.gather [hbm4b:s3+s6], $0x80, s1, s6, $0xb8;
	[tilespmem:$0x1A000] =	vst v63  }
0xad: {  	s1 =	sld [smem:$0x7F1]  }
0xae: {  	[tilespmem:s14], [sflag:$0x1] =	stream.indirect.gather [hbm4b:s3+s6], $0x80, s0, s6, $0xb8;
	[tilespmem:$0x1A000] =	vst v63  }
0xaf: {  	s0 =	sld [smem:$0x7F2]  }
0xb0: {  	[tilespmem:s15], [sflag:$0x1] =	stream.indirect.gather [hbm4b:s3+s6], $0x80, s1, s6, $0xb8;
	[tilespmem:$0x1A000] =	vst v63  }
0xb1: {  	_ = 	snop  }
0xb2: {  	[tilespmem:s16], [sflag:$0x1] =	stream.indirect.gather [hbm4b:s3+s6], $0x80, s0, s6, $0xb8;
	[tilespmem:$0x1A000] =	vst v63  }
0xb3: {  	s1 =	rddreg [dreg:$0x8]  }
0xb4: {  	[hbm4b:s1+s2] =	stream.linear.scatter [tilespmem:s7], [sflag:$0x2], $0xC800, $0x38;
	[tilespmem:$0x1A000] =	vst v63  }
0xb5: {  	_ =	swait.ge [sflag:s4], $0xC800  }
0xb6: {  	[sflag:s4] =	ssyncset.done $0x0  }
0xb7: {  	[sflag:s4] =	ssyncadd.s32 $0xFFFF3800  }
0xb8: {  	_ =	swait.ge [sflag:s5], $0x2800  }
0xb9: {  	[sflag:s5] =	ssyncset.done $0x0  }
0xba: {  	[sflag:s5] =	ssyncadd.s32 $0xFFFFD800  }
0xbb: {  	_ =	swait.ge [sflag:s5], $0x2800  }
0xbc: {  	[sflag:s5] =	ssyncset.done $0x0  }
0xbd: {  	[sflag:s5] =	ssyncadd.s32 $0xFFFFD800  }
0xbe: {  	_ =	swait.ge [sflag:s5], $0x2800  }
0xbf: {  	[sflag:s5] =	ssyncset.done $0x0  }
0xc0: {  	[sflag:s5] =	ssyncadd.s32 $0xFFFFD800  }
0xc1: {  	_ =	swait.ge [sflag:s5], $0x2800  }
0xc2: {  	[sflag:s5] =	ssyncset.done $0x0  }
0xc3: {  	[sflag:s5] =	ssyncadd.s32 $0xFFFFD800  }
0xc4: {  	_ =	swait.ge [sflag:s5], $0x2800  }
0xc5: {  	s0 =	sld [smem:$0x7F3]  }
0xc6: {  	[sflag:s5] =	ssyncset.done $0x0  }
0xc7: {  	s1 =	sld [smem:$0x7F4];
	[sflag:s5] =	ssyncadd.s32 $0xFFFFD800  }
0xc8: {  	[tilespmem:s7], [sflag:$0x1] =	stream.indirect.gather [hbm4b:s3+s6], $0x80, s0, s6, $0xb8;
	[tilespmem:$0x1A000] =	vst v63  }
0xc9: {  	s0 =	sld [smem:$0x7F5]  }
0xca: {  	[tilespmem:s9], [sflag:$0x1] =	stream.indirect.gather [hbm4b:s3+s6], $0x80, s1, s6, $0xb8;
	[tilespmem:$0x1A000] =	vst v63  }
0xcb: {  	s1 =	sld [smem:$0x7F6]  }
0xcc: {  	[tilespmem:s10], [sflag:$0x1] =	stream.indirect.gather [hbm4b:s3+s6], $0x80, s0, s6, $0xb8;
	[tilespmem:$0x1A000] =	vst v63  }
0xcd: {  	s0 =	sld [smem:$0x7F7]  }
0xce: {  	[tilespmem:s12], [sflag:$0x1] =	stream.indirect.gather [hbm4b:s3+s6], $0x80, s1, s6, $0xb8;
	[tilespmem:$0x1A000] =	vst v63  }
0xcf: {  	_ = 	snop  }
0xd0: {  	[tilespmem:s11], [sflag:$0x1] =	stream.indirect.gather [hbm4b:s3+s6], $0x80, s0, s6, $0xb8;
	[tilespmem:$0x1A000] =	vst v63  }
0xd1: {  	s1 =	rddreg [dreg:$0x9]  }
0xd2: {  	[hbm4b:s1+s2] =	stream.linear.scatter [tilespmem:s8], [sflag:$0x2], $0xC800, $0x38;
	[tilespmem:$0x1A000] =	vst v63  }
0xd3: {  	_ =	swait.ge [sflag:s4], $0xC800  }
0xd4: {  	[sflag:s4] =	ssyncset.done $0x0  }
0xd5: {  	[sflag:s4] =	ssyncadd.s32 $0xFFFF3800  }
0xd6: {  	_ =	swait.ge [sflag:s5], $0x2800  }
0xd7: {  	[sflag:s5] =	ssyncset.done $0x0  }
0xd8: {  	[sflag:s5] =	ssyncadd.s32 $0xFFFFD800  }
0xd9: {  	_ =	swait.ge [sflag:s5], $0x2800  }
0xda: {  	[sflag:s5] =	ssyncset.done $0x0  }
0xdb: {  	[sflag:s5] =	ssyncadd.s32 $0xFFFFD800  }
0xdc: {  	_ =	swait.ge [sflag:s5], $0x2800  }
0xdd: {  	[sflag:s5] =	ssyncset.done $0x0  }
0xde: {  	[sflag:s5] =	ssyncadd.s32 $0xFFFFD800  }
0xdf: {  	_ =	swait.ge [sflag:s5], $0x2800  }
0xe0: {  	[sflag:s5] =	ssyncset.done $0x0  }
0xe1: {  	[sflag:s5] =	ssyncadd.s32 $0xFFFFD800  }
0xe2: {  	_ =	swait.ge [sflag:s5], $0x2800  }
0xe3: {  	s0 =	sld [smem:$0x7F8]  }
0xe4: {  	[sflag:s5] =	ssyncset.done $0x0  }
0xe5: {  	s1 =	sld [smem:$0x7F9];
	[sflag:s5] =	ssyncadd.s32 $0xFFFFD800  }
0xe6: {  	[tilespmem:s8], [sflag:$0x1] =	stream.indirect.gather [hbm4b:s3+s6], $0x80, s0, s6, $0xb8;
	[tilespmem:$0x1A000] =	vst v63  }
0xe7: {  	s0 =	sld [smem:$0x7FA]  }
0xe8: {  	[tilespmem:s13], [sflag:$0x1] =	stream.indirect.gather [hbm4b:s3+s6], $0x80, s1, s6, $0xb8;
	[tilespmem:$0x1A000] =	vst v63  }
0xe9: {  	s1 =	sld [smem:$0x7FB]  }
0xea: {  	[tilespmem:s14], [sflag:$0x1] =	stream.indirect.gather [hbm4b:s3+s6], $0x80, s0, s6, $0xb8;
	[tilespmem:$0x1A000] =	vst v63  }
0xeb: {  	s0 =	sld [smem:$0x7FC]  }
0xec: {  	[tilespmem:s15], [sflag:$0x1] =	stream.indirect.gather [hbm4b:s3+s6], $0x80, s1, s6, $0xb8;
	[tilespmem:$0x1A000] =	vst v63  }
0xed: {  	_ = 	snop  }
0xee: {  	[tilespmem:s16], [sflag:$0x1] =	stream.indirect.gather [hbm4b:s3+s6], $0x80, s0, s6, $0xb8;
	[tilespmem:$0x1A000] =	vst v63  }
0xef: {  	s1 =	rddreg [dreg:$0xa]  }
0xf0: {  	[hbm4b:s1+s2] =	stream.linear.scatter [tilespmem:s7], [sflag:$0x2], $0xC800, $0x38;
	[tilespmem:$0x1A000] =	vst v63  }
0xf1: {  	_ =	swait.ge [sflag:s4], $0xC800  }
0xf2: {  	[sflag:s4] =	ssyncset.done $0x0  }
0xf3: {  	[sflag:s4] =	ssyncadd.s32 $0xFFFF3800  }
0xf4: {  	_ =	swait.ge [sflag:s5], $0x2800  }
0xf5: {  	[sflag:s5] =	ssyncset.done $0x0  }
0xf6: {  	[sflag:s5] =	ssyncadd.s32 $0xFFFFD800  }
0xf7: {  	_ =	swait.ge [sflag:s5], $0x2800  }
0xf8: {  	[sflag:s5] =	ssyncset.done $0x0  }
0xf9: {  	[sflag:s5] =	ssyncadd.s32 $0xFFFFD800  }
0xfa: {  	_ =	swait.ge [sflag:s5], $0x2800  }
0xfb: {  	[sflag:s5] =	ssyncset.done $0x0  }
0xfc: {  	[sflag:s5] =	ssyncadd.s32 $0xFFFFD800  }
0xfd: {  	_ =	swait.ge [sflag:s5], $0x2800  }
0xfe: {  	[sflag:s5] =	ssyncset.done $0x0  }
0xff: {  	[sflag:s5] =	ssyncadd.s32 $0xFFFFD800  }
0x100: {  	_ =	swait.ge [sflag:s5], $0x2800  }
0x101: {  	s1 =	sld [smem:$0x7FD]  }
0x102: {  	[sflag:s5] =	ssyncset.done $0x0  }
0x103: {  	[sflag:s5] =	ssyncadd.s32 $0xFFFFD800  }
0x104: {  	[tilespmem:s7], [sflag:$0x1] =	stream.indirect.gather [hbm4b:s3+s6], $0x80, s1, s6, $0xb8;
	[tilespmem:$0x1A000] =	vst v63  }
0x105: {  	_ = 	snop  }
0x106: {  	[tilespmem:s9], [sflag:$0x1] =	stream.indirect.gather [hbm4b:s3+s6], $0x80, s30, s6, $0xb8;
	[tilespmem:$0x1A000] =	vst v63  }
0x107: {  	_ = 	snop  }
0x108: {  	[tilespmem:s10], [sflag:$0x1] =	stream.indirect.gather [hbm4b:s3+s6], $0x80, s31, s6, $0xb8;
	[tilespmem:$0x1A000] =	vst v63  }
0x109: {  	_ = 	snop  }
0x10a: {  	[tilespmem:s12], [sflag:$0x1] =	stream.indirect.gather [hbm4b:s3+s6], $0x80, s23, s6, $0xb8;
	[tilespmem:$0x1A000] =	vst v63  }
0x10b: {  	_ = 	snop  }
0x10c: {  	[tilespmem:s11], [sflag:$0x1] =	stream.indirect.gather [hbm4b:s3+s6], $0x80, s29, s6, $0xb8;
	[tilespmem:$0x1A000] =	vst v63  }
0x10d: {  	s1 =	rddreg [dreg:$0xb]  }
0x10e: {  	[hbm4b:s1+s2] =	stream.linear.scatter [tilespmem:s8], [sflag:$0x2], $0xC800, $0x38;
	[tilespmem:$0x1A000] =	vst v63  }
0x10f: {  	_ =	swait.ge [sflag:s4], $0xC800  }
0x110: {  	[sflag:s4] =	ssyncset.done $0x0  }
0x111: {  	[sflag:s4] =	ssyncadd.s32 $0xFFFF3800  }
0x112: {  	_ =	swait.ge [sflag:s5], $0x2800  }
0x113: {  	[sflag:s5] =	ssyncset.done $0x0  }
0x114: {  	[sflag:s5] =	ssyncadd.s32 $0xFFFFD800  }
0x115: {  	_ =	swait.ge [sflag:s5], $0x2800  }
0x116: {  	[sflag:s5] =	ssyncset.done $0x0  }
0x117: {  	[sflag:s5] =	ssyncadd.s32 $0xFFFFD800  }
0x118: {  	_ =	swait.ge [sflag:s5], $0x2800  }
0x119: {  	[sflag:s5] =	ssyncset.done $0x0  }
0x11a: {  	[sflag:s5] =	ssyncadd.s32 $0xFFFFD800  }
0x11b: {  	_ =	swait.ge [sflag:s5], $0x2800  }
0x11c: {  	[sflag:s5] =	ssyncset.done $0x0  }
0x11d: {  	[sflag:s5] =	ssyncadd.s32 $0xFFFFD800  }
0x11e: {  	_ =	swait.ge [sflag:s5], $0x2800  }
0x11f: {  	[sflag:s5] =	ssyncset.done $0x0  }
0x120: {  	s1 =	simm.s32 $0xC80;
	[sflag:s5] =	ssyncadd.s32 $0xFFFFD800  }
0x121: {  	[tilespmem:s8], [sflag:$0x1] =	stream.indirect.gather [hbm4b:s3+s6], $0x80, s1, s6, $0xb8;
	[tilespmem:$0x1A000] =	vst v63  }
0x122: {  	_ = 	snop  }
0x123: {  	[tilespmem:s13], [sflag:$0x1] =	stream.indirect.gather [hbm4b:s3+s6], $0x80, s24, s6, $0xb8;
	[tilespmem:$0x1A000] =	vst v63  }
0x124: {  	_ = 	snop  }
0x125: {  	[tilespmem:s14], [sflag:$0x1] =	stream.indirect.gather [hbm4b:s3+s6], $0x80, s25, s6, $0xb8;
	[tilespmem:$0x1A000] =	vst v63  }
0x126: {  	_ = 	snop  }
0x127: {  	[tilespmem:s15], [sflag:$0x1] =	stream.indirect.gather [hbm4b:s3+s6], $0x80, s26, s6, $0xb8;
	[tilespmem:$0x1A000] =	vst v63  }
0x128: {  	_ = 	snop  }
0x129: {  	[tilespmem:s16], [sflag:$0x1] =	stream.indirect.gather [hbm4b:s3+s6], $0x80, s28, s6, $0xb8;
	[tilespmem:$0x1A000] =	vst v63  }
0x12a: {  	s1 =	rddreg [dreg:$0xc]  }
0x12b: {  	[hbm4b:s1+s2] =	stream.linear.scatter [tilespmem:s7], [sflag:$0x2], $0xC800, $0x38;
	[tilespmem:$0x1A000] =	vst v63  }
0x12c: {  	_ =	swait.ge [sflag:s4], $0xC800  }
0x12d: {  	[sflag:s4] =	ssyncset.done $0x0  }
0x12e: {  	[sflag:s4] =	ssyncadd.s32 $0xFFFF3800  }
0x12f: {  	_ =	swait.ge [sflag:s5], $0x2800  }
0x130: {  	[sflag:s5] =	ssyncset.done $0x0  }
0x131: {  	[sflag:s5] =	ssyncadd.s32 $0xFFFFD800  }
0x132: {  	_ =	swait.ge [sflag:s5], $0x2800  }
0x133: {  	[sflag:s5] =	ssyncset.done $0x0  }
0x134: {  	[sflag:s5] =	ssyncadd.s32 $0xFFFFD800  }
0x135: {  	_ =	swait.ge [sflag:s5], $0x2800  }
0x136: {  	[sflag:s5] =	ssyncset.done $0x0  }
0x137: {  	[sflag:s5] =	ssyncadd.s32 $0xFFFFD800  }
0x138: {  	_ =	swait.ge [sflag:s5], $0x2800  }
0x139: {  	[sflag:s5] =	ssyncset.done $0x0  }
0x13a: {  	[sflag:s5] =	ssyncadd.s32 $0xFFFFD800  }
0x13b: {  	_ =	swait.ge [sflag:s5], $0x2800  }
0x13c: {  	[sflag:s5] =	ssyncset.done $0x0  }
0x13d: {  	[sflag:s5] =	ssyncadd.s32 $0xFFFFD800  }
0x13e: {  	[tilespmem:s7], [sflag:$0x1] =	stream.indirect.gather [hbm4b:s3+s6], $0x80, s19, s6, $0xb8;
	[tilespmem:$0x1A000] =	vst v63  }
0x13f: {  	_ = 	snop  }
0x140: {  	[tilespmem:s9], [sflag:$0x1] =	stream.indirect.gather [hbm4b:s3+s6], $0x80, s20, s6, $0xb8;
	[tilespmem:$0x1A000] =	vst v63  }
0x141: {  	_ = 	snop  }
0x142: {  	[tilespmem:s10], [sflag:$0x1] =	stream.indirect.gather [hbm4b:s3+s6], $0x80, s21, s6, $0xb8;
	[tilespmem:$0x1A000] =	vst v63  }
0x143: {  	_ = 	snop  }
0x144: {  	[tilespmem:s12], [sflag:$0x1] =	stream.indirect.gather [hbm4b:s3+s6], $0x80, s22, s6, $0xb8;
	[tilespmem:$0x1A000] =	vst v63  }
0x145: {  	_ = 	snop  }
0x146: {  	[tilespmem:s11], [sflag:$0x1] =	stream.indirect.gather [hbm4b:s3+s6], $0x80, s18, s6, $0xb8;
	[tilespmem:$0x1A000] =	vst v63  }
0x147: {  	s1 =	rddreg [dreg:$0xd]  }
0x148: {  	[hbm4b:s1+s2] =	stream.linear.scatter [tilespmem:s8], [sflag:$0x2], $0xC800, $0x38;
	[tilespmem:$0x1A000] =	vst v63  }
0x149: {  	_ =	swait.ge [sflag:s4], $0xC800  }
0x14a: {  	[sflag:s4] =	ssyncset.done $0x0  }
0x14b: {  	[sflag:s4] =	ssyncadd.s32 $0xFFFF3800  }
0x14c: {  	_ =	swait.ge [sflag:s5], $0x2800  }
0x14d: {  	[sflag:s5] =	ssyncset.done $0x0  }
0x14e: {  	[sflag:s5] =	ssyncadd.s32 $0xFFFFD800  }
0x14f: {  	_ =	swait.ge [sflag:s5], $0x2800  }
0x150: {  	[sflag:s5] =	ssyncset.done $0x0  }
0x151: {  	[sflag:s5] =	ssyncadd.s32 $0xFFFFD800  }
0x152: {  	_ =	swait.ge [sflag:s5], $0x2800  }
0x153: {  	[sflag:s5] =	ssyncset.done $0x0  }
0x154: {  	[sflag:s5] =	ssyncadd.s32 $0xFFFFD800  }
0x155: {  	_ =	swait.ge [sflag:s5], $0x2800  }
0x156: {  	[sflag:s5] =	ssyncset.done $0x0  }
0x157: {  	[sflag:s5] =	ssyncadd.s32 $0xFFFFD800  }
0x158: {  	p1 =	sne.s32 s17, $0x1;
	_ =	swait.ge [sflag:s5], $0x2800  }
.Ltmp1:
0x159: {  	[sflag:s5] =	ssyncset.done $0x0;
	(pc) =	sbr.rel @!p1 .LBB2_3-.Ltmp1, $4  }
0x15a: {  	s1 =	rddreg [dreg:$0xe];
	[sflag:s5] =	ssyncadd.s32 $0xFFFFD800  }
0x15b: {  	[hbm4b:s1+s2] =	stream.linear.scatter [tilespmem:s7], [sflag:$0x2], $0xC800, $0x38;
	[tilespmem:$0x1A000] =	vst v63  }
0x15c: {  	p0 =	por $0x1, $0x1;
	_ =	swait.ge [sflag:s4], $0xC800  }
0x15d: {  	s1 =	sadd.s32 $0xFFFFFFFF, s17;
	s0 =	rddreg [dreg:$0x4];
	[sflag:s4] =	ssyncset.done $0x0  }
.LBB2_4:
0x15e: {  	[sflag:s4] =	ssyncadd.s32 $0xFFFF3800  }
0x15f: {  	[tilespmem:s2], [sflag:$0x2] =	stream.linear.gather [hbm4b:s0+s2], $0xFA0, $0x38;
	[tilespmem:$0x1A000] =	vst v63  }
0x160: {  	_ =	swait.ge [sflag:s4], $0xFA0  }
0x161: {  	[sflag:s4] =	ssyncset.done $0x0  }
0x162: {  	[sflag:s4] =	ssyncadd.s32 $0xFFFFF060  }
0x163: {  	[tilespmem:s8], [sflag:$0x1] =	stream.indirect.gather [hbm4b:s3+s6], $0x80, s2, s6, $0xb8;
	[tilespmem:$0x1A000] =	vst v63  }
0x164: {  	_ = 	snop  }
0x165: {  	[tilespmem:s13], [sflag:$0x1] =	stream.indirect.gather [hbm4b:s3+s6], $0x80, s6, s6, $0xb8;
	[tilespmem:$0x1A000] =	vst v63  }
0x166: {  	s0 =	rddreg [dreg:$0xf]  }
0x167: {  	[tilespmem:s14], [sflag:$0x1] =	stream.indirect.gather [hbm4b:s3+s6], $0x80, s0, s6, $0xb8;
	[tilespmem:$0x1A000] =	vst v63  }
0x168: {  	s17 =	rddreg [dreg:$0x10]  }
0x169: {  	[tilespmem:s15], [sflag:$0x1] =	stream.indirect.gather [hbm4b:s3+s6], $0x80, s17, s6, $0xb8;
	[tilespmem:$0x1A000] =	vst v63  }
0x16a: {  	s0 =	rddreg [dreg:$0x11]  }
0x16b: {  	[tilespmem:s16], [sflag:$0x1] =	stream.indirect.gather [hbm4b:s3+s6], $0x80, s0, s6, $0xb8;
	[tilespmem:$0x1A000] =	vst v63  }
0x16c: {  	_ =	swait.ge [sflag:s5], $0x2800  }
0x16d: {  	[sflag:s5] =	ssyncset.done $0x0  }
0x16e: {  	[sflag:s5] =	ssyncadd.s32 $0xFFFFD800  }
0x16f: {  	_ =	swait.ge [sflag:s5], $0x2800  }
0x170: {  	[sflag:s5] =	ssyncset.done $0x0  }
0x171: {  	[sflag:s5] =	ssyncadd.s32 $0xFFFFD800  }
0x172: {  	_ =	swait.ge [sflag:s5], $0x2800  }
0x173: {  	[sflag:s5] =	ssyncset.done $0x0  }
0x174: {  	[sflag:s5] =	ssyncadd.s32 $0xFFFFD800  }
0x175: {  	_ =	swait.ge [sflag:s5], $0x2800  }
0x176: {  	[sflag:s5] =	ssyncset.done $0x0  }
0x177: {  	[sflag:s5] =	ssyncadd.s32 $0xFFFFD800  }
0x178: {  	_ =	swait.ge [sflag:s5], $0x2800  }
0x179: {  	[sflag:s5] =	ssyncset.done $0x0  }
0x17a: {  	s0 =	rddreg [dreg:$0x12];
	[sflag:s5] =	ssyncadd.s32 $0xFFFFD800  }
0x17b: {  	[tilespmem:s7], [sflag:$0x1] =	stream.indirect.gather [hbm4b:s3+s6], $0x80, s0, s6, $0xb8;
	[tilespmem:$0x1A000] =	vst v63  }
0x17c: {  	s17 =	rddreg [dreg:$0x13]  }
0x17d: {  	[tilespmem:s9], [sflag:$0x1] =	stream.indirect.gather [hbm4b:s3+s6], $0x80, s17, s6, $0xb8;
	[tilespmem:$0x1A000] =	vst v63  }
0x17e: {  	s0 =	rddreg [dreg:$0x14]  }
0x17f: {  	[tilespmem:s10], [sflag:$0x1] =	stream.indirect.gather [hbm4b:s3+s6], $0x80, s0, s6, $0xb8;
	[tilespmem:$0x1A000] =	vst v63  }
0x180: {  	s17 =	rddreg [dreg:$0x15]  }
0x181: {  	[tilespmem:s12], [sflag:$0x1] =	stream.indirect.gather [hbm4b:s3+s6], $0x80, s17, s6, $0xb8;
	[tilespmem:$0x1A000] =	vst v63  }
0x182: {  	s0 =	rddreg [dreg:$0x16]  }
0x183: {  	[tilespmem:s11], [sflag:$0x1] =	stream.indirect.gather [hbm4b:s3+s6], $0x80, s0, s6, $0xb8;
	[tilespmem:$0x1A000] =	vst v63  }
0x184: {  	s17 =	rddreg [dreg:$0x5]  }
0x185: {  	[hbm4b:s17+s2] =	stream.linear.scatter [tilespmem:s8], [sflag:$0x2], $0xC800, $0x38;
	[tilespmem:$0x1A000] =	vst v63  }
0x186: {  	_ =	swait.ge [sflag:s4], $0xC800  }
0x187: {  	[sflag:s4] =	ssyncset.done $0x0  }
0x188: {  	[sflag:s4] =	ssyncadd.s32 $0xFFFF3800  }
0x189: {  	_ =	swait.ge [sflag:s5], $0x2800  }
0x18a: {  	[sflag:s5] =	ssyncset.done $0x0  }
0x18b: {  	[sflag:s5] =	ssyncadd.s32 $0xFFFFD800  }
0x18c: {  	_ =	swait.ge [sflag:s5], $0x2800  }
0x18d: {  	[sflag:s5] =	ssyncset.done $0x0  }
0x18e: {  	[sflag:s5] =	ssyncadd.s32 $0xFFFFD800  }
0x18f: {  	_ =	swait.ge [sflag:s5], $0x2800  }
0x190: {  	[sflag:s5] =	ssyncset.done $0x0  }
0x191: {  	[sflag:s5] =	ssyncadd.s32 $0xFFFFD800  }
0x192: {  	_ =	swait.ge [sflag:s5], $0x2800  }
0x193: {  	[sflag:s5] =	ssyncset.done $0x0  }
0x194: {  	[sflag:s5] =	ssyncadd.s32 $0xFFFFD800  }
0x195: {  	_ =	swait.ge [sflag:s5], $0x2800  }
0x196: {  	[sflag:s5] =	ssyncset.done $0x0  }
0x197: {  	s0 =	rddreg [dreg:$0x17];
	[sflag:s5] =	ssyncadd.s32 $0xFFFFD800  }
0x198: {  	[tilespmem:s8], [sflag:$0x1] =	stream.indirect.gather [hbm4b:s3+s6], $0x80, s0, s6, $0xb8;
	[tilespmem:$0x1A000] =	vst v63  }
0x199: {  	s17 =	rddreg [dreg:$0x18]  }
0x19a: {  	[tilespmem:s13], [sflag:$0x1] =	stream.indirect.gather [hbm4b:s3+s6], $0x80, s17, s6, $0xb8;
	[tilespmem:$0x1A000] =	vst v63  }
0x19b: {  	s0 =	rddreg [dreg:$0x19]  }
0x19c: {  	[tilespmem:s14], [sflag:$0x1] =	stream.indirect.gather [hbm4b:s3+s6], $0x80, s0, s6, $0xb8;
	[tilespmem:$0x1A000] =	vst v63  }
0x19d: {  	s17 =	rddreg [dreg:$0x1a]  }
0x19e: {  	[tilespmem:s15], [sflag:$0x1] =	stream.indirect.gather [hbm4b:s3+s6], $0x80, s17, s6, $0xb8;
	[tilespmem:$0x1A000] =	vst v63  }
0x19f: {  	s0 =	rddreg [dreg:$0x1b]  }
0x1a0: {  	[tilespmem:s16], [sflag:$0x1] =	stream.indirect.gather [hbm4b:s3+s6], $0x80, s0, s6, $0xb8;
	[tilespmem:$0x1A000] =	vst v63  }
0x1a1: {  	s17 =	rddreg [dreg:$0x6]  }
0x1a2: {  	[hbm4b:s17+s2] =	stream.linear.scatter [tilespmem:s7], [sflag:$0x2], $0xC800, $0x38;
	[tilespmem:$0x1A000] =	vst v63  }
0x1a3: {  	_ =	swait.ge [sflag:s4], $0xC800  }
0x1a4: {  	[sflag:s4] =	ssyncset.done $0x0  }
0x1a5: {  	[sflag:s4] =	ssyncadd.s32 $0xFFFF3800  }
0x1a6: {  	_ =	swait.ge [sflag:s5], $0x2800  }
0x1a7: {  	[sflag:s5] =	ssyncset.done $0x0  }
0x1a8: {  	[sflag:s5] =	ssyncadd.s32 $0xFFFFD800  }
0x1a9: {  	_ =	swait.ge [sflag:s5], $0x2800  }
0x1aa: {  	[sflag:s5] =	ssyncset.done $0x0  }
0x1ab: {  	[sflag:s5] =	ssyncadd.s32 $0xFFFFD800  }
0x1ac: {  	_ =	swait.ge [sflag:s5], $0x2800  }
0x1ad: {  	[sflag:s5] =	ssyncset.done $0x0  }
0x1ae: {  	[sflag:s5] =	ssyncadd.s32 $0xFFFFD800  }
0x1af: {  	_ =	swait.ge [sflag:s5], $0x2800  }
0x1b0: {  	[sflag:s5] =	ssyncset.done $0x0  }
0x1b1: {  	[sflag:s5] =	ssyncadd.s32 $0xFFFFD800  }
0x1b2: {  	_ =	swait.ge [sflag:s5], $0x2800  }
0x1b3: {  	s0 =	rddreg [dreg:$0x1c];
	[sflag:s5] =	ssyncset.done $0x0  }
0x1b4: {  	s17 =	rddreg [dreg:$0x1d];
	[sflag:s5] =	ssyncadd.s32 $0xFFFFD800  }
0x1b5: {  	[tilespmem:s7], [sflag:$0x1] =	stream.indirect.gather [hbm4b:s3+s6], $0x80, s0, s6, $0xb8;
	[tilespmem:$0x1A000] =	vst v63  }
0x1b6: {  	s0 =	rddreg [dreg:$0x1e]  }
0x1b7: {  	[tilespmem:s9], [sflag:$0x1] =	stream.indirect.gather [hbm4b:s3+s6], $0x80, s17, s6, $0xb8;
	[tilespmem:$0x1A000] =	vst v63  }
0x1b8: {  	s17 =	rddreg [dreg:$0x1f]  }
0x1b9: {  	[tilespmem:s10], [sflag:$0x1] =	stream.indirect.gather [hbm4b:s3+s6], $0x80, s0, s6, $0xb8;
	[tilespmem:$0x1A000] =	vst v63  }
0x1ba: {  	s0 =	sld [smem:$0x7ED]  }
0x1bb: {  	[tilespmem:s12], [sflag:$0x1] =	stream.indirect.gather [hbm4b:s3+s6], $0x80, s17, s6, $0xb8;
	[tilespmem:$0x1A000] =	vst v63  }
0x1bc: {  	_ = 	snop  }
0x1bd: {  	[tilespmem:s11], [sflag:$0x1] =	stream.indirect.gather [hbm4b:s3+s6], $0x80, s0, s6, $0xb8;
	[tilespmem:$0x1A000] =	vst v63  }
0x1be: {  	s17 =	rddreg [dreg:$0x7]  }
0x1bf: {  	[hbm4b:s17+s2] =	stream.linear.scatter [tilespmem:s8], [sflag:$0x2], $0xC800, $0x38;
	[tilespmem:$0x1A000] =	vst v63  }
0x1c0: {  	_ =	swait.ge [sflag:s4], $0xC800  }
0x1c1: {  	[sflag:s4] =	ssyncset.done $0x0  }
0x1c2: {  	[sflag:s4] =	ssyncadd.s32 $0xFFFF3800  }
0x1c3: {  	_ =	swait.ge [sflag:s5], $0x2800  }
0x1c4: {  	[sflag:s5] =	ssyncset.done $0x0  }
0x1c5: {  	[sflag:s5] =	ssyncadd.s32 $0xFFFFD800  }
0x1c6: {  	_ =	swait.ge [sflag:s5], $0x2800  }
0x1c7: {  	[sflag:s5] =	ssyncset.done $0x0  }
0x1c8: {  	[sflag:s5] =	ssyncadd.s32 $0xFFFFD800  }
0x1c9: {  	_ =	swait.ge [sflag:s5], $0x2800  }
0x1ca: {  	[sflag:s5] =	ssyncset.done $0x0  }
0x1cb: {  	[sflag:s5] =	ssyncadd.s32 $0xFFFFD800  }
0x1cc: {  	_ =	swait.ge [sflag:s5], $0x2800  }
0x1cd: {  	[sflag:s5] =	ssyncset.done $0x0  }
0x1ce: {  	[sflag:s5] =	ssyncadd.s32 $0xFFFFD800  }
0x1cf: {  	_ =	swait.ge [sflag:s5], $0x2800  }
0x1d0: {  	s0 =	sld [smem:$0x7EE]  }
0x1d1: {  	[sflag:s5] =	ssyncset.done $0x0  }
0x1d2: {  	s17 =	sld [smem:$0x7EF];
	[sflag:s5] =	ssyncadd.s32 $0xFFFFD800  }
0x1d3: {  	[tilespmem:s8], [sflag:$0x1] =	stream.indirect.gather [hbm4b:s3+s6], $0x80, s0, s6, $0xb8;
	[tilespmem:$0x1A000] =	vst v63  }
0x1d4: {  	s0 =	sld [smem:$0x7F0]  }
0x1d5: {  	[tilespmem:s13], [sflag:$0x1] =	stream.indirect.gather [hbm4b:s3+s6], $0x80, s17, s6, $0xb8;
	[tilespmem:$0x1A000] =	vst v63  }
0x1d6: {  	s17 =	sld [smem:$0x7F1]  }
0x1d7: {  	[tilespmem:s14], [sflag:$0x1] =	stream.indirect.gather [hbm4b:s3+s6], $0x80, s0, s6, $0xb8;
	[tilespmem:$0x1A000] =	vst v63  }
0x1d8: {  	s0 =	sld [smem:$0x7F2]  }
0x1d9: {  	[tilespmem:s15], [sflag:$0x1] =	stream.indirect.gather [hbm4b:s3+s6], $0x80, s17, s6, $0xb8;
	[tilespmem:$0x1A000] =	vst v63  }
0x1da: {  	_ = 	snop  }
0x1db: {  	[tilespmem:s16], [sflag:$0x1] =	stream.indirect.gather [hbm4b:s3+s6], $0x80, s0, s6, $0xb8;
	[tilespmem:$0x1A000] =	vst v63  }
0x1dc: {  	s17 =	rddreg [dreg:$0x8]  }
0x1dd: {  	[hbm4b:s17+s2] =	stream.linear.scatter [tilespmem:s7], [sflag:$0x2], $0xC800, $0x38;
	[tilespmem:$0x1A000] =	vst v63  }
0x1de: {  	_ =	swait.ge [sflag:s4], $0xC800  }
0x1df: {  	[sflag:s4] =	ssyncset.done $0x0  }
0x1e0: {  	[sflag:s4] =	ssyncadd.s32 $0xFFFF3800  }
0x1e1: {  	_ =	swait.ge [sflag:s5], $0x2800  }
0x1e2: {  	[sflag:s5] =	ssyncset.done $0x0  }
0x1e3: {  	[sflag:s5] =	ssyncadd.s32 $0xFFFFD800  }
0x1e4: {  	_ =	swait.ge [sflag:s5], $0x2800  }
0x1e5: {  	[sflag:s5] =	ssyncset.done $0x0  }
0x1e6: {  	[sflag:s5] =	ssyncadd.s32 $0xFFFFD800  }
0x1e7: {  	_ =	swait.ge [sflag:s5], $0x2800  }
0x1e8: {  	[sflag:s5] =	ssyncset.done $0x0  }
0x1e9: {  	[sflag:s5] =	ssyncadd.s32 $0xFFFFD800  }
0x1ea: {  	_ =	swait.ge [sflag:s5], $0x2800  }
0x1eb: {  	[sflag:s5] =	ssyncset.done $0x0  }
0x1ec: {  	[sflag:s5] =	ssyncadd.s32 $0xFFFFD800  }
0x1ed: {  	_ =	swait.ge [sflag:s5], $0x2800  }
0x1ee: {  	s0 =	sld [smem:$0x7F3]  }
0x1ef: {  	[sflag:s5] =	ssyncset.done $0x0  }
0x1f0: {  	s17 =	sld [smem:$0x7F4];
	[sflag:s5] =	ssyncadd.s32 $0xFFFFD800  }
0x1f1: {  	[tilespmem:s7], [sflag:$0x1] =	stream.indirect.gather [hbm4b:s3+s6], $0x80, s0, s6, $0xb8;
	[tilespmem:$0x1A000] =	vst v63  }
0x1f2: {  	s0 =	sld [smem:$0x7F5]  }
0x1f3: {  	[tilespmem:s9], [sflag:$0x1] =	stream.indirect.gather [hbm4b:s3+s6], $0x80, s17, s6, $0xb8;
	[tilespmem:$0x1A000] =	vst v63  }
0x1f4: {  	s17 =	sld [smem:$0x7F6]  }
0x1f5: {  	[tilespmem:s10], [sflag:$0x1] =	stream.indirect.gather [hbm4b:s3+s6], $0x80, s0, s6, $0xb8;
	[tilespmem:$0x1A000] =	vst v63  }
0x1f6: {  	s0 =	sld [smem:$0x7F7]  }
0x1f7: {  	[tilespmem:s12], [sflag:$0x1] =	stream.indirect.gather [hbm4b:s3+s6], $0x80, s17, s6, $0xb8;
	[tilespmem:$0x1A000] =	vst v63  }
0x1f8: {  	_ = 	snop  }
0x1f9: {  	[tilespmem:s11], [sflag:$0x1] =	stream.indirect.gather [hbm4b:s3+s6], $0x80, s0, s6, $0xb8;
	[tilespmem:$0x1A000] =	vst v63  }
0x1fa: {  	s17 =	rddreg [dreg:$0x9]  }
0x1fb: {  	[hbm4b:s17+s2] =	stream.linear.scatter [tilespmem:s8], [sflag:$0x2], $0xC800, $0x38;
	[tilespmem:$0x1A000] =	vst v63  }
0x1fc: {  	_ =	swait.ge [sflag:s4], $0xC800  }
0x1fd: {  	[sflag:s4] =	ssyncset.done $0x0  }
0x1fe: {  	[sflag:s4] =	ssyncadd.s32 $0xFFFF3800  }
0x1ff: {  	_ =	swait.ge [sflag:s5], $0x2800  }
0x200: {  	[sflag:s5] =	ssyncset.done $0x0  }
0x201: {  	[sflag:s5] =	ssyncadd.s32 $0xFFFFD800  }
0x202: {  	_ =	swait.ge [sflag:s5], $0x2800  }
0x203: {  	[sflag:s5] =	ssyncset.done $0x0  }
0x204: {  	[sflag:s5] =	ssyncadd.s32 $0xFFFFD800  }
0x205: {  	_ =	swait.ge [sflag:s5], $0x2800  }
0x206: {  	[sflag:s5] =	ssyncset.done $0x0  }
0x207: {  	[sflag:s5] =	ssyncadd.s32 $0xFFFFD800  }
0x208: {  	_ =	swait.ge [sflag:s5], $0x2800  }
0x209: {  	[sflag:s5] =	ssyncset.done $0x0  }
0x20a: {  	[sflag:s5] =	ssyncadd.s32 $0xFFFFD800  }
0x20b: {  	_ =	swait.ge [sflag:s5], $0x2800  }
0x20c: {  	s0 =	sld [smem:$0x7F8]  }
0x20d: {  	[sflag:s5] =	ssyncset.done $0x0  }
0x20e: {  	s17 =	sld [smem:$0x7F9];
	[sflag:s5] =	ssyncadd.s32 $0xFFFFD800  }
0x20f: {  	[tilespmem:s8], [sflag:$0x1] =	stream.indirect.gather [hbm4b:s3+s6], $0x80, s0, s6, $0xb8;
	[tilespmem:$0x1A000] =	vst v63  }
0x210: {  	s0 =	sld [smem:$0x7FA]  }
0x211: {  	[tilespmem:s13], [sflag:$0x1] =	stream.indirect.gather [hbm4b:s3+s6], $0x80, s17, s6, $0xb8;
	[tilespmem:$0x1A000] =	vst v63  }
0x212: {  	s17 =	sld [smem:$0x7FB]  }
0x213: {  	[tilespmem:s14], [sflag:$0x1] =	stream.indirect.gather [hbm4b:s3+s6], $0x80, s0, s6, $0xb8;
	[tilespmem:$0x1A000] =	vst v63  }
0x214: {  	s0 =	sld [smem:$0x7FC]  }
0x215: {  	[tilespmem:s15], [sflag:$0x1] =	stream.indirect.gather [hbm4b:s3+s6], $0x80, s17, s6, $0xb8;
	[tilespmem:$0x1A000] =	vst v63  }
0x216: {  	_ = 	snop  }
0x217: {  	[tilespmem:s16], [sflag:$0x1] =	stream.indirect.gather [hbm4b:s3+s6], $0x80, s0, s6, $0xb8;
	[tilespmem:$0x1A000] =	vst v63  }
0x218: {  	s17 =	rddreg [dreg:$0xa]  }
0x219: {  	[hbm4b:s17+s2] =	stream.linear.scatter [tilespmem:s7], [sflag:$0x2], $0xC800, $0x38;
	[tilespmem:$0x1A000] =	vst v63  }
0x21a: {  	_ =	swait.ge [sflag:s4], $0xC800  }
0x21b: {  	[sflag:s4] =	ssyncset.done $0x0  }
0x21c: {  	[sflag:s4] =	ssyncadd.s32 $0xFFFF3800  }
0x21d: {  	_ =	swait.ge [sflag:s5], $0x2800  }
0x21e: {  	[sflag:s5] =	ssyncset.done $0x0  }
0x21f: {  	[sflag:s5] =	ssyncadd.s32 $0xFFFFD800  }
0x220: {  	_ =	swait.ge [sflag:s5], $0x2800  }
0x221: {  	[sflag:s5] =	ssyncset.done $0x0  }
0x222: {  	[sflag:s5] =	ssyncadd.s32 $0xFFFFD800  }
0x223: {  	_ =	swait.ge [sflag:s5], $0x2800  }
0x224: {  	[sflag:s5] =	ssyncset.done $0x0  }
0x225: {  	[sflag:s5] =	ssyncadd.s32 $0xFFFFD800  }
0x226: {  	_ =	swait.ge [sflag:s5], $0x2800  }
0x227: {  	[sflag:s5] =	ssyncset.done $0x0  }
0x228: {  	[sflag:s5] =	ssyncadd.s32 $0xFFFFD800  }
0x229: {  	_ =	swait.ge [sflag:s5], $0x2800  }
0x22a: {  	s17 =	sld [smem:$0x7FD]  }
0x22b: {  	[sflag:s5] =	ssyncset.done $0x0  }
0x22c: {  	[sflag:s5] =	ssyncadd.s32 $0xFFFFD800  }
0x22d: {  	[tilespmem:s7], [sflag:$0x1] =	stream.indirect.gather [hbm4b:s3+s6], $0x80, s17, s6, $0xb8;
	[tilespmem:$0x1A000] =	vst v63  }
0x22e: {  	_ = 	snop  }
0x22f: {  	[tilespmem:s9], [sflag:$0x1] =	stream.indirect.gather [hbm4b:s3+s6], $0x80, s30, s6, $0xb8;
	[tilespmem:$0x1A000] =	vst v63  }
0x230: {  	_ = 	snop  }
0x231: {  	[tilespmem:s10], [sflag:$0x1] =	stream.indirect.gather [hbm4b:s3+s6], $0x80, s31, s6, $0xb8;
	[tilespmem:$0x1A000] =	vst v63  }
0x232: {  	_ = 	snop  }
0x233: {  	[tilespmem:s12], [sflag:$0x1] =	stream.indirect.gather [hbm4b:s3+s6], $0x80, s23, s6, $0xb8;
	[tilespmem:$0x1A000] =	vst v63  }
0x234: {  	_ = 	snop  }
0x235: {  	[tilespmem:s11], [sflag:$0x1] =	stream.indirect.gather [hbm4b:s3+s6], $0x80, s29, s6, $0xb8;
	[tilespmem:$0x1A000] =	vst v63  }
0x236: {  	s17 =	rddreg [dreg:$0xb]  }
0x237: {  	[hbm4b:s17+s2] =	stream.linear.scatter [tilespmem:s8], [sflag:$0x2], $0xC800, $0x38;
	[tilespmem:$0x1A000] =	vst v63  }
0x238: {  	_ =	swait.ge [sflag:s4], $0xC800  }
0x239: {  	[sflag:s4] =	ssyncset.done $0x0  }
0x23a: {  	[sflag:s4] =	ssyncadd.s32 $0xFFFF3800  }
0x23b: {  	_ =	swait.ge [sflag:s5], $0x2800  }
0x23c: {  	[sflag:s5] =	ssyncset.done $0x0  }
0x23d: {  	[sflag:s5] =	ssyncadd.s32 $0xFFFFD800  }
0x23e: {  	_ =	swait.ge [sflag:s5], $0x2800  }
0x23f: {  	[sflag:s5] =	ssyncset.done $0x0  }
0x240: {  	[sflag:s5] =	ssyncadd.s32 $0xFFFFD800  }
0x241: {  	_ =	swait.ge [sflag:s5], $0x2800  }
0x242: {  	[sflag:s5] =	ssyncset.done $0x0  }
0x243: {  	[sflag:s5] =	ssyncadd.s32 $0xFFFFD800  }
0x244: {  	_ =	swait.ge [sflag:s5], $0x2800  }
0x245: {  	[sflag:s5] =	ssyncset.done $0x0  }
0x246: {  	[sflag:s5] =	ssyncadd.s32 $0xFFFFD800  }
0x247: {  	_ =	swait.ge [sflag:s5], $0x2800  }
0x248: {  	[sflag:s5] =	ssyncset.done $0x0  }
0x249: {  	s17 =	simm.s32 $0xC80;
	[sflag:s5] =	ssyncadd.s32 $0xFFFFD800  }
0x24a: {  	[tilespmem:s8], [sflag:$0x1] =	stream.indirect.gather [hbm4b:s3+s6], $0x80, s17, s6, $0xb8;
	[tilespmem:$0x1A000] =	vst v63  }
0x24b: {  	_ = 	snop  }
0x24c: {  	[tilespmem:s13], [sflag:$0x1] =	stream.indirect.gather [hbm4b:s3+s6], $0x80, s24, s6, $0xb8;
	[tilespmem:$0x1A000] =	vst v63  }
0x24d: {  	_ = 	snop  }
0x24e: {  	[tilespmem:s14], [sflag:$0x1] =	stream.indirect.gather [hbm4b:s3+s6], $0x80, s25, s6, $0xb8;
	[tilespmem:$0x1A000] =	vst v63  }
0x24f: {  	_ = 	snop  }
0x250: {  	[tilespmem:s15], [sflag:$0x1] =	stream.indirect.gather [hbm4b:s3+s6], $0x80, s26, s6, $0xb8;
	[tilespmem:$0x1A000] =	vst v63  }
0x251: {  	_ = 	snop  }
0x252: {  	[tilespmem:s16], [sflag:$0x1] =	stream.indirect.gather [hbm4b:s3+s6], $0x80, s28, s6, $0xb8;
	[tilespmem:$0x1A000] =	vst v63  }
0x253: {  	s17 =	rddreg [dreg:$0xc]  }
0x254: {  	[hbm4b:s17+s2] =	stream.linear.scatter [tilespmem:s7], [sflag:$0x2], $0xC800, $0x38;
	[tilespmem:$0x1A000] =	vst v63  }
0x255: {  	_ =	swait.ge [sflag:s4], $0xC800  }
0x256: {  	[sflag:s4] =	ssyncset.done $0x0  }
0x257: {  	[sflag:s4] =	ssyncadd.s32 $0xFFFF3800  }
0x258: {  	_ =	swait.ge [sflag:s5], $0x2800  }
0x259: {  	[sflag:s5] =	ssyncset.done $0x0  }
0x25a: {  	[sflag:s5] =	ssyncadd.s32 $0xFFFFD800  }
0x25b: {  	_ =	swait.ge [sflag:s5], $0x2800  }
0x25c: {  	[sflag:s5] =	ssyncset.done $0x0  }
0x25d: {  	[sflag:s5] =	ssyncadd.s32 $0xFFFFD800  }
0x25e: {  	_ =	swait.ge [sflag:s5], $0x2800  }
0x25f: {  	[sflag:s5] =	ssyncset.done $0x0  }
0x260: {  	[sflag:s5] =	ssyncadd.s32 $0xFFFFD800  }
0x261: {  	_ =	swait.ge [sflag:s5], $0x2800  }
0x262: {  	[sflag:s5] =	ssyncset.done $0x0  }
0x263: {  	[sflag:s5] =	ssyncadd.s32 $0xFFFFD800  }
0x264: {  	_ =	swait.ge [sflag:s5], $0x2800  }
0x265: {  	[sflag:s5] =	ssyncset.done $0x0  }
0x266: {  	[sflag:s5] =	ssyncadd.s32 $0xFFFFD800  }
0x267: {  	[tilespmem:s7], [sflag:$0x1] =	stream.indirect.gather [hbm4b:s3+s6], $0x80, s19, s6, $0xb8;
	[tilespmem:$0x1A000] =	vst v63  }
0x268: {  	_ = 	snop  }
0x269: {  	[tilespmem:s9], [sflag:$0x1] =	stream.indirect.gather [hbm4b:s3+s6], $0x80, s20, s6, $0xb8;
	[tilespmem:$0x1A000] =	vst v63  }
0x26a: {  	_ = 	snop  }
0x26b: {  	[tilespmem:s10], [sflag:$0x1] =	stream.indirect.gather [hbm4b:s3+s6], $0x80, s21, s6, $0xb8;
	[tilespmem:$0x1A000] =	vst v63  }
0x26c: {  	_ = 	snop  }
0x26d: {  	[tilespmem:s12], [sflag:$0x1] =	stream.indirect.gather [hbm4b:s3+s6], $0x80, s22, s6, $0xb8;
	[tilespmem:$0x1A000] =	vst v63  }
0x26e: {  	_ = 	snop  }
0x26f: {  	[tilespmem:s11], [sflag:$0x1] =	stream.indirect.gather [hbm4b:s3+s6], $0x80, s18, s6, $0xb8;
	[tilespmem:$0x1A000] =	vst v63  }
0x270: {  	s17 =	rddreg [dreg:$0xd]  }
0x271: {  	[hbm4b:s17+s2] =	stream.linear.scatter [tilespmem:s8], [sflag:$0x2], $0xC800, $0x38;
	[tilespmem:$0x1A000] =	vst v63  }
0x272: {  	_ =	swait.ge [sflag:s4], $0xC800  }
0x273: {  	[sflag:s4] =	ssyncset.done $0x0  }
0x274: {  	[sflag:s4] =	ssyncadd.s32 $0xFFFF3800  }
0x275: {  	_ =	swait.ge [sflag:s5], $0x2800  }
0x276: {  	[sflag:s5] =	ssyncset.done $0x0  }
0x277: {  	[sflag:s5] =	ssyncadd.s32 $0xFFFFD800  }
0x278: {  	_ =	swait.ge [sflag:s5], $0x2800  }
0x279: {  	[sflag:s5] =	ssyncset.done $0x0  }
0x27a: {  	[sflag:s5] =	ssyncadd.s32 $0xFFFFD800  }
0x27b: {  	_ =	swait.ge [sflag:s5], $0x2800  }
0x27c: {  	[sflag:s5] =	ssyncset.done $0x0  }
0x27d: {  	[sflag:s5] =	ssyncadd.s32 $0xFFFFD800  }
0x27e: {  	_ =	swait.ge [sflag:s5], $0x2800  }
0x27f: {  	[sflag:s5] =	ssyncset.done $0x0  }
0x280: {  	[sflag:s5] =	ssyncadd.s32 $0xFFFFD800  }
0x281: {  	p1 =	sne.s32 s1, $0x1;
	_ =	swait.ge [sflag:s5], $0x2800  }
.Ltmp2:
0x282: {  	[sflag:s5] =	ssyncset.done $0x0;
	(pc) =	sbr.rel @p1 .LBB2_4-.Ltmp2, $4  }
0x283: {  	s17 =	rddreg [dreg:$0xe];
	[sflag:s5] =	ssyncadd.s32 $0xFFFFD800  }
0x284: {  	[hbm4b:s17+s2] =	stream.linear.scatter [tilespmem:s7], [sflag:$0x2], $0xC800, $0x38;
	[tilespmem:$0x1A000] =	vst v63  }
0x285: {  	_ =	swait.ge [sflag:s4], $0xC800  }
0x286: {  	s1 =	sadd.s32 $0xFFFFFFFF, s1;
	s0 =	rddreg [dreg:$0x4];
	[sflag:s4] =	ssyncset.done $0x0  }
0x287: {  	s22 =	simm.s32 $0xBE0;
	s31 =	simm.s32 $0xB90  }
0x288: {  	s30 =	simm.s32 $0xB40;
	s29 =	simm.s32 $0xC30;
	s28 =	simm.s32 $0xDC0  }
0x289: {  	s26 =	simm.s32 $0xD70;
	s25 =	simm.s32 $0xD20;
	s24 =	simm.s32 $0xCD0  }
0x28a: {  	s23 =	simm.s32 $0xC80;
	s21 =	simm.s32 $0xEB0;
	s20 =	simm.s32 $0xE60  }
0x28b: {  	s19 =	simm.s32 $0xE10;
	s18 =	simm.s32 $0xF50;
	s17 =	stileid.u32  }
.LBB2_6:
0x28c: {  	[sflag:s4] =	ssyncadd.s32 @p0 $0xFFFF3800  }
0x28d: {  	[tilespmem:s2], [sflag:$0x2] =	stream.linear.gather [hbm4b:s0+s2], $0xFA0, $0x38;
	[tilespmem:$0x1A000] =	vst v63  }
0x28e: {  	_ =	swait.ge [sflag:s4], $0xFA0  }
0x28f: {  	[sflag:s4] =	ssyncset.done $0x0  }
0x290: {  	[sflag:s4] =	ssyncadd.s32 $0xFFFFF060  }
0x291: {  	[tilespmem:s8], [sflag:$0x1] =	stream.indirect.gather [hbm4b:s3+s6], $0x80, s2, s6, $0xb8;
	[tilespmem:$0x1A000] =	vst v63  }
0x292: {  	_ = 	snop  }
0x293: {  	[tilespmem:s13], [sflag:$0x1] =	stream.indirect.gather [hbm4b:s3+s6], $0x80, s6, s6, $0xb8;
	[tilespmem:$0x1A000] =	vst v63  }
0x294: {  	s0 =	rddreg [dreg:$0xf]  }
0x295: {  	[tilespmem:s14], [sflag:$0x1] =	stream.indirect.gather [hbm4b:s3+s6], $0x80, s0, s6, $0xb8;
	[tilespmem:$0x1A000] =	vst v63  }
0x296: {  	s1 =	rddreg [dreg:$0x10]  }
0x297: {  	[tilespmem:s15], [sflag:$0x1] =	stream.indirect.gather [hbm4b:s3+s6], $0x80, s1, s6, $0xb8;
	[tilespmem:$0x1A000] =	vst v63  }
0x298: {  	s0 =	rddreg [dreg:$0x11]  }
0x299: {  	[tilespmem:s16], [sflag:$0x1] =	stream.indirect.gather [hbm4b:s3+s6], $0x80, s0, s6, $0xb8;
	[tilespmem:$0x1A000] =	vst v63  }
0x29a: {  	_ =	swait.ge [sflag:s5], $0x2800  }
0x29b: {  	[sflag:s5] =	ssyncset.done $0x0  }
0x29c: {  	[sflag:s5] =	ssyncadd.s32 $0xFFFFD800  }
0x29d: {  	_ =	swait.ge [sflag:s5], $0x2800  }
0x29e: {  	[sflag:s5] =	ssyncset.done $0x0  }
0x29f: {  	[sflag:s5] =	ssyncadd.s32 $0xFFFFD800  }
0x2a0: {  	_ =	swait.ge [sflag:s5], $0x2800  }
0x2a1: {  	[sflag:s5] =	ssyncset.done $0x0  }
0x2a2: {  	[sflag:s5] =	ssyncadd.s32 $0xFFFFD800  }
0x2a3: {  	_ =	swait.ge [sflag:s5], $0x2800  }
0x2a4: {  	[sflag:s5] =	ssyncset.done $0x0  }
0x2a5: {  	[sflag:s5] =	ssyncadd.s32 $0xFFFFD800  }
0x2a6: {  	_ =	swait.ge [sflag:s5], $0x2800  }
0x2a7: {  	[sflag:s5] =	ssyncset.done $0x0  }
0x2a8: {  	s0 =	rddreg [dreg:$0x12];
	[sflag:s5] =	ssyncadd.s32 $0xFFFFD800  }
0x2a9: {  	[tilespmem:s7], [sflag:$0x1] =	stream.indirect.gather [hbm4b:s3+s6], $0x80, s0, s6, $0xb8;
	[tilespmem:$0x1A000] =	vst v63  }
0x2aa: {  	s1 =	rddreg [dreg:$0x13]  }
0x2ab: {  	[tilespmem:s9], [sflag:$0x1] =	stream.indirect.gather [hbm4b:s3+s6], $0x80, s1, s6, $0xb8;
	[tilespmem:$0x1A000] =	vst v63  }
0x2ac: {  	s0 =	rddreg [dreg:$0x14]  }
0x2ad: {  	[tilespmem:s10], [sflag:$0x1] =	stream.indirect.gather [hbm4b:s3+s6], $0x80, s0, s6, $0xb8;
	[tilespmem:$0x1A000] =	vst v63  }
0x2ae: {  	s1 =	rddreg [dreg:$0x15]  }
0x2af: {  	[tilespmem:s12], [sflag:$0x1] =	stream.indirect.gather [hbm4b:s3+s6], $0x80, s1, s6, $0xb8;
	[tilespmem:$0x1A000] =	vst v63  }
0x2b0: {  	s0 =	rddreg [dreg:$0x16]  }
0x2b1: {  	[tilespmem:s11], [sflag:$0x1] =	stream.indirect.gather [hbm4b:s3+s6], $0x80, s0, s6, $0xb8;
	[tilespmem:$0x1A000] =	vst v63  }
0x2b2: {  	s1 =	rddreg [dreg:$0x5]  }
0x2b3: {  	[hbm4b:s1+s2] =	stream.linear.scatter [tilespmem:s8], [sflag:$0x2], $0xC800, $0x38;
	[tilespmem:$0x1A000] =	vst v63  }
0x2b4: {  	_ =	swait.ge [sflag:s4], $0xC800  }
0x2b5: {  	[sflag:s4] =	ssyncset.done $0x0  }
0x2b6: {  	[sflag:s4] =	ssyncadd.s32 $0xFFFF3800  }
0x2b7: {  	_ =	swait.ge [sflag:s5], $0x2800  }
0x2b8: {  	[sflag:s5] =	ssyncset.done $0x0  }
0x2b9: {  	[sflag:s5] =	ssyncadd.s32 $0xFFFFD800  }
0x2ba: {  	_ =	swait.ge [sflag:s5], $0x2800  }
0x2bb: {  	[sflag:s5] =	ssyncset.done $0x0  }
0x2bc: {  	[sflag:s5] =	ssyncadd.s32 $0xFFFFD800  }
0x2bd: {  	_ =	swait.ge [sflag:s5], $0x2800  }
0x2be: {  	[sflag:s5] =	ssyncset.done $0x0  }
0x2bf: {  	[sflag:s5] =	ssyncadd.s32 $0xFFFFD800  }
0x2c0: {  	_ =	swait.ge [sflag:s5], $0x2800  }
0x2c1: {  	[sflag:s5] =	ssyncset.done $0x0  }
0x2c2: {  	[sflag:s5] =	ssyncadd.s32 $0xFFFFD800  }
0x2c3: {  	_ =	swait.ge [sflag:s5], $0x2800  }
0x2c4: {  	[sflag:s5] =	ssyncset.done $0x0  }
0x2c5: {  	s0 =	rddreg [dreg:$0x17];
	[sflag:s5] =	ssyncadd.s32 $0xFFFFD800  }
0x2c6: {  	[tilespmem:s8], [sflag:$0x1] =	stream.indirect.gather [hbm4b:s3+s6], $0x80, s0, s6, $0xb8;
	[tilespmem:$0x1A000] =	vst v63  }
0x2c7: {  	s1 =	rddreg [dreg:$0x18]  }
0x2c8: {  	[tilespmem:s13], [sflag:$0x1] =	stream.indirect.gather [hbm4b:s3+s6], $0x80, s1, s6, $0xb8;
	[tilespmem:$0x1A000] =	vst v63  }
0x2c9: {  	s0 =	rddreg [dreg:$0x19]  }
0x2ca: {  	[tilespmem:s14], [sflag:$0x1] =	stream.indirect.gather [hbm4b:s3+s6], $0x80, s0, s6, $0xb8;
	[tilespmem:$0x1A000] =	vst v63  }
0x2cb: {  	s1 =	rddreg [dreg:$0x1a]  }
0x2cc: {  	[tilespmem:s15], [sflag:$0x1] =	stream.indirect.gather [hbm4b:s3+s6], $0x80, s1, s6, $0xb8;
	[tilespmem:$0x1A000] =	vst v63  }
0x2cd: {  	s0 =	rddreg [dreg:$0x1b]  }
0x2ce: {  	[tilespmem:s16], [sflag:$0x1] =	stream.indirect.gather [hbm4b:s3+s6], $0x80, s0, s6, $0xb8;
	[tilespmem:$0x1A000] =	vst v63  }
0x2cf: {  	s1 =	rddreg [dreg:$0x6]  }
0x2d0: {  	[hbm4b:s1+s2] =	stream.linear.scatter [tilespmem:s7], [sflag:$0x2], $0xC800, $0x38;
	[tilespmem:$0x1A000] =	vst v63  }
0x2d1: {  	_ =	swait.ge [sflag:s4], $0xC800  }
0x2d2: {  	[sflag:s4] =	ssyncset.done $0x0  }
0x2d3: {  	[sflag:s4] =	ssyncadd.s32 $0xFFFF3800  }
0x2d4: {  	_ =	swait.ge [sflag:s5], $0x2800  }
0x2d5: {  	[sflag:s5] =	ssyncset.done $0x0  }
0x2d6: {  	[sflag:s5] =	ssyncadd.s32 $0xFFFFD800  }
0x2d7: {  	_ =	swait.ge [sflag:s5], $0x2800  }
0x2d8: {  	[sflag:s5] =	ssyncset.done $0x0  }
0x2d9: {  	[sflag:s5] =	ssyncadd.s32 $0xFFFFD800  }
0x2da: {  	_ =	swait.ge [sflag:s5], $0x2800  }
0x2db: {  	[sflag:s5] =	ssyncset.done $0x0  }
0x2dc: {  	[sflag:s5] =	ssyncadd.s32 $0xFFFFD800  }
0x2dd: {  	_ =	swait.ge [sflag:s5], $0x2800  }
0x2de: {  	[sflag:s5] =	ssyncset.done $0x0  }
0x2df: {  	[sflag:s5] =	ssyncadd.s32 $0xFFFFD800  }
0x2e0: {  	_ =	swait.ge [sflag:s5], $0x2800  }
0x2e1: {  	s0 =	rddreg [dreg:$0x1c];
	[sflag:s5] =	ssyncset.done $0x0  }
0x2e2: {  	s1 =	rddreg [dreg:$0x1d];
	[sflag:s5] =	ssyncadd.s32 $0xFFFFD800  }
0x2e3: {  	[tilespmem:s7], [sflag:$0x1] =	stream.indirect.gather [hbm4b:s3+s6], $0x80, s0, s6, $0xb8;
	[tilespmem:$0x1A000] =	vst v63  }
0x2e4: {  	s0 =	rddreg [dreg:$0x1e]  }
0x2e5: {  	[tilespmem:s9], [sflag:$0x1] =	stream.indirect.gather [hbm4b:s3+s6], $0x80, s1, s6, $0xb8;
	[tilespmem:$0x1A000] =	vst v63  }
0x2e6: {  	s1 =	rddreg [dreg:$0x1f]  }
0x2e7: {  	[tilespmem:s10], [sflag:$0x1] =	stream.indirect.gather [hbm4b:s3+s6], $0x80, s0, s6, $0xb8;
	[tilespmem:$0x1A000] =	vst v63  }
0x2e8: {  	s0 =	sld [smem:$0x7ED]  }
0x2e9: {  	[tilespmem:s12], [sflag:$0x1] =	stream.indirect.gather [hbm4b:s3+s6], $0x80, s1, s6, $0xb8;
	[tilespmem:$0x1A000] =	vst v63  }
0x2ea: {  	_ = 	snop  }
0x2eb: {  	[tilespmem:s11], [sflag:$0x1] =	stream.indirect.gather [hbm4b:s3+s6], $0x80, s0, s6, $0xb8;
	[tilespmem:$0x1A000] =	vst v63  }
0x2ec: {  	s1 =	rddreg [dreg:$0x7]  }
0x2ed: {  	[hbm4b:s1+s2] =	stream.linear.scatter [tilespmem:s8], [sflag:$0x2], $0xC800, $0x38;
	[tilespmem:$0x1A000] =	vst v63  }
0x2ee: {  	_ =	swait.ge [sflag:s4], $0xC800  }
0x2ef: {  	[sflag:s4] =	ssyncset.done $0x0  }
0x2f0: {  	[sflag:s4] =	ssyncadd.s32 $0xFFFF3800  }
0x2f1: {  	_ =	swait.ge [sflag:s5], $0x2800  }
0x2f2: {  	[sflag:s5] =	ssyncset.done $0x0  }
0x2f3: {  	[sflag:s5] =	ssyncadd.s32 $0xFFFFD800  }
0x2f4: {  	_ =	swait.ge [sflag:s5], $0x2800  }
0x2f5: {  	[sflag:s5] =	ssyncset.done $0x0  }
0x2f6: {  	[sflag:s5] =	ssyncadd.s32 $0xFFFFD800  }
0x2f7: {  	_ =	swait.ge [sflag:s5], $0x2800  }
0x2f8: {  	[sflag:s5] =	ssyncset.done $0x0  }
0x2f9: {  	[sflag:s5] =	ssyncadd.s32 $0xFFFFD800  }
0x2fa: {  	_ =	swait.ge [sflag:s5], $0x2800  }
0x2fb: {  	[sflag:s5] =	ssyncset.done $0x0  }
0x2fc: {  	[sflag:s5] =	ssyncadd.s32 $0xFFFFD800  }
0x2fd: {  	_ =	swait.ge [sflag:s5], $0x2800  }
0x2fe: {  	s0 =	sld [smem:$0x7EE]  }
0x2ff: {  	[sflag:s5] =	ssyncset.done $0x0  }
0x300: {  	s1 =	sld [smem:$0x7EF];
	[sflag:s5] =	ssyncadd.s32 $0xFFFFD800  }
0x301: {  	[tilespmem:s8], [sflag:$0x1] =	stream.indirect.gather [hbm4b:s3+s6], $0x80, s0, s6, $0xb8;
	[tilespmem:$0x1A000] =	vst v63  }
0x302: {  	s0 =	sld [smem:$0x7F0]  }
0x303: {  	[tilespmem:s13], [sflag:$0x1] =	stream.indirect.gather [hbm4b:s3+s6], $0x80, s1, s6, $0xb8;
	[tilespmem:$0x1A000] =	vst v63  }
0x304: {  	s1 =	sld [smem:$0x7F1]  }
0x305: {  	[tilespmem:s14], [sflag:$0x1] =	stream.indirect.gather [hbm4b:s3+s6], $0x80, s0, s6, $0xb8;
	[tilespmem:$0x1A000] =	vst v63  }
0x306: {  	s0 =	sld [smem:$0x7F2]  }
0x307: {  	[tilespmem:s15], [sflag:$0x1] =	stream.indirect.gather [hbm4b:s3+s6], $0x80, s1, s6, $0xb8;
	[tilespmem:$0x1A000] =	vst v63  }
0x308: {  	_ = 	snop  }
0x309: {  	[tilespmem:s16], [sflag:$0x1] =	stream.indirect.gather [hbm4b:s3+s6], $0x80, s0, s6, $0xb8;
	[tilespmem:$0x1A000] =	vst v63  }
0x30a: {  	s1 =	rddreg [dreg:$0x8]  }
0x30b: {  	[hbm4b:s1+s2] =	stream.linear.scatter [tilespmem:s7], [sflag:$0x2], $0xC800, $0x38;
	[tilespmem:$0x1A000] =	vst v63  }
0x30c: {  	_ =	swait.ge [sflag:s4], $0xC800  }
0x30d: {  	[sflag:s4] =	ssyncset.done $0x0  }
0x30e: {  	[sflag:s4] =	ssyncadd.s32 $0xFFFF3800  }
0x30f: {  	_ =	swait.ge [sflag:s5], $0x2800  }
0x310: {  	[sflag:s5] =	ssyncset.done $0x0  }
0x311: {  	[sflag:s5] =	ssyncadd.s32 $0xFFFFD800  }
0x312: {  	_ =	swait.ge [sflag:s5], $0x2800  }
0x313: {  	[sflag:s5] =	ssyncset.done $0x0  }
0x314: {  	[sflag:s5] =	ssyncadd.s32 $0xFFFFD800  }
0x315: {  	_ =	swait.ge [sflag:s5], $0x2800  }
0x316: {  	[sflag:s5] =	ssyncset.done $0x0  }
0x317: {  	[sflag:s5] =	ssyncadd.s32 $0xFFFFD800  }
0x318: {  	_ =	swait.ge [sflag:s5], $0x2800  }
0x319: {  	[sflag:s5] =	ssyncset.done $0x0  }
0x31a: {  	[sflag:s5] =	ssyncadd.s32 $0xFFFFD800  }
0x31b: {  	_ =	swait.ge [sflag:s5], $0x2800  }
0x31c: {  	s0 =	sld [smem:$0x7F3]  }
0x31d: {  	[sflag:s5] =	ssyncset.done $0x0  }
0x31e: {  	s1 =	sld [smem:$0x7F4];
	[sflag:s5] =	ssyncadd.s32 $0xFFFFD800  }
0x31f: {  	[tilespmem:s7], [sflag:$0x1] =	stream.indirect.gather [hbm4b:s3+s6], $0x80, s0, s6, $0xb8;
	[tilespmem:$0x1A000] =	vst v63  }
0x320: {  	s0 =	sld [smem:$0x7F5]  }
0x321: {  	[tilespmem:s9], [sflag:$0x1] =	stream.indirect.gather [hbm4b:s3+s6], $0x80, s1, s6, $0xb8;
	[tilespmem:$0x1A000] =	vst v63  }
0x322: {  	s1 =	sld [smem:$0x7F6]  }
0x323: {  	[tilespmem:s10], [sflag:$0x1] =	stream.indirect.gather [hbm4b:s3+s6], $0x80, s0, s6, $0xb8;
	[tilespmem:$0x1A000] =	vst v63  }
0x324: {  	s0 =	sld [smem:$0x7F7]  }
0x325: {  	[tilespmem:s12], [sflag:$0x1] =	stream.indirect.gather [hbm4b:s3+s6], $0x80, s1, s6, $0xb8;
	[tilespmem:$0x1A000] =	vst v63  }
0x326: {  	_ = 	snop  }
0x327: {  	[tilespmem:s11], [sflag:$0x1] =	stream.indirect.gather [hbm4b:s3+s6], $0x80, s0, s6, $0xb8;
	[tilespmem:$0x1A000] =	vst v63  }
0x328: {  	s1 =	rddreg [dreg:$0x9]  }
0x329: {  	[hbm4b:s1+s2] =	stream.linear.scatter [tilespmem:s8], [sflag:$0x2], $0xC800, $0x38;
	[tilespmem:$0x1A000] =	vst v63  }
0x32a: {  	_ =	swait.ge [sflag:s4], $0xC800  }
0x32b: {  	[sflag:s4] =	ssyncset.done $0x0  }
0x32c: {  	[sflag:s4] =	ssyncadd.s32 $0xFFFF3800  }
0x32d: {  	_ =	swait.ge [sflag:s5], $0x2800  }
0x32e: {  	[sflag:s5] =	ssyncset.done $0x0  }
0x32f: {  	[sflag:s5] =	ssyncadd.s32 $0xFFFFD800  }
0x330: {  	_ =	swait.ge [sflag:s5], $0x2800  }
0x331: {  	[sflag:s5] =	ssyncset.done $0x0  }
0x332: {  	[sflag:s5] =	ssyncadd.s32 $0xFFFFD800  }
0x333: {  	_ =	swait.ge [sflag:s5], $0x2800  }
0x334: {  	[sflag:s5] =	ssyncset.done $0x0  }
0x335: {  	[sflag:s5] =	ssyncadd.s32 $0xFFFFD800  }
0x336: {  	_ =	swait.ge [sflag:s5], $0x2800  }
0x337: {  	[sflag:s5] =	ssyncset.done $0x0  }
0x338: {  	[sflag:s5] =	ssyncadd.s32 $0xFFFFD800  }
0x339: {  	_ =	swait.ge [sflag:s5], $0x2800  }
0x33a: {  	s0 =	sld [smem:$0x7F8]  }
0x33b: {  	[sflag:s5] =	ssyncset.done $0x0  }
0x33c: {  	s1 =	sld [smem:$0x7F9];
	[sflag:s5] =	ssyncadd.s32 $0xFFFFD800  }
0x33d: {  	[tilespmem:s8], [sflag:$0x1] =	stream.indirect.gather [hbm4b:s3+s6], $0x80, s0, s6, $0xb8;
	[tilespmem:$0x1A000] =	vst v63  }
0x33e: {  	s0 =	sld [smem:$0x7FA]  }
0x33f: {  	[tilespmem:s13], [sflag:$0x1] =	stream.indirect.gather [hbm4b:s3+s6], $0x80, s1, s6, $0xb8;
	[tilespmem:$0x1A000] =	vst v63  }
0x340: {  	s1 =	sld [smem:$0x7FB]  }
0x341: {  	[tilespmem:s14], [sflag:$0x1] =	stream.indirect.gather [hbm4b:s3+s6], $0x80, s0, s6, $0xb8;
	[tilespmem:$0x1A000] =	vst v63  }
0x342: {  	s0 =	sld [smem:$0x7FC]  }
0x343: {  	[tilespmem:s15], [sflag:$0x1] =	stream.indirect.gather [hbm4b:s3+s6], $0x80, s1, s6, $0xb8;
	[tilespmem:$0x1A000] =	vst v63  }
0x344: {  	_ = 	snop  }
0x345: {  	[tilespmem:s16], [sflag:$0x1] =	stream.indirect.gather [hbm4b:s3+s6], $0x80, s0, s6, $0xb8;
	[tilespmem:$0x1A000] =	vst v63  }
0x346: {  	s1 =	rddreg [dreg:$0xa]  }
0x347: {  	[hbm4b:s1+s2] =	stream.linear.scatter [tilespmem:s7], [sflag:$0x2], $0xC800, $0x38;
	[tilespmem:$0x1A000] =	vst v63  }
0x348: {  	_ =	swait.ge [sflag:s4], $0xC800  }
0x349: {  	[sflag:s4] =	ssyncset.done $0x0  }
0x34a: {  	[sflag:s4] =	ssyncadd.s32 $0xFFFF3800  }
0x34b: {  	_ =	swait.ge [sflag:s5], $0x2800  }
0x34c: {  	[sflag:s5] =	ssyncset.done $0x0  }
0x34d: {  	[sflag:s5] =	ssyncadd.s32 $0xFFFFD800  }
0x34e: {  	_ =	swait.ge [sflag:s5], $0x2800  }
0x34f: {  	[sflag:s5] =	ssyncset.done $0x0  }
0x350: {  	[sflag:s5] =	ssyncadd.s32 $0xFFFFD800  }
0x351: {  	_ =	swait.ge [sflag:s5], $0x2800  }
0x352: {  	[sflag:s5] =	ssyncset.done $0x0  }
0x353: {  	[sflag:s5] =	ssyncadd.s32 $0xFFFFD800  }
0x354: {  	_ =	swait.ge [sflag:s5], $0x2800  }
0x355: {  	[sflag:s5] =	ssyncset.done $0x0  }
0x356: {  	[sflag:s5] =	ssyncadd.s32 $0xFFFFD800  }
0x357: {  	_ =	swait.ge [sflag:s5], $0x2800  }
0x358: {  	s1 =	sld [smem:$0x7FD]  }
0x359: {  	[sflag:s5] =	ssyncset.done $0x0  }
0x35a: {  	[sflag:s5] =	ssyncadd.s32 $0xFFFFD800  }
0x35b: {  	[tilespmem:s7], [sflag:$0x1] =	stream.indirect.gather [hbm4b:s3+s6], $0x80, s1, s6, $0xb8;
	[tilespmem:$0x1A000] =	vst v63  }
0x35c: {  	_ = 	snop  }
0x35d: {  	[tilespmem:s9], [sflag:$0x1] =	stream.indirect.gather [hbm4b:s3+s6], $0x80, s30, s6, $0xb8;
	[tilespmem:$0x1A000] =	vst v63  }
0x35e: {  	_ = 	snop  }
0x35f: {  	[tilespmem:s10], [sflag:$0x1] =	stream.indirect.gather [hbm4b:s3+s6], $0x80, s31, s6, $0xb8;
	[tilespmem:$0x1A000] =	vst v63  }
0x360: {  	_ = 	snop  }
0x361: {  	[tilespmem:s12], [sflag:$0x1] =	stream.indirect.gather [hbm4b:s3+s6], $0x80, s22, s6, $0xb8;
	[tilespmem:$0x1A000] =	vst v63  }
0x362: {  	_ = 	snop  }
0x363: {  	[tilespmem:s11], [sflag:$0x1] =	stream.indirect.gather [hbm4b:s3+s6], $0x80, s29, s6, $0xb8;
	[tilespmem:$0x1A000] =	vst v63  }
0x364: {  	s22 =	rddreg [dreg:$0xb]  }
0x365: {  	[hbm4b:s22+s2] =	stream.linear.scatter [tilespmem:s8], [sflag:$0x2], $0xC800, $0x38;
	[tilespmem:$0x1A000] =	vst v63  }
0x366: {  	_ =	swait.ge [sflag:s4], $0xC800  }
0x367: {  	[sflag:s4] =	ssyncset.done $0x0  }
0x368: {  	[sflag:s4] =	ssyncadd.s32 $0xFFFF3800  }
0x369: {  	_ =	swait.ge [sflag:s5], $0x2800  }
0x36a: {  	[sflag:s5] =	ssyncset.done $0x0  }
0x36b: {  	[sflag:s5] =	ssyncadd.s32 $0xFFFFD800  }
0x36c: {  	_ =	swait.ge [sflag:s5], $0x2800  }
0x36d: {  	[sflag:s5] =	ssyncset.done $0x0  }
0x36e: {  	[sflag:s5] =	ssyncadd.s32 $0xFFFFD800  }
0x36f: {  	_ =	swait.ge [sflag:s5], $0x2800  }
0x370: {  	[sflag:s5] =	ssyncset.done $0x0  }
0x371: {  	[sflag:s5] =	ssyncadd.s32 $0xFFFFD800  }
0x372: {  	_ =	swait.ge [sflag:s5], $0x2800  }
0x373: {  	[sflag:s5] =	ssyncset.done $0x0  }
0x374: {  	[sflag:s5] =	ssyncadd.s32 $0xFFFFD800  }
0x375: {  	_ =	swait.ge [sflag:s5], $0x2800  }
0x376: {  	[sflag:s5] =	ssyncset.done $0x0  }
0x377: {  	[sflag:s5] =	ssyncadd.s32 $0xFFFFD800  }
0x378: {  	[tilespmem:s8], [sflag:$0x1] =	stream.indirect.gather [hbm4b:s3+s6], $0x80, s23, s6, $0xb8;
	[tilespmem:$0x1A000] =	vst v63  }
0x379: {  	_ = 	snop  }
0x37a: {  	[tilespmem:s13], [sflag:$0x1] =	stream.indirect.gather [hbm4b:s3+s6], $0x80, s24, s6, $0xb8;
	[tilespmem:$0x1A000] =	vst v63  }
0x37b: {  	_ = 	snop  }
0x37c: {  	[tilespmem:s14], [sflag:$0x1] =	stream.indirect.gather [hbm4b:s3+s6], $0x80, s25, s6, $0xb8;
	[tilespmem:$0x1A000] =	vst v63  }
0x37d: {  	_ = 	snop  }
0x37e: {  	[tilespmem:s15], [sflag:$0x1] =	stream.indirect.gather [hbm4b:s3+s6], $0x80, s26, s6, $0xb8;
	[tilespmem:$0x1A000] =	vst v63  }
0x37f: {  	_ = 	snop  }
0x380: {  	[tilespmem:s16], [sflag:$0x1] =	stream.indirect.gather [hbm4b:s3+s6], $0x80, s28, s6, $0xb8;
	[tilespmem:$0x1A000] =	vst v63  }
0x381: {  	s26 =	rddreg [dreg:$0xc]  }
0x382: {  	[hbm4b:s26+s2] =	stream.linear.scatter [tilespmem:s7], [sflag:$0x2], $0xC800, $0x38;
	[tilespmem:$0x1A000] =	vst v63  }
0x383: {  	_ =	swait.ge [sflag:s4], $0xC800  }
0x384: {  	[sflag:s4] =	ssyncset.done $0x0  }
0x385: {  	[sflag:s4] =	ssyncadd.s32 $0xFFFF3800  }
0x386: {  	_ =	swait.ge [sflag:s5], $0x2800  }
0x387: {  	[sflag:s5] =	ssyncset.done $0x0  }
0x388: {  	[sflag:s5] =	ssyncadd.s32 $0xFFFFD800  }
0x389: {  	_ =	swait.ge [sflag:s5], $0x2800  }
0x38a: {  	[sflag:s5] =	ssyncset.done $0x0  }
0x38b: {  	[sflag:s5] =	ssyncadd.s32 $0xFFFFD800  }
0x38c: {  	_ =	swait.ge [sflag:s5], $0x2800  }
0x38d: {  	[sflag:s5] =	ssyncset.done $0x0  }
0x38e: {  	[sflag:s5] =	ssyncadd.s32 $0xFFFFD800  }
0x38f: {  	_ =	swait.ge [sflag:s5], $0x2800  }
0x390: {  	[sflag:s5] =	ssyncset.done $0x0  }
0x391: {  	[sflag:s5] =	ssyncadd.s32 $0xFFFFD800  }
0x392: {  	_ =	swait.ge [sflag:s5], $0x2800  }
0x393: {  	[sflag:s5] =	ssyncset.done $0x0  }
0x394: {  	[sflag:s5] =	ssyncadd.s32 $0xFFFFD800  }
0x395: {  	[tilespmem:s7], [sflag:$0x1] =	stream.indirect.gather [hbm4b:s3+s6], $0x80, s19, s6, $0xb8;
	[tilespmem:$0x1A000] =	vst v63  }
0x396: {  	_ = 	snop  }
0x397: {  	[tilespmem:s9], [sflag:$0x1] =	stream.indirect.gather [hbm4b:s3+s6], $0x80, s20, s6, $0xb8;
	[tilespmem:$0x1A000] =	vst v63  }
0x398: {  	_ = 	snop  }
0x399: {  	[tilespmem:s10], [sflag:$0x1] =	stream.indirect.gather [hbm4b:s3+s6], $0x80, s21, s6, $0xb8;
	[tilespmem:$0x1A000] =	vst v63  }
0x39a: {  	s29 =	simm.s32 $0xF00  }
0x39b: {  	[tilespmem:s12], [sflag:$0x1] =	stream.indirect.gather [hbm4b:s3+s6], $0x80, s29, s6, $0xb8;
	[tilespmem:$0x1A000] =	vst v63  }
0x39c: {  	_ = 	snop  }
0x39d: {  	[tilespmem:s11], [sflag:$0x1] =	stream.indirect.gather [hbm4b:s3+s6], $0x80, s18, s6, $0xb8;
	[tilespmem:$0x1A000] =	vst v63  }
0x39e: {  	s30 =	rddreg [dreg:$0xd]  }
0x39f: {  	[hbm4b:s30+s2] =	stream.linear.scatter [tilespmem:s8], [sflag:$0x2], $0xC800, $0x38;
	[tilespmem:$0x1A000] =	vst v63  }
0x3a0: {  	_ =	swait.ge [sflag:s4], $0xC800  }
0x3a1: {  	[sflag:s4] =	ssyncset.done $0x0  }
0x3a2: {  	[sflag:s4] =	ssyncadd.s32 $0xFFFF3800  }
0x3a3: {  	_ =	swait.ge [sflag:s5], $0x2800  }
0x3a4: {  	[sflag:s5] =	ssyncset.done $0x0  }
0x3a5: {  	[sflag:s5] =	ssyncadd.s32 $0xFFFFD800  }
0x3a6: {  	_ =	swait.ge [sflag:s5], $0x2800  }
0x3a7: {  	[sflag:s5] =	ssyncset.done $0x0  }
0x3a8: {  	[sflag:s5] =	ssyncadd.s32 $0xFFFFD800  }
0x3a9: {  	_ =	swait.ge [sflag:s5], $0x2800  }
0x3aa: {  	[sflag:s5] =	ssyncset.done $0x0  }
0x3ab: {  	[sflag:s5] =	ssyncadd.s32 $0xFFFFD800  }
0x3ac: {  	_ =	swait.ge [sflag:s5], $0x2800  }
0x3ad: {  	[sflag:s5] =	ssyncset.done $0x0  }
0x3ae: {  	[sflag:s5] =	ssyncadd.s32 $0xFFFFD800  }
0x3af: {  	_ =	swait.ge [sflag:s5], $0x2800  }
0x3b0: {  	[sflag:s5] =	ssyncset.done $0x0  }
0x3b1: {  	s31 =	rddreg [dreg:$0xe];
	[sflag:s5] =	ssyncadd.s32 $0xFFFFD800  }
0x3b2: {  	[hbm4b:s31+s2] =	stream.linear.scatter [tilespmem:s7], [sflag:$0x2], $0xC800, $0x38;
	[tilespmem:$0x1A000] =	vst v63  }
0x3b3: {  	_ =	swait.ge [sflag:s4], $0xC800  }
0x3b4: {  	[sflag:s4] =	ssyncset.done $0x0  }
0x3b5: {  	[sflag:s4] =	ssyncadd.s32 $0xFFFF3800  }
0x3b6: {  	_ =	sfence.sel $0x180000  }
0x3b7: {  	[bflag:$0x0] =	sbarrier.arrive $0xFFFF  }
0x3b8: {  	_ =	strace $0x90000047  }
0x3b9: {  	[bflag:$0x2] =	sbarrier.arrive $0xFFFF  }
0x3ba: {  	p0 =	sne.s32 s17, $0x0;
	s0 =	rddreg [dreg:$0x3]  }
0x3bb: {  	s0 =	sadd.s32 @!p0 $0x100000, s0  }
0x3bc: {  	[sflag:s0] =	ssyncadd.tile.s32 @!p0 $0x1;
	_ =	shalt  }
.LBB2_1:
.Ltmp3:
0x3bd: {  	s22 =	simm.s32 $0xBE0;
	(pc) =	sbr.rel .LBB2_6-.Ltmp3, $4  }
0x3be: {  	s31 =	simm.s32 $0xB90;
	s30 =	simm.s32 $0xB40;
	s29 =	simm.s32 $0xC30  }
0x3bf: {  	s28 =	simm.s32 $0xDC0;
	s26 =	simm.s32 $0xD70;
	s25 =	simm.s32 $0xD20  }
0x3c0: {  	s24 =	simm.s32 $0xCD0;
	s23 =	simm.s32 $0xC80;
	s21 =	simm.s32 $0xEB0  }
0x3c1: {  	s20 =	simm.s32 $0xE60;
	s19 =	simm.s32 $0xE10;
	s18 =	simm.s32 $0xF50  }
.LBB2_3:
.Ltmp4:
0x3c2: {  	s22 =	simm.s32 $0xBE0;
	s31 =	simm.s32 $0xB90;
	(pc) =	sbr.rel .LBB2_6-.Ltmp4, $4  }
0x3c3: {  	s30 =	simm.s32 $0xB40;
	s29 =	simm.s32 $0xC30;
	s28 =	simm.s32 $0xDC0  }
0x3c4: {  	s26 =	simm.s32 $0xD70;
	s25 =	simm.s32 $0xD20;
	s24 =	simm.s32 $0xCD0  }
0x3c5: {  	s23 =	simm.s32 $0xC80;
	s21 =	simm.s32 $0xEB0;
	s20 =	simm.s32 $0xE60  }
0x3c6: {  	s19 =	simm.s32 $0xE10;
	s18 =	simm.s32 $0xF50;
	s17 =	stileid.u32  }
.Lfunc_end2:
_tile_overlayer_lowered:
.L_overlay_start_2:
0x3c7: {  	(tag) =	ssettag $0x2  }
0x3c8: {  	s0 =	rddreg [dreg:$0x0];
	s2 =	stileid.u32  }
0x3c9: {  	s1 =	rddreg [dreg:$0x1];
	p0 =	sne.s32 s2, $0x0  }
0x3ca: {  	s3 =	rddreg [dreg:$0x2];
	[bflag:$0x3] =	sbarrier.arrive $0xFFFF;
	s2 =	simm.s32 @!p0 $0x1C02  }
0x3cb: {  	[timem:s3], [sflag:s2] =	dma.local @!p0 [hbm:s0], s1  }
0x3cc: {  	s0 =	simm.s32 @!p0 $0x2  }
0x3cd: {  	_ =	swait.ge @!p0 [sflag:s0], s1  }
0x3ce: {  	s1 =	ssub.s32 @!p0 $0x0, s1;
	[sflag:s0] =	ssyncset.done @!p0 $0x0  }
0x3cf: {  	[sflag:s0] =	ssyncadd.s32 @!p0 s1  }
0x3d0: {  	[bflag:$0x3] =	sbarrier.arrive $0xFFFF  }
0x3d1: {  	_ =	shalt  }

</sc_bundles>
